<compile_context>
chip_gen: v7x
topology: tpu7x:2x2x1
jax: 0.10.2.dev20260603
libtpu: 0.0.44.dev20260713+nightly
codegen_flags: <defaults>
</compile_context>

<pallas_src>
import functools

import jax
import jax.numpy as jnp
from jax import lax
from jax.experimental import pallas as pl
from jax.experimental.pallas import tpu as pltpu
from jax.experimental.pallas import tpu_sc as plsc

VOCAB = 1000000
NTURNS = 4
OUTDIM = 32
DEG = 4
B = 4096
S = 200
N = B * S
NGRAN = VOCAB // 4

_info = plsc.get_sparse_core_info()
NC, NS = _info.num_cores, _info.num_subcores
NW = NC * NS

_sc_params = pltpu.CompilerParams(
    use_tc_tiling_on_sc=False, needs_layout_passes=False
)
_mesh = plsc.VectorSubcoreMesh(core_axis_name="c", subcore_axis_name="s")


_CG = 1956
_ICHUNKS = 4
_GW = _CG * _ICHUNKS
assert _CG * 4 % 16 == 0 and NW * _GW >= NGRAN and _GW <= NGRAN


@functools.partial(
    pl.kernel,
    mesh=_mesh,
    compiler_params=_sc_params,
    out_type=jax.ShapeDtypeStruct((NGRAN, 16), jnp.float32),
    scratch_types=[
        pltpu.VMEM((NTURNS, 4 * _CG), jnp.float32),
        pltpu.VMEM((NTURNS, 4 * _CG), jnp.float32),
        pltpu.VMEM((_CG, 16), jnp.float32),
        pltpu.VMEM((_CG, 16), jnp.float32),
        pltpu.SemaphoreType.DMA,
        pltpu.SemaphoreType.DMA,
        pltpu.SemaphoreType.DMA,
        pltpu.SemaphoreType.DMA,
    ],
)
def _sc_interleave(turnsT_hbm, out_hbm, in0, in1, out0, out1, si0, si1, so0, so1):
    wid = lax.axis_index("s") * NC + lax.axis_index("c")
    gw0 = jnp.minimum(wid * _GW, NGRAN - _GW)
    lane = lax.iota(jnp.int32, 16)
    grow = lane >> 2
    gcol = (lane & 3) * 4
    ins, outs = (in0, in1), (out0, out1)
    sis, sos = (si0, si1), (so0, so1)

    def in_start(i, in_v, sem):
        v0 = (gw0 + i * _CG) * 4
        for t in range(NTURNS):
            pltpu.async_copy(turnsT_hbm.at[t, pl.ds(v0, 4 * _CG)], in_v.at[t], sem)

    def in_wait(i, in_v, sem):
        v0 = (gw0 + i * _CG) * 4
        for t in range(NTURNS):
            pltpu.make_async_copy(
                turnsT_hbm.at[t, pl.ds(v0, 4 * _CG)], in_v.at[t], sem
            ).wait()

    def out_wait(i, out_v, sem):
        g0 = gw0 + i * _CG
        pltpu.make_async_copy(out_v, out_hbm.at[pl.ds(g0, _CG)], sem).wait()

    in_start(0, ins[0], sis[0])
    for i in range(_ICHUNKS):
        if i + 1 < _ICHUNKS:
            in_start(i + 1, ins[(i + 1) % 2], sis[(i + 1) % 2])
        in_wait(i, ins[i % 2], sis[i % 2])
        if i >= 2:
            out_wait(i - 2, outs[i % 2], sos[i % 2])
        in_v, out_v = ins[i % 2], outs[i % 2]

        def body(u, c, in_v=in_v, out_v=out_v):
            for t in range(NTURNS):
                vals = in_v[t, pl.ds(u * 16, 16)]
                plsc.store_scatter(out_v, [(u * 4) + grow, gcol + t], vals)
            return c

        lax.fori_loop(0, 4 * _CG // 16, body, 0)
        pltpu.async_copy(out_v, out_hbm.at[pl.ds(gw0 + i * _CG, _CG)], sos[i % 2])
    out_wait(_ICHUNKS - 2, outs[_ICHUNKS % 2], sos[_ICHUNKS % 2])
    out_wait(_ICHUNKS - 1, outs[(_ICHUNKS - 1) % 2], sos[(_ICHUNKS - 1) % 2])


CH = 1600
_NBC = 4
BC = B // _NBC
_BPW = N // _NBC // NW
_NCHUNK = _BPW // CH
_CPP = CH // S


def _make_sc_gather(cbc):
  @functools.partial(
      pl.kernel,
      mesh=_mesh,
      compiler_params=_sc_params,
      out_type=jax.ShapeDtypeStruct((NTURNS * S, BC), jnp.float32),
      scratch_types=[
          pltpu.VMEM((CH,), jnp.int32),
          pltpu.VMEM((CH,), jnp.int32),
          pltpu.VMEM((CH, 16), jnp.float32),
          pltpu.VMEM((CH,), jnp.int32),
          pltpu.VMEM((CH,), jnp.int32),
          pltpu.VMEM((CH, 16), jnp.float32),
          pltpu.VMEM((NTURNS * S, 16), jnp.float32),
          pltpu.SemaphoreType.DMA,
          pltpu.SemaphoreType.DMA,
      ],
  )
  def _sc_gather(
      tok_hbm, turns4_hbm, prev_hbm, out_hbm,
      tok0, gran0, rows0, tok1, gran1, rows1, comp_v, sem0, sem1,
  ):
    del prev_hbm
    wid = lax.axis_index("s") * NC + lax.axis_index("c")
    base = cbc * (N // _NBC) + wid * _BPW
    lane = lax.iota(jnp.int32, 16)

    def start(i, tok_v, gran_v, rows_v, sem):
        off = base + i * CH
        pltpu.sync_copy(tok_hbm.at[pl.ds(off, CH)], tok_v)

        def gran_body(g, c):
            t = tok_v[pl.ds(g * 16, 16)]
            gran_v[pl.ds(g * 16, 16)] = lax.shift_right_logical(t, 2)
            return c

        lax.fori_loop(0, CH // 16, gran_body, 0)
        pltpu.async_copy(turns4_hbm.at[gran_v], rows_v, sem)

    def wait(gran_v, rows_v, sem):
        pltpu.make_async_copy(turns4_hbm.at[gran_v], rows_v, sem).wait()

    def compact(tok_v, rows_v, colofs):
        def comp_body(g, c):
            tokv = tok_v[pl.ds(g * 16, 16)]
            sub = (tokv & 3) * 4
            rowi = g * 16 + lane
            bl = rowi // S
            crow0 = (rowi - bl * S) * 4
            for j in range(4):
                v = plsc.load_gather(rows_v, [rowi, sub + j])
                plsc.store_scatter(comp_v, [crow0 + j, bl + colofs], v)
            return c

        lax.fori_loop(0, CH // 16, comp_body, 0)

    start(0, tok0, gran0, rows0, sem0)

    def pair(p, carry):
        i0 = 2 * p
        start(i0 + 1, tok1, gran1, rows1, sem1)
        wait(gran0, rows0, sem0)
        compact(tok0, rows0, 0)

        @pl.when(i0 + 2 < _NCHUNK)
        def _():
            start(i0 + 2, tok0, gran0, rows0, sem0)

        wait(gran1, rows1, sem1)
        compact(tok1, rows1, _CPP)
        pltpu.sync_copy(
            comp_v,
            out_hbm.at[:, pl.ds(wid * (_BPW // S) + p * 2 * _CPP, 2 * _CPP)],
        )
        return carry

    lax.fori_loop(0, _NCHUNK // 2, pair, 0)

  return _sc_gather


_sc_gathers = [_make_sc_gather(c) for c in range(_NBC)]


_SB = 8
_BB = 1024


def _poly_body(tv_ref, w_ref, b_ref, o_ref):
    t1 = jnp.clip(jnp.trunc(tv_ref[...]), -128.0, 127.0)
    t2 = t1 * t1
    t3 = t2 * t1
    t4 = t2 * t2
    A = jnp.concatenate([t1, t2, t3, t4], axis=0)
    res = lax.dot_general(
        w_ref[...], A, (((1,), (0,)), ((), ())), preferred_element_type=jnp.float32
    )
    o_ref[...] = (res + b_ref[...]).reshape(_SB, OUTDIM, _BB)


def _poly_body_acc(cur_ref, tv_ref, w_ref, b_ref, o_ref):
    _poly_body(tv_ref, w_ref, b_ref, o_ref)


def _tc_poly_chunk(cbc, cur, tv_c, Wb, bias256):
    grid = (S // _SB, BC // _BB)
    out_spec = pl.BlockSpec(
        (_SB, OUTDIM, _BB), lambda i, j: (i, 0, j + cbc * (BC // _BB))
    )
    common = dict(
        grid=grid,
        out_specs=out_spec,
        out_shape=jax.ShapeDtypeStruct((S, OUTDIM, B), jnp.float32),
    )
    tv_spec = pl.BlockSpec((_SB * NTURNS, _BB), lambda i, j: (i, j))
    w_spec = pl.BlockSpec((_SB * OUTDIM, DEG * _SB * NTURNS), lambda i, j: (0, 0))
    b_spec = pl.BlockSpec((_SB * OUTDIM, 1), lambda i, j: (0, 0))
    if cur is None:
        return pl.pallas_call(
            _poly_body, in_specs=[tv_spec, w_spec, b_spec], **common
        )(tv_c, Wb, bias256)
    return pl.pallas_call(
        _poly_body_acc,
        in_specs=[pl.BlockSpec(memory_space=pltpu.HBM), tv_spec, w_spec, b_spec],
        input_output_aliases={0: 0},
        **common,
    )(cur, tv_c, Wb, bias256)


def kernel(token_ids, turns, poly_coeffs):
    tok_flat = token_ids.reshape(N).astype(jnp.int32)
    turnsT = jnp.swapaxes(turns, 0, 1)
    turns4 = _sc_interleave(turnsT)

    eye8 = jnp.eye(_SB, dtype=jnp.float32)
    Wb = jnp.einsum("sS,tdo->sodSt", eye8, poly_coeffs[:, 1:, :])
    Wb = Wb.reshape(_SB * OUTDIM, DEG * _SB * NTURNS)
    bias256 = jnp.tile(poly_coeffs[:, 0, :].sum(axis=0), _SB)[:, None]

    tvs = []
    prev = turns4
    for c in range(_NBC):
        prev = _sc_gathers[c](tok_flat, turns4, prev)
        tvs.append(prev)
    out_T = None
    for c in range(_NBC):
        out_T = _tc_poly_chunk(c, out_T, tvs[c], Wb, bias256)
    return jnp.transpose(out_T, (2, 0, 1))

# --- scband reference (transcript-rebuilt; emitter-appended) ---
"""Pipeline reference for scband-turn-embedding-rust-hybrid-58978490909049 (READ-ONLY COPY).

The authoritative reference and input builder live on the scoring server;
editing this copy changes nothing except your own understanding.
"""

import jax, jax.numpy as jnp
import numpy as np

VOCAB = 1000000
NTURNS = 4
OUTDIM = 32
DEG = 4
B = 4096
S = 200


def setup_inputs(seed: int = 0) -> dict:
    key = jax.random.key(seed)
    k1, k2, k3 = jax.random.split(key, 3)
    token_ids = jax.random.randint(k1, (B, S), 0, VOCAB)
    # nn.Parameter turns: initialized zeros in __init__, but trained values are small ints
    # (cast to int8 in forward). Use small random integers so the polynomial eval is nontrivial.
    turns = jax.random.randint(k2, (VOCAB, NTURNS), -5, 6).astype(jnp.float32)
    poly_coeffs = jax.random.normal(k3, (NTURNS, DEG + 1, OUTDIM), dtype=jnp.float32) * 0.01
    return {"token_ids": token_ids, "turns": turns, "poly_coeffs": poly_coeffs}


def reference(token_ids, turns, poly_coeffs):
    # base_turns = self.turns[token_ids] -> [B, S, n_turns]
    base = jnp.take(turns, token_ids, axis=0)
    # original casts to int8 (truncation toward zero, detached); emulate with trunc+clip
    t = jnp.clip(jnp.trunc(base), -128.0, 127.0)
    # per-turn polynomial evaluation: emb_turn[token, o] = sum_d coeffs[turn, d, o] * t^d
    degs = jnp.arange(DEG + 1, dtype=jnp.float32)
    powers = t[..., None] ** degs  # [B, S, n_turns, DEG+1] (0**0 == 1)
    # sum over turns of each turn's polynomial -> [B, S, OUTDIM]
    emb = jnp.einsum('bstd,tdo->bso', powers, poly_coeffs)
    return emb

if __name__ == "__main__":
    import jax
    _d = setup_inputs()
    print(jax.jit(kernel)(*tuple(_d.values())))

</pallas_src>

<mosaic_0001>
#map = affine_map<(d0, d1) -> (0, 0)>
module attributes {stable_mosaic.version = 14 : i64} {
  func.func @_sc_interleave(%arg0: i32, %arg1: i32, %arg2: memref<4x1000000xf32, #tpu.memory_space<hbm>>, %arg3: memref<250000x16xf32, #tpu.memory_space<hbm>>, %arg4: memref<4x7824xf32, #tpu.memory_space<vmem>>, %arg5: memref<4x7824xf32, #tpu.memory_space<vmem>>, %arg6: memref<1956x16xf32, #tpu.memory_space<vmem>>, %arg7: memref<1956x16xf32, #tpu.memory_space<vmem>>, %arg8: memref<!tpu.dma_semaphore, #tpu.memory_space<semaphore_mem>>, %arg9: memref<!tpu.dma_semaphore, #tpu.memory_space<semaphore_mem>>, %arg10: memref<!tpu.dma_semaphore, #tpu.memory_space<semaphore_mem>>, %arg11: memref<!tpu.dma_semaphore, #tpu.memory_space<semaphore_mem>>) attributes {dimension_semantics = [#tpu.dimension_semantics<core_parallel>, #tpu.dimension_semantics<subcore_parallel>], iteration_bounds = array<i64: 2, 16>, scalar_prefetch = 0 : i64, scratch_operands = 8 : i64, tpu.core_type = #tpu.core_type<sc_vector_subcore>, window_params = [{transform_indices = #map}, {transform_indices = #map}]} {
    %mul3A = arith.constant 2 : i32
    %mul3A_0 = arith.muli %arg1, %mul3A : i32
    %add3A = arith.addi %mul3A_0, %arg0 : i32
    %mul3A_1 = arith.constant 7824 : i32
    %mul3A_2 = arith.muli %add3A, %mul3A_1 : i32
    %min3A = arith.constant 242176 : i32
    %min3A_3 = arith.minsi %mul3A_2, %min3A : i32
    %iota3A = tpu.iota {dimensions = array<i32: 0>} : vector<16xi32>
    %shift_right_arithmetic3A = arith.constant 2 : i32
    %shift_right_arithmetic3A_4 = vector.broadcast %shift_right_arithmetic3A : i32 to vector<16xi32>
    %shift_right_arithmetic3A_5 = arith.shrsi %iota3A, %shift_right_arithmetic3A_4 : vector<16xi32>
    %and3A = arith.constant 3 : i32
    %and3A_6 = vector.broadcast %and3A : i32 to vector<16xi32>
    %and3A_7 = arith.andi %iota3A, %and3A_6 : vector<16xi32>
    %mul3A_8 = arith.constant 4 : i32
    %mul3A_9 = vector.broadcast %mul3A_8 : i32 to vector<16xi32>
    %mul3A_10 = arith.muli %and3A_7, %mul3A_9 : vector<16xi32>
    %add3A_11 = arith.constant 0 : i32
    %add3A_12 = arith.addi %min3A_3, %add3A_11 : i32
    %mul3A_13 = arith.constant 4 : i32
    %mul3A_14 = arith.muli %add3A_12, %mul3A_13 : i32
    %dma_start3A = arith.constant 0 : i32
    %dma_start3A_15 = arith.constant 0 : i32
    %dma_start3A_16 = arith.constant 0 : i32
    %dma_start3A_17 = tpu.memref_slice %arg4[%dma_start3A_15, %dma_start3A_16] : memref<4x7824xf32, #tpu.memory_space<vmem>> -> memref<1x7824xf32, #tpu.memory_space<vmem>>
    %dma_start3A_18 = tpu.memref_squeeze %dma_start3A_17 : memref<1x7824xf32, #tpu.memory_space<vmem>> -> memref<7824xf32, #tpu.memory_space<vmem>>
    %dma_start3A_19 = tpu.memref_slice %arg2[%dma_start3A, %mul3A_14] : memref<4x1000000xf32, #tpu.memory_space<hbm>> -> memref<1x7824xf32, #tpu.memory_space<hbm>>
    %dma_start3A_20 = tpu.memref_squeeze %dma_start3A_19 : memref<1x7824xf32, #tpu.memory_space<hbm>> -> memref<7824xf32, #tpu.memory_space<hbm>>
    %dma_start3A_21 = arith.constant 0 : i32
    %dma_start3A_22 = tpu.memref_slice %arg4[%dma_start3A_15, %dma_start3A_21] : memref<4x7824xf32, #tpu.memory_space<vmem>> -> memref<1x7824xf32, #tpu.memory_space<vmem>>
    %dma_start3A_23 = tpu.memref_squeeze %dma_start3A_22 : memref<1x7824xf32, #tpu.memory_space<vmem>> -> memref<7824xf32, #tpu.memory_space<vmem>>
    %dma_start3A_24 = tpu.memref_slice %arg2[%dma_start3A, %mul3A_14] : memref<4x1000000xf32, #tpu.memory_space<hbm>> -> memref<1x7824xf32, #tpu.memory_space<hbm>>
    %dma_start3A_25 = tpu.memref_squeeze %dma_start3A_24 : memref<1x7824xf32, #tpu.memory_space<hbm>> -> memref<7824xf32, #tpu.memory_space<hbm>>
    tpu.enqueue_dma source(%dma_start3A_25 : memref<7824xf32, #tpu.memory_space<hbm>>) target(%dma_start3A_23 : memref<7824xf32, #tpu.memory_space<vmem>>) target_semaphore(%arg8 : memref<!tpu.dma_semaphore, #tpu.memory_space<semaphore_mem>>)
    %dma_start3A_26 = arith.constant 1 : i32
    %dma_start3A_27 = arith.constant 1 : i32
    %dma_start3A_28 = arith.constant 0 : i32
    %dma_start3A_29 = tpu.memref_slice %arg4[%dma_start3A_27, %dma_start3A_28] : memref<4x7824xf32, #tpu.memory_space<vmem>> -> memref<1x7824xf32, #tpu.memory_space<vmem>>
    %dma_start3A_30 = tpu.memref_squeeze %dma_start3A_29 : memref<1x7824xf32, #tpu.memory_space<vmem>> -> memref<7824xf32, #tpu.memory_space<vmem>>
    %dma_start3A_31 = tpu.memref_slice %arg2[%dma_start3A_26, %mul3A_14] : memref<4x1000000xf32, #tpu.memory_space<hbm>> -> memref<1x7824xf32, #tpu.memory_space<hbm>>
    %dma_start3A_32 = tpu.memref_squeeze %dma_start3A_31 : memref<1x7824xf32, #tpu.memory_space<hbm>> -> memref<7824xf32, #tpu.memory_space<hbm>>
    %dma_start3A_33 = arith.constant 0 : i32
    %dma_start3A_34 = tpu.memref_slice %arg4[%dma_start3A_27, %dma_start3A_33] : memref<4x7824xf32, #tpu.memory_space<vmem>> -> memref<1x7824xf32, #tpu.memory_space<vmem>>
    %dma_start3A_35 = tpu.memref_squeeze %dma_start3A_34 : memref<1x7824xf32, #tpu.memory_space<vmem>> -> memref<7824xf32, #tpu.memory_space<vmem>>
    %dma_start3A_36 = tpu.memref_slice %arg2[%dma_start3A_26, %mul3A_14] : memref<4x1000000xf32, #tpu.memory_space<hbm>> -> memref<1x7824xf32, #tpu.memory_space<hbm>>
    %dma_start3A_37 = tpu.memref_squeeze %dma_start3A_36 : memref<1x7824xf32, #tpu.memory_space<hbm>> -> memref<7824xf32, #tpu.memory_space<hbm>>
    tpu.enqueue_dma source(%dma_start3A_37 : memref<7824xf32, #tpu.memory_space<hbm>>) target(%dma_start3A_35 : memref<7824xf32, #tpu.memory_space<vmem>>) target_semaphore(%arg8 : memref<!tpu.dma_semaphore, #tpu.memory_space<semaphore_mem>>)
    %dma_start3A_38 = arith.constant 2 : i32
    %dma_start3A_39 = arith.constant 2 : i32
    %dma_start3A_40 = arith.constant 0 : i32
    %dma_start3A_41 = tpu.memref_slice %arg4[%dma_start3A_39, %dma_start3A_40] : memref<4x7824xf32, #tpu.memory_space<vmem>> -> memref<1x7824xf32, #tpu.memory_space<vmem>>
    %dma_start3A_42 = tpu.memref_squeeze %dma_start3A_41 : memref<1x7824xf32, #tpu.memory_space<vmem>> -> memref<7824xf32, #tpu.memory_space<vmem>>
    %dma_start3A_43 = tpu.memref_slice %arg2[%dma_start3A_38, %mul3A_14] : memref<4x1000000xf32, #tpu.memory_space<hbm>> -> memref<1x7824xf32, #tpu.memory_space<hbm>>
    %dma_start3A_44 = tpu.memref_squeeze %dma_start3A_43 : memref<1x7824xf32, #tpu.memory_space<hbm>> -> memref<7824xf32, #tpu.memory_space<hbm>>
    %dma_start3A_45 = arith.constant 0 : i32
    %dma_start3A_46 = tpu.memref_slice %arg4[%dma_start3A_39, %dma_start3A_45] : memref<4x7824xf32, #tpu.memory_space<vmem>> -> memref<1x7824xf32, #tpu.memory_space<vmem>>
    %dma_start3A_47 = tpu.memref_squeeze %dma_start3A_46 : memref<1x7824xf32, #tpu.memory_space<vmem>> -> memref<7824xf32, #tpu.memory_space<vmem>>
    %dma_start3A_48 = tpu.memref_slice %arg2[%dma_start3A_38, %mul3A_14] : memref<4x1000000xf32, #tpu.memory_space<hbm>> -> memref<1x7824xf32, #tpu.memory_space<hbm>>
    %dma_start3A_49 = tpu.memref_squeeze %dma_start3A_48 : memref<1x7824xf32, #tpu.memory_space<hbm>> -> memref<7824xf32, #tpu.memory_space<hbm>>
    tpu.enqueue_dma source(%dma_start3A_49 : memref<7824xf32, #tpu.memory_space<hbm>>) target(%dma_start3A_47 : memref<7824xf32, #tpu.memory_space<vmem>>) target_semaphore(%arg8 : memref<!tpu.dma_semaphore, #tpu.memory_space<semaphore_mem>>)
    %dma_start3A_50 = arith.constant 3 : i32
    %dma_start3A_51 = arith.constant 3 : i32
    %dma_start3A_52 = arith.constant 0 : i32
    %dma_start3A_53 = tpu.memref_slice %arg4[%dma_start3A_51, %dma_start3A_52] : memref<4x7824xf32, #tpu.memory_space<vmem>> -> memref<1x7824xf32, #tpu.memory_space<vmem>>
    %dma_start3A_54 = tpu.memref_squeeze %dma_start3A_53 : memref<1x7824xf32, #tpu.memory_space<vmem>> -> memref<7824xf32, #tpu.memory_space<vmem>>
    %dma_start3A_55 = tpu.memref_slice %arg2[%dma_start3A_50, %mul3A_14] : memref<4x1000000xf32, #tpu.memory_space<hbm>> -> memref<1x7824xf32, #tpu.memory_space<hbm>>
    %dma_start3A_56 = tpu.memref_squeeze %dma_start3A_55 : memref<1x7824xf32, #tpu.memory_space<hbm>> -> memref<7824xf32, #tpu.memory_space<hbm>>
    %dma_start3A_57 = arith.constant 0 : i32
    %dma_start3A_58 = tpu.memref_slice %arg4[%dma_start3A_51, %dma_start3A_57] : memref<4x7824xf32, #tpu.memory_space<vmem>> -> memref<1x7824xf32, #tpu.memory_space<vmem>>
    %dma_start3A_59 = tpu.memref_squeeze %dma_start3A_58 : memref<1x7824xf32, #tpu.memory_space<vmem>> -> memref<7824xf32, #tpu.memory_space<vmem>>
    %dma_start3A_60 = tpu.memref_slice %arg2[%dma_start3A_50, %mul3A_14] : memref<4x1000000xf32, #tpu.memory_space<hbm>> -> memref<1x7824xf32, #tpu.memory_space<hbm>>
    %dma_start3A_61 = tpu.memref_squeeze %dma_start3A_60 : memref<1x7824xf32, #tpu.memory_space<hbm>> -> memref<7824xf32, #tpu.memory_space<hbm>>
    tpu.enqueue_dma source(%dma_start3A_61 : memref<7824xf32, #tpu.memory_space<hbm>>) target(%dma_start3A_59 : memref<7824xf32, #tpu.memory_space<vmem>>) target_semaphore(%arg8 : memref<!tpu.dma_semaphore, #tpu.memory_space<semaphore_mem>>)
    %add3A_62 = arith.constant 1956 : i32
    %add3A_63 = arith.addi %min3A_3, %add3A_62 : i32
    %mul3A_64 = arith.constant 4 : i32
    %mul3A_65 = arith.muli %add3A_63, %mul3A_64 : i32
    %dma_start3A_66 = arith.constant 0 : i32
    %dma_start3A_67 = arith.constant 0 : i32
    %dma_start3A_68 = arith.constant 0 : i32
    %dma_start3A_69 = tpu.memref_slice %arg5[%dma_start3A_67, %dma_start3A_68] : memref<4x7824xf32, #tpu.memory_space<vmem>> -> memref<1x7824xf32, #tpu.memory_space<vmem>>
    %dma_start3A_70 = tpu.memref_squeeze %dma_start3A_69 : memref<1x7824xf32, #tpu.memory_space<vmem>> -> memref<7824xf32, #tpu.memory_space<vmem>>
    %dma_start3A_71 = tpu.memref_slice %arg2[%dma_start3A_66, %mul3A_65] : memref<4x1000000xf32, #tpu.memory_space<hbm>> -> memref<1x7824xf32, #tpu.memory_space<hbm>>
    %dma_start3A_72 = tpu.memref_squeeze %dma_start3A_71 : memref<1x7824xf32, #tpu.memory_space<hbm>> -> memref<7824xf32, #tpu.memory_space<hbm>>
    %dma_start3A_73 = arith.constant 0 : i32
    %dma_start3A_74 = tpu.memref_slice %arg5[%dma_start3A_67, %dma_start3A_73] : memref<4x7824xf32, #tpu.memory_space<vmem>> -> memref<1x7824xf32, #tpu.memory_space<vmem>>
    %dma_start3A_75 = tpu.memref_squeeze %dma_start3A_74 : memref<1x7824xf32, #tpu.memory_space<vmem>> -> memref<7824xf32, #tpu.memory_space<vmem>>
    %dma_start3A_76 = tpu.memref_slice %arg2[%dma_start3A_66, %mul3A_65] : memref<4x1000000xf32, #tpu.memory_space<hbm>> -> memref<1x7824xf32, #tpu.memory_space<hbm>>
    %dma_start3A_77 = tpu.memref_squeeze %dma_start3A_76 : memref<1x7824xf32, #tpu.memory_space<hbm>> -> memref<7824xf32, #tpu.memory_space<hbm>>
    tpu.enqueue_dma source(%dma_start3A_77 : memref<7824xf32, #tpu.memory_space<hbm>>) target(%dma_start3A_75 : memref<7824xf32, #tpu.memory_space<vmem>>) target_semaphore(%arg9 : memref<!tpu.dma_semaphore, #tpu.memory_space<semaphore_mem>>)
    %dma_start3A_78 = arith.constant 1 : i32
    %dma_start3A_79 = arith.constant 1 : i32
    %dma_start3A_80 = arith.constant 0 : i32
    %dma_start3A_81 = tpu.memref_slice %arg5[%dma_start3A_79, %dma_start3A_80] : memref<4x7824xf32, #tpu.memory_space<vmem>> -> memref<1x7824xf32, #tpu.memory_space<vmem>>
    %dma_start3A_82 = tpu.memref_squeeze %dma_start3A_81 : memref<1x7824xf32, #tpu.memory_space<vmem>> -> memref<7824xf32, #tpu.memory_space<vmem>>
    %dma_start3A_83 = tpu.memref_slice %arg2[%dma_start3A_78, %mul3A_65] : memref<4x1000000xf32, #tpu.memory_space<hbm>> -> memref<1x7824xf32, #tpu.memory_space<hbm>>
    %dma_start3A_84 = tpu.memref_squeeze %dma_start3A_83 : memref<1x7824xf32, #tpu.memory_space<hbm>> -> memref<7824xf32, #tpu.memory_space<hbm>>
    %dma_start3A_85 = arith.constant 0 : i32
    %dma_start3A_86 = tpu.memref_slice %arg5[%dma_start3A_79, %dma_start3A_85] : memref<4x7824xf32, #tpu.memory_space<vmem>> -> memref<1x7824xf32, #tpu.memory_space<vmem>>
    %dma_start3A_87 = tpu.memref_squeeze %dma_start3A_86 : memref<1x7824xf32, #tpu.memory_space<vmem>> -> memref<7824xf32, #tpu.memory_space<vmem>>
    %dma_start3A_88 = tpu.memref_slice %arg2[%dma_start3A_78, %mul3A_65] : memref<4x1000000xf32, #tpu.memory_space<hbm>> -> memref<1x7824xf32, #tpu.memory_space<hbm>>
    %dma_start3A_89 = tpu.memref_squeeze %dma_start3A_88 : memref<1x7824xf32, #tpu.memory_space<hbm>> -> memref<7824xf32, #tpu.memory_space<hbm>>
    tpu.enqueue_dma source(%dma_start3A_89 : memref<7824xf32, #tpu.memory_space<hbm>>) target(%dma_start3A_87 : memref<7824xf32, #tpu.memory_space<vmem>>) target_semaphore(%arg9 : memref<!tpu.dma_semaphore, #tpu.memory_space<semaphore_mem>>)
    %dma_start3A_90 = arith.constant 2 : i32
    %dma_start3A_91 = arith.constant 2 : i32
    %dma_start3A_92 = arith.constant 0 : i32
    %dma_start3A_93 = tpu.memref_slice %arg5[%dma_start3A_91, %dma_start3A_92] : memref<4x7824xf32, #tpu.memory_space<vmem>> -> memref<1x7824xf32, #tpu.memory_space<vmem>>
    %dma_start3A_94 = tpu.memref_squeeze %dma_start3A_93 : memref<1x7824xf32, #tpu.memory_space<vmem>> -> memref<7824xf32, #tpu.memory_space<vmem>>
    %dma_start3A_95 = tpu.memref_slice %arg2[%dma_start3A_90, %mul3A_65] : memref<4x1000000xf32, #tpu.memory_space<hbm>> -> memref<1x7824xf32, #tpu.memory_space<hbm>>
    %dma_start3A_96 = tpu.memref_squeeze %dma_start3A_95 : memref<1x7824xf32, #tpu.memory_space<hbm>> -> memref<7824xf32, #tpu.memory_space<hbm>>
    %dma_start3A_97 = arith.constant 0 : i32
    %dma_start3A_98 = tpu.memref_slice %arg5[%dma_start3A_91, %dma_start3A_97] : memref<4x7824xf32, #tpu.memory_space<vmem>> -> memref<1x7824xf32, #tpu.memory_space<vmem>>
    %dma_start3A_99 = tpu.memref_squeeze %dma_start3A_98 : memref<1x7824xf32, #tpu.memory_space<vmem>> -> memref<7824xf32, #tpu.memory_space<vmem>>
    %dma_start3A_100 = tpu.memref_slice %arg2[%dma_start3A_90, %mul3A_65] : memref<4x1000000xf32, #tpu.memory_space<hbm>> -> memref<1x7824xf32, #tpu.memory_space<hbm>>
    %dma_start3A_101 = tpu.memref_squeeze %dma_start3A_100 : memref<1x7824xf32, #tpu.memory_space<hbm>> -> memref<7824xf32, #tpu.memory_space<hbm>>
    tpu.enqueue_dma source(%dma_start3A_101 : memref<7824xf32, #tpu.memory_space<hbm>>) target(%dma_start3A_99 : memref<7824xf32, #tpu.memory_space<vmem>>) target_semaphore(%arg9 : memref<!tpu.dma_semaphore, #tpu.memory_space<semaphore_mem>>)
    %dma_start3A_102 = arith.constant 3 : i32
    %dma_start3A_103 = arith.constant 3 : i32
    %dma_start3A_104 = arith.constant 0 : i32
    %dma_start3A_105 = tpu.memref_slice %arg5[%dma_start3A_103, %dma_start3A_104] : memref<4x7824xf32, #tpu.memory_space<vmem>> -> memref<1x7824xf32, #tpu.memory_space<vmem>>
    %dma_start3A_106 = tpu.memref_squeeze %dma_start3A_105 : memref<1x7824xf32, #tpu.memory_space<vmem>> -> memref<7824xf32, #tpu.memory_space<vmem>>
    %dma_start3A_107 = tpu.memref_slice %arg2[%dma_start3A_102, %mul3A_65] : memref<4x1000000xf32, #tpu.memory_space<hbm>> -> memref<1x7824xf32, #tpu.memory_space<hbm>>
    %dma_start3A_108 = tpu.memref_squeeze %dma_start3A_107 : memref<1x7824xf32, #tpu.memory_space<hbm>> -> memref<7824xf32, #tpu.memory_space<hbm>>
    %dma_start3A_109 = arith.constant 0 : i32
    %dma_start3A_110 = tpu.memref_slice %arg5[%dma_start3A_103, %dma_start3A_109] : memref<4x7824xf32, #tpu.memory_space<vmem>> -> memref<1x7824xf32, #tpu.memory_space<vmem>>
    %dma_start3A_111 = tpu.memref_squeeze %dma_start3A_110 : memref<1x7824xf32, #tpu.memory_space<vmem>> -> memref<7824xf32, #tpu.memory_space<vmem>>
    %dma_start3A_112 = tpu.memref_slice %arg2[%dma_start3A_102, %mul3A_65] : memref<4x1000000xf32, #tpu.memory_space<hbm>> -> memref<1x7824xf32, #tpu.memory_space<hbm>>
    %dma_start3A_113 = tpu.memref_squeeze %dma_start3A_112 : memref<1x7824xf32, #tpu.memory_space<hbm>> -> memref<7824xf32, #tpu.memory_space<hbm>>
    tpu.enqueue_dma source(%dma_start3A_113 : memref<7824xf32, #tpu.memory_space<hbm>>) target(%dma_start3A_111 : memref<7824xf32, #tpu.memory_space<vmem>>) target_semaphore(%arg9 : memref<!tpu.dma_semaphore, #tpu.memory_space<semaphore_mem>>)
    %add3A_114 = arith.constant 0 : i32
    %add3A_115 = arith.addi %min3A_3, %add3A_114 : i32
    %mul3A_116 = arith.constant 4 : i32
    %mul3A_117 = arith.muli %add3A_115, %mul3A_116 : i32
    %dma_wait3A = arith.constant 0 : i32
    %dma_wait3A_118 = arith.constant 0 : i32
    %dma_wait3A_119 = arith.constant 0 : i32
    %dma_wait3A_120 = tpu.memref_slice %arg4[%dma_wait3A_118, %dma_wait3A_119] : memref<4x7824xf32, #tpu.memory_space<vmem>> -> memref<1x7824xf32, #tpu.memory_space<vmem>>
    %dma_wait3A_121 = tpu.memref_squeeze %dma_wait3A_120 : memref<1x7824xf32, #tpu.memory_space<vmem>> -> memref<7824xf32, #tpu.memory_space<vmem>>
    %dma_wait3A_122 = tpu.memref_slice %arg2[%dma_wait3A, %mul3A_117] : memref<4x1000000xf32, #tpu.memory_space<hbm>> -> memref<1x7824xf32, #tpu.memory_space<hbm>>
    %dma_wait3A_123 = tpu.memref_squeeze %dma_wait3A_122 : memref<1x7824xf32, #tpu.memory_space<hbm>> -> memref<7824xf32, #tpu.memory_space<hbm>>
    %dma_wait3A_124 = arith.constant 0 : i32
    %dma_wait3A_125 = tpu.memref_slice %arg4[%dma_wait3A_118, %dma_wait3A_124] : memref<4x7824xf32, #tpu.memory_space<vmem>> -> memref<1x7824xf32, #tpu.memory_space<vmem>>
    %dma_wait3A_126 = tpu.memref_squeeze %dma_wait3A_125 : memref<1x7824xf32, #tpu.memory_space<vmem>> -> memref<7824xf32, #tpu.memory_space<vmem>>
    %dma_wait3A_127 = tpu.memref_slice %arg2[%dma_wait3A, %mul3A_117] : memref<4x1000000xf32, #tpu.memory_space<hbm>> -> memref<1x7824xf32, #tpu.memory_space<hbm>>
    %dma_wait3A_128 = tpu.memref_squeeze %dma_wait3A_127 : memref<1x7824xf32, #tpu.memory_space<hbm>> -> memref<7824xf32, #tpu.memory_space<hbm>>
    tpu.wait_dma2 semaphore(%arg8 : memref<!tpu.dma_semaphore, #tpu.memory_space<semaphore_mem>>) src(%dma_wait3A_128 : memref<7824xf32, #tpu.memory_space<hbm>>) dst(%dma_wait3A_126 : memref<7824xf32, #tpu.memory_space<vmem>>)
    %dma_wait3A_129 = arith.constant 1 : i32
    %dma_wait3A_130 = arith.constant 1 : i32
    %dma_wait3A_131 = arith.constant 0 : i32
    %dma_wait3A_132 = tpu.memref_slice %arg4[%dma_wait3A_130, %dma_wait3A_131] : memref<4x7824xf32, #tpu.memory_space<vmem>> -> memref<1x7824xf32, #tpu.memory_space<vmem>>
    %dma_wait3A_133 = tpu.memref_squeeze %dma_wait3A_132 : memref<1x7824xf32, #tpu.memory_space<vmem>> -> memref<7824xf32, #tpu.memory_space<vmem>>
    %dma_wait3A_134 = tpu.memref_slice %arg2[%dma_wait3A_129, %mul3A_117] : memref<4x1000000xf32, #tpu.memory_space<hbm>> -> memref<1x7824xf32, #tpu.memory_space<hbm>>
    %dma_wait3A_135 = tpu.memref_squeeze %dma_wait3A_134 : memref<1x7824xf32, #tpu.memory_space<hbm>> -> memref<7824xf32, #tpu.memory_space<hbm>>
    %dma_wait3A_136 = arith.constant 0 : i32
    %dma_wait3A_137 = tpu.memref_slice %arg4[%dma_wait3A_130, %dma_wait3A_136] : memref<4x7824xf32, #tpu.memory_space<vmem>> -> memref<1x7824xf32, #tpu.memory_space<vmem>>
    %dma_wait3A_138 = tpu.memref_squeeze %dma_wait3A_137 : memref<1x7824xf32, #tpu.memory_space<vmem>> -> memref<7824xf32, #tpu.memory_space<vmem>>
    %dma_wait3A_139 = tpu.memref_slice %arg2[%dma_wait3A_129, %mul3A_117] : memref<4x1000000xf32, #tpu.memory_space<hbm>> -> memref<1x7824xf32, #tpu.memory_space<hbm>>
    %dma_wait3A_140 = tpu.memref_squeeze %dma_wait3A_139 : memref<1x7824xf32, #tpu.memory_space<hbm>> -> memref<7824xf32, #tpu.memory_space<hbm>>
    tpu.wait_dma2 semaphore(%arg8 : memref<!tpu.dma_semaphore, #tpu.memory_space<semaphore_mem>>) src(%dma_wait3A_140 : memref<7824xf32, #tpu.memory_space<hbm>>) dst(%dma_wait3A_138 : memref<7824xf32, #tpu.memory_space<vmem>>)
    %dma_wait3A_141 = arith.constant 2 : i32
    %dma_wait3A_142 = arith.constant 2 : i32
    %dma_wait3A_143 = arith.constant 0 : i32
    %dma_wait3A_144 = tpu.memref_slice %arg4[%dma_wait3A_142, %dma_wait3A_143] : memref<4x7824xf32, #tpu.memory_space<vmem>> -> memref<1x7824xf32, #tpu.memory_space<vmem>>
    %dma_wait3A_145 = tpu.memref_squeeze %dma_wait3A_144 : memref<1x7824xf32, #tpu.memory_space<vmem>> -> memref<7824xf32, #tpu.memory_space<vmem>>
    %dma_wait3A_146 = tpu.memref_slice %arg2[%dma_wait3A_141, %mul3A_117] : memref<4x1000000xf32, #tpu.memory_space<hbm>> -> memref<1x7824xf32, #tpu.memory_space<hbm>>
    %dma_wait3A_147 = tpu.memref_squeeze %dma_wait3A_146 : memref<1x7824xf32, #tpu.memory_space<hbm>> -> memref<7824xf32, #tpu.memory_space<hbm>>
    %dma_wait3A_148 = arith.constant 0 : i32
    %dma_wait3A_149 = tpu.memref_slice %arg4[%dma_wait3A_142, %dma_wait3A_148] : memref<4x7824xf32, #tpu.memory_space<vmem>> -> memref<1x7824xf32, #tpu.memory_space<vmem>>
    %dma_wait3A_150 = tpu.memref_squeeze %dma_wait3A_149 : memref<1x7824xf32, #tpu.memory_space<vmem>> -> memref<7824xf32, #tpu.memory_space<vmem>>
    %dma_wait3A_151 = tpu.memref_slice %arg2[%dma_wait3A_141, %mul3A_117] : memref<4x1000000xf32, #tpu.memory_space<hbm>> -> memref<1x7824xf32, #tpu.memory_space<hbm>>
    %dma_wait3A_152 = tpu.memref_squeeze %dma_wait3A_151 : memref<1x7824xf32, #tpu.memory_space<hbm>> -> memref<7824xf32, #tpu.memory_space<hbm>>
    tpu.wait_dma2 semaphore(%arg8 : memref<!tpu.dma_semaphore, #tpu.memory_space<semaphore_mem>>) src(%dma_wait3A_152 : memref<7824xf32, #tpu.memory_space<hbm>>) dst(%dma_wait3A_150 : memref<7824xf32, #tpu.memory_space<vmem>>)
    %dma_wait3A_153 = arith.constant 3 : i32
    %dma_wait3A_154 = arith.constant 3 : i32
    %dma_wait3A_155 = arith.constant 0 : i32
    %dma_wait3A_156 = tpu.memref_slice %arg4[%dma_wait3A_154, %dma_wait3A_155] : memref<4x7824xf32, #tpu.memory_space<vmem>> -> memref<1x7824xf32, #tpu.memory_space<vmem>>
    %dma_wait3A_157 = tpu.memref_squeeze %dma_wait3A_156 : memref<1x7824xf32, #tpu.memory_space<vmem>> -> memref<7824xf32, #tpu.memory_space<vmem>>
    %dma_wait3A_158 = tpu.memref_slice %arg2[%dma_wait3A_153, %mul3A_117] : memref<4x1000000xf32, #tpu.memory_space<hbm>> -> memref<1x7824xf32, #tpu.memory_space<hbm>>
    %dma_wait3A_159 = tpu.memref_squeeze %dma_wait3A_158 : memref<1x7824xf32, #tpu.memory_space<hbm>> -> memref<7824xf32, #tpu.memory_space<hbm>>
    %dma_wait3A_160 = arith.constant 0 : i32
    %dma_wait3A_161 = tpu.memref_slice %arg4[%dma_wait3A_154, %dma_wait3A_160] : memref<4x7824xf32, #tpu.memory_space<vmem>> -> memref<1x7824xf32, #tpu.memory_space<vmem>>
    %dma_wait3A_162 = tpu.memref_squeeze %dma_wait3A_161 : memref<1x7824xf32, #tpu.memory_space<vmem>> -> memref<7824xf32, #tpu.memory_space<vmem>>
    %dma_wait3A_163 = tpu.memref_slice %arg2[%dma_wait3A_153, %mul3A_117] : memref<4x1000000xf32, #tpu.memory_space<hbm>> -> memref<1x7824xf32, #tpu.memory_space<hbm>>
    %dma_wait3A_164 = tpu.memref_squeeze %dma_wait3A_163 : memref<1x7824xf32, #tpu.memory_space<hbm>> -> memref<7824xf32, #tpu.memory_space<hbm>>
    tpu.wait_dma2 semaphore(%arg8 : memref<!tpu.dma_semaphore, #tpu.memory_space<semaphore_mem>>) src(%dma_wait3A_164 : memref<7824xf32, #tpu.memory_space<hbm>>) dst(%dma_wait3A_162 : memref<7824xf32, #tpu.memory_space<vmem>>)
    %scan3A = arith.constant 0 : i32
    %scan3A_165 = arith.constant 0 : i32
    %scan3A_166 = arith.constant 489 : i32
    %scan3A_167 = arith.addi %scan3A_165, %scan3A_166 : i32
    %scan3A_168 = arith.constant 1 : i32
    scf.for %scan3A_496 = %scan3A_165 to %scan3A_167 step %scan3A_168  : i32 {
      %mul3A_497 = arith.constant 16 : i32
      %mul3A_498 = arith.muli %scan3A_496, %mul3A_497 : i32
      %get3A = arith.constant 0 : i32
      %get3A_499 = arith.index_cast %get3A : i32 to index
      %get3A_500 = arith.index_cast %mul3A_498 : i32 to index
      %get3A_501 = tpu.vector_load %arg4[%get3A_499, %get3A_500] {strides = array<i32>} : memref<4x7824xf32, #tpu.memory_space<vmem>>, vector<16xf32>,
      %mul3A_502 = arith.constant 4 : i32
      %mul3A_503 = arith.muli %scan3A_496, %mul3A_502 : i32
      %add3A_504 = vector.broadcast %mul3A_503 : i32 to vector<16xi32>
      %add3A_505 = arith.addi %add3A_504, %shift_right_arithmetic3A_5 : vector<16xi32>
      %add3A_506 = arith.constant 0 : i32
      %add3A_507 = vector.broadcast %add3A_506 : i32 to vector<16xi32>
      %add3A_508 = arith.addi %mul3A_10, %add3A_507 : vector<16xi32>
      tpu.vector_store_idx %arg6[%add3A_505, %add3A_508], %get3A_501 : memref<1956x16xf32, #tpu.memory_space<vmem>>[vector<16xi32>, vector<16xi32>], vector<16xf32>,
      %mul3A_509 = arith.constant 16 : i32
      %mul3A_510 = arith.muli %scan3A_496, %mul3A_509 : i32
      %get3A_511 = arith.constant 1 : i32
      %get3A_512 = arith.index_cast %get3A_511 : i32 to index
      %get3A_513 = arith.index_cast %mul3A_510 : i32 to index
      %get3A_514 = tpu.vector_load %arg4[%get3A_512, %get3A_513] {strides = array<i32>} : memref<4x7824xf32, #tpu.memory_space<vmem>>, vector<16xf32>,
      %mul3A_515 = arith.constant 4 : i32
      %mul3A_516 = arith.muli %scan3A_496, %mul3A_515 : i32
      %add3A_517 = vector.broadcast %mul3A_516 : i32 to vector<16xi32>
      %add3A_518 = arith.addi %add3A_517, %shift_right_arithmetic3A_5 : vector<16xi32>
      %add3A_519 = arith.constant 1 : i32
      %add3A_520 = vector.broadcast %add3A_519 : i32 to vector<16xi32>
      %add3A_521 = arith.addi %mul3A_10, %add3A_520 : vector<16xi32>
      tpu.vector_store_idx %arg6[%add3A_518, %add3A_521], %get3A_514 : memref<1956x16xf32, #tpu.memory_space<vmem>>[vector<16xi32>, vector<16xi32>], vector<16xf32>,
      %mul3A_522 = arith.constant 16 : i32
      %mul3A_523 = arith.muli %scan3A_496, %mul3A_522 : i32
      %get3A_524 = arith.constant 2 : i32
      %get3A_525 = arith.index_cast %get3A_524 : i32 to index
      %get3A_526 = arith.index_cast %mul3A_523 : i32 to index
      %get3A_527 = tpu.vector_load %arg4[%get3A_525, %get3A_526] {strides = array<i32>} : memref<4x7824xf32, #tpu.memory_space<vmem>>, vector<16xf32>,
      %mul3A_528 = arith.constant 4 : i32
      %mul3A_529 = arith.muli %scan3A_496, %mul3A_528 : i32
      %add3A_530 = vector.broadcast %mul3A_529 : i32 to vector<16xi32>
      %add3A_531 = arith.addi %add3A_530, %shift_right_arithmetic3A_5 : vector<16xi32>
      %add3A_532 = arith.constant 2 : i32
      %add3A_533 = vector.broadcast %add3A_532 : i32 to vector<16xi32>
      %add3A_534 = arith.addi %mul3A_10, %add3A_533 : vector<16xi32>
      tpu.vector_store_idx %arg6[%add3A_531, %add3A_534], %get3A_527 : memref<1956x16xf32, #tpu.memory_space<vmem>>[vector<16xi32>, vector<16xi32>], vector<16xf32>,
      %mul3A_535 = arith.constant 16 : i32
      %mul3A_536 = arith.muli %scan3A_496, %mul3A_535 : i32
      %get3A_537 = arith.constant 3 : i32
      %get3A_538 = arith.index_cast %get3A_537 : i32 to index
      %get3A_539 = arith.index_cast %mul3A_536 : i32 to index
      %get3A_540 = tpu.vector_load %arg4[%get3A_538, %get3A_539] {strides = array<i32>} : memref<4x7824xf32, #tpu.memory_space<vmem>>, vector<16xf32>,
      %mul3A_541 = arith.constant 4 : i32
      %mul3A_542 = arith.muli %scan3A_496, %mul3A_541 : i32
      %add3A_543 = vector.broadcast %mul3A_542 : i32 to vector<16xi32>
      %add3A_544 = arith.addi %add3A_543, %shift_right_arithmetic3A_5 : vector<16xi32>
      %add3A_545 = arith.constant 3 : i32
      %add3A_546 = vector.broadcast %add3A_545 : i32 to vector<16xi32>
      %add3A_547 = arith.addi %mul3A_10, %add3A_546 : vector<16xi32>
      tpu.vector_store_idx %arg6[%add3A_544, %add3A_547], %get3A_540 : memref<1956x16xf32, #tpu.memory_space<vmem>>[vector<16xi32>, vector<16xi32>], vector<16xf32>,
    }
    %scan3A_169 = arith.constant 489 : i32
    %add3A_170 = arith.constant 0 : i32
    %add3A_171 = arith.addi %min3A_3, %add3A_170 : i32
    %dma_start3A_172 = arith.constant 0 : i32
    %dma_start3A_173 = tpu.memref_slice %arg3[%add3A_171, %dma_start3A_172] : memref<250000x16xf32, #tpu.memory_space<hbm>> -> memref<1956x16xf32, #tpu.memory_space<hbm>>
    %dma_start3A_174 = arith.constant 0 : i32
    %dma_start3A_175 = tpu.memref_slice %arg3[%add3A_171, %dma_start3A_174] : memref<250000x16xf32, #tpu.memory_space<hbm>> -> memref<1956x16xf32, #tpu.memory_space<hbm>>
    tpu.enqueue_dma source(%arg6 : memref<1956x16xf32, #tpu.memory_space<vmem>>) target(%dma_start3A_175 : memref<1956x16xf32, #tpu.memory_space<hbm>>) target_semaphore(%arg10 : memref<!tpu.dma_semaphore, #tpu.memory_space<semaphore_mem>>)
    %add3A_176 = arith.constant 3912 : i32
    %add3A_177 = arith.addi %min3A_3, %add3A_176 : i32
    %mul3A_178 = arith.constant 4 : i32
    %mul3A_179 = arith.muli %add3A_177, %mul3A_178 : i32
    %dma_start3A_180 = arith.constant 0 : i32
    %dma_start3A_181 = arith.constant 0 : i32
    %dma_start3A_182 = arith.constant 0 : i32
    %dma_start3A_183 = tpu.memref_slice %arg4[%dma_start3A_181, %dma_start3A_182] : memref<4x7824xf32, #tpu.memory_space<vmem>> -> memref<1x7824xf32, #tpu.memory_space<vmem>>
    %dma_start3A_184 = tpu.memref_squeeze %dma_start3A_183 : memref<1x7824xf32, #tpu.memory_space<vmem>> -> memref<7824xf32, #tpu.memory_space<vmem>>
    %dma_start3A_185 = tpu.memref_slice %arg2[%dma_start3A_180, %mul3A_179] : memref<4x1000000xf32, #tpu.memory_space<hbm>> -> memref<1x7824xf32, #tpu.memory_space<hbm>>
    %dma_start3A_186 = tpu.memref_squeeze %dma_start3A_185 : memref<1x7824xf32, #tpu.memory_space<hbm>> -> memref<7824xf32, #tpu.memory_space<hbm>>
    %dma_start3A_187 = arith.constant 0 : i32
    %dma_start3A_188 = tpu.memref_slice %arg4[%dma_start3A_181, %dma_start3A_187] : memref<4x7824xf32, #tpu.memory_space<vmem>> -> memref<1x7824xf32, #tpu.memory_space<vmem>>
    %dma_start3A_189 = tpu.memref_squeeze %dma_start3A_188 : memref<1x7824xf32, #tpu.memory_space<vmem>> -> memref<7824xf32, #tpu.memory_space<vmem>>
    %dma_start3A_190 = tpu.memref_slice %arg2[%dma_start3A_180, %mul3A_179] : memref<4x1000000xf32, #tpu.memory_space<hbm>> -> memref<1x7824xf32, #tpu.memory_space<hbm>>
    %dma_start3A_191 = tpu.memref_squeeze %dma_start3A_190 : memref<1x7824xf32, #tpu.memory_space<hbm>> -> memref<7824xf32, #tpu.memory_space<hbm>>
    tpu.enqueue_dma source(%dma_start3A_191 : memref<7824xf32, #tpu.memory_space<hbm>>) target(%dma_start3A_189 : memref<7824xf32, #tpu.memory_space<vmem>>) target_semaphore(%arg8 : memref<!tpu.dma_semaphore, #tpu.memory_space<semaphore_mem>>)
    %dma_start3A_192 = arith.constant 1 : i32
    %dma_start3A_193 = arith.constant 1 : i32
    %dma_start3A_194 = arith.constant 0 : i32
    %dma_start3A_195 = tpu.memref_slice %arg4[%dma_start3A_193, %dma_start3A_194] : memref<4x7824xf32, #tpu.memory_space<vmem>> -> memref<1x7824xf32, #tpu.memory_space<vmem>>
    %dma_start3A_196 = tpu.memref_squeeze %dma_start3A_195 : memref<1x7824xf32, #tpu.memory_space<vmem>> -> memref<7824xf32, #tpu.memory_space<vmem>>
    %dma_start3A_197 = tpu.memref_slice %arg2[%dma_start3A_192, %mul3A_179] : memref<4x1000000xf32, #tpu.memory_space<hbm>> -> memref<1x7824xf32, #tpu.memory_space<hbm>>
    %dma_start3A_198 = tpu.memref_squeeze %dma_start3A_197 : memref<1x7824xf32, #tpu.memory_space<hbm>> -> memref<7824xf32, #tpu.memory_space<hbm>>
    %dma_start3A_199 = arith.constant 0 : i32
    %dma_start3A_200 = tpu.memref_slice %arg4[%dma_start3A_193, %dma_start3A_199] : memref<4x7824xf32, #tpu.memory_space<vmem>> -> memref<1x7824xf32, #tpu.memory_space<vmem>>
    %dma_start3A_201 = tpu.memref_squeeze %dma_start3A_200 : memref<1x7824xf32, #tpu.memory_space<vmem>> -> memref<7824xf32, #tpu.memory_space<vmem>>
    %dma_start3A_202 = tpu.memref_slice %arg2[%dma_start3A_192, %mul3A_179] : memref<4x1000000xf32, #tpu.memory_space<hbm>> -> memref<1x7824xf32, #tpu.memory_space<hbm>>
    %dma_start3A_203 = tpu.memref_squeeze %dma_start3A_202 : memref<1x7824xf32, #tpu.memory_space<hbm>> -> memref<7824xf32, #tpu.memory_space<hbm>>
    tpu.enqueue_dma source(%dma_start3A_203 : memref<7824xf32, #tpu.memory_space<hbm>>) target(%dma_start3A_201 : memref<7824xf32, #tpu.memory_space<vmem>>) target_semaphore(%arg8 : memref<!tpu.dma_semaphore, #tpu.memory_space<semaphore_mem>>)
    %dma_start3A_204 = arith.constant 2 : i32
    %dma_start3A_205 = arith.constant 2 : i32
    %dma_start3A_206 = arith.constant 0 : i32
    %dma_start3A_207 = tpu.memref_slice %arg4[%dma_start3A_205, %dma_start3A_206] : memref<4x7824xf32, #tpu.memory_space<vmem>> -> memref<1x7824xf32, #tpu.memory_space<vmem>>
    %dma_start3A_208 = tpu.memref_squeeze %dma_start3A_207 : memref<1x7824xf32, #tpu.memory_space<vmem>> -> memref<7824xf32, #tpu.memory_space<vmem>>
    %dma_start3A_209 = tpu.memref_slice %arg2[%dma_start3A_204, %mul3A_179] : memref<4x1000000xf32, #tpu.memory_space<hbm>> -> memref<1x7824xf32, #tpu.memory_space<hbm>>
    %dma_start3A_210 = tpu.memref_squeeze %dma_start3A_209 : memref<1x7824xf32, #tpu.memory_space<hbm>> -> memref<7824xf32, #tpu.memory_space<hbm>>
    %dma_start3A_211 = arith.constant 0 : i32
    %dma_start3A_212 = tpu.memref_slice %arg4[%dma_start3A_205, %dma_start3A_211] : memref<4x7824xf32, #tpu.memory_space<vmem>> -> memref<1x7824xf32, #tpu.memory_space<vmem>>
    %dma_start3A_213 = tpu.memref_squeeze %dma_start3A_212 : memref<1x7824xf32, #tpu.memory_space<vmem>> -> memref<7824xf32, #tpu.memory_space<vmem>>
    %dma_start3A_214 = tpu.memref_slice %arg2[%dma_start3A_204, %mul3A_179] : memref<4x1000000xf32, #tpu.memory_space<hbm>> -> memref<1x7824xf32, #tpu.memory_space<hbm>>
    %dma_start3A_215 = tpu.memref_squeeze %dma_start3A_214 : memref<1x7824xf32, #tpu.memory_space<hbm>> -> memref<7824xf32, #tpu.memory_space<hbm>>
    tpu.enqueue_dma source(%dma_start3A_215 : memref<7824xf32, #tpu.memory_space<hbm>>) target(%dma_start3A_213 : memref<7824xf32, #tpu.memory_space<vmem>>) target_semaphore(%arg8 : memref<!tpu.dma_semaphore, #tpu.memory_space<semaphore_mem>>)
    %dma_start3A_216 = arith.constant 3 : i32
    %dma_start3A_217 = arith.constant 3 : i32
    %dma_start3A_218 = arith.constant 0 : i32
    %dma_start3A_219 = tpu.memref_slice %arg4[%dma_start3A_217, %dma_start3A_218] : memref<4x7824xf32, #tpu.memory_space<vmem>> -> memref<1x7824xf32, #tpu.memory_space<vmem>>
    %dma_start3A_220 = tpu.memref_squeeze %dma_start3A_219 : memref<1x7824xf32, #tpu.memory_space<vmem>> -> memref<7824xf32, #tpu.memory_space<vmem>>
    %dma_start3A_221 = tpu.memref_slice %arg2[%dma_start3A_216, %mul3A_179] : memref<4x1000000xf32, #tpu.memory_space<hbm>> -> memref<1x7824xf32, #tpu.memory_space<hbm>>
    %dma_start3A_222 = tpu.memref_squeeze %dma_start3A_221 : memref<1x7824xf32, #tpu.memory_space<hbm>> -> memref<7824xf32, #tpu.memory_space<hbm>>
    %dma_start3A_223 = arith.constant 0 : i32
    %dma_start3A_224 = tpu.memref_slice %arg4[%dma_start3A_217, %dma_start3A_223] : memref<4x7824xf32, #tpu.memory_space<vmem>> -> memref<1x7824xf32, #tpu.memory_space<vmem>>
    %dma_start3A_225 = tpu.memref_squeeze %dma_start3A_224 : memref<1x7824xf32, #tpu.memory_space<vmem>> -> memref<7824xf32, #tpu.memory_space<vmem>>
    %dma_start3A_226 = tpu.memref_slice %arg2[%dma_start3A_216, %mul3A_179] : memref<4x1000000xf32, #tpu.memory_space<hbm>> -> memref<1x7824xf32, #tpu.memory_space<hbm>>
    %dma_start3A_227 = tpu.memref_squeeze %dma_start3A_226 : memref<1x7824xf32, #tpu.memory_space<hbm>> -> memref<7824xf32, #tpu.memory_space<hbm>>
    tpu.enqueue_dma source(%dma_start3A_227 : memref<7824xf32, #tpu.memory_space<hbm>>) target(%dma_start3A_225 : memref<7824xf32, #tpu.memory_space<vmem>>) target_semaphore(%arg8 : memref<!tpu.dma_semaphore, #tpu.memory_space<semaphore_mem>>)
    %add3A_228 = arith.constant 1956 : i32
    %add3A_229 = arith.addi %min3A_3, %add3A_228 : i32
    %mul3A_230 = arith.constant 4 : i32
    %mul3A_231 = arith.muli %add3A_229, %mul3A_230 : i32
    %dma_wait3A_232 = arith.constant 0 : i32
    %dma_wait3A_233 = arith.constant 0 : i32
    %dma_wait3A_234 = arith.constant 0 : i32
    %dma_wait3A_235 = tpu.memref_slice %arg5[%dma_wait3A_233, %dma_wait3A_234] : memref<4x7824xf32, #tpu.memory_space<vmem>> -> memref<1x7824xf32, #tpu.memory_space<vmem>>
    %dma_wait3A_236 = tpu.memref_squeeze %dma_wait3A_235 : memref<1x7824xf32, #tpu.memory_space<vmem>> -> memref<7824xf32, #tpu.memory_space<vmem>>
    %dma_wait3A_237 = tpu.memref_slice %arg2[%dma_wait3A_232, %mul3A_231] : memref<4x1000000xf32, #tpu.memory_space<hbm>> -> memref<1x7824xf32, #tpu.memory_space<hbm>>
    %dma_wait3A_238 = tpu.memref_squeeze %dma_wait3A_237 : memref<1x7824xf32, #tpu.memory_space<hbm>> -> memref<7824xf32, #tpu.memory_space<hbm>>
    %dma_wait3A_239 = arith.constant 0 : i32
    %dma_wait3A_240 = tpu.memref_slice %arg5[%dma_wait3A_233, %dma_wait3A_239] : memref<4x7824xf32, #tpu.memory_space<vmem>> -> memref<1x7824xf32, #tpu.memory_space<vmem>>
    %dma_wait3A_241 = tpu.memref_squeeze %dma_wait3A_240 : memref<1x7824xf32, #tpu.memory_space<vmem>> -> memref<7824xf32, #tpu.memory_space<vmem>>
    %dma_wait3A_242 = tpu.memref_slice %arg2[%dma_wait3A_232, %mul3A_231] : memref<4x1000000xf32, #tpu.memory_space<hbm>> -> memref<1x7824xf32, #tpu.memory_space<hbm>>
    %dma_wait3A_243 = tpu.memref_squeeze %dma_wait3A_242 : memref<1x7824xf32, #tpu.memory_space<hbm>> -> memref<7824xf32, #tpu.memory_space<hbm>>
    tpu.wait_dma2 semaphore(%arg9 : memref<!tpu.dma_semaphore, #tpu.memory_space<semaphore_mem>>) src(%dma_wait3A_243 : memref<7824xf32, #tpu.memory_space<hbm>>) dst(%dma_wait3A_241 : memref<7824xf32, #tpu.memory_space<vmem>>)
    %dma_wait3A_244 = arith.constant 1 : i32
    %dma_wait3A_245 = arith.constant 1 : i32
    %dma_wait3A_246 = arith.constant 0 : i32
    %dma_wait3A_247 = tpu.memref_slice %arg5[%dma_wait3A_245, %dma_wait3A_246] : memref<4x7824xf32, #tpu.memory_space<vmem>> -> memref<1x7824xf32, #tpu.memory_space<vmem>>
    %dma_wait3A_248 = tpu.memref_squeeze %dma_wait3A_247 : memref<1x7824xf32, #tpu.memory_space<vmem>> -> memref<7824xf32, #tpu.memory_space<vmem>>
    %dma_wait3A_249 = tpu.memref_slice %arg2[%dma_wait3A_244, %mul3A_231] : memref<4x1000000xf32, #tpu.memory_space<hbm>> -> memref<1x7824xf32, #tpu.memory_space<hbm>>
    %dma_wait3A_250 = tpu.memref_squeeze %dma_wait3A_249 : memref<1x7824xf32, #tpu.memory_space<hbm>> -> memref<7824xf32, #tpu.memory_space<hbm>>
    %dma_wait3A_251 = arith.constant 0 : i32
    %dma_wait3A_252 = tpu.memref_slice %arg5[%dma_wait3A_245, %dma_wait3A_251] : memref<4x7824xf32, #tpu.memory_space<vmem>> -> memref<1x7824xf32, #tpu.memory_space<vmem>>
    %dma_wait3A_253 = tpu.memref_squeeze %dma_wait3A_252 : memref<1x7824xf32, #tpu.memory_space<vmem>> -> memref<7824xf32, #tpu.memory_space<vmem>>
    %dma_wait3A_254 = tpu.memref_slice %arg2[%dma_wait3A_244, %mul3A_231] : memref<4x1000000xf32, #tpu.memory_space<hbm>> -> memref<1x7824xf32, #tpu.memory_space<hbm>>
    %dma_wait3A_255 = tpu.memref_squeeze %dma_wait3A_254 : memref<1x7824xf32, #tpu.memory_space<hbm>> -> memref<7824xf32, #tpu.memory_space<hbm>>
    tpu.wait_dma2 semaphore(%arg9 : memref<!tpu.dma_semaphore, #tpu.memory_space<semaphore_mem>>) src(%dma_wait3A_255 : memref<7824xf32, #tpu.memory_space<hbm>>) dst(%dma_wait3A_253 : memref<7824xf32, #tpu.memory_space<vmem>>)
    %dma_wait3A_256 = arith.constant 2 : i32
    %dma_wait3A_257 = arith.constant 2 : i32
    %dma_wait3A_258 = arith.constant 0 : i32
    %dma_wait3A_259 = tpu.memref_slice %arg5[%dma_wait3A_257, %dma_wait3A_258] : memref<4x7824xf32, #tpu.memory_space<vmem>> -> memref<1x7824xf32, #tpu.memory_space<vmem>>
    %dma_wait3A_260 = tpu.memref_squeeze %dma_wait3A_259 : memref<1x7824xf32, #tpu.memory_space<vmem>> -> memref<7824xf32, #tpu.memory_space<vmem>>
    %dma_wait3A_261 = tpu.memref_slice %arg2[%dma_wait3A_256, %mul3A_231] : memref<4x1000000xf32, #tpu.memory_space<hbm>> -> memref<1x7824xf32, #tpu.memory_space<hbm>>
    %dma_wait3A_262 = tpu.memref_squeeze %dma_wait3A_261 : memref<1x7824xf32, #tpu.memory_space<hbm>> -> memref<7824xf32, #tpu.memory_space<hbm>>
    %dma_wait3A_263 = arith.constant 0 : i32
    %dma_wait3A_264 = tpu.memref_slice %arg5[%dma_wait3A_257, %dma_wait3A_263] : memref<4x7824xf32, #tpu.memory_space<vmem>> -> memref<1x7824xf32, #tpu.memory_space<vmem>>
    %dma_wait3A_265 = tpu.memref_squeeze %dma_wait3A_264 : memref<1x7824xf32, #tpu.memory_space<vmem>> -> memref<7824xf32, #tpu.memory_space<vmem>>
    %dma_wait3A_266 = tpu.memref_slice %arg2[%dma_wait3A_256, %mul3A_231] : memref<4x1000000xf32, #tpu.memory_space<hbm>> -> memref<1x7824xf32, #tpu.memory_space<hbm>>
    %dma_wait3A_267 = tpu.memref_squeeze %dma_wait3A_266 : memref<1x7824xf32, #tpu.memory_space<hbm>> -> memref<7824xf32, #tpu.memory_space<hbm>>
    tpu.wait_dma2 semaphore(%arg9 : memref<!tpu.dma_semaphore, #tpu.memory_space<semaphore_mem>>) src(%dma_wait3A_267 : memref<7824xf32, #tpu.memory_space<hbm>>) dst(%dma_wait3A_265 : memref<7824xf32, #tpu.memory_space<vmem>>)
    %dma_wait3A_268 = arith.constant 3 : i32
    %dma_wait3A_269 = arith.constant 3 : i32
    %dma_wait3A_270 = arith.constant 0 : i32
    %dma_wait3A_271 = tpu.memref_slice %arg5[%dma_wait3A_269, %dma_wait3A_270] : memref<4x7824xf32, #tpu.memory_space<vmem>> -> memref<1x7824xf32, #tpu.memory_space<vmem>>
    %dma_wait3A_272 = tpu.memref_squeeze %dma_wait3A_271 : memref<1x7824xf32, #tpu.memory_space<vmem>> -> memref<7824xf32, #tpu.memory_space<vmem>>
    %dma_wait3A_273 = tpu.memref_slice %arg2[%dma_wait3A_268, %mul3A_231] : memref<4x1000000xf32, #tpu.memory_space<hbm>> -> memref<1x7824xf32, #tpu.memory_space<hbm>>
    %dma_wait3A_274 = tpu.memref_squeeze %dma_wait3A_273 : memref<1x7824xf32, #tpu.memory_space<hbm>> -> memref<7824xf32, #tpu.memory_space<hbm>>
    %dma_wait3A_275 = arith.constant 0 : i32
    %dma_wait3A_276 = tpu.memref_slice %arg5[%dma_wait3A_269, %dma_wait3A_275] : memref<4x7824xf32, #tpu.memory_space<vmem>> -> memref<1x7824xf32, #tpu.memory_space<vmem>>
    %dma_wait3A_277 = tpu.memref_squeeze %dma_wait3A_276 : memref<1x7824xf32, #tpu.memory_space<vmem>> -> memref<7824xf32, #tpu.memory_space<vmem>>
    %dma_wait3A_278 = tpu.memref_slice %arg2[%dma_wait3A_268, %mul3A_231] : memref<4x1000000xf32, #tpu.memory_space<hbm>> -> memref<1x7824xf32, #tpu.memory_space<hbm>>
    %dma_wait3A_279 = tpu.memref_squeeze %dma_wait3A_278 : memref<1x7824xf32, #tpu.memory_space<hbm>> -> memref<7824xf32, #tpu.memory_space<hbm>>
    tpu.wait_dma2 semaphore(%arg9 : memref<!tpu.dma_semaphore, #tpu.memory_space<semaphore_mem>>) src(%dma_wait3A_279 : memref<7824xf32, #tpu.memory_space<hbm>>) dst(%dma_wait3A_277 : memref<7824xf32, #tpu.memory_space<vmem>>)
    %scan3A_280 = arith.constant 0 : i32
    %scan3A_281 = arith.constant 0 : i32
    %scan3A_282 = arith.constant 489 : i32
    %scan3A_283 = arith.addi %scan3A_281, %scan3A_282 : i32
    %scan3A_284 = arith.constant 1 : i32
    scf.for %scan3A_496 = %scan3A_281 to %scan3A_283 step %scan3A_284  : i32 {
      %mul3A_497 = arith.constant 16 : i32
      %mul3A_498 = arith.muli %scan3A_496, %mul3A_497 : i32
      %get3A = arith.constant 0 : i32
      %get3A_499 = arith.index_cast %get3A : i32 to index
      %get3A_500 = arith.index_cast %mul3A_498 : i32 to index
      %get3A_501 = tpu.vector_load %arg5[%get3A_499, %get3A_500] {strides = array<i32>} : memref<4x7824xf32, #tpu.memory_space<vmem>>, vector<16xf32>,
      %mul3A_502 = arith.constant 4 : i32
      %mul3A_503 = arith.muli %scan3A_496, %mul3A_502 : i32
      %add3A_504 = vector.broadcast %mul3A_503 : i32 to vector<16xi32>
      %add3A_505 = arith.addi %add3A_504, %shift_right_arithmetic3A_5 : vector<16xi32>
      %add3A_506 = arith.constant 0 : i32
      %add3A_507 = vector.broadcast %add3A_506 : i32 to vector<16xi32>
      %add3A_508 = arith.addi %mul3A_10, %add3A_507 : vector<16xi32>
      tpu.vector_store_idx %arg7[%add3A_505, %add3A_508], %get3A_501 : memref<1956x16xf32, #tpu.memory_space<vmem>>[vector<16xi32>, vector<16xi32>], vector<16xf32>,
      %mul3A_509 = arith.constant 16 : i32
      %mul3A_510 = arith.muli %scan3A_496, %mul3A_509 : i32
      %get3A_511 = arith.constant 1 : i32
      %get3A_512 = arith.index_cast %get3A_511 : i32 to index
      %get3A_513 = arith.index_cast %mul3A_510 : i32 to index
      %get3A_514 = tpu.vector_load %arg5[%get3A_512, %get3A_513] {strides = array<i32>} : memref<4x7824xf32, #tpu.memory_space<vmem>>, vector<16xf32>,
      %mul3A_515 = arith.constant 4 : i32
      %mul3A_516 = arith.muli %scan3A_496, %mul3A_515 : i32
      %add3A_517 = vector.broadcast %mul3A_516 : i32 to vector<16xi32>
      %add3A_518 = arith.addi %add3A_517, %shift_right_arithmetic3A_5 : vector<16xi32>
      %add3A_519 = arith.constant 1 : i32
      %add3A_520 = vector.broadcast %add3A_519 : i32 to vector<16xi32>
      %add3A_521 = arith.addi %mul3A_10, %add3A_520 : vector<16xi32>
      tpu.vector_store_idx %arg7[%add3A_518, %add3A_521], %get3A_514 : memref<1956x16xf32, #tpu.memory_space<vmem>>[vector<16xi32>, vector<16xi32>], vector<16xf32>,
      %mul3A_522 = arith.constant 16 : i32
      %mul3A_523 = arith.muli %scan3A_496, %mul3A_522 : i32
      %get3A_524 = arith.constant 2 : i32
      %get3A_525 = arith.index_cast %get3A_524 : i32 to index
      %get3A_526 = arith.index_cast %mul3A_523 : i32 to index
      %get3A_527 = tpu.vector_load %arg5[%get3A_525, %get3A_526] {strides = array<i32>} : memref<4x7824xf32, #tpu.memory_space<vmem>>, vector<16xf32>,
      %mul3A_528 = arith.constant 4 : i32
      %mul3A_529 = arith.muli %scan3A_496, %mul3A_528 : i32
      %add3A_530 = vector.broadcast %mul3A_529 : i32 to vector<16xi32>
      %add3A_531 = arith.addi %add3A_530, %shift_right_arithmetic3A_5 : vector<16xi32>
      %add3A_532 = arith.constant 2 : i32
      %add3A_533 = vector.broadcast %add3A_532 : i32 to vector<16xi32>
      %add3A_534 = arith.addi %mul3A_10, %add3A_533 : vector<16xi32>
      tpu.vector_store_idx %arg7[%add3A_531, %add3A_534], %get3A_527 : memref<1956x16xf32, #tpu.memory_space<vmem>>[vector<16xi32>, vector<16xi32>], vector<16xf32>,
      %mul3A_535 = arith.constant 16 : i32
      %mul3A_536 = arith.muli %scan3A_496, %mul3A_535 : i32
      %get3A_537 = arith.constant 3 : i32
      %get3A_538 = arith.index_cast %get3A_537 : i32 to index
      %get3A_539 = arith.index_cast %mul3A_536 : i32 to index
      %get3A_540 = tpu.vector_load %arg5[%get3A_538, %get3A_539] {strides = array<i32>} : memref<4x7824xf32, #tpu.memory_space<vmem>>, vector<16xf32>,
      %mul3A_541 = arith.constant 4 : i32
      %mul3A_542 = arith.muli %scan3A_496, %mul3A_541 : i32
      %add3A_543 = vector.broadcast %mul3A_542 : i32 to vector<16xi32>
      %add3A_544 = arith.addi %add3A_543, %shift_right_arithmetic3A_5 : vector<16xi32>
      %add3A_545 = arith.constant 3 : i32
      %add3A_546 = vector.broadcast %add3A_545 : i32 to vector<16xi32>
      %add3A_547 = arith.addi %mul3A_10, %add3A_546 : vector<16xi32>
      tpu.vector_store_idx %arg7[%add3A_544, %add3A_547], %get3A_540 : memref<1956x16xf32, #tpu.memory_space<vmem>>[vector<16xi32>, vector<16xi32>], vector<16xf32>,
    }
    %scan3A_285 = arith.constant 489 : i32
    %add3A_286 = arith.constant 1956 : i32
    %add3A_287 = arith.addi %min3A_3, %add3A_286 : i32
    %dma_start3A_288 = arith.constant 0 : i32
    %dma_start3A_289 = tpu.memref_slice %arg3[%add3A_287, %dma_start3A_288] : memref<250000x16xf32, #tpu.memory_space<hbm>> -> memref<1956x16xf32, #tpu.memory_space<hbm>>
    %dma_start3A_290 = arith.constant 0 : i32
    %dma_start3A_291 = tpu.memref_slice %arg3[%add3A_287, %dma_start3A_290] : memref<250000x16xf32, #tpu.memory_space<hbm>> -> memref<1956x16xf32, #tpu.memory_space<hbm>>
    tpu.enqueue_dma source(%arg7 : memref<1956x16xf32, #tpu.memory_space<vmem>>) target(%dma_start3A_291 : memref<1956x16xf32, #tpu.memory_space<hbm>>) target_semaphore(%arg11 : memref<!tpu.dma_semaphore, #tpu.memory_space<semaphore_mem>>)
    %add3A_292 = arith.constant 5868 : i32
    %add3A_293 = arith.addi %min3A_3, %add3A_292 : i32
    %mul3A_294 = arith.constant 4 : i32
    %mul3A_295 = arith.muli %add3A_293, %mul3A_294 : i32
    %dma_start3A_296 = arith.constant 0 : i32
    %dma_start3A_297 = arith.constant 0 : i32
    %dma_start3A_298 = arith.constant 0 : i32
    %dma_start3A_299 = tpu.memref_slice %arg5[%dma_start3A_297, %dma_start3A_298] : memref<4x7824xf32, #tpu.memory_space<vmem>> -> memref<1x7824xf32, #tpu.memory_space<vmem>>
    %dma_start3A_300 = tpu.memref_squeeze %dma_start3A_299 : memref<1x7824xf32, #tpu.memory_space<vmem>> -> memref<7824xf32, #tpu.memory_space<vmem>>
    %dma_start3A_301 = tpu.memref_slice %arg2[%dma_start3A_296, %mul3A_295] : memref<4x1000000xf32, #tpu.memory_space<hbm>> -> memref<1x7824xf32, #tpu.memory_space<hbm>>
    %dma_start3A_302 = tpu.memref_squeeze %dma_start3A_301 : memref<1x7824xf32, #tpu.memory_space<hbm>> -> memref<7824xf32, #tpu.memory_space<hbm>>
    %dma_start3A_303 = arith.constant 0 : i32
    %dma_start3A_304 = tpu.memref_slice %arg5[%dma_start3A_297, %dma_start3A_303] : memref<4x7824xf32, #tpu.memory_space<vmem>> -> memref<1x7824xf32, #tpu.memory_space<vmem>>
    %dma_start3A_305 = tpu.memref_squeeze %dma_start3A_304 : memref<1x7824xf32, #tpu.memory_space<vmem>> -> memref<7824xf32, #tpu.memory_space<vmem>>
    %dma_start3A_306 = tpu.memref_slice %arg2[%dma_start3A_296, %mul3A_295] : memref<4x1000000xf32, #tpu.memory_space<hbm>> -> memref<1x7824xf32, #tpu.memory_space<hbm>>
    %dma_start3A_307 = tpu.memref_squeeze %dma_start3A_306 : memref<1x7824xf32, #tpu.memory_space<hbm>> -> memref<7824xf32, #tpu.memory_space<hbm>>
    tpu.enqueue_dma source(%dma_start3A_307 : memref<7824xf32, #tpu.memory_space<hbm>>) target(%dma_start3A_305 : memref<7824xf32, #tpu.memory_space<vmem>>) target_semaphore(%arg9 : memref<!tpu.dma_semaphore, #tpu.memory_space<semaphore_mem>>)
    %dma_start3A_308 = arith.constant 1 : i32
    %dma_start3A_309 = arith.constant 1 : i32
    %dma_start3A_310 = arith.constant 0 : i32
    %dma_start3A_311 = tpu.memref_slice %arg5[%dma_start3A_309, %dma_start3A_310] : memref<4x7824xf32, #tpu.memory_space<vmem>> -> memref<1x7824xf32, #tpu.memory_space<vmem>>
    %dma_start3A_312 = tpu.memref_squeeze %dma_start3A_311 : memref<1x7824xf32, #tpu.memory_space<vmem>> -> memref<7824xf32, #tpu.memory_space<vmem>>
    %dma_start3A_313 = tpu.memref_slice %arg2[%dma_start3A_308, %mul3A_295] : memref<4x1000000xf32, #tpu.memory_space<hbm>> -> memref<1x7824xf32, #tpu.memory_space<hbm>>
    %dma_start3A_314 = tpu.memref_squeeze %dma_start3A_313 : memref<1x7824xf32, #tpu.memory_space<hbm>> -> memref<7824xf32, #tpu.memory_space<hbm>>
    %dma_start3A_315 = arith.constant 0 : i32
    %dma_start3A_316 = tpu.memref_slice %arg5[%dma_start3A_309, %dma_start3A_315] : memref<4x7824xf32, #tpu.memory_space<vmem>> -> memref<1x7824xf32, #tpu.memory_space<vmem>>
    %dma_start3A_317 = tpu.memref_squeeze %dma_start3A_316 : memref<1x7824xf32, #tpu.memory_space<vmem>> -> memref<7824xf32, #tpu.memory_space<vmem>>
    %dma_start3A_318 = tpu.memref_slice %arg2[%dma_start3A_308, %mul3A_295] : memref<4x1000000xf32, #tpu.memory_space<hbm>> -> memref<1x7824xf32, #tpu.memory_space<hbm>>
    %dma_start3A_319 = tpu.memref_squeeze %dma_start3A_318 : memref<1x7824xf32, #tpu.memory_space<hbm>> -> memref<7824xf32, #tpu.memory_space<hbm>>
    tpu.enqueue_dma source(%dma_start3A_319 : memref<7824xf32, #tpu.memory_space<hbm>>) target(%dma_start3A_317 : memref<7824xf32, #tpu.memory_space<vmem>>) target_semaphore(%arg9 : memref<!tpu.dma_semaphore, #tpu.memory_space<semaphore_mem>>)
    %dma_start3A_320 = arith.constant 2 : i32
    %dma_start3A_321 = arith.constant 2 : i32
    %dma_start3A_322 = arith.constant 0 : i32
    %dma_start3A_323 = tpu.memref_slice %arg5[%dma_start3A_321, %dma_start3A_322] : memref<4x7824xf32, #tpu.memory_space<vmem>> -> memref<1x7824xf32, #tpu.memory_space<vmem>>
    %dma_start3A_324 = tpu.memref_squeeze %dma_start3A_323 : memref<1x7824xf32, #tpu.memory_space<vmem>> -> memref<7824xf32, #tpu.memory_space<vmem>>
    %dma_start3A_325 = tpu.memref_slice %arg2[%dma_start3A_320, %mul3A_295] : memref<4x1000000xf32, #tpu.memory_space<hbm>> -> memref<1x7824xf32, #tpu.memory_space<hbm>>
    %dma_start3A_326 = tpu.memref_squeeze %dma_start3A_325 : memref<1x7824xf32, #tpu.memory_space<hbm>> -> memref<7824xf32, #tpu.memory_space<hbm>>
    %dma_start3A_327 = arith.constant 0 : i32
    %dma_start3A_328 = tpu.memref_slice %arg5[%dma_start3A_321, %dma_start3A_327] : memref<4x7824xf32, #tpu.memory_space<vmem>> -> memref<1x7824xf32, #tpu.memory_space<vmem>>
    %dma_start3A_329 = tpu.memref_squeeze %dma_start3A_328 : memref<1x7824xf32, #tpu.memory_space<vmem>> -> memref<7824xf32, #tpu.memory_space<vmem>>
    %dma_start3A_330 = tpu.memref_slice %arg2[%dma_start3A_320, %mul3A_295] : memref<4x1000000xf32, #tpu.memory_space<hbm>> -> memref<1x7824xf32, #tpu.memory_space<hbm>>
    %dma_start3A_331 = tpu.memref_squeeze %dma_start3A_330 : memref<1x7824xf32, #tpu.memory_space<hbm>> -> memref<7824xf32, #tpu.memory_space<hbm>>
    tpu.enqueue_dma source(%dma_start3A_331 : memref<7824xf32, #tpu.memory_space<hbm>>) target(%dma_start3A_329 : memref<7824xf32, #tpu.memory_space<vmem>>) target_semaphore(%arg9 : memref<!tpu.dma_semaphore, #tpu.memory_space<semaphore_mem>>)
    %dma_start3A_332 = arith.constant 3 : i32
    %dma_start3A_333 = arith.constant 3 : i32
    %dma_start3A_334 = arith.constant 0 : i32
    %dma_start3A_335 = tpu.memref_slice %arg5[%dma_start3A_333, %dma_start3A_334] : memref<4x7824xf32, #tpu.memory_space<vmem>> -> memref<1x7824xf32, #tpu.memory_space<vmem>>
    %dma_start3A_336 = tpu.memref_squeeze %dma_start3A_335 : memref<1x7824xf32, #tpu.memory_space<vmem>> -> memref<7824xf32, #tpu.memory_space<vmem>>
    %dma_start3A_337 = tpu.memref_slice %arg2[%dma_start3A_332, %mul3A_295] : memref<4x1000000xf32, #tpu.memory_space<hbm>> -> memref<1x7824xf32, #tpu.memory_space<hbm>>
    %dma_start3A_338 = tpu.memref_squeeze %dma_start3A_337 : memref<1x7824xf32, #tpu.memory_space<hbm>> -> memref<7824xf32, #tpu.memory_space<hbm>>
    %dma_start3A_339 = arith.constant 0 : i32
    %dma_start3A_340 = tpu.memref_slice %arg5[%dma_start3A_333, %dma_start3A_339] : memref<4x7824xf32, #tpu.memory_space<vmem>> -> memref<1x7824xf32, #tpu.memory_space<vmem>>
    %dma_start3A_341 = tpu.memref_squeeze %dma_start3A_340 : memref<1x7824xf32, #tpu.memory_space<vmem>> -> memref<7824xf32, #tpu.memory_space<vmem>>
    %dma_start3A_342 = tpu.memref_slice %arg2[%dma_start3A_332, %mul3A_295] : memref<4x1000000xf32, #tpu.memory_space<hbm>> -> memref<1x7824xf32, #tpu.memory_space<hbm>>
    %dma_start3A_343 = tpu.memref_squeeze %dma_start3A_342 : memref<1x7824xf32, #tpu.memory_space<hbm>> -> memref<7824xf32, #tpu.memory_space<hbm>>
    tpu.enqueue_dma source(%dma_start3A_343 : memref<7824xf32, #tpu.memory_space<hbm>>) target(%dma_start3A_341 : memref<7824xf32, #tpu.memory_space<vmem>>) target_semaphore(%arg9 : memref<!tpu.dma_semaphore, #tpu.memory_space<semaphore_mem>>)
    %add3A_344 = arith.constant 3912 : i32
    %add3A_345 = arith.addi %min3A_3, %add3A_344 : i32
    %mul3A_346 = arith.constant 4 : i32
    %mul3A_347 = arith.muli %add3A_345, %mul3A_346 : i32
    %dma_wait3A_348 = arith.constant 0 : i32
    %dma_wait3A_349 = arith.constant 0 : i32
    %dma_wait3A_350 = arith.constant 0 : i32
    %dma_wait3A_351 = tpu.memref_slice %arg4[%dma_wait3A_349, %dma_wait3A_350] : memref<4x7824xf32, #tpu.memory_space<vmem>> -> memref<1x7824xf32, #tpu.memory_space<vmem>>
    %dma_wait3A_352 = tpu.memref_squeeze %dma_wait3A_351 : memref<1x7824xf32, #tpu.memory_space<vmem>> -> memref<7824xf32, #tpu.memory_space<vmem>>
    %dma_wait3A_353 = tpu.memref_slice %arg2[%dma_wait3A_348, %mul3A_347] : memref<4x1000000xf32, #tpu.memory_space<hbm>> -> memref<1x7824xf32, #tpu.memory_space<hbm>>
    %dma_wait3A_354 = tpu.memref_squeeze %dma_wait3A_353 : memref<1x7824xf32, #tpu.memory_space<hbm>> -> memref<7824xf32, #tpu.memory_space<hbm>>
    %dma_wait3A_355 = arith.constant 0 : i32
    %dma_wait3A_356 = tpu.memref_slice %arg4[%dma_wait3A_349, %dma_wait3A_355] : memref<4x7824xf32, #tpu.memory_space<vmem>> -> memref<1x7824xf32, #tpu.memory_space<vmem>>
    %dma_wait3A_357 = tpu.memref_squeeze %dma_wait3A_356 : memref<1x7824xf32, #tpu.memory_space<vmem>> -> memref<7824xf32, #tpu.memory_space<vmem>>
    %dma_wait3A_358 = tpu.memref_slice %arg2[%dma_wait3A_348, %mul3A_347] : memref<4x1000000xf32, #tpu.memory_space<hbm>> -> memref<1x7824xf32, #tpu.memory_space<hbm>>
    %dma_wait3A_359 = tpu.memref_squeeze %dma_wait3A_358 : memref<1x7824xf32, #tpu.memory_space<hbm>> -> memref<7824xf32, #tpu.memory_space<hbm>>
    tpu.wait_dma2 semaphore(%arg8 : memref<!tpu.dma_semaphore, #tpu.memory_space<semaphore_mem>>) src(%dma_wait3A_359 : memref<7824xf32, #tpu.memory_space<hbm>>) dst(%dma_wait3A_357 : memref<7824xf32, #tpu.memory_space<vmem>>)
    %dma_wait3A_360 = arith.constant 1 : i32
    %dma_wait3A_361 = arith.constant 1 : i32
    %dma_wait3A_362 = arith.constant 0 : i32
    %dma_wait3A_363 = tpu.memref_slice %arg4[%dma_wait3A_361, %dma_wait3A_362] : memref<4x7824xf32, #tpu.memory_space<vmem>> -> memref<1x7824xf32, #tpu.memory_space<vmem>>
    %dma_wait3A_364 = tpu.memref_squeeze %dma_wait3A_363 : memref<1x7824xf32, #tpu.memory_space<vmem>> -> memref<7824xf32, #tpu.memory_space<vmem>>
    %dma_wait3A_365 = tpu.memref_slice %arg2[%dma_wait3A_360, %mul3A_347] : memref<4x1000000xf32, #tpu.memory_space<hbm>> -> memref<1x7824xf32, #tpu.memory_space<hbm>>
    %dma_wait3A_366 = tpu.memref_squeeze %dma_wait3A_365 : memref<1x7824xf32, #tpu.memory_space<hbm>> -> memref<7824xf32, #tpu.memory_space<hbm>>
    %dma_wait3A_367 = arith.constant 0 : i32
    %dma_wait3A_368 = tpu.memref_slice %arg4[%dma_wait3A_361, %dma_wait3A_367] : memref<4x7824xf32, #tpu.memory_space<vmem>> -> memref<1x7824xf32, #tpu.memory_space<vmem>>
    %dma_wait3A_369 = tpu.memref_squeeze %dma_wait3A_368 : memref<1x7824xf32, #tpu.memory_space<vmem>> -> memref<7824xf32, #tpu.memory_space<vmem>>
    %dma_wait3A_370 = tpu.memref_slice %arg2[%dma_wait3A_360, %mul3A_347] : memref<4x1000000xf32, #tpu.memory_space<hbm>> -> memref<1x7824xf32, #tpu.memory_space<hbm>>
    %dma_wait3A_371 = tpu.memref_squeeze %dma_wait3A_370 : memref<1x7824xf32, #tpu.memory_space<hbm>> -> memref<7824xf32, #tpu.memory_space<hbm>>
    tpu.wait_dma2 semaphore(%arg8 : memref<!tpu.dma_semaphore, #tpu.memory_space<semaphore_mem>>) src(%dma_wait3A_371 : memref<7824xf32, #tpu.memory_space<hbm>>) dst(%dma_wait3A_369 : memref<7824xf32, #tpu.memory_space<vmem>>)
    %dma_wait3A_372 = arith.constant 2 : i32
    %dma_wait3A_373 = arith.constant 2 : i32
    %dma_wait3A_374 = arith.constant 0 : i32
    %dma_wait3A_375 = tpu.memref_slice %arg4[%dma_wait3A_373, %dma_wait3A_374] : memref<4x7824xf32, #tpu.memory_space<vmem>> -> memref<1x7824xf32, #tpu.memory_space<vmem>>
    %dma_wait3A_376 = tpu.memref_squeeze %dma_wait3A_375 : memref<1x7824xf32, #tpu.memory_space<vmem>> -> memref<7824xf32, #tpu.memory_space<vmem>>
    %dma_wait3A_377 = tpu.memref_slice %arg2[%dma_wait3A_372, %mul3A_347] : memref<4x1000000xf32, #tpu.memory_space<hbm>> -> memref<1x7824xf32, #tpu.memory_space<hbm>>
    %dma_wait3A_378 = tpu.memref_squeeze %dma_wait3A_377 : memref<1x7824xf32, #tpu.memory_space<hbm>> -> memref<7824xf32, #tpu.memory_space<hbm>>
    %dma_wait3A_379 = arith.constant 0 : i32
    %dma_wait3A_380 = tpu.memref_slice %arg4[%dma_wait3A_373, %dma_wait3A_379] : memref<4x7824xf32, #tpu.memory_space<vmem>> -> memref<1x7824xf32, #tpu.memory_space<vmem>>
    %dma_wait3A_381 = tpu.memref_squeeze %dma_wait3A_380 : memref<1x7824xf32, #tpu.memory_space<vmem>> -> memref<7824xf32, #tpu.memory_space<vmem>>
    %dma_wait3A_382 = tpu.memref_slice %arg2[%dma_wait3A_372, %mul3A_347] : memref<4x1000000xf32, #tpu.memory_space<hbm>> -> memref<1x7824xf32, #tpu.memory_space<hbm>>
    %dma_wait3A_383 = tpu.memref_squeeze %dma_wait3A_382 : memref<1x7824xf32, #tpu.memory_space<hbm>> -> memref<7824xf32, #tpu.memory_space<hbm>>
    tpu.wait_dma2 semaphore(%arg8 : memref<!tpu.dma_semaphore, #tpu.memory_space<semaphore_mem>>) src(%dma_wait3A_383 : memref<7824xf32, #tpu.memory_space<hbm>>) dst(%dma_wait3A_381 : memref<7824xf32, #tpu.memory_space<vmem>>)
    %dma_wait3A_384 = arith.constant 3 : i32
    %dma_wait3A_385 = arith.constant 3 : i32
    %dma_wait3A_386 = arith.constant 0 : i32
    %dma_wait3A_387 = tpu.memref_slice %arg4[%dma_wait3A_385, %dma_wait3A_386] : memref<4x7824xf32, #tpu.memory_space<vmem>> -> memref<1x7824xf32, #tpu.memory_space<vmem>>
    %dma_wait3A_388 = tpu.memref_squeeze %dma_wait3A_387 : memref<1x7824xf32, #tpu.memory_space<vmem>> -> memref<7824xf32, #tpu.memory_space<vmem>>
    %dma_wait3A_389 = tpu.memref_slice %arg2[%dma_wait3A_384, %mul3A_347] : memref<4x1000000xf32, #tpu.memory_space<hbm>> -> memref<1x7824xf32, #tpu.memory_space<hbm>>
    %dma_wait3A_390 = tpu.memref_squeeze %dma_wait3A_389 : memref<1x7824xf32, #tpu.memory_space<hbm>> -> memref<7824xf32, #tpu.memory_space<hbm>>
    %dma_wait3A_391 = arith.constant 0 : i32
    %dma_wait3A_392 = tpu.memref_slice %arg4[%dma_wait3A_385, %dma_wait3A_391] : memref<4x7824xf32, #tpu.memory_space<vmem>> -> memref<1x7824xf32, #tpu.memory_space<vmem>>
    %dma_wait3A_393 = tpu.memref_squeeze %dma_wait3A_392 : memref<1x7824xf32, #tpu.memory_space<vmem>> -> memref<7824xf32, #tpu.memory_space<vmem>>
    %dma_wait3A_394 = tpu.memref_slice %arg2[%dma_wait3A_384, %mul3A_347] : memref<4x1000000xf32, #tpu.memory_space<hbm>> -> memref<1x7824xf32, #tpu.memory_space<hbm>>
    %dma_wait3A_395 = tpu.memref_squeeze %dma_wait3A_394 : memref<1x7824xf32, #tpu.memory_space<hbm>> -> memref<7824xf32, #tpu.memory_space<hbm>>
    tpu.wait_dma2 semaphore(%arg8 : memref<!tpu.dma_semaphore, #tpu.memory_space<semaphore_mem>>) src(%dma_wait3A_395 : memref<7824xf32, #tpu.memory_space<hbm>>) dst(%dma_wait3A_393 : memref<7824xf32, #tpu.memory_space<vmem>>)
    %add3A_396 = arith.constant 0 : i32
    %add3A_397 = arith.addi %min3A_3, %add3A_396 : i32
    %dma_wait3A_398 = arith.constant 0 : i32
    %dma_wait3A_399 = tpu.memref_slice %arg3[%add3A_397, %dma_wait3A_398] : memref<250000x16xf32, #tpu.memory_space<hbm>> -> memref<1956x16xf32, #tpu.memory_space<hbm>>
    %dma_wait3A_400 = arith.constant 0 : i32
    %dma_wait3A_401 = tpu.memref_slice %arg3[%add3A_397, %dma_wait3A_400] : memref<250000x16xf32, #tpu.memory_space<hbm>> -> memref<1956x16xf32, #tpu.memory_space<hbm>>
    tpu.wait_dma2 semaphore(%arg10 : memref<!tpu.dma_semaphore, #tpu.memory_space<semaphore_mem>>) src(%arg6 : memref<1956x16xf32, #tpu.memory_space<vmem>>) dst(%dma_wait3A_401 : memref<1956x16xf32, #tpu.memory_space<hbm>>)
    %scan3A_402 = arith.constant 0 : i32
    %scan3A_403 = arith.constant 0 : i32
    %scan3A_404 = arith.constant 489 : i32
    %scan3A_405 = arith.addi %scan3A_403, %scan3A_404 : i32
    %scan3A_406 = arith.constant 1 : i32
    scf.for %scan3A_496 = %scan3A_403 to %scan3A_405 step %scan3A_406  : i32 {
      %mul3A_497 = arith.constant 16 : i32
      %mul3A_498 = arith.muli %scan3A_496, %mul3A_497 : i32
      %get3A = arith.constant 0 : i32
      %get3A_499 = arith.index_cast %get3A : i32 to index
      %get3A_500 = arith.index_cast %mul3A_498 : i32 to index
      %get3A_501 = tpu.vector_load %arg4[%get3A_499, %get3A_500] {strides = array<i32>} : memref<4x7824xf32, #tpu.memory_space<vmem>>, vector<16xf32>,
      %mul3A_502 = arith.constant 4 : i32
      %mul3A_503 = arith.muli %scan3A_496, %mul3A_502 : i32
      %add3A_504 = vector.broadcast %mul3A_503 : i32 to vector<16xi32>
      %add3A_505 = arith.addi %add3A_504, %shift_right_arithmetic3A_5 : vector<16xi32>
      %add3A_506 = arith.constant 0 : i32
      %add3A_507 = vector.broadcast %add3A_506 : i32 to vector<16xi32>
      %add3A_508 = arith.addi %mul3A_10, %add3A_507 : vector<16xi32>
      tpu.vector_store_idx %arg6[%add3A_505, %add3A_508], %get3A_501 : memref<1956x16xf32, #tpu.memory_space<vmem>>[vector<16xi32>, vector<16xi32>], vector<16xf32>,
      %mul3A_509 = arith.constant 16 : i32
      %mul3A_510 = arith.muli %scan3A_496, %mul3A_509 : i32
      %get3A_511 = arith.constant 1 : i32
      %get3A_512 = arith.index_cast %get3A_511 : i32 to index
      %get3A_513 = arith.index_cast %mul3A_510 : i32 to index
      %get3A_514 = tpu.vector_load %arg4[%get3A_512, %get3A_513] {strides = array<i32>} : memref<4x7824xf32, #tpu.memory_space<vmem>>, vector<16xf32>,
      %mul3A_515 = arith.constant 4 : i32
      %mul3A_516 = arith.muli %scan3A_496, %mul3A_515 : i32
      %add3A_517 = vector.broadcast %mul3A_516 : i32 to vector<16xi32>
      %add3A_518 = arith.addi %add3A_517, %shift_right_arithmetic3A_5 : vector<16xi32>
      %add3A_519 = arith.constant 1 : i32
      %add3A_520 = vector.broadcast %add3A_519 : i32 to vector<16xi32>
      %add3A_521 = arith.addi %mul3A_10, %add3A_520 : vector<16xi32>
      tpu.vector_store_idx %arg6[%add3A_518, %add3A_521], %get3A_514 : memref<1956x16xf32, #tpu.memory_space<vmem>>[vector<16xi32>, vector<16xi32>], vector<16xf32>,
      %mul3A_522 = arith.constant 16 : i32
      %mul3A_523 = arith.muli %scan3A_496, %mul3A_522 : i32
      %get3A_524 = arith.constant 2 : i32
      %get3A_525 = arith.index_cast %get3A_524 : i32 to index
      %get3A_526 = arith.index_cast %mul3A_523 : i32 to index
      %get3A_527 = tpu.vector_load %arg4[%get3A_525, %get3A_526] {strides = array<i32>} : memref<4x7824xf32, #tpu.memory_space<vmem>>, vector<16xf32>,
      %mul3A_528 = arith.constant 4 : i32
      %mul3A_529 = arith.muli %scan3A_496, %mul3A_528 : i32
      %add3A_530 = vector.broadcast %mul3A_529 : i32 to vector<16xi32>
      %add3A_531 = arith.addi %add3A_530, %shift_right_arithmetic3A_5 : vector<16xi32>
      %add3A_532 = arith.constant 2 : i32
      %add3A_533 = vector.broadcast %add3A_532 : i32 to vector<16xi32>
      %add3A_534 = arith.addi %mul3A_10, %add3A_533 : vector<16xi32>
      tpu.vector_store_idx %arg6[%add3A_531, %add3A_534], %get3A_527 : memref<1956x16xf32, #tpu.memory_space<vmem>>[vector<16xi32>, vector<16xi32>], vector<16xf32>,
      %mul3A_535 = arith.constant 16 : i32
      %mul3A_536 = arith.muli %scan3A_496, %mul3A_535 : i32
      %get3A_537 = arith.constant 3 : i32
      %get3A_538 = arith.index_cast %get3A_537 : i32 to index
      %get3A_539 = arith.index_cast %mul3A_536 : i32 to index
      %get3A_540 = tpu.vector_load %arg4[%get3A_538, %get3A_539] {strides = array<i32>} : memref<4x7824xf32, #tpu.memory_space<vmem>>, vector<16xf32>,
      %mul3A_541 = arith.constant 4 : i32
      %mul3A_542 = arith.muli %scan3A_496, %mul3A_541 : i32
      %add3A_543 = vector.broadcast %mul3A_542 : i32 to vector<16xi32>
      %add3A_544 = arith.addi %add3A_543, %shift_right_arithmetic3A_5 : vector<16xi32>
      %add3A_545 = arith.constant 3 : i32
      %add3A_546 = vector.broadcast %add3A_545 : i32 to vector<16xi32>
      %add3A_547 = arith.addi %mul3A_10, %add3A_546 : vector<16xi32>
      tpu.vector_store_idx %arg6[%add3A_544, %add3A_547], %get3A_540 : memref<1956x16xf32, #tpu.memory_space<vmem>>[vector<16xi32>, vector<16xi32>], vector<16xf32>,
    }
    %scan3A_407 = arith.constant 489 : i32
    %add3A_408 = arith.constant 3912 : i32
    %add3A_409 = arith.addi %min3A_3, %add3A_408 : i32
    %dma_start3A_410 = arith.constant 0 : i32
    %dma_start3A_411 = tpu.memref_slice %arg3[%add3A_409, %dma_start3A_410] : memref<250000x16xf32, #tpu.memory_space<hbm>> -> memref<1956x16xf32, #tpu.memory_space<hbm>>
    %dma_start3A_412 = arith.constant 0 : i32
    %dma_start3A_413 = tpu.memref_slice %arg3[%add3A_409, %dma_start3A_412] : memref<250000x16xf32, #tpu.memory_space<hbm>> -> memref<1956x16xf32, #tpu.memory_space<hbm>>
    tpu.enqueue_dma source(%arg6 : memref<1956x16xf32, #tpu.memory_space<vmem>>) target(%dma_start3A_413 : memref<1956x16xf32, #tpu.memory_space<hbm>>) target_semaphore(%arg10 : memref<!tpu.dma_semaphore, #tpu.memory_space<semaphore_mem>>)
    %add3A_414 = arith.constant 5868 : i32
    %add3A_415 = arith.addi %min3A_3, %add3A_414 : i32
    %mul3A_416 = arith.constant 4 : i32
    %mul3A_417 = arith.muli %add3A_415, %mul3A_416 : i32
    %dma_wait3A_418 = arith.constant 0 : i32
    %dma_wait3A_419 = arith.constant 0 : i32
    %dma_wait3A_420 = arith.constant 0 : i32
    %dma_wait3A_421 = tpu.memref_slice %arg5[%dma_wait3A_419, %dma_wait3A_420] : memref<4x7824xf32, #tpu.memory_space<vmem>> -> memref<1x7824xf32, #tpu.memory_space<vmem>>
    %dma_wait3A_422 = tpu.memref_squeeze %dma_wait3A_421 : memref<1x7824xf32, #tpu.memory_space<vmem>> -> memref<7824xf32, #tpu.memory_space<vmem>>
    %dma_wait3A_423 = tpu.memref_slice %arg2[%dma_wait3A_418, %mul3A_417] : memref<4x1000000xf32, #tpu.memory_space<hbm>> -> memref<1x7824xf32, #tpu.memory_space<hbm>>
    %dma_wait3A_424 = tpu.memref_squeeze %dma_wait3A_423 : memref<1x7824xf32, #tpu.memory_space<hbm>> -> memref<7824xf32, #tpu.memory_space<hbm>>
    %dma_wait3A_425 = arith.constant 0 : i32
    %dma_wait3A_426 = tpu.memref_slice %arg5[%dma_wait3A_419, %dma_wait3A_425] : memref<4x7824xf32, #tpu.memory_space<vmem>> -> memref<1x7824xf32, #tpu.memory_space<vmem>>
    %dma_wait3A_427 = tpu.memref_squeeze %dma_wait3A_426 : memref<1x7824xf32, #tpu.memory_space<vmem>> -> memref<7824xf32, #tpu.memory_space<vmem>>
    %dma_wait3A_428 = tpu.memref_slice %arg2[%dma_wait3A_418, %mul3A_417] : memref<4x1000000xf32, #tpu.memory_space<hbm>> -> memref<1x7824xf32, #tpu.memory_space<hbm>>
    %dma_wait3A_429 = tpu.memref_squeeze %dma_wait3A_428 : memref<1x7824xf32, #tpu.memory_space<hbm>> -> memref<7824xf32, #tpu.memory_space<hbm>>
    tpu.wait_dma2 semaphore(%arg9 : memref<!tpu.dma_semaphore, #tpu.memory_space<semaphore_mem>>) src(%dma_wait3A_429 : memref<7824xf32, #tpu.memory_space<hbm>>) dst(%dma_wait3A_427 : memref<7824xf32, #tpu.memory_space<vmem>>)
    %dma_wait3A_430 = arith.constant 1 : i32
    %dma_wait3A_431 = arith.constant 1 : i32
    %dma_wait3A_432 = arith.constant 0 : i32
    %dma_wait3A_433 = tpu.memref_slice %arg5[%dma_wait3A_431, %dma_wait3A_432] : memref<4x7824xf32, #tpu.memory_space<vmem>> -> memref<1x7824xf32, #tpu.memory_space<vmem>>
    %dma_wait3A_434 = tpu.memref_squeeze %dma_wait3A_433 : memref<1x7824xf32, #tpu.memory_space<vmem>> -> memref<7824xf32, #tpu.memory_space<vmem>>
    %dma_wait3A_435 = tpu.memref_slice %arg2[%dma_wait3A_430, %mul3A_417] : memref<4x1000000xf32, #tpu.memory_space<hbm>> -> memref<1x7824xf32, #tpu.memory_space<hbm>>
    %dma_wait3A_436 = tpu.memref_squeeze %dma_wait3A_435 : memref<1x7824xf32, #tpu.memory_space<hbm>> -> memref<7824xf32, #tpu.memory_space<hbm>>
    %dma_wait3A_437 = arith.constant 0 : i32
    %dma_wait3A_438 = tpu.memref_slice %arg5[%dma_wait3A_431, %dma_wait3A_437] : memref<4x7824xf32, #tpu.memory_space<vmem>> -> memref<1x7824xf32, #tpu.memory_space<vmem>>
    %dma_wait3A_439 = tpu.memref_squeeze %dma_wait3A_438 : memref<1x7824xf32, #tpu.memory_space<vmem>> -> memref<7824xf32, #tpu.memory_space<vmem>>
    %dma_wait3A_440 = tpu.memref_slice %arg2[%dma_wait3A_430, %mul3A_417] : memref<4x1000000xf32, #tpu.memory_space<hbm>> -> memref<1x7824xf32, #tpu.memory_space<hbm>>
    %dma_wait3A_441 = tpu.memref_squeeze %dma_wait3A_440 : memref<1x7824xf32, #tpu.memory_space<hbm>> -> memref<7824xf32, #tpu.memory_space<hbm>>
    tpu.wait_dma2 semaphore(%arg9 : memref<!tpu.dma_semaphore, #tpu.memory_space<semaphore_mem>>) src(%dma_wait3A_441 : memref<7824xf32, #tpu.memory_space<hbm>>) dst(%dma_wait3A_439 : memref<7824xf32, #tpu.memory_space<vmem>>)
    %dma_wait3A_442 = arith.constant 2 : i32
    %dma_wait3A_443 = arith.constant 2 : i32
    %dma_wait3A_444 = arith.constant 0 : i32
    %dma_wait3A_445 = tpu.memref_slice %arg5[%dma_wait3A_443, %dma_wait3A_444] : memref<4x7824xf32, #tpu.memory_space<vmem>> -> memref<1x7824xf32, #tpu.memory_space<vmem>>
    %dma_wait3A_446 = tpu.memref_squeeze %dma_wait3A_445 : memref<1x7824xf32, #tpu.memory_space<vmem>> -> memref<7824xf32, #tpu.memory_space<vmem>>
    %dma_wait3A_447 = tpu.memref_slice %arg2[%dma_wait3A_442, %mul3A_417] : memref<4x1000000xf32, #tpu.memory_space<hbm>> -> memref<1x7824xf32, #tpu.memory_space<hbm>>
    %dma_wait3A_448 = tpu.memref_squeeze %dma_wait3A_447 : memref<1x7824xf32, #tpu.memory_space<hbm>> -> memref<7824xf32, #tpu.memory_space<hbm>>
    %dma_wait3A_449 = arith.constant 0 : i32
    %dma_wait3A_450 = tpu.memref_slice %arg5[%dma_wait3A_443, %dma_wait3A_449] : memref<4x7824xf32, #tpu.memory_space<vmem>> -> memref<1x7824xf32, #tpu.memory_space<vmem>>
    %dma_wait3A_451 = tpu.memref_squeeze %dma_wait3A_450 : memref<1x7824xf32, #tpu.memory_space<vmem>> -> memref<7824xf32, #tpu.memory_space<vmem>>
    %dma_wait3A_452 = tpu.memref_slice %arg2[%dma_wait3A_442, %mul3A_417] : memref<4x1000000xf32, #tpu.memory_space<hbm>> -> memref<1x7824xf32, #tpu.memory_space<hbm>>
    %dma_wait3A_453 = tpu.memref_squeeze %dma_wait3A_452 : memref<1x7824xf32, #tpu.memory_space<hbm>> -> memref<7824xf32, #tpu.memory_space<hbm>>
    tpu.wait_dma2 semaphore(%arg9 : memref<!tpu.dma_semaphore, #tpu.memory_space<semaphore_mem>>) src(%dma_wait3A_453 : memref<7824xf32, #tpu.memory_space<hbm>>) dst(%dma_wait3A_451 : memref<7824xf32, #tpu.memory_space<vmem>>)
    %dma_wait3A_454 = arith.constant 3 : i32
    %dma_wait3A_455 = arith.constant 3 : i32
    %dma_wait3A_456 = arith.constant 0 : i32
    %dma_wait3A_457 = tpu.memref_slice %arg5[%dma_wait3A_455, %dma_wait3A_456] : memref<4x7824xf32, #tpu.memory_space<vmem>> -> memref<1x7824xf32, #tpu.memory_space<vmem>>
    %dma_wait3A_458 = tpu.memref_squeeze %dma_wait3A_457 : memref<1x7824xf32, #tpu.memory_space<vmem>> -> memref<7824xf32, #tpu.memory_space<vmem>>
    %dma_wait3A_459 = tpu.memref_slice %arg2[%dma_wait3A_454, %mul3A_417] : memref<4x1000000xf32, #tpu.memory_space<hbm>> -> memref<1x7824xf32, #tpu.memory_space<hbm>>
    %dma_wait3A_460 = tpu.memref_squeeze %dma_wait3A_459 : memref<1x7824xf32, #tpu.memory_space<hbm>> -> memref<7824xf32, #tpu.memory_space<hbm>>
    %dma_wait3A_461 = arith.constant 0 : i32
    %dma_wait3A_462 = tpu.memref_slice %arg5[%dma_wait3A_455, %dma_wait3A_461] : memref<4x7824xf32, #tpu.memory_space<vmem>> -> memref<1x7824xf32, #tpu.memory_space<vmem>>
    %dma_wait3A_463 = tpu.memref_squeeze %dma_wait3A_462 : memref<1x7824xf32, #tpu.memory_space<vmem>> -> memref<7824xf32, #tpu.memory_space<vmem>>
    %dma_wait3A_464 = tpu.memref_slice %arg2[%dma_wait3A_454, %mul3A_417] : memref<4x1000000xf32, #tpu.memory_space<hbm>> -> memref<1x7824xf32, #tpu.memory_space<hbm>>
    %dma_wait3A_465 = tpu.memref_squeeze %dma_wait3A_464 : memref<1x7824xf32, #tpu.memory_space<hbm>> -> memref<7824xf32, #tpu.memory_space<hbm>>
    tpu.wait_dma2 semaphore(%arg9 : memref<!tpu.dma_semaphore, #tpu.memory_space<semaphore_mem>>) src(%dma_wait3A_465 : memref<7824xf32, #tpu.memory_space<hbm>>) dst(%dma_wait3A_463 : memref<7824xf32, #tpu.memory_space<vmem>>)
    %add3A_466 = arith.constant 1956 : i32
    %add3A_467 = arith.addi %min3A_3, %add3A_466 : i32
    %dma_wait3A_468 = arith.constant 0 : i32
    %dma_wait3A_469 = tpu.memref_slice %arg3[%add3A_467, %dma_wait3A_468] : memref<250000x16xf32, #tpu.memory_space<hbm>> -> memref<1956x16xf32, #tpu.memory_space<hbm>>
    %dma_wait3A_470 = arith.constant 0 : i32
    %dma_wait3A_471 = tpu.memref_slice %arg3[%add3A_467, %dma_wait3A_470] : memref<250000x16xf32, #tpu.memory_space<hbm>> -> memref<1956x16xf32, #tpu.memory_space<hbm>>
    tpu.wait_dma2 semaphore(%arg11 : memref<!tpu.dma_semaphore, #tpu.memory_space<semaphore_mem>>) src(%arg7 : memref<1956x16xf32, #tpu.memory_space<vmem>>) dst(%dma_wait3A_471 : memref<1956x16xf32, #tpu.memory_space<hbm>>)
    %scan3A_472 = arith.constant 0 : i32
    %scan3A_473 = arith.constant 0 : i32
    %scan3A_474 = arith.constant 489 : i32
    %scan3A_475 = arith.addi %scan3A_473, %scan3A_474 : i32
    %scan3A_476 = arith.constant 1 : i32
    scf.for %scan3A_496 = %scan3A_473 to %scan3A_475 step %scan3A_476  : i32 {
      %mul3A_497 = arith.constant 16 : i32
      %mul3A_498 = arith.muli %scan3A_496, %mul3A_497 : i32
      %get3A = arith.constant 0 : i32
      %get3A_499 = arith.index_cast %get3A : i32 to index
      %get3A_500 = arith.index_cast %mul3A_498 : i32 to index
      %get3A_501 = tpu.vector_load %arg5[%get3A_499, %get3A_500] {strides = array<i32>} : memref<4x7824xf32, #tpu.memory_space<vmem>>, vector<16xf32>,
      %mul3A_502 = arith.constant 4 : i32
      %mul3A_503 = arith.muli %scan3A_496, %mul3A_502 : i32
      %add3A_504 = vector.broadcast %mul3A_503 : i32 to vector<16xi32>
      %add3A_505 = arith.addi %add3A_504, %shift_right_arithmetic3A_5 : vector<16xi32>
      %add3A_506 = arith.constant 0 : i32
      %add3A_507 = vector.broadcast %add3A_506 : i32 to vector<16xi32>
      %add3A_508 = arith.addi %mul3A_10, %add3A_507 : vector<16xi32>
      tpu.vector_store_idx %arg7[%add3A_505, %add3A_508], %get3A_501 : memref<1956x16xf32, #tpu.memory_space<vmem>>[vector<16xi32>, vector<16xi32>], vector<16xf32>,
      %mul3A_509 = arith.constant 16 : i32
      %mul3A_510 = arith.muli %scan3A_496, %mul3A_509 : i32
      %get3A_511 = arith.constant 1 : i32
      %get3A_512 = arith.index_cast %get3A_511 : i32 to index
      %get3A_513 = arith.index_cast %mul3A_510 : i32 to index
      %get3A_514 = tpu.vector_load %arg5[%get3A_512, %get3A_513] {strides = array<i32>} : memref<4x7824xf32, #tpu.memory_space<vmem>>, vector<16xf32>,
      %mul3A_515 = arith.constant 4 : i32
      %mul3A_516 = arith.muli %scan3A_496, %mul3A_515 : i32
      %add3A_517 = vector.broadcast %mul3A_516 : i32 to vector<16xi32>
      %add3A_518 = arith.addi %add3A_517, %shift_right_arithmetic3A_5 : vector<16xi32>
      %add3A_519 = arith.constant 1 : i32
      %add3A_520 = vector.broadcast %add3A_519 : i32 to vector<16xi32>
      %add3A_521 = arith.addi %mul3A_10, %add3A_520 : vector<16xi32>
      tpu.vector_store_idx %arg7[%add3A_518, %add3A_521], %get3A_514 : memref<1956x16xf32, #tpu.memory_space<vmem>>[vector<16xi32>, vector<16xi32>], vector<16xf32>,
      %mul3A_522 = arith.constant 16 : i32
      %mul3A_523 = arith.muli %scan3A_496, %mul3A_522 : i32
      %get3A_524 = arith.constant 2 : i32
      %get3A_525 = arith.index_cast %get3A_524 : i32 to index
      %get3A_526 = arith.index_cast %mul3A_523 : i32 to index
      %get3A_527 = tpu.vector_load %arg5[%get3A_525, %get3A_526] {strides = array<i32>} : memref<4x7824xf32, #tpu.memory_space<vmem>>, vector<16xf32>,
      %mul3A_528 = arith.constant 4 : i32
      %mul3A_529 = arith.muli %scan3A_496, %mul3A_528 : i32
      %add3A_530 = vector.broadcast %mul3A_529 : i32 to vector<16xi32>
      %add3A_531 = arith.addi %add3A_530, %shift_right_arithmetic3A_5 : vector<16xi32>
      %add3A_532 = arith.constant 2 : i32
      %add3A_533 = vector.broadcast %add3A_532 : i32 to vector<16xi32>
      %add3A_534 = arith.addi %mul3A_10, %add3A_533 : vector<16xi32>
      tpu.vector_store_idx %arg7[%add3A_531, %add3A_534], %get3A_527 : memref<1956x16xf32, #tpu.memory_space<vmem>>[vector<16xi32>, vector<16xi32>], vector<16xf32>,
      %mul3A_535 = arith.constant 16 : i32
      %mul3A_536 = arith.muli %scan3A_496, %mul3A_535 : i32
      %get3A_537 = arith.constant 3 : i32
      %get3A_538 = arith.index_cast %get3A_537 : i32 to index
      %get3A_539 = arith.index_cast %mul3A_536 : i32 to index
      %get3A_540 = tpu.vector_load %arg5[%get3A_538, %get3A_539] {strides = array<i32>} : memref<4x7824xf32, #tpu.memory_space<vmem>>, vector<16xf32>,
      %mul3A_541 = arith.constant 4 : i32
      %mul3A_542 = arith.muli %scan3A_496, %mul3A_541 : i32
      %add3A_543 = vector.broadcast %mul3A_542 : i32 to vector<16xi32>
      %add3A_544 = arith.addi %add3A_543, %shift_right_arithmetic3A_5 : vector<16xi32>
      %add3A_545 = arith.constant 3 : i32
      %add3A_546 = vector.broadcast %add3A_545 : i32 to vector<16xi32>
      %add3A_547 = arith.addi %mul3A_10, %add3A_546 : vector<16xi32>
      tpu.vector_store_idx %arg7[%add3A_544, %add3A_547], %get3A_540 : memref<1956x16xf32, #tpu.memory_space<vmem>>[vector<16xi32>, vector<16xi32>], vector<16xf32>,
    }
    %scan3A_477 = arith.constant 489 : i32
    %add3A_478 = arith.constant 5868 : i32
    %add3A_479 = arith.addi %min3A_3, %add3A_478 : i32
    %dma_start3A_480 = arith.constant 0 : i32
    %dma_start3A_481 = tpu.memref_slice %arg3[%add3A_479, %dma_start3A_480] : memref<250000x16xf32, #tpu.memory_space<hbm>> -> memref<1956x16xf32, #tpu.memory_space<hbm>>
    %dma_start3A_482 = arith.constant 0 : i32
    %dma_start3A_483 = tpu.memref_slice %arg3[%add3A_479, %dma_start3A_482] : memref<250000x16xf32, #tpu.memory_space<hbm>> -> memref<1956x16xf32, #tpu.memory_space<hbm>>
    tpu.enqueue_dma source(%arg7 : memref<1956x16xf32, #tpu.memory_space<vmem>>) target(%dma_start3A_483 : memref<1956x16xf32, #tpu.memory_space<hbm>>) target_semaphore(%arg11 : memref<!tpu.dma_semaphore, #tpu.memory_space<semaphore_mem>>)
    %add3A_484 = arith.constant 3912 : i32
    %add3A_485 = arith.addi %min3A_3, %add3A_484 : i32
    %dma_wait3A_486 = arith.constant 0 : i32
    %dma_wait3A_487 = tpu.memref_slice %arg3[%add3A_485, %dma_wait3A_486] : memref<250000x16xf32, #tpu.memory_space<hbm>> -> memref<1956x16xf32, #tpu.memory_space<hbm>>
    %dma_wait3A_488 = arith.constant 0 : i32
    %dma_wait3A_489 = tpu.memref_slice %arg3[%add3A_485, %dma_wait3A_488] : memref<250000x16xf32, #tpu.memory_space<hbm>> -> memref<1956x16xf32, #tpu.memory_space<hbm>>
    tpu.wait_dma2 semaphore(%arg10 : memref<!tpu.dma_semaphore, #tpu.memory_space<semaphore_mem>>) src(%arg6 : memref<1956x16xf32, #tpu.memory_space<vmem>>) dst(%dma_wait3A_489 : memref<1956x16xf32, #tpu.memory_space<hbm>>)
    %add3A_490 = arith.constant 5868 : i32
    %add3A_491 = arith.addi %min3A_3, %add3A_490 : i32
    %dma_wait3A_492 = arith.constant 0 : i32
    %dma_wait3A_493 = tpu.memref_slice %arg3[%add3A_491, %dma_wait3A_492] : memref<250000x16xf32, #tpu.memory_space<hbm>> -> memref<1956x16xf32, #tpu.memory_space<hbm>>
    %dma_wait3A_494 = arith.constant 0 : i32
    %dma_wait3A_495 = tpu.memref_slice %arg3[%add3A_491, %dma_wait3A_494] : memref<250000x16xf32, #tpu.memory_space<hbm>> -> memref<1956x16xf32, #tpu.memory_space<hbm>>
    tpu.wait_dma2 semaphore(%arg11 : memref<!tpu.dma_semaphore, #tpu.memory_space<semaphore_mem>>) src(%arg7 : memref<1956x16xf32, #tpu.memory_space<vmem>>) dst(%dma_wait3A_495 : memref<1956x16xf32, #tpu.memory_space<hbm>>)
    return
  }
}

#map = affine_map<(d0, d1) -> (0)>
#map1 = affine_map<(d0, d1) -> (0, 0)>
module attributes {stable_mosaic.version = 14 : i64} {
  func.func @_sc_gather(%arg0: i32, %arg1: i32, %arg2: memref<819200xi32, #tpu.memory_space<hbm>>, %arg3: memref<250000x16xf32, #tpu.memory_space<hbm>>, %arg4: memref<800x1024xf32, #tpu.memory_space<hbm>>, %arg5: memref<800x1024xf32, #tpu.memory_space<hbm>>, %arg6: memref<1600xi32, #tpu.memory_space<vmem>>, %arg7: memref<1600xi32, #tpu.memory_space<vmem>>, %arg8: memref<1600x16xf32, #tpu.memory_space<vmem>>, %arg9: memref<1600xi32, #tpu.memory_space<vmem>>, %arg10: memref<1600xi32, #tpu.memory_space<vmem>>, %arg11: memref<1600x16xf32, #tpu.memory_space<vmem>>, %arg12: memref<800x16xf32, #tpu.memory_space<vmem>>, %arg13: memref<!tpu.dma_semaphore, #tpu.memory_space<semaphore_mem>>, %arg14: memref<!tpu.dma_semaphore, #tpu.memory_space<semaphore_mem>>) attributes {dimension_semantics = [#tpu.dimension_semantics<core_parallel>, #tpu.dimension_semantics<subcore_parallel>], iteration_bounds = array<i64: 2, 16>, scalar_prefetch = 0 : i64, scratch_operands = 9 : i64, tpu.core_type = #tpu.core_type<sc_vector_subcore>, window_params = [{transform_indices = #map}, {transform_indices = #map1}, {transform_indices = #map1}, {transform_indices = #map1}]} {
    %mul3A = arith.constant 2 : i32
    %mul3A_0 = arith.muli %arg1, %mul3A : i32
    %add3A = arith.addi %mul3A_0, %arg0 : i32
    %mul3A_1 = arith.constant 6400 : i32
    %mul3A_2 = arith.muli %add3A, %mul3A_1 : i32
    %add3A_3 = arith.constant 409600 : i32
    %add3A_4 = arith.addi %add3A_3, %mul3A_2 : i32
    %iota3A = tpu.iota {dimensions = array<i32: 0>} : vector<16xi32>
    %add3A_5 = arith.constant 0 : i32
    %add3A_6 = arith.addi %add3A_4, %add3A_5 : i32
    "tpu.region"() ({
      %run_scoped3A = tpu.sem_alloc : memref<!tpu.dma_semaphore, #tpu.memory_space<semaphore_mem>>
      %dma_start3A_20 = tpu.memref_slice %arg2[%add3A_6] : memref<819200xi32, #tpu.memory_space<hbm>> -> memref<1600xi32, #tpu.memory_space<hbm>>
      %dma_start3A_21 = tpu.memref_slice %arg2[%add3A_6] : memref<819200xi32, #tpu.memory_space<hbm>> -> memref<1600xi32, #tpu.memory_space<hbm>>
      tpu.enqueue_dma source(%dma_start3A_21 : memref<1600xi32, #tpu.memory_space<hbm>>) target(%arg6 : memref<1600xi32, #tpu.memory_space<vmem>>) target_semaphore(%run_scoped3A : memref<!tpu.dma_semaphore, #tpu.memory_space<semaphore_mem>>)
      %dma_wait3A = tpu.memref_slice %arg2[%add3A_6] : memref<819200xi32, #tpu.memory_space<hbm>> -> memref<1600xi32, #tpu.memory_space<hbm>>
      %dma_wait3A_22 = tpu.memref_slice %arg2[%add3A_6] : memref<819200xi32, #tpu.memory_space<hbm>> -> memref<1600xi32, #tpu.memory_space<hbm>>
      tpu.wait_dma2 semaphore(%run_scoped3A : memref<!tpu.dma_semaphore, #tpu.memory_space<semaphore_mem>>) src(%dma_wait3A_22 : memref<1600xi32, #tpu.memory_space<hbm>>) dst(%arg6 : memref<1600xi32, #tpu.memory_space<vmem>>)
      tpu.yield
    }) : () -> ()
    %scan3A = arith.constant 0 : i32
    %scan3A_7 = arith.constant 0 : i32
    %scan3A_8 = arith.constant 100 : i32
    %scan3A_9 = arith.addi %scan3A_7, %scan3A_8 : i32
    %scan3A_10 = arith.constant 1 : i32
    scf.for %scan3A_20 = %scan3A_7 to %scan3A_9 step %scan3A_10  : i32 {
      %mul3A_21 = arith.constant 16 : i32
      %mul3A_22 = arith.muli %scan3A_20, %mul3A_21 : i32
      %get3A = arith.index_cast %mul3A_22 : i32 to index
      %get3A_23 = tpu.vector_load %arg6[%get3A] {strides = array<i32>} : memref<1600xi32, #tpu.memory_space<vmem>>, vector<16xi32>,
      %shift_right_logical3A = arith.constant 2 : i32
      %shift_right_logical3A_24 = vector.broadcast %shift_right_logical3A : i32 to vector<16xi32>
      %shift_right_logical3A_25 = arith.shrui %get3A_23, %shift_right_logical3A_24 : vector<16xi32>
      %mul3A_26 = arith.constant 16 : i32
      %mul3A_27 = arith.muli %scan3A_20, %mul3A_26 : i32
      %swap3A = arith.index_cast %mul3A_27 : i32 to index
      %swap3A_28 = tpu.vector_load %arg7[%swap3A] {strides = array<i32>} : memref<1600xi32, #tpu.memory_space<vmem>>, vector<16xi32>,
      tpu.vector_store %arg7[%swap3A], %shift_right_logical3A_25 {strides = array<i32>} : memref<1600xi32, #tpu.memory_space<vmem>>, vector<16xi32>,
    }
    %scan3A_11 = arith.constant 100 : i32
    %dma_start3A = arith.constant 0 : i32
    %dma_start3A_12 = arith.constant 0 : i32
    %dma_start3A_13 = tpu.memref_slice %arg3[%dma_start3A, %dma_start3A_12] : memref<250000x16xf32, #tpu.memory_space<hbm>> -> memref<250000x16xf32, #tpu.memory_space<hbm>>
    tpu.enqueue_indirect_dma source(%dma_start3A_13 : memref<250000x16xf32, #tpu.memory_space<hbm>>) target(%arg8 : memref<1600x16xf32, #tpu.memory_space<vmem>>) offsets(%arg7 : memref<1600xi32, #tpu.memory_space<vmem>>) semaphore(%arg13 : memref<!tpu.dma_semaphore, #tpu.memory_space<semaphore_mem>>)
    %scan3A_14 = arith.constant 0 : i32
    %scan3A_15 = arith.constant 0 : i32
    %scan3A_16 = arith.constant 2 : i32
    %scan3A_17 = arith.addi %scan3A_15, %scan3A_16 : i32
    %scan3A_18 = arith.constant 1 : i32
    scf.for %scan3A_20 = %scan3A_15 to %scan3A_17 step %scan3A_18  : i32 {
      %mul3A_21 = arith.constant 2 : i32
      %mul3A_22 = arith.muli %mul3A_21, %scan3A_20 : i32
      %add3A_23 = arith.constant 1 : i32
      %add3A_24 = arith.addi %mul3A_22, %add3A_23 : i32
      %mul3A_25 = arith.constant 1600 : i32
      %mul3A_26 = arith.muli %add3A_24, %mul3A_25 : i32
      %add3A_27 = arith.addi %add3A_4, %mul3A_26 : i32
      "tpu.region"() ({
        %run_scoped3A = tpu.sem_alloc : memref<!tpu.dma_semaphore, #tpu.memory_space<semaphore_mem>>
        %dma_start3A_65 = tpu.memref_slice %arg2[%add3A_27] : memref<819200xi32, #tpu.memory_space<hbm>> -> memref<1600xi32, #tpu.memory_space<hbm>>
        %dma_start3A_66 = tpu.memref_slice %arg2[%add3A_27] : memref<819200xi32, #tpu.memory_space<hbm>> -> memref<1600xi32, #tpu.memory_space<hbm>>
        tpu.enqueue_dma source(%dma_start3A_66 : memref<1600xi32, #tpu.memory_space<hbm>>) target(%arg9 : memref<1600xi32, #tpu.memory_space<vmem>>) target_semaphore(%run_scoped3A : memref<!tpu.dma_semaphore, #tpu.memory_space<semaphore_mem>>)
        %dma_wait3A_67 = tpu.memref_slice %arg2[%add3A_27] : memref<819200xi32, #tpu.memory_space<hbm>> -> memref<1600xi32, #tpu.memory_space<hbm>>
        %dma_wait3A_68 = tpu.memref_slice %arg2[%add3A_27] : memref<819200xi32, #tpu.memory_space<hbm>> -> memref<1600xi32, #tpu.memory_space<hbm>>
        tpu.wait_dma2 semaphore(%run_scoped3A : memref<!tpu.dma_semaphore, #tpu.memory_space<semaphore_mem>>) src(%dma_wait3A_68 : memref<1600xi32, #tpu.memory_space<hbm>>) dst(%arg9 : memref<1600xi32, #tpu.memory_space<vmem>>)
        tpu.yield
      }) : () -> ()
      %scan3A_28 = arith.constant 0 : i32
      %scan3A_29 = arith.constant 0 : i32
      %scan3A_30 = arith.constant 100 : i32
      %scan3A_31 = arith.addi %scan3A_29, %scan3A_30 : i32
      %scan3A_32 = arith.constant 1 : i32
      scf.for %scan3A_65 = %scan3A_29 to %scan3A_31 step %scan3A_32  : i32 {
        %mul3A_66 = arith.constant 16 : i32
        %mul3A_67 = arith.muli %scan3A_65, %mul3A_66 : i32
        %get3A = arith.index_cast %mul3A_67 : i32 to index
        %get3A_68 = tpu.vector_load %arg9[%get3A] {strides = array<i32>} : memref<1600xi32, #tpu.memory_space<vmem>>, vector<16xi32>,
        %shift_right_logical3A = arith.constant 2 : i32
        %shift_right_logical3A_69 = vector.broadcast %shift_right_logical3A : i32 to vector<16xi32>
        %shift_right_logical3A_70 = arith.shrui %get3A_68, %shift_right_logical3A_69 : vector<16xi32>
        %mul3A_71 = arith.constant 16 : i32
        %mul3A_72 = arith.muli %scan3A_65, %mul3A_71 : i32
        %swap3A = arith.index_cast %mul3A_72 : i32 to index
        %swap3A_73 = tpu.vector_load %arg10[%swap3A] {strides = array<i32>} : memref<1600xi32, #tpu.memory_space<vmem>>, vector<16xi32>,
        tpu.vector_store %arg10[%swap3A], %shift_right_logical3A_70 {strides = array<i32>} : memref<1600xi32, #tpu.memory_space<vmem>>, vector<16xi32>,
      }
      %scan3A_33 = arith.constant 100 : i32
      %dma_start3A_34 = arith.constant 0 : i32
      %dma_start3A_35 = arith.constant 0 : i32
      %dma_start3A_36 = tpu.memref_slice %arg3[%dma_start3A_34, %dma_start3A_35] : memref<250000x16xf32, #tpu.memory_space<hbm>> -> memref<250000x16xf32, #tpu.memory_space<hbm>>
      tpu.enqueue_indirect_dma source(%dma_start3A_36 : memref<250000x16xf32, #tpu.memory_space<hbm>>) target(%arg11 : memref<1600x16xf32, #tpu.memory_space<vmem>>) offsets(%arg10 : memref<1600xi32, #tpu.memory_space<vmem>>) semaphore(%arg14 : memref<!tpu.dma_semaphore, #tpu.memory_space<semaphore_mem>>)
      %dma_wait3A = arith.constant 0 : i32
      %dma_wait3A_37 = arith.constant 0 : i32
      %dma_wait3A_38 = tpu.memref_slice %arg3[%dma_wait3A, %dma_wait3A_37] : memref<250000x16xf32, #tpu.memory_space<hbm>> -> memref<250000x16xf32, #tpu.memory_space<hbm>>
      tpu.wait_indirect_dma semaphore(%arg13 : memref<!tpu.dma_semaphore, #tpu.memory_space<semaphore_mem>>) src(%dma_wait3A_38 : memref<250000x16xf32, #tpu.memory_space<hbm>>) dst(%arg8 : memref<1600x16xf32, #tpu.memory_space<vmem>>)
      %scan3A_39 = arith.constant 0 : i32
      %scan3A_40 = arith.constant 0 : i32
      %scan3A_41 = arith.constant 100 : i32
      %scan3A_42 = arith.addi %scan3A_40, %scan3A_41 : i32
      %scan3A_43 = arith.constant 1 : i32
      scf.for %scan3A_65 = %scan3A_40 to %scan3A_42 step %scan3A_43  : i32 {
        %mul3A_66 = arith.constant 16 : i32
        %mul3A_67 = arith.muli %scan3A_65, %mul3A_66 : i32
        %get3A = arith.index_cast %mul3A_67 : i32 to index
        %get3A_68 = tpu.vector_load %arg6[%get3A] {strides = array<i32>} : memref<1600xi32, #tpu.memory_space<vmem>>, vector<16xi32>,
        %and3A = arith.constant 3 : i32
        %and3A_69 = vector.broadcast %and3A : i32 to vector<16xi32>
        %and3A_70 = arith.andi %get3A_68, %and3A_69 : vector<16xi32>
        %mul3A_71 = arith.constant 4 : i32
        %mul3A_72 = vector.broadcast %mul3A_71 : i32 to vector<16xi32>
        %mul3A_73 = arith.muli %and3A_70, %mul3A_72 : vector<16xi32>
        %mul3A_74 = arith.constant 16 : i32
        %mul3A_75 = arith.muli %scan3A_65, %mul3A_74 : i32
        %add3A_76 = vector.broadcast %mul3A_75 : i32 to vector<16xi32>
        %add3A_77 = arith.addi %add3A_76, %iota3A : vector<16xi32>
        %jit3A = arith.constant 200 : i32
        %div3A = vector.broadcast %jit3A : i32 to vector<16xi32>
        %div3A_78 = arith.divsi %add3A_77, %div3A : vector<16xi32>
        %sign3A = arith.constant 0 : i32
        %sign3A_79 = vector.broadcast %sign3A : i32 to vector<16xi32>
        %sign3A_80 = arith.cmpi sgt, %add3A_77, %sign3A_79 : vector<16xi32>
        %sign3A_81 = arith.extui %sign3A_80 : vector<16xi1> to vector<16xi32>
        %sign3A_82 = arith.constant 0 : i32
        %sign3A_83 = vector.broadcast %sign3A_82 : i32 to vector<16xi32>
        %sign3A_84 = arith.cmpi slt, %add3A_77, %sign3A_83 : vector<16xi32>
        %sign3A_85 = arith.extui %sign3A_84 : vector<16xi1> to vector<16xi32>
        %sign3A_86 = arith.subi %sign3A_81, %sign3A_85 : vector<16xi32>
        %sign3A_87 = arith.constant 0 : i32
        %sign3A_88 = arith.cmpi sgt, %jit3A, %sign3A_87 : i32
        %sign3A_89 = arith.extui %sign3A_88 : i1 to i32
        %sign3A_90 = arith.constant 0 : i32
        %sign3A_91 = arith.cmpi slt, %jit3A, %sign3A_90 : i32
        %sign3A_92 = arith.extui %sign3A_91 : i1 to i32
        %sign3A_93 = arith.subi %sign3A_89, %sign3A_92 : i32
        %ne3A = vector.broadcast %sign3A_93 : i32 to vector<16xi32>
        %ne3A_94 = arith.cmpi ne, %sign3A_86, %ne3A : vector<16xi32>
        %rem3A = vector.broadcast %jit3A : i32 to vector<16xi32>
        %rem3A_95 = arith.remsi %add3A_77, %rem3A : vector<16xi32>
        %ne3A_96 = arith.constant 0 : i32
        %ne3A_97 = vector.broadcast %ne3A_96 : i32 to vector<16xi32>
        %ne3A_98 = arith.cmpi ne, %rem3A_95, %ne3A_97 : vector<16xi32>
        %and3A_99 = arith.andi %ne3A_94, %ne3A_98 : vector<16xi1>
        %sub3A = arith.constant 1 : i32
        %sub3A_100 = vector.broadcast %sub3A : i32 to vector<16xi32>
        %sub3A_101 = arith.subi %div3A_78, %sub3A_100 : vector<16xi32>
        %select_n3A = arith.select %and3A_99, %sub3A_101, %div3A_78 : vector<16xi1>, vector<16xi32>
        %mul3A_102 = arith.constant 200 : i32
        %mul3A_103 = vector.broadcast %mul3A_102 : i32 to vector<16xi32>
        %mul3A_104 = arith.muli %select_n3A, %mul3A_103 : vector<16xi32>
        %sub3A_105 = arith.subi %add3A_77, %mul3A_104 : vector<16xi32>
        %mul3A_106 = arith.constant 4 : i32
        %mul3A_107 = vector.broadcast %mul3A_106 : i32 to vector<16xi32>
        %mul3A_108 = arith.muli %sub3A_105, %mul3A_107 : vector<16xi32>
        %add3A_109 = arith.constant 0 : i32
        %add3A_110 = vector.broadcast %add3A_109 : i32 to vector<16xi32>
        %add3A_111 = arith.addi %mul3A_73, %add3A_110 : vector<16xi32>
        %gather3A = tpu.vector_load_idx %arg8[%add3A_77, %add3A_111] : memref<1600x16xf32, #tpu.memory_space<vmem>>[vector<16xi32>, vector<16xi32>], vector<16xf32>,
        %add3A_112 = arith.constant 0 : i32
        %add3A_113 = vector.broadcast %add3A_112 : i32 to vector<16xi32>
        %add3A_114 = arith.addi %mul3A_108, %add3A_113 : vector<16xi32>
        %add3A_115 = arith.constant 0 : i32
        %add3A_116 = vector.broadcast %add3A_115 : i32 to vector<16xi32>
        %add3A_117 = arith.addi %select_n3A, %add3A_116 : vector<16xi32>
        tpu.vector_store_idx %arg12[%add3A_114, %add3A_117], %gather3A : memref<800x16xf32, #tpu.memory_space<vmem>>[vector<16xi32>, vector<16xi32>], vector<16xf32>,
        %add3A_118 = arith.constant 1 : i32
        %add3A_119 = vector.broadcast %add3A_118 : i32 to vector<16xi32>
        %add3A_120 = arith.addi %mul3A_73, %add3A_119 : vector<16xi32>
        %gather3A_121 = tpu.vector_load_idx %arg8[%add3A_77, %add3A_120] : memref<1600x16xf32, #tpu.memory_space<vmem>>[vector<16xi32>, vector<16xi32>], vector<16xf32>,
        %add3A_122 = arith.constant 1 : i32
        %add3A_123 = vector.broadcast %add3A_122 : i32 to vector<16xi32>
        %add3A_124 = arith.addi %mul3A_108, %add3A_123 : vector<16xi32>
        %add3A_125 = arith.constant 0 : i32
        %add3A_126 = vector.broadcast %add3A_125 : i32 to vector<16xi32>
        %add3A_127 = arith.addi %select_n3A, %add3A_126 : vector<16xi32>
        tpu.vector_store_idx %arg12[%add3A_124, %add3A_127], %gather3A_121 : memref<800x16xf32, #tpu.memory_space<vmem>>[vector<16xi32>, vector<16xi32>], vector<16xf32>,
        %add3A_128 = arith.constant 2 : i32
        %add3A_129 = vector.broadcast %add3A_128 : i32 to vector<16xi32>
        %add3A_130 = arith.addi %mul3A_73, %add3A_129 : vector<16xi32>
        %gather3A_131 = tpu.vector_load_idx %arg8[%add3A_77, %add3A_130] : memref<1600x16xf32, #tpu.memory_space<vmem>>[vector<16xi32>, vector<16xi32>], vector<16xf32>,
        %add3A_132 = arith.constant 2 : i32
        %add3A_133 = vector.broadcast %add3A_132 : i32 to vector<16xi32>
        %add3A_134 = arith.addi %mul3A_108, %add3A_133 : vector<16xi32>
        %add3A_135 = arith.constant 0 : i32
        %add3A_136 = vector.broadcast %add3A_135 : i32 to vector<16xi32>
        %add3A_137 = arith.addi %select_n3A, %add3A_136 : vector<16xi32>
        tpu.vector_store_idx %arg12[%add3A_134, %add3A_137], %gather3A_131 : memref<800x16xf32, #tpu.memory_space<vmem>>[vector<16xi32>, vector<16xi32>], vector<16xf32>,
        %add3A_138 = arith.constant 3 : i32
        %add3A_139 = vector.broadcast %add3A_138 : i32 to vector<16xi32>
        %add3A_140 = arith.addi %mul3A_73, %add3A_139 : vector<16xi32>
        %gather3A_141 = tpu.vector_load_idx %arg8[%add3A_77, %add3A_140] : memref<1600x16xf32, #tpu.memory_space<vmem>>[vector<16xi32>, vector<16xi32>], vector<16xf32>,
        %add3A_142 = arith.constant 3 : i32
        %add3A_143 = vector.broadcast %add3A_142 : i32 to vector<16xi32>
        %add3A_144 = arith.addi %mul3A_108, %add3A_143 : vector<16xi32>
        %add3A_145 = arith.constant 0 : i32
        %add3A_146 = vector.broadcast %add3A_145 : i32 to vector<16xi32>
        %add3A_147 = arith.addi %select_n3A, %add3A_146 : vector<16xi32>
        tpu.vector_store_idx %arg12[%add3A_144, %add3A_147], %gather3A_141 : memref<800x16xf32, #tpu.memory_space<vmem>>[vector<16xi32>, vector<16xi32>], vector<16xf32>,
      }
      %scan3A_44 = arith.constant 100 : i32
      %add3A_45 = arith.constant 2 : i32
      %add3A_46 = arith.addi %mul3A_22, %add3A_45 : i32
      %lt3A = arith.constant 4 : i32
      %lt3A_47 = arith.cmpi slt, %add3A_46, %lt3A : i32
      %convert_element_type3A = arith.extui %lt3A_47 : i1 to i32
      %cond3A = arith.constant 0 : i32
      %cond3A_48 = arith.cmpi ne, %convert_element_type3A, %cond3A : i32
      scf.if %cond3A_48 {
        %add3A_65 = arith.constant 2 : i32
        %add3A_66 = arith.addi %mul3A_22, %add3A_65 : i32
        %mul3A_67 = arith.constant 1600 : i32
        %mul3A_68 = arith.muli %add3A_66, %mul3A_67 : i32
        %add3A_69 = arith.addi %add3A_4, %mul3A_68 : i32
        "tpu.region"() ({
          %run_scoped3A = tpu.sem_alloc : memref<!tpu.dma_semaphore, #tpu.memory_space<semaphore_mem>>
          %dma_start3A_79 = tpu.memref_slice %arg2[%add3A_69] : memref<819200xi32, #tpu.memory_space<hbm>> -> memref<1600xi32, #tpu.memory_space<hbm>>
          %dma_start3A_80 = tpu.memref_slice %arg2[%add3A_69] : memref<819200xi32, #tpu.memory_space<hbm>> -> memref<1600xi32, #tpu.memory_space<hbm>>
          tpu.enqueue_dma source(%dma_start3A_80 : memref<1600xi32, #tpu.memory_space<hbm>>) target(%arg6 : memref<1600xi32, #tpu.memory_space<vmem>>) target_semaphore(%run_scoped3A : memref<!tpu.dma_semaphore, #tpu.memory_space<semaphore_mem>>)
          %dma_wait3A_81 = tpu.memref_slice %arg2[%add3A_69] : memref<819200xi32, #tpu.memory_space<hbm>> -> memref<1600xi32, #tpu.memory_space<hbm>>
          %dma_wait3A_82 = tpu.memref_slice %arg2[%add3A_69] : memref<819200xi32, #tpu.memory_space<hbm>> -> memref<1600xi32, #tpu.memory_space<hbm>>
          tpu.wait_dma2 semaphore(%run_scoped3A : memref<!tpu.dma_semaphore, #tpu.memory_space<semaphore_mem>>) src(%dma_wait3A_82 : memref<1600xi32, #tpu.memory_space<hbm>>) dst(%arg6 : memref<1600xi32, #tpu.memory_space<vmem>>)
          tpu.yield
        }) : () -> ()
        %scan3A_70 = arith.constant 0 : i32
        %scan3A_71 = arith.constant 0 : i32
        %scan3A_72 = arith.constant 100 : i32
        %scan3A_73 = arith.addi %scan3A_71, %scan3A_72 : i32
        %scan3A_74 = arith.constant 1 : i32
        scf.for %scan3A_79 = %scan3A_71 to %scan3A_73 step %scan3A_74  : i32 {
          %mul3A_80 = arith.constant 16 : i32
          %mul3A_81 = arith.muli %scan3A_79, %mul3A_80 : i32
          %get3A = arith.index_cast %mul3A_81 : i32 to index
          %get3A_82 = tpu.vector_load %arg6[%get3A] {strides = array<i32>} : memref<1600xi32, #tpu.memory_space<vmem>>, vector<16xi32>,
          %shift_right_logical3A = arith.constant 2 : i32
          %shift_right_logical3A_83 = vector.broadcast %shift_right_logical3A : i32 to vector<16xi32>
          %shift_right_logical3A_84 = arith.shrui %get3A_82, %shift_right_logical3A_83 : vector<16xi32>
          %mul3A_85 = arith.constant 16 : i32
          %mul3A_86 = arith.muli %scan3A_79, %mul3A_85 : i32
          %swap3A = arith.index_cast %mul3A_86 : i32 to index
          %swap3A_87 = tpu.vector_load %arg7[%swap3A] {strides = array<i32>} : memref<1600xi32, #tpu.memory_space<vmem>>, vector<16xi32>,
          tpu.vector_store %arg7[%swap3A], %shift_right_logical3A_84 {strides = array<i32>} : memref<1600xi32, #tpu.memory_space<vmem>>, vector<16xi32>,
        }
        %scan3A_75 = arith.constant 100 : i32
        %dma_start3A_76 = arith.constant 0 : i32
        %dma_start3A_77 = arith.constant 0 : i32
        %dma_start3A_78 = tpu.memref_slice %arg3[%dma_start3A_76, %dma_start3A_77] : memref<250000x16xf32, #tpu.memory_space<hbm>> -> memref<250000x16xf32, #tpu.memory_space<hbm>>
        tpu.enqueue_indirect_dma source(%dma_start3A_78 : memref<250000x16xf32, #tpu.memory_space<hbm>>) target(%arg8 : memref<1600x16xf32, #tpu.memory_space<vmem>>) offsets(%arg7 : memref<1600xi32, #tpu.memory_space<vmem>>) semaphore(%arg13 : memref<!tpu.dma_semaphore, #tpu.memory_space<semaphore_mem>>)
      } else {
      }
      %dma_wait3A_49 = arith.constant 0 : i32
      %dma_wait3A_50 = arith.constant 0 : i32
      %dma_wait3A_51 = tpu.memref_slice %arg3[%dma_wait3A_49, %dma_wait3A_50] : memref<250000x16xf32, #tpu.memory_space<hbm>> -> memref<250000x16xf32, #tpu.memory_space<hbm>>
      tpu.wait_indirect_dma semaphore(%arg14 : memref<!tpu.dma_semaphore, #tpu.memory_space<semaphore_mem>>) src(%dma_wait3A_51 : memref<250000x16xf32, #tpu.memory_space<hbm>>) dst(%arg11 : memref<1600x16xf32, #tpu.memory_space<vmem>>)
      %scan3A_52 = arith.constant 0 : i32
      %scan3A_53 = arith.constant 0 : i32
      %scan3A_54 = arith.constant 100 : i32
      %scan3A_55 = arith.addi %scan3A_53, %scan3A_54 : i32
      %scan3A_56 = arith.constant 1 : i32
      scf.for %scan3A_65 = %scan3A_53 to %scan3A_55 step %scan3A_56  : i32 {
        %mul3A_66 = arith.constant 16 : i32
        %mul3A_67 = arith.muli %scan3A_65, %mul3A_66 : i32
        %get3A = arith.index_cast %mul3A_67 : i32 to index
        %get3A_68 = tpu.vector_load %arg9[%get3A] {strides = array<i32>} : memref<1600xi32, #tpu.memory_space<vmem>>, vector<16xi32>,
        %and3A = arith.constant 3 : i32
        %and3A_69 = vector.broadcast %and3A : i32 to vector<16xi32>
        %and3A_70 = arith.andi %get3A_68, %and3A_69 : vector<16xi32>
        %mul3A_71 = arith.constant 4 : i32
        %mul3A_72 = vector.broadcast %mul3A_71 : i32 to vector<16xi32>
        %mul3A_73 = arith.muli %and3A_70, %mul3A_72 : vector<16xi32>
        %mul3A_74 = arith.constant 16 : i32
        %mul3A_75 = arith.muli %scan3A_65, %mul3A_74 : i32
        %add3A_76 = vector.broadcast %mul3A_75 : i32 to vector<16xi32>
        %add3A_77 = arith.addi %add3A_76, %iota3A : vector<16xi32>
        %jit3A = arith.constant 200 : i32
        %div3A = vector.broadcast %jit3A : i32 to vector<16xi32>
        %div3A_78 = arith.divsi %add3A_77, %div3A : vector<16xi32>
        %sign3A = arith.constant 0 : i32
        %sign3A_79 = vector.broadcast %sign3A : i32 to vector<16xi32>
        %sign3A_80 = arith.cmpi sgt, %add3A_77, %sign3A_79 : vector<16xi32>
        %sign3A_81 = arith.extui %sign3A_80 : vector<16xi1> to vector<16xi32>
        %sign3A_82 = arith.constant 0 : i32
        %sign3A_83 = vector.broadcast %sign3A_82 : i32 to vector<16xi32>
        %sign3A_84 = arith.cmpi slt, %add3A_77, %sign3A_83 : vector<16xi32>
        %sign3A_85 = arith.extui %sign3A_84 : vector<16xi1> to vector<16xi32>
        %sign3A_86 = arith.subi %sign3A_81, %sign3A_85 : vector<16xi32>
        %sign3A_87 = arith.constant 0 : i32
        %sign3A_88 = arith.cmpi sgt, %jit3A, %sign3A_87 : i32
        %sign3A_89 = arith.extui %sign3A_88 : i1 to i32
        %sign3A_90 = arith.constant 0 : i32
        %sign3A_91 = arith.cmpi slt, %jit3A, %sign3A_90 : i32
        %sign3A_92 = arith.extui %sign3A_91 : i1 to i32
        %sign3A_93 = arith.subi %sign3A_89, %sign3A_92 : i32
        %ne3A = vector.broadcast %sign3A_93 : i32 to vector<16xi32>
        %ne3A_94 = arith.cmpi ne, %sign3A_86, %ne3A : vector<16xi32>
        %rem3A = vector.broadcast %jit3A : i32 to vector<16xi32>
        %rem3A_95 = arith.remsi %add3A_77, %rem3A : vector<16xi32>
        %ne3A_96 = arith.constant 0 : i32
        %ne3A_97 = vector.broadcast %ne3A_96 : i32 to vector<16xi32>
        %ne3A_98 = arith.cmpi ne, %rem3A_95, %ne3A_97 : vector<16xi32>
        %and3A_99 = arith.andi %ne3A_94, %ne3A_98 : vector<16xi1>
        %sub3A = arith.constant 1 : i32
        %sub3A_100 = vector.broadcast %sub3A : i32 to vector<16xi32>
        %sub3A_101 = arith.subi %div3A_78, %sub3A_100 : vector<16xi32>
        %select_n3A = arith.select %and3A_99, %sub3A_101, %div3A_78 : vector<16xi1>, vector<16xi32>
        %mul3A_102 = arith.constant 200 : i32
        %mul3A_103 = vector.broadcast %mul3A_102 : i32 to vector<16xi32>
        %mul3A_104 = arith.muli %select_n3A, %mul3A_103 : vector<16xi32>
        %sub3A_105 = arith.subi %add3A_77, %mul3A_104 : vector<16xi32>
        %mul3A_106 = arith.constant 4 : i32
        %mul3A_107 = vector.broadcast %mul3A_106 : i32 to vector<16xi32>
        %mul3A_108 = arith.muli %sub3A_105, %mul3A_107 : vector<16xi32>
        %add3A_109 = arith.constant 0 : i32
        %add3A_110 = vector.broadcast %add3A_109 : i32 to vector<16xi32>
        %add3A_111 = arith.addi %mul3A_73, %add3A_110 : vector<16xi32>
        %gather3A = tpu.vector_load_idx %arg11[%add3A_77, %add3A_111] : memref<1600x16xf32, #tpu.memory_space<vmem>>[vector<16xi32>, vector<16xi32>], vector<16xf32>,
        %add3A_112 = arith.constant 0 : i32
        %add3A_113 = vector.broadcast %add3A_112 : i32 to vector<16xi32>
        %add3A_114 = arith.addi %mul3A_108, %add3A_113 : vector<16xi32>
        %add3A_115 = arith.constant 8 : i32
        %add3A_116 = vector.broadcast %add3A_115 : i32 to vector<16xi32>
        %add3A_117 = arith.addi %select_n3A, %add3A_116 : vector<16xi32>
        tpu.vector_store_idx %arg12[%add3A_114, %add3A_117], %gather3A : memref<800x16xf32, #tpu.memory_space<vmem>>[vector<16xi32>, vector<16xi32>], vector<16xf32>,
        %add3A_118 = arith.constant 1 : i32
        %add3A_119 = vector.broadcast %add3A_118 : i32 to vector<16xi32>
        %add3A_120 = arith.addi %mul3A_73, %add3A_119 : vector<16xi32>
        %gather3A_121 = tpu.vector_load_idx %arg11[%add3A_77, %add3A_120] : memref<1600x16xf32, #tpu.memory_space<vmem>>[vector<16xi32>, vector<16xi32>], vector<16xf32>,
        %add3A_122 = arith.constant 1 : i32
        %add3A_123 = vector.broadcast %add3A_122 : i32 to vector<16xi32>
        %add3A_124 = arith.addi %mul3A_108, %add3A_123 : vector<16xi32>
        %add3A_125 = arith.constant 8 : i32
        %add3A_126 = vector.broadcast %add3A_125 : i32 to vector<16xi32>
        %add3A_127 = arith.addi %select_n3A, %add3A_126 : vector<16xi32>
        tpu.vector_store_idx %arg12[%add3A_124, %add3A_127], %gather3A_121 : memref<800x16xf32, #tpu.memory_space<vmem>>[vector<16xi32>, vector<16xi32>], vector<16xf32>,
        %add3A_128 = arith.constant 2 : i32
        %add3A_129 = vector.broadcast %add3A_128 : i32 to vector<16xi32>
        %add3A_130 = arith.addi %mul3A_73, %add3A_129 : vector<16xi32>
        %gather3A_131 = tpu.vector_load_idx %arg11[%add3A_77, %add3A_130] : memref<1600x16xf32, #tpu.memory_space<vmem>>[vector<16xi32>, vector<16xi32>], vector<16xf32>,
        %add3A_132 = arith.constant 2 : i32
        %add3A_133 = vector.broadcast %add3A_132 : i32 to vector<16xi32>
        %add3A_134 = arith.addi %mul3A_108, %add3A_133 : vector<16xi32>
        %add3A_135 = arith.constant 8 : i32
        %add3A_136 = vector.broadcast %add3A_135 : i32 to vector<16xi32>
        %add3A_137 = arith.addi %select_n3A, %add3A_136 : vector<16xi32>
        tpu.vector_store_idx %arg12[%add3A_134, %add3A_137], %gather3A_131 : memref<800x16xf32, #tpu.memory_space<vmem>>[vector<16xi32>, vector<16xi32>], vector<16xf32>,
        %add3A_138 = arith.constant 3 : i32
        %add3A_139 = vector.broadcast %add3A_138 : i32 to vector<16xi32>
        %add3A_140 = arith.addi %mul3A_73, %add3A_139 : vector<16xi32>
        %gather3A_141 = tpu.vector_load_idx %arg11[%add3A_77, %add3A_140] : memref<1600x16xf32, #tpu.memory_space<vmem>>[vector<16xi32>, vector<16xi32>], vector<16xf32>,
        %add3A_142 = arith.constant 3 : i32
        %add3A_143 = vector.broadcast %add3A_142 : i32 to vector<16xi32>
        %add3A_144 = arith.addi %mul3A_108, %add3A_143 : vector<16xi32>
        %add3A_145 = arith.constant 8 : i32
        %add3A_146 = vector.broadcast %add3A_145 : i32 to vector<16xi32>
        %add3A_147 = arith.addi %select_n3A, %add3A_146 : vector<16xi32>
        tpu.vector_store_idx %arg12[%add3A_144, %add3A_147], %gather3A_141 : memref<800x16xf32, #tpu.memory_space<vmem>>[vector<16xi32>, vector<16xi32>], vector<16xf32>,
      }
      %scan3A_57 = arith.constant 100 : i32
      %mul3A_58 = arith.constant 32 : i32
      %mul3A_59 = arith.muli %add3A, %mul3A_58 : i32
      %mul3A_60 = arith.constant 2 : i32
      %mul3A_61 = arith.muli %scan3A_20, %mul3A_60 : i32
      %mul3A_62 = arith.constant 8 : i32
      %mul3A_63 = arith.muli %mul3A_61, %mul3A_62 : i32
      %add3A_64 = arith.addi %mul3A_59, %mul3A_63 : i32
      "tpu.region"() ({
        %run_scoped3A = tpu.sem_alloc : memref<!tpu.dma_semaphore, #tpu.memory_space<semaphore_mem>>
        %dma_start3A_65 = arith.constant 0 : i32
        %dma_start3A_66 = tpu.memref_slice %arg5[%dma_start3A_65, %add3A_64] : memref<800x1024xf32, #tpu.memory_space<hbm>> -> memref<800x16xf32, #tpu.memory_space<hbm>>
        %dma_start3A_67 = arith.constant 0 : i32
        %dma_start3A_68 = tpu.memref_slice %arg5[%dma_start3A_67, %add3A_64] : memref<800x1024xf32, #tpu.memory_space<hbm>> -> memref<800x16xf32, #tpu.memory_space<hbm>>
        tpu.enqueue_dma source(%arg12 : memref<800x16xf32, #tpu.memory_space<vmem>>) target(%dma_start3A_68 : memref<800x16xf32, #tpu.memory_space<hbm>>) target_semaphore(%run_scoped3A : memref<!tpu.dma_semaphore, #tpu.memory_space<semaphore_mem>>)
        %dma_wait3A_69 = arith.constant 0 : i32
        %dma_wait3A_70 = tpu.memref_slice %arg5[%dma_wait3A_69, %add3A_64] : memref<800x1024xf32, #tpu.memory_space<hbm>> -> memref<800x16xf32, #tpu.memory_space<hbm>>
        %dma_wait3A_71 = arith.constant 0 : i32
        %dma_wait3A_72 = tpu.memref_slice %arg5[%dma_wait3A_71, %add3A_64] : memref<800x1024xf32, #tpu.memory_space<hbm>> -> memref<800x16xf32, #tpu.memory_space<hbm>>
        tpu.wait_dma2 semaphore(%run_scoped3A : memref<!tpu.dma_semaphore, #tpu.memory_space<semaphore_mem>>) src(%arg12 : memref<800x16xf32, #tpu.memory_space<vmem>>) dst(%dma_wait3A_72 : memref<800x16xf32, #tpu.memory_space<hbm>>)
        tpu.yield
      }) : () -> ()
    }
    %scan3A_19 = arith.constant 2 : i32
    return
  }
}

#map = affine_map<(d0, d1) -> (0)>
#map1 = affine_map<(d0, d1) -> (0, 0)>
module attributes {stable_mosaic.version = 14 : i64} {
  func.func @_sc_gather(%arg0: i32, %arg1: i32, %arg2: memref<819200xi32, #tpu.memory_space<hbm>>, %arg3: memref<250000x16xf32, #tpu.memory_space<hbm>>, %arg4: memref<800x1024xf32, #tpu.memory_space<hbm>>, %arg5: memref<800x1024xf32, #tpu.memory_space<hbm>>, %arg6: memref<1600xi32, #tpu.memory_space<vmem>>, %arg7: memref<1600xi32, #tpu.memory_space<vmem>>, %arg8: memref<1600x16xf32, #tpu.memory_space<vmem>>, %arg9: memref<1600xi32, #tpu.memory_space<vmem>>, %arg10: memref<1600xi32, #tpu.memory_space<vmem>>, %arg11: memref<1600x16xf32, #tpu.memory_space<vmem>>, %arg12: memref<800x16xf32, #tpu.memory_space<vmem>>, %arg13: memref<!tpu.dma_semaphore, #tpu.memory_space<semaphore_mem>>, %arg14: memref<!tpu.dma_semaphore, #tpu.memory_space<semaphore_mem>>) attributes {dimension_semantics = [#tpu.dimension_semantics<core_parallel>, #tpu.dimension_semantics<subcore_parallel>], iteration_bounds = array<i64: 2, 16>, scalar_prefetch = 0 : i64, scratch_operands = 9 : i64, tpu.core_type = #tpu.core_type<sc_vector_subcore>, window_params = [{transform_indices = #map}, {transform_indices = #map1}, {transform_indices = #map1}, {transform_indices = #map1}]} {
    %mul3A = arith.constant 2 : i32
    %mul3A_0 = arith.muli %arg1, %mul3A : i32
    %add3A = arith.addi %mul3A_0, %arg0 : i32
    %mul3A_1 = arith.constant 6400 : i32
    %mul3A_2 = arith.muli %add3A, %mul3A_1 : i32
    %add3A_3 = arith.constant 204800 : i32
    %add3A_4 = arith.addi %add3A_3, %mul3A_2 : i32
    %iota3A = tpu.iota {dimensions = array<i32: 0>} : vector<16xi32>
    %add3A_5 = arith.constant 0 : i32
    %add3A_6 = arith.addi %add3A_4, %add3A_5 : i32
    "tpu.region"() ({
      %run_scoped3A = tpu.sem_alloc : memref<!tpu.dma_semaphore, #tpu.memory_space<semaphore_mem>>
      %dma_start3A_20 = tpu.memref_slice %arg2[%add3A_6] : memref<819200xi32, #tpu.memory_space<hbm>> -> memref<1600xi32, #tpu.memory_space<hbm>>
      %dma_start3A_21 = tpu.memref_slice %arg2[%add3A_6] : memref<819200xi32, #tpu.memory_space<hbm>> -> memref<1600xi32, #tpu.memory_space<hbm>>
      tpu.enqueue_dma source(%dma_start3A_21 : memref<1600xi32, #tpu.memory_space<hbm>>) target(%arg6 : memref<1600xi32, #tpu.memory_space<vmem>>) target_semaphore(%run_scoped3A : memref<!tpu.dma_semaphore, #tpu.memory_space<semaphore_mem>>)
      %dma_wait3A = tpu.memref_slice %arg2[%add3A_6] : memref<819200xi32, #tpu.memory_space<hbm>> -> memref<1600xi32, #tpu.memory_space<hbm>>
      %dma_wait3A_22 = tpu.memref_slice %arg2[%add3A_6] : memref<819200xi32, #tpu.memory_space<hbm>> -> memref<1600xi32, #tpu.memory_space<hbm>>
      tpu.wait_dma2 semaphore(%run_scoped3A : memref<!tpu.dma_semaphore, #tpu.memory_space<semaphore_mem>>) src(%dma_wait3A_22 : memref<1600xi32, #tpu.memory_space<hbm>>) dst(%arg6 : memref<1600xi32, #tpu.memory_space<vmem>>)
      tpu.yield
    }) : () -> ()
    %scan3A = arith.constant 0 : i32
    %scan3A_7 = arith.constant 0 : i32
    %scan3A_8 = arith.constant 100 : i32
    %scan3A_9 = arith.addi %scan3A_7, %scan3A_8 : i32
    %scan3A_10 = arith.constant 1 : i32
    scf.for %scan3A_20 = %scan3A_7 to %scan3A_9 step %scan3A_10  : i32 {
      %mul3A_21 = arith.constant 16 : i32
      %mul3A_22 = arith.muli %scan3A_20, %mul3A_21 : i32
      %get3A = arith.index_cast %mul3A_22 : i32 to index
      %get3A_23 = tpu.vector_load %arg6[%get3A] {strides = array<i32>} : memref<1600xi32, #tpu.memory_space<vmem>>, vector<16xi32>,
      %shift_right_logical3A = arith.constant 2 : i32
      %shift_right_logical3A_24 = vector.broadcast %shift_right_logical3A : i32 to vector<16xi32>
      %shift_right_logical3A_25 = arith.shrui %get3A_23, %shift_right_logical3A_24 : vector<16xi32>
      %mul3A_26 = arith.constant 16 : i32
      %mul3A_27 = arith.muli %scan3A_20, %mul3A_26 : i32
      %swap3A = arith.index_cast %mul3A_27 : i32 to index
      %swap3A_28 = tpu.vector_load %arg7[%swap3A] {strides = array<i32>} : memref<1600xi32, #tpu.memory_space<vmem>>, vector<16xi32>,
      tpu.vector_store %arg7[%swap3A], %shift_right_logical3A_25 {strides = array<i32>} : memref<1600xi32, #tpu.memory_space<vmem>>, vector<16xi32>,
    }
    %scan3A_11 = arith.constant 100 : i32
    %dma_start3A = arith.constant 0 : i32
    %dma_start3A_12 = arith.constant 0 : i32
    %dma_start3A_13 = tpu.memref_slice %arg3[%dma_start3A, %dma_start3A_12] : memref<250000x16xf32, #tpu.memory_space<hbm>> -> memref<250000x16xf32, #tpu.memory_space<hbm>>
    tpu.enqueue_indirect_dma source(%dma_start3A_13 : memref<250000x16xf32, #tpu.memory_space<hbm>>) target(%arg8 : memref<1600x16xf32, #tpu.memory_space<vmem>>) offsets(%arg7 : memref<1600xi32, #tpu.memory_space<vmem>>) semaphore(%arg13 : memref<!tpu.dma_semaphore, #tpu.memory_space<semaphore_mem>>)
    %scan3A_14 = arith.constant 0 : i32
    %scan3A_15 = arith.constant 0 : i32
    %scan3A_16 = arith.constant 2 : i32
    %scan3A_17 = arith.addi %scan3A_15, %scan3A_16 : i32
    %scan3A_18 = arith.constant 1 : i32
    scf.for %scan3A_20 = %scan3A_15 to %scan3A_17 step %scan3A_18  : i32 {
      %mul3A_21 = arith.constant 2 : i32
      %mul3A_22 = arith.muli %mul3A_21, %scan3A_20 : i32
      %add3A_23 = arith.constant 1 : i32
      %add3A_24 = arith.addi %mul3A_22, %add3A_23 : i32
      %mul3A_25 = arith.constant 1600 : i32
      %mul3A_26 = arith.muli %add3A_24, %mul3A_25 : i32
      %add3A_27 = arith.addi %add3A_4, %mul3A_26 : i32
      "tpu.region"() ({
        %run_scoped3A = tpu.sem_alloc : memref<!tpu.dma_semaphore, #tpu.memory_space<semaphore_mem>>
        %dma_start3A_65 = tpu.memref_slice %arg2[%add3A_27] : memref<819200xi32, #tpu.memory_space<hbm>> -> memref<1600xi32, #tpu.memory_space<hbm>>
        %dma_start3A_66 = tpu.memref_slice %arg2[%add3A_27] : memref<819200xi32, #tpu.memory_space<hbm>> -> memref<1600xi32, #tpu.memory_space<hbm>>
        tpu.enqueue_dma source(%dma_start3A_66 : memref<1600xi32, #tpu.memory_space<hbm>>) target(%arg9 : memref<1600xi32, #tpu.memory_space<vmem>>) target_semaphore(%run_scoped3A : memref<!tpu.dma_semaphore, #tpu.memory_space<semaphore_mem>>)
        %dma_wait3A_67 = tpu.memref_slice %arg2[%add3A_27] : memref<819200xi32, #tpu.memory_space<hbm>> -> memref<1600xi32, #tpu.memory_space<hbm>>
        %dma_wait3A_68 = tpu.memref_slice %arg2[%add3A_27] : memref<819200xi32, #tpu.memory_space<hbm>> -> memref<1600xi32, #tpu.memory_space<hbm>>
        tpu.wait_dma2 semaphore(%run_scoped3A : memref<!tpu.dma_semaphore, #tpu.memory_space<semaphore_mem>>) src(%dma_wait3A_68 : memref<1600xi32, #tpu.memory_space<hbm>>) dst(%arg9 : memref<1600xi32, #tpu.memory_space<vmem>>)
        tpu.yield
      }) : () -> ()
      %scan3A_28 = arith.constant 0 : i32
      %scan3A_29 = arith.constant 0 : i32
      %scan3A_30 = arith.constant 100 : i32
      %scan3A_31 = arith.addi %scan3A_29, %scan3A_30 : i32
      %scan3A_32 = arith.constant 1 : i32
      scf.for %scan3A_65 = %scan3A_29 to %scan3A_31 step %scan3A_32  : i32 {
        %mul3A_66 = arith.constant 16 : i32
        %mul3A_67 = arith.muli %scan3A_65, %mul3A_66 : i32
        %get3A = arith.index_cast %mul3A_67 : i32 to index
        %get3A_68 = tpu.vector_load %arg9[%get3A] {strides = array<i32>} : memref<1600xi32, #tpu.memory_space<vmem>>, vector<16xi32>,
        %shift_right_logical3A = arith.constant 2 : i32
        %shift_right_logical3A_69 = vector.broadcast %shift_right_logical3A : i32 to vector<16xi32>
        %shift_right_logical3A_70 = arith.shrui %get3A_68, %shift_right_logical3A_69 : vector<16xi32>
        %mul3A_71 = arith.constant 16 : i32
        %mul3A_72 = arith.muli %scan3A_65, %mul3A_71 : i32
        %swap3A = arith.index_cast %mul3A_72 : i32 to index
        %swap3A_73 = tpu.vector_load %arg10[%swap3A] {strides = array<i32>} : memref<1600xi32, #tpu.memory_space<vmem>>, vector<16xi32>,
        tpu.vector_store %arg10[%swap3A], %shift_right_logical3A_70 {strides = array<i32>} : memref<1600xi32, #tpu.memory_space<vmem>>, vector<16xi32>,
      }
      %scan3A_33 = arith.constant 100 : i32
      %dma_start3A_34 = arith.constant 0 : i32
      %dma_start3A_35 = arith.constant 0 : i32
      %dma_start3A_36 = tpu.memref_slice %arg3[%dma_start3A_34, %dma_start3A_35] : memref<250000x16xf32, #tpu.memory_space<hbm>> -> memref<250000x16xf32, #tpu.memory_space<hbm>>
      tpu.enqueue_indirect_dma source(%dma_start3A_36 : memref<250000x16xf32, #tpu.memory_space<hbm>>) target(%arg11 : memref<1600x16xf32, #tpu.memory_space<vmem>>) offsets(%arg10 : memref<1600xi32, #tpu.memory_space<vmem>>) semaphore(%arg14 : memref<!tpu.dma_semaphore, #tpu.memory_space<semaphore_mem>>)
      %dma_wait3A = arith.constant 0 : i32
      %dma_wait3A_37 = arith.constant 0 : i32
      %dma_wait3A_38 = tpu.memref_slice %arg3[%dma_wait3A, %dma_wait3A_37] : memref<250000x16xf32, #tpu.memory_space<hbm>> -> memref<250000x16xf32, #tpu.memory_space<hbm>>
      tpu.wait_indirect_dma semaphore(%arg13 : memref<!tpu.dma_semaphore, #tpu.memory_space<semaphore_mem>>) src(%dma_wait3A_38 : memref<250000x16xf32, #tpu.memory_space<hbm>>) dst(%arg8 : memref<1600x16xf32, #tpu.memory_space<vmem>>)
      %scan3A_39 = arith.constant 0 : i32
      %scan3A_40 = arith.constant 0 : i32
      %scan3A_41 = arith.constant 100 : i32
      %scan3A_42 = arith.addi %scan3A_40, %scan3A_41 : i32
      %scan3A_43 = arith.constant 1 : i32
      scf.for %scan3A_65 = %scan3A_40 to %scan3A_42 step %scan3A_43  : i32 {
        %mul3A_66 = arith.constant 16 : i32
        %mul3A_67 = arith.muli %scan3A_65, %mul3A_66 : i32
        %get3A = arith.index_cast %mul3A_67 : i32 to index
        %get3A_68 = tpu.vector_load %arg6[%get3A] {strides = array<i32>} : memref<1600xi32, #tpu.memory_space<vmem>>, vector<16xi32>,
        %and3A = arith.constant 3 : i32
        %and3A_69 = vector.broadcast %and3A : i32 to vector<16xi32>
        %and3A_70 = arith.andi %get3A_68, %and3A_69 : vector<16xi32>
        %mul3A_71 = arith.constant 4 : i32
        %mul3A_72 = vector.broadcast %mul3A_71 : i32 to vector<16xi32>
        %mul3A_73 = arith.muli %and3A_70, %mul3A_72 : vector<16xi32>
        %mul3A_74 = arith.constant 16 : i32
        %mul3A_75 = arith.muli %scan3A_65, %mul3A_74 : i32
        %add3A_76 = vector.broadcast %mul3A_75 : i32 to vector<16xi32>
        %add3A_77 = arith.addi %add3A_76, %iota3A : vector<16xi32>
        %jit3A = arith.constant 200 : i32
        %div3A = vector.broadcast %jit3A : i32 to vector<16xi32>
        %div3A_78 = arith.divsi %add3A_77, %div3A : vector<16xi32>
        %sign3A = arith.constant 0 : i32
        %sign3A_79 = vector.broadcast %sign3A : i32 to vector<16xi32>
        %sign3A_80 = arith.cmpi sgt, %add3A_77, %sign3A_79 : vector<16xi32>
        %sign3A_81 = arith.extui %sign3A_80 : vector<16xi1> to vector<16xi32>
        %sign3A_82 = arith.constant 0 : i32
        %sign3A_83 = vector.broadcast %sign3A_82 : i32 to vector<16xi32>
        %sign3A_84 = arith.cmpi slt, %add3A_77, %sign3A_83 : vector<16xi32>
        %sign3A_85 = arith.extui %sign3A_84 : vector<16xi1> to vector<16xi32>
        %sign3A_86 = arith.subi %sign3A_81, %sign3A_85 : vector<16xi32>
        %sign3A_87 = arith.constant 0 : i32
        %sign3A_88 = arith.cmpi sgt, %jit3A, %sign3A_87 : i32
        %sign3A_89 = arith.extui %sign3A_88 : i1 to i32
        %sign3A_90 = arith.constant 0 : i32
        %sign3A_91 = arith.cmpi slt, %jit3A, %sign3A_90 : i32
        %sign3A_92 = arith.extui %sign3A_91 : i1 to i32
        %sign3A_93 = arith.subi %sign3A_89, %sign3A_92 : i32
        %ne3A = vector.broadcast %sign3A_93 : i32 to vector<16xi32>
        %ne3A_94 = arith.cmpi ne, %sign3A_86, %ne3A : vector<16xi32>
        %rem3A = vector.broadcast %jit3A : i32 to vector<16xi32>
        %rem3A_95 = arith.remsi %add3A_77, %rem3A : vector<16xi32>
        %ne3A_96 = arith.constant 0 : i32
        %ne3A_97 = vector.broadcast %ne3A_96 : i32 to vector<16xi32>
        %ne3A_98 = arith.cmpi ne, %rem3A_95, %ne3A_97 : vector<16xi32>
        %and3A_99 = arith.andi %ne3A_94, %ne3A_98 : vector<16xi1>
        %sub3A = arith.constant 1 : i32
        %sub3A_100 = vector.broadcast %sub3A : i32 to vector<16xi32>
        %sub3A_101 = arith.subi %div3A_78, %sub3A_100 : vector<16xi32>
        %select_n3A = arith.select %and3A_99, %sub3A_101, %div3A_78 : vector<16xi1>, vector<16xi32>
        %mul3A_102 = arith.constant 200 : i32
        %mul3A_103 = vector.broadcast %mul3A_102 : i32 to vector<16xi32>
        %mul3A_104 = arith.muli %select_n3A, %mul3A_103 : vector<16xi32>
        %sub3A_105 = arith.subi %add3A_77, %mul3A_104 : vector<16xi32>
        %mul3A_106 = arith.constant 4 : i32
        %mul3A_107 = vector.broadcast %mul3A_106 : i32 to vector<16xi32>
        %mul3A_108 = arith.muli %sub3A_105, %mul3A_107 : vector<16xi32>
        %add3A_109 = arith.constant 0 : i32
        %add3A_110 = vector.broadcast %add3A_109 : i32 to vector<16xi32>
        %add3A_111 = arith.addi %mul3A_73, %add3A_110 : vector<16xi32>
        %gather3A = tpu.vector_load_idx %arg8[%add3A_77, %add3A_111] : memref<1600x16xf32, #tpu.memory_space<vmem>>[vector<16xi32>, vector<16xi32>], vector<16xf32>,
        %add3A_112 = arith.constant 0 : i32
        %add3A_113 = vector.broadcast %add3A_112 : i32 to vector<16xi32>
        %add3A_114 = arith.addi %mul3A_108, %add3A_113 : vector<16xi32>
        %add3A_115 = arith.constant 0 : i32
        %add3A_116 = vector.broadcast %add3A_115 : i32 to vector<16xi32>
        %add3A_117 = arith.addi %select_n3A, %add3A_116 : vector<16xi32>
        tpu.vector_store_idx %arg12[%add3A_114, %add3A_117], %gather3A : memref<800x16xf32, #tpu.memory_space<vmem>>[vector<16xi32>, vector<16xi32>], vector<16xf32>,
        %add3A_118 = arith.constant 1 : i32
        %add3A_119 = vector.broadcast %add3A_118 : i32 to vector<16xi32>
        %add3A_120 = arith.addi %mul3A_73, %add3A_119 : vector<16xi32>
        %gather3A_121 = tpu.vector_load_idx %arg8[%add3A_77, %add3A_120] : memref<1600x16xf32, #tpu.memory_space<vmem>>[vector<16xi32>, vector<16xi32>], vector<16xf32>,
        %add3A_122 = arith.constant 1 : i32
        %add3A_123 = vector.broadcast %add3A_122 : i32 to vector<16xi32>
        %add3A_124 = arith.addi %mul3A_108, %add3A_123 : vector<16xi32>
        %add3A_125 = arith.constant 0 : i32
        %add3A_126 = vector.broadcast %add3A_125 : i32 to vector<16xi32>
        %add3A_127 = arith.addi %select_n3A, %add3A_126 : vector<16xi32>
        tpu.vector_store_idx %arg12[%add3A_124, %add3A_127], %gather3A_121 : memref<800x16xf32, #tpu.memory_space<vmem>>[vector<16xi32>, vector<16xi32>], vector<16xf32>,
        %add3A_128 = arith.constant 2 : i32
        %add3A_129 = vector.broadcast %add3A_128 : i32 to vector<16xi32>
        %add3A_130 = arith.addi %mul3A_73, %add3A_129 : vector<16xi32>
        %gather3A_131 = tpu.vector_load_idx %arg8[%add3A_77, %add3A_130] : memref<1600x16xf32, #tpu.memory_space<vmem>>[vector<16xi32>, vector<16xi32>], vector<16xf32>,
        %add3A_132 = arith.constant 2 : i32
        %add3A_133 = vector.broadcast %add3A_132 : i32 to vector<16xi32>
        %add3A_134 = arith.addi %mul3A_108, %add3A_133 : vector<16xi32>
        %add3A_135 = arith.constant 0 : i32
        %add3A_136 = vector.broadcast %add3A_135 : i32 to vector<16xi32>
        %add3A_137 = arith.addi %select_n3A, %add3A_136 : vector<16xi32>
        tpu.vector_store_idx %arg12[%add3A_134, %add3A_137], %gather3A_131 : memref<800x16xf32, #tpu.memory_space<vmem>>[vector<16xi32>, vector<16xi32>], vector<16xf32>,
        %add3A_138 = arith.constant 3 : i32
        %add3A_139 = vector.broadcast %add3A_138 : i32 to vector<16xi32>
        %add3A_140 = arith.addi %mul3A_73, %add3A_139 : vector<16xi32>
        %gather3A_141 = tpu.vector_load_idx %arg8[%add3A_77, %add3A_140] : memref<1600x16xf32, #tpu.memory_space<vmem>>[vector<16xi32>, vector<16xi32>], vector<16xf32>,
        %add3A_142 = arith.constant 3 : i32
        %add3A_143 = vector.broadcast %add3A_142 : i32 to vector<16xi32>
        %add3A_144 = arith.addi %mul3A_108, %add3A_143 : vector<16xi32>
        %add3A_145 = arith.constant 0 : i32
        %add3A_146 = vector.broadcast %add3A_145 : i32 to vector<16xi32>
        %add3A_147 = arith.addi %select_n3A, %add3A_146 : vector<16xi32>
        tpu.vector_store_idx %arg12[%add3A_144, %add3A_147], %gather3A_141 : memref<800x16xf32, #tpu.memory_space<vmem>>[vector<16xi32>, vector<16xi32>], vector<16xf32>,
      }
      %scan3A_44 = arith.constant 100 : i32
      %add3A_45 = arith.constant 2 : i32
      %add3A_46 = arith.addi %mul3A_22, %add3A_45 : i32
      %lt3A = arith.constant 4 : i32
      %lt3A_47 = arith.cmpi slt, %add3A_46, %lt3A : i32
      %convert_element_type3A = arith.extui %lt3A_47 : i1 to i32
      %cond3A = arith.constant 0 : i32
      %cond3A_48 = arith.cmpi ne, %convert_element_type3A, %cond3A : i32
      scf.if %cond3A_48 {
        %add3A_65 = arith.constant 2 : i32
        %add3A_66 = arith.addi %mul3A_22, %add3A_65 : i32
        %mul3A_67 = arith.constant 1600 : i32
        %mul3A_68 = arith.muli %add3A_66, %mul3A_67 : i32
        %add3A_69 = arith.addi %add3A_4, %mul3A_68 : i32
        "tpu.region"() ({
          %run_scoped3A = tpu.sem_alloc : memref<!tpu.dma_semaphore, #tpu.memory_space<semaphore_mem>>
          %dma_start3A_79 = tpu.memref_slice %arg2[%add3A_69] : memref<819200xi32, #tpu.memory_space<hbm>> -> memref<1600xi32, #tpu.memory_space<hbm>>
          %dma_start3A_80 = tpu.memref_slice %arg2[%add3A_69] : memref<819200xi32, #tpu.memory_space<hbm>> -> memref<1600xi32, #tpu.memory_space<hbm>>
          tpu.enqueue_dma source(%dma_start3A_80 : memref<1600xi32, #tpu.memory_space<hbm>>) target(%arg6 : memref<1600xi32, #tpu.memory_space<vmem>>) target_semaphore(%run_scoped3A : memref<!tpu.dma_semaphore, #tpu.memory_space<semaphore_mem>>)
          %dma_wait3A_81 = tpu.memref_slice %arg2[%add3A_69] : memref<819200xi32, #tpu.memory_space<hbm>> -> memref<1600xi32, #tpu.memory_space<hbm>>
          %dma_wait3A_82 = tpu.memref_slice %arg2[%add3A_69] : memref<819200xi32, #tpu.memory_space<hbm>> -> memref<1600xi32, #tpu.memory_space<hbm>>
          tpu.wait_dma2 semaphore(%run_scoped3A : memref<!tpu.dma_semaphore, #tpu.memory_space<semaphore_mem>>) src(%dma_wait3A_82 : memref<1600xi32, #tpu.memory_space<hbm>>) dst(%arg6 : memref<1600xi32, #tpu.memory_space<vmem>>)
          tpu.yield
        }) : () -> ()
        %scan3A_70 = arith.constant 0 : i32
        %scan3A_71 = arith.constant 0 : i32
        %scan3A_72 = arith.constant 100 : i32
        %scan3A_73 = arith.addi %scan3A_71, %scan3A_72 : i32
        %scan3A_74 = arith.constant 1 : i32
        scf.for %scan3A_79 = %scan3A_71 to %scan3A_73 step %scan3A_74  : i32 {
          %mul3A_80 = arith.constant 16 : i32
          %mul3A_81 = arith.muli %scan3A_79, %mul3A_80 : i32
          %get3A = arith.index_cast %mul3A_81 : i32 to index
          %get3A_82 = tpu.vector_load %arg6[%get3A] {strides = array<i32>} : memref<1600xi32, #tpu.memory_space<vmem>>, vector<16xi32>,
          %shift_right_logical3A = arith.constant 2 : i32
          %shift_right_logical3A_83 = vector.broadcast %shift_right_logical3A : i32 to vector<16xi32>
          %shift_right_logical3A_84 = arith.shrui %get3A_82, %shift_right_logical3A_83 : vector<16xi32>
          %mul3A_85 = arith.constant 16 : i32
          %mul3A_86 = arith.muli %scan3A_79, %mul3A_85 : i32
          %swap3A = arith.index_cast %mul3A_86 : i32 to index
          %swap3A_87 = tpu.vector_load %arg7[%swap3A] {strides = array<i32>} : memref<1600xi32, #tpu.memory_space<vmem>>, vector<16xi32>,
          tpu.vector_store %arg7[%swap3A], %shift_right_logical3A_84 {strides = array<i32>} : memref<1600xi32, #tpu.memory_space<vmem>>, vector<16xi32>,
        }
        %scan3A_75 = arith.constant 100 : i32
        %dma_start3A_76 = arith.constant 0 : i32
        %dma_start3A_77 = arith.constant 0 : i32
        %dma_start3A_78 = tpu.memref_slice %arg3[%dma_start3A_76, %dma_start3A_77] : memref<250000x16xf32, #tpu.memory_space<hbm>> -> memref<250000x16xf32, #tpu.memory_space<hbm>>
        tpu.enqueue_indirect_dma source(%dma_start3A_78 : memref<250000x16xf32, #tpu.memory_space<hbm>>) target(%arg8 : memref<1600x16xf32, #tpu.memory_space<vmem>>) offsets(%arg7 : memref<1600xi32, #tpu.memory_space<vmem>>) semaphore(%arg13 : memref<!tpu.dma_semaphore, #tpu.memory_space<semaphore_mem>>)
      } else {
      }
      %dma_wait3A_49 = arith.constant 0 : i32
      %dma_wait3A_50 = arith.constant 0 : i32
      %dma_wait3A_51 = tpu.memref_slice %arg3[%dma_wait3A_49, %dma_wait3A_50] : memref<250000x16xf32, #tpu.memory_space<hbm>> -> memref<250000x16xf32, #tpu.memory_space<hbm>>
      tpu.wait_indirect_dma semaphore(%arg14 : memref<!tpu.dma_semaphore, #tpu.memory_space<semaphore_mem>>) src(%dma_wait3A_51 : memref<250000x16xf32, #tpu.memory_space<hbm>>) dst(%arg11 : memref<1600x16xf32, #tpu.memory_space<vmem>>)
      %scan3A_52 = arith.constant 0 : i32
      %scan3A_53 = arith.constant 0 : i32
      %scan3A_54 = arith.constant 100 : i32
      %scan3A_55 = arith.addi %scan3A_53, %scan3A_54 : i32
      %scan3A_56 = arith.constant 1 : i32
      scf.for %scan3A_65 = %scan3A_53 to %scan3A_55 step %scan3A_56  : i32 {
        %mul3A_66 = arith.constant 16 : i32
        %mul3A_67 = arith.muli %scan3A_65, %mul3A_66 : i32
        %get3A = arith.index_cast %mul3A_67 : i32 to index
        %get3A_68 = tpu.vector_load %arg9[%get3A] {strides = array<i32>} : memref<1600xi32, #tpu.memory_space<vmem>>, vector<16xi32>,
        %and3A = arith.constant 3 : i32
        %and3A_69 = vector.broadcast %and3A : i32 to vector<16xi32>
        %and3A_70 = arith.andi %get3A_68, %and3A_69 : vector<16xi32>
        %mul3A_71 = arith.constant 4 : i32
        %mul3A_72 = vector.broadcast %mul3A_71 : i32 to vector<16xi32>
        %mul3A_73 = arith.muli %and3A_70, %mul3A_72 : vector<16xi32>
        %mul3A_74 = arith.constant 16 : i32
        %mul3A_75 = arith.muli %scan3A_65, %mul3A_74 : i32
        %add3A_76 = vector.broadcast %mul3A_75 : i32 to vector<16xi32>
        %add3A_77 = arith.addi %add3A_76, %iota3A : vector<16xi32>
        %jit3A = arith.constant 200 : i32
        %div3A = vector.broadcast %jit3A : i32 to vector<16xi32>
        %div3A_78 = arith.divsi %add3A_77, %div3A : vector<16xi32>
        %sign3A = arith.constant 0 : i32
        %sign3A_79 = vector.broadcast %sign3A : i32 to vector<16xi32>
        %sign3A_80 = arith.cmpi sgt, %add3A_77, %sign3A_79 : vector<16xi32>
        %sign3A_81 = arith.extui %sign3A_80 : vector<16xi1> to vector<16xi32>
        %sign3A_82 = arith.constant 0 : i32
        %sign3A_83 = vector.broadcast %sign3A_82 : i32 to vector<16xi32>
        %sign3A_84 = arith.cmpi slt, %add3A_77, %sign3A_83 : vector<16xi32>
        %sign3A_85 = arith.extui %sign3A_84 : vector<16xi1> to vector<16xi32>
        %sign3A_86 = arith.subi %sign3A_81, %sign3A_85 : vector<16xi32>
        %sign3A_87 = arith.constant 0 : i32
        %sign3A_88 = arith.cmpi sgt, %jit3A, %sign3A_87 : i32
        %sign3A_89 = arith.extui %sign3A_88 : i1 to i32
        %sign3A_90 = arith.constant 0 : i32
        %sign3A_91 = arith.cmpi slt, %jit3A, %sign3A_90 : i32
        %sign3A_92 = arith.extui %sign3A_91 : i1 to i32
        %sign3A_93 = arith.subi %sign3A_89, %sign3A_92 : i32
        %ne3A = vector.broadcast %sign3A_93 : i32 to vector<16xi32>
        %ne3A_94 = arith.cmpi ne, %sign3A_86, %ne3A : vector<16xi32>
        %rem3A = vector.broadcast %jit3A : i32 to vector<16xi32>
        %rem3A_95 = arith.remsi %add3A_77, %rem3A : vector<16xi32>
        %ne3A_96 = arith.constant 0 : i32
        %ne3A_97 = vector.broadcast %ne3A_96 : i32 to vector<16xi32>
        %ne3A_98 = arith.cmpi ne, %rem3A_95, %ne3A_97 : vector<16xi32>
        %and3A_99 = arith.andi %ne3A_94, %ne3A_98 : vector<16xi1>
        %sub3A = arith.constant 1 : i32
        %sub3A_100 = vector.broadcast %sub3A : i32 to vector<16xi32>
        %sub3A_101 = arith.subi %div3A_78, %sub3A_100 : vector<16xi32>
        %select_n3A = arith.select %and3A_99, %sub3A_101, %div3A_78 : vector<16xi1>, vector<16xi32>
        %mul3A_102 = arith.constant 200 : i32
        %mul3A_103 = vector.broadcast %mul3A_102 : i32 to vector<16xi32>
        %mul3A_104 = arith.muli %select_n3A, %mul3A_103 : vector<16xi32>
        %sub3A_105 = arith.subi %add3A_77, %mul3A_104 : vector<16xi32>
        %mul3A_106 = arith.constant 4 : i32
        %mul3A_107 = vector.broadcast %mul3A_106 : i32 to vector<16xi32>
        %mul3A_108 = arith.muli %sub3A_105, %mul3A_107 : vector<16xi32>
        %add3A_109 = arith.constant 0 : i32
        %add3A_110 = vector.broadcast %add3A_109 : i32 to vector<16xi32>
        %add3A_111 = arith.addi %mul3A_73, %add3A_110 : vector<16xi32>
        %gather3A = tpu.vector_load_idx %arg11[%add3A_77, %add3A_111] : memref<1600x16xf32, #tpu.memory_space<vmem>>[vector<16xi32>, vector<16xi32>], vector<16xf32>,
        %add3A_112 = arith.constant 0 : i32
        %add3A_113 = vector.broadcast %add3A_112 : i32 to vector<16xi32>
        %add3A_114 = arith.addi %mul3A_108, %add3A_113 : vector<16xi32>
        %add3A_115 = arith.constant 8 : i32
        %add3A_116 = vector.broadcast %add3A_115 : i32 to vector<16xi32>
        %add3A_117 = arith.addi %select_n3A, %add3A_116 : vector<16xi32>
        tpu.vector_store_idx %arg12[%add3A_114, %add3A_117], %gather3A : memref<800x16xf32, #tpu.memory_space<vmem>>[vector<16xi32>, vector<16xi32>], vector<16xf32>,
        %add3A_118 = arith.constant 1 : i32
        %add3A_119 = vector.broadcast %add3A_118 : i32 to vector<16xi32>
        %add3A_120 = arith.addi %mul3A_73, %add3A_119 : vector<16xi32>
        %gather3A_121 = tpu.vector_load_idx %arg11[%add3A_77, %add3A_120] : memref<1600x16xf32, #tpu.memory_space<vmem>>[vector<16xi32>, vector<16xi32>], vector<16xf32>,
        %add3A_122 = arith.constant 1 : i32
        %add3A_123 = vector.broadcast %add3A_122 : i32 to vector<16xi32>
        %add3A_124 = arith.addi %mul3A_108, %add3A_123 : vector<16xi32>
        %add3A_125 = arith.constant 8 : i32
        %add3A_126 = vector.broadcast %add3A_125 : i32 to vector<16xi32>
        %add3A_127 = arith.addi %select_n3A, %add3A_126 : vector<16xi32>
        tpu.vector_store_idx %arg12[%add3A_124, %add3A_127], %gather3A_121 : memref<800x16xf32, #tpu.memory_space<vmem>>[vector<16xi32>, vector<16xi32>], vector<16xf32>,
        %add3A_128 = arith.constant 2 : i32
        %add3A_129 = vector.broadcast %add3A_128 : i32 to vector<16xi32>
        %add3A_130 = arith.addi %mul3A_73, %add3A_129 : vector<16xi32>
        %gather3A_131 = tpu.vector_load_idx %arg11[%add3A_77, %add3A_130] : memref<1600x16xf32, #tpu.memory_space<vmem>>[vector<16xi32>, vector<16xi32>], vector<16xf32>,
        %add3A_132 = arith.constant 2 : i32
        %add3A_133 = vector.broadcast %add3A_132 : i32 to vector<16xi32>
        %add3A_134 = arith.addi %mul3A_108, %add3A_133 : vector<16xi32>
        %add3A_135 = arith.constant 8 : i32
        %add3A_136 = vector.broadcast %add3A_135 : i32 to vector<16xi32>
        %add3A_137 = arith.addi %select_n3A, %add3A_136 : vector<16xi32>
        tpu.vector_store_idx %arg12[%add3A_134, %add3A_137], %gather3A_131 : memref<800x16xf32, #tpu.memory_space<vmem>>[vector<16xi32>, vector<16xi32>], vector<16xf32>,
        %add3A_138 = arith.constant 3 : i32
        %add3A_139 = vector.broadcast %add3A_138 : i32 to vector<16xi32>
        %add3A_140 = arith.addi %mul3A_73, %add3A_139 : vector<16xi32>
        %gather3A_141 = tpu.vector_load_idx %arg11[%add3A_77, %add3A_140] : memref<1600x16xf32, #tpu.memory_space<vmem>>[vector<16xi32>, vector<16xi32>], vector<16xf32>,
        %add3A_142 = arith.constant 3 : i32
        %add3A_143 = vector.broadcast %add3A_142 : i32 to vector<16xi32>
        %add3A_144 = arith.addi %mul3A_108, %add3A_143 : vector<16xi32>
        %add3A_145 = arith.constant 8 : i32
        %add3A_146 = vector.broadcast %add3A_145 : i32 to vector<16xi32>
        %add3A_147 = arith.addi %select_n3A, %add3A_146 : vector<16xi32>
        tpu.vector_store_idx %arg12[%add3A_144, %add3A_147], %gather3A_141 : memref<800x16xf32, #tpu.memory_space<vmem>>[vector<16xi32>, vector<16xi32>], vector<16xf32>,
      }
      %scan3A_57 = arith.constant 100 : i32
      %mul3A_58 = arith.constant 32 : i32
      %mul3A_59 = arith.muli %add3A, %mul3A_58 : i32
      %mul3A_60 = arith.constant 2 : i32
      %mul3A_61 = arith.muli %scan3A_20, %mul3A_60 : i32
      %mul3A_62 = arith.constant 8 : i32
      %mul3A_63 = arith.muli %mul3A_61, %mul3A_62 : i32
      %add3A_64 = arith.addi %mul3A_59, %mul3A_63 : i32
      "tpu.region"() ({
        %run_scoped3A = tpu.sem_alloc : memref<!tpu.dma_semaphore, #tpu.memory_space<semaphore_mem>>
        %dma_start3A_65 = arith.constant 0 : i32
        %dma_start3A_66 = tpu.memref_slice %arg5[%dma_start3A_65, %add3A_64] : memref<800x1024xf32, #tpu.memory_space<hbm>> -> memref<800x16xf32, #tpu.memory_space<hbm>>
        %dma_start3A_67 = arith.constant 0 : i32
        %dma_start3A_68 = tpu.memref_slice %arg5[%dma_start3A_67, %add3A_64] : memref<800x1024xf32, #tpu.memory_space<hbm>> -> memref<800x16xf32, #tpu.memory_space<hbm>>
        tpu.enqueue_dma source(%arg12 : memref<800x16xf32, #tpu.memory_space<vmem>>) target(%dma_start3A_68 : memref<800x16xf32, #tpu.memory_space<hbm>>) target_semaphore(%run_scoped3A : memref<!tpu.dma_semaphore, #tpu.memory_space<semaphore_mem>>)
        %dma_wait3A_69 = arith.constant 0 : i32
        %dma_wait3A_70 = tpu.memref_slice %arg5[%dma_wait3A_69, %add3A_64] : memref<800x1024xf32, #tpu.memory_space<hbm>> -> memref<800x16xf32, #tpu.memory_space<hbm>>
        %dma_wait3A_71 = arith.constant 0 : i32
        %dma_wait3A_72 = tpu.memref_slice %arg5[%dma_wait3A_71, %add3A_64] : memref<800x1024xf32, #tpu.memory_space<hbm>> -> memref<800x16xf32, #tpu.memory_space<hbm>>
        tpu.wait_dma2 semaphore(%run_scoped3A : memref<!tpu.dma_semaphore, #tpu.memory_space<semaphore_mem>>) src(%arg12 : memref<800x16xf32, #tpu.memory_space<vmem>>) dst(%dma_wait3A_72 : memref<800x16xf32, #tpu.memory_space<hbm>>)
        tpu.yield
      }) : () -> ()
    }
    %scan3A_19 = arith.constant 2 : i32
    return
  }
}

#map = affine_map<(d0, d1) -> (0)>
#map1 = affine_map<(d0, d1) -> (0, 0)>
module attributes {stable_mosaic.version = 14 : i64} {
  func.func @_sc_gather(%arg0: i32, %arg1: i32, %arg2: memref<819200xi32, #tpu.memory_space<hbm>>, %arg3: memref<250000x16xf32, #tpu.memory_space<hbm>>, %arg4: memref<250000x16xf32, #tpu.memory_space<hbm>>, %arg5: memref<800x1024xf32, #tpu.memory_space<hbm>>, %arg6: memref<1600xi32, #tpu.memory_space<vmem>>, %arg7: memref<1600xi32, #tpu.memory_space<vmem>>, %arg8: memref<1600x16xf32, #tpu.memory_space<vmem>>, %arg9: memref<1600xi32, #tpu.memory_space<vmem>>, %arg10: memref<1600xi32, #tpu.memory_space<vmem>>, %arg11: memref<1600x16xf32, #tpu.memory_space<vmem>>, %arg12: memref<800x16xf32, #tpu.memory_space<vmem>>, %arg13: memref<!tpu.dma_semaphore, #tpu.memory_space<semaphore_mem>>, %arg14: memref<!tpu.dma_semaphore, #tpu.memory_space<semaphore_mem>>) attributes {dimension_semantics = [#tpu.dimension_semantics<core_parallel>, #tpu.dimension_semantics<subcore_parallel>], iteration_bounds = array<i64: 2, 16>, scalar_prefetch = 0 : i64, scratch_operands = 9 : i64, tpu.core_type = #tpu.core_type<sc_vector_subcore>, window_params = [{transform_indices = #map}, {transform_indices = #map1}, {transform_indices = #map1}, {transform_indices = #map1}]} {
    %mul3A = arith.constant 2 : i32
    %mul3A_0 = arith.muli %arg1, %mul3A : i32
    %add3A = arith.addi %mul3A_0, %arg0 : i32
    %mul3A_1 = arith.constant 6400 : i32
    %mul3A_2 = arith.muli %add3A, %mul3A_1 : i32
    %add3A_3 = arith.constant 0 : i32
    %add3A_4 = arith.addi %add3A_3, %mul3A_2 : i32
    %iota3A = tpu.iota {dimensions = array<i32: 0>} : vector<16xi32>
    %add3A_5 = arith.constant 0 : i32
    %add3A_6 = arith.addi %add3A_4, %add3A_5 : i32
    "tpu.region"() ({
      %run_scoped3A = tpu.sem_alloc : memref<!tpu.dma_semaphore, #tpu.memory_space<semaphore_mem>>
      %dma_start3A_20 = tpu.memref_slice %arg2[%add3A_6] : memref<819200xi32, #tpu.memory_space<hbm>> -> memref<1600xi32, #tpu.memory_space<hbm>>
      %dma_start3A_21 = tpu.memref_slice %arg2[%add3A_6] : memref<819200xi32, #tpu.memory_space<hbm>> -> memref<1600xi32, #tpu.memory_space<hbm>>
      tpu.enqueue_dma source(%dma_start3A_21 : memref<1600xi32, #tpu.memory_space<hbm>>) target(%arg6 : memref<1600xi32, #tpu.memory_space<vmem>>) target_semaphore(%run_scoped3A : memref<!tpu.dma_semaphore, #tpu.memory_space<semaphore_mem>>)
      %dma_wait3A = tpu.memref_slice %arg2[%add3A_6] : memref<819200xi32, #tpu.memory_space<hbm>> -> memref<1600xi32, #tpu.memory_space<hbm>>
      %dma_wait3A_22 = tpu.memref_slice %arg2[%add3A_6] : memref<819200xi32, #tpu.memory_space<hbm>> -> memref<1600xi32, #tpu.memory_space<hbm>>
      tpu.wait_dma2 semaphore(%run_scoped3A : memref<!tpu.dma_semaphore, #tpu.memory_space<semaphore_mem>>) src(%dma_wait3A_22 : memref<1600xi32, #tpu.memory_space<hbm>>) dst(%arg6 : memref<1600xi32, #tpu.memory_space<vmem>>)
      tpu.yield
    }) : () -> ()
    %scan3A = arith.constant 0 : i32
    %scan3A_7 = arith.constant 0 : i32
    %scan3A_8 = arith.constant 100 : i32
    %scan3A_9 = arith.addi %scan3A_7, %scan3A_8 : i32
    %scan3A_10 = arith.constant 1 : i32
    scf.for %scan3A_20 = %scan3A_7 to %scan3A_9 step %scan3A_10  : i32 {
      %mul3A_21 = arith.constant 16 : i32
      %mul3A_22 = arith.muli %scan3A_20, %mul3A_21 : i32
      %get3A = arith.index_cast %mul3A_22 : i32 to index
      %get3A_23 = tpu.vector_load %arg6[%get3A] {strides = array<i32>} : memref<1600xi32, #tpu.memory_space<vmem>>, vector<16xi32>,
      %shift_right_logical3A = arith.constant 2 : i32
      %shift_right_logical3A_24 = vector.broadcast %shift_right_logical3A : i32 to vector<16xi32>
      %shift_right_logical3A_25 = arith.shrui %get3A_23, %shift_right_logical3A_24 : vector<16xi32>
      %mul3A_26 = arith.constant 16 : i32
      %mul3A_27 = arith.muli %scan3A_20, %mul3A_26 : i32
      %swap3A = arith.index_cast %mul3A_27 : i32 to index
      %swap3A_28 = tpu.vector_load %arg7[%swap3A] {strides = array<i32>} : memref<1600xi32, #tpu.memory_space<vmem>>, vector<16xi32>,
      tpu.vector_store %arg7[%swap3A], %shift_right_logical3A_25 {strides = array<i32>} : memref<1600xi32, #tpu.memory_space<vmem>>, vector<16xi32>,
    }
    %scan3A_11 = arith.constant 100 : i32
    %dma_start3A = arith.constant 0 : i32
    %dma_start3A_12 = arith.constant 0 : i32
    %dma_start3A_13 = tpu.memref_slice %arg3[%dma_start3A, %dma_start3A_12] : memref<250000x16xf32, #tpu.memory_space<hbm>> -> memref<250000x16xf32, #tpu.memory_space<hbm>>
    tpu.enqueue_indirect_dma source(%dma_start3A_13 : memref<250000x16xf32, #tpu.memory_space<hbm>>) target(%arg8 : memref<1600x16xf32, #tpu.memory_space<vmem>>) offsets(%arg7 : memref<1600xi32, #tpu.memory_space<vmem>>) semaphore(%arg13 : memref<!tpu.dma_semaphore, #tpu.memory_space<semaphore_mem>>)
    %scan3A_14 = arith.constant 0 : i32
    %scan3A_15 = arith.constant 0 : i32
    %scan3A_16 = arith.constant 2 : i32
    %scan3A_17 = arith.addi %scan3A_15, %scan3A_16 : i32
    %scan3A_18 = arith.constant 1 : i32
    scf.for %scan3A_20 = %scan3A_15 to %scan3A_17 step %scan3A_18  : i32 {
      %mul3A_21 = arith.constant 2 : i32
      %mul3A_22 = arith.muli %mul3A_21, %scan3A_20 : i32
      %add3A_23 = arith.constant 1 : i32
      %add3A_24 = arith.addi %mul3A_22, %add3A_23 : i32
      %mul3A_25 = arith.constant 1600 : i32
      %mul3A_26 = arith.muli %add3A_24, %mul3A_25 : i32
      %add3A_27 = arith.addi %add3A_4, %mul3A_26 : i32
      "tpu.region"() ({
        %run_scoped3A = tpu.sem_alloc : memref<!tpu.dma_semaphore, #tpu.memory_space<semaphore_mem>>
        %dma_start3A_65 = tpu.memref_slice %arg2[%add3A_27] : memref<819200xi32, #tpu.memory_space<hbm>> -> memref<1600xi32, #tpu.memory_space<hbm>>
        %dma_start3A_66 = tpu.memref_slice %arg2[%add3A_27] : memref<819200xi32, #tpu.memory_space<hbm>> -> memref<1600xi32, #tpu.memory_space<hbm>>
        tpu.enqueue_dma source(%dma_start3A_66 : memref<1600xi32, #tpu.memory_space<hbm>>) target(%arg9 : memref<1600xi32, #tpu.memory_space<vmem>>) target_semaphore(%run_scoped3A : memref<!tpu.dma_semaphore, #tpu.memory_space<semaphore_mem>>)
        %dma_wait3A_67 = tpu.memref_slice %arg2[%add3A_27] : memref<819200xi32, #tpu.memory_space<hbm>> -> memref<1600xi32, #tpu.memory_space<hbm>>
        %dma_wait3A_68 = tpu.memref_slice %arg2[%add3A_27] : memref<819200xi32, #tpu.memory_space<hbm>> -> memref<1600xi32, #tpu.memory_space<hbm>>
        tpu.wait_dma2 semaphore(%run_scoped3A : memref<!tpu.dma_semaphore, #tpu.memory_space<semaphore_mem>>) src(%dma_wait3A_68 : memref<1600xi32, #tpu.memory_space<hbm>>) dst(%arg9 : memref<1600xi32, #tpu.memory_space<vmem>>)
        tpu.yield
      }) : () -> ()
      %scan3A_28 = arith.constant 0 : i32
      %scan3A_29 = arith.constant 0 : i32
      %scan3A_30 = arith.constant 100 : i32
      %scan3A_31 = arith.addi %scan3A_29, %scan3A_30 : i32
      %scan3A_32 = arith.constant 1 : i32
      scf.for %scan3A_65 = %scan3A_29 to %scan3A_31 step %scan3A_32  : i32 {
        %mul3A_66 = arith.constant 16 : i32
        %mul3A_67 = arith.muli %scan3A_65, %mul3A_66 : i32
        %get3A = arith.index_cast %mul3A_67 : i32 to index
        %get3A_68 = tpu.vector_load %arg9[%get3A] {strides = array<i32>} : memref<1600xi32, #tpu.memory_space<vmem>>, vector<16xi32>,
        %shift_right_logical3A = arith.constant 2 : i32
        %shift_right_logical3A_69 = vector.broadcast %shift_right_logical3A : i32 to vector<16xi32>
        %shift_right_logical3A_70 = arith.shrui %get3A_68, %shift_right_logical3A_69 : vector<16xi32>
        %mul3A_71 = arith.constant 16 : i32
        %mul3A_72 = arith.muli %scan3A_65, %mul3A_71 : i32
        %swap3A = arith.index_cast %mul3A_72 : i32 to index
        %swap3A_73 = tpu.vector_load %arg10[%swap3A] {strides = array<i32>} : memref<1600xi32, #tpu.memory_space<vmem>>, vector<16xi32>,
        tpu.vector_store %arg10[%swap3A], %shift_right_logical3A_70 {strides = array<i32>} : memref<1600xi32, #tpu.memory_space<vmem>>, vector<16xi32>,
      }
      %scan3A_33 = arith.constant 100 : i32
      %dma_start3A_34 = arith.constant 0 : i32
      %dma_start3A_35 = arith.constant 0 : i32
      %dma_start3A_36 = tpu.memref_slice %arg3[%dma_start3A_34, %dma_start3A_35] : memref<250000x16xf32, #tpu.memory_space<hbm>> -> memref<250000x16xf32, #tpu.memory_space<hbm>>
      tpu.enqueue_indirect_dma source(%dma_start3A_36 : memref<250000x16xf32, #tpu.memory_space<hbm>>) target(%arg11 : memref<1600x16xf32, #tpu.memory_space<vmem>>) offsets(%arg10 : memref<1600xi32, #tpu.memory_space<vmem>>) semaphore(%arg14 : memref<!tpu.dma_semaphore, #tpu.memory_space<semaphore_mem>>)
      %dma_wait3A = arith.constant 0 : i32
      %dma_wait3A_37 = arith.constant 0 : i32
      %dma_wait3A_38 = tpu.memref_slice %arg3[%dma_wait3A, %dma_wait3A_37] : memref<250000x16xf32, #tpu.memory_space<hbm>> -> memref<250000x16xf32, #tpu.memory_space<hbm>>
      tpu.wait_indirect_dma semaphore(%arg13 : memref<!tpu.dma_semaphore, #tpu.memory_space<semaphore_mem>>) src(%dma_wait3A_38 : memref<250000x16xf32, #tpu.memory_space<hbm>>) dst(%arg8 : memref<1600x16xf32, #tpu.memory_space<vmem>>)
      %scan3A_39 = arith.constant 0 : i32
      %scan3A_40 = arith.constant 0 : i32
      %scan3A_41 = arith.constant 100 : i32
      %scan3A_42 = arith.addi %scan3A_40, %scan3A_41 : i32
      %scan3A_43 = arith.constant 1 : i32
      scf.for %scan3A_65 = %scan3A_40 to %scan3A_42 step %scan3A_43  : i32 {
        %mul3A_66 = arith.constant 16 : i32
        %mul3A_67 = arith.muli %scan3A_65, %mul3A_66 : i32
        %get3A = arith.index_cast %mul3A_67 : i32 to index
        %get3A_68 = tpu.vector_load %arg6[%get3A] {strides = array<i32>} : memref<1600xi32, #tpu.memory_space<vmem>>, vector<16xi32>,
        %and3A = arith.constant 3 : i32
        %and3A_69 = vector.broadcast %and3A : i32 to vector<16xi32>
        %and3A_70 = arith.andi %get3A_68, %and3A_69 : vector<16xi32>
        %mul3A_71 = arith.constant 4 : i32
        %mul3A_72 = vector.broadcast %mul3A_71 : i32 to vector<16xi32>
        %mul3A_73 = arith.muli %and3A_70, %mul3A_72 : vector<16xi32>
        %mul3A_74 = arith.constant 16 : i32
        %mul3A_75 = arith.muli %scan3A_65, %mul3A_74 : i32
        %add3A_76 = vector.broadcast %mul3A_75 : i32 to vector<16xi32>
        %add3A_77 = arith.addi %add3A_76, %iota3A : vector<16xi32>
        %jit3A = arith.constant 200 : i32
        %div3A = vector.broadcast %jit3A : i32 to vector<16xi32>
        %div3A_78 = arith.divsi %add3A_77, %div3A : vector<16xi32>
        %sign3A = arith.constant 0 : i32
        %sign3A_79 = vector.broadcast %sign3A : i32 to vector<16xi32>
        %sign3A_80 = arith.cmpi sgt, %add3A_77, %sign3A_79 : vector<16xi32>
        %sign3A_81 = arith.extui %sign3A_80 : vector<16xi1> to vector<16xi32>
        %sign3A_82 = arith.constant 0 : i32
        %sign3A_83 = vector.broadcast %sign3A_82 : i32 to vector<16xi32>
        %sign3A_84 = arith.cmpi slt, %add3A_77, %sign3A_83 : vector<16xi32>
        %sign3A_85 = arith.extui %sign3A_84 : vector<16xi1> to vector<16xi32>
        %sign3A_86 = arith.subi %sign3A_81, %sign3A_85 : vector<16xi32>
        %sign3A_87 = arith.constant 0 : i32
        %sign3A_88 = arith.cmpi sgt, %jit3A, %sign3A_87 : i32
        %sign3A_89 = arith.extui %sign3A_88 : i1 to i32
        %sign3A_90 = arith.constant 0 : i32
        %sign3A_91 = arith.cmpi slt, %jit3A, %sign3A_90 : i32
        %sign3A_92 = arith.extui %sign3A_91 : i1 to i32
        %sign3A_93 = arith.subi %sign3A_89, %sign3A_92 : i32
        %ne3A = vector.broadcast %sign3A_93 : i32 to vector<16xi32>
        %ne3A_94 = arith.cmpi ne, %sign3A_86, %ne3A : vector<16xi32>
        %rem3A = vector.broadcast %jit3A : i32 to vector<16xi32>
        %rem3A_95 = arith.remsi %add3A_77, %rem3A : vector<16xi32>
        %ne3A_96 = arith.constant 0 : i32
        %ne3A_97 = vector.broadcast %ne3A_96 : i32 to vector<16xi32>
        %ne3A_98 = arith.cmpi ne, %rem3A_95, %ne3A_97 : vector<16xi32>
        %and3A_99 = arith.andi %ne3A_94, %ne3A_98 : vector<16xi1>
        %sub3A = arith.constant 1 : i32
        %sub3A_100 = vector.broadcast %sub3A : i32 to vector<16xi32>
        %sub3A_101 = arith.subi %div3A_78, %sub3A_100 : vector<16xi32>
        %select_n3A = arith.select %and3A_99, %sub3A_101, %div3A_78 : vector<16xi1>, vector<16xi32>
        %mul3A_102 = arith.constant 200 : i32
        %mul3A_103 = vector.broadcast %mul3A_102 : i32 to vector<16xi32>
        %mul3A_104 = arith.muli %select_n3A, %mul3A_103 : vector<16xi32>
        %sub3A_105 = arith.subi %add3A_77, %mul3A_104 : vector<16xi32>
        %mul3A_106 = arith.constant 4 : i32
        %mul3A_107 = vector.broadcast %mul3A_106 : i32 to vector<16xi32>
        %mul3A_108 = arith.muli %sub3A_105, %mul3A_107 : vector<16xi32>
        %add3A_109 = arith.constant 0 : i32
        %add3A_110 = vector.broadcast %add3A_109 : i32 to vector<16xi32>
        %add3A_111 = arith.addi %mul3A_73, %add3A_110 : vector<16xi32>
        %gather3A = tpu.vector_load_idx %arg8[%add3A_77, %add3A_111] : memref<1600x16xf32, #tpu.memory_space<vmem>>[vector<16xi32>, vector<16xi32>], vector<16xf32>,
        %add3A_112 = arith.constant 0 : i32
        %add3A_113 = vector.broadcast %add3A_112 : i32 to vector<16xi32>
        %add3A_114 = arith.addi %mul3A_108, %add3A_113 : vector<16xi32>
        %add3A_115 = arith.constant 0 : i32
        %add3A_116 = vector.broadcast %add3A_115 : i32 to vector<16xi32>
        %add3A_117 = arith.addi %select_n3A, %add3A_116 : vector<16xi32>
        tpu.vector_store_idx %arg12[%add3A_114, %add3A_117], %gather3A : memref<800x16xf32, #tpu.memory_space<vmem>>[vector<16xi32>, vector<16xi32>], vector<16xf32>,
        %add3A_118 = arith.constant 1 : i32
        %add3A_119 = vector.broadcast %add3A_118 : i32 to vector<16xi32>
        %add3A_120 = arith.addi %mul3A_73, %add3A_119 : vector<16xi32>
        %gather3A_121 = tpu.vector_load_idx %arg8[%add3A_77, %add3A_120] : memref<1600x16xf32, #tpu.memory_space<vmem>>[vector<16xi32>, vector<16xi32>], vector<16xf32>,
        %add3A_122 = arith.constant 1 : i32
        %add3A_123 = vector.broadcast %add3A_122 : i32 to vector<16xi32>
        %add3A_124 = arith.addi %mul3A_108, %add3A_123 : vector<16xi32>
        %add3A_125 = arith.constant 0 : i32
        %add3A_126 = vector.broadcast %add3A_125 : i32 to vector<16xi32>
        %add3A_127 = arith.addi %select_n3A, %add3A_126 : vector<16xi32>
        tpu.vector_store_idx %arg12[%add3A_124, %add3A_127], %gather3A_121 : memref<800x16xf32, #tpu.memory_space<vmem>>[vector<16xi32>, vector<16xi32>], vector<16xf32>,
        %add3A_128 = arith.constant 2 : i32
        %add3A_129 = vector.broadcast %add3A_128 : i32 to vector<16xi32>
        %add3A_130 = arith.addi %mul3A_73, %add3A_129 : vector<16xi32>
        %gather3A_131 = tpu.vector_load_idx %arg8[%add3A_77, %add3A_130] : memref<1600x16xf32, #tpu.memory_space<vmem>>[vector<16xi32>, vector<16xi32>], vector<16xf32>,
        %add3A_132 = arith.constant 2 : i32
        %add3A_133 = vector.broadcast %add3A_132 : i32 to vector<16xi32>
        %add3A_134 = arith.addi %mul3A_108, %add3A_133 : vector<16xi32>
        %add3A_135 = arith.constant 0 : i32
        %add3A_136 = vector.broadcast %add3A_135 : i32 to vector<16xi32>
        %add3A_137 = arith.addi %select_n3A, %add3A_136 : vector<16xi32>
        tpu.vector_store_idx %arg12[%add3A_134, %add3A_137], %gather3A_131 : memref<800x16xf32, #tpu.memory_space<vmem>>[vector<16xi32>, vector<16xi32>], vector<16xf32>,
        %add3A_138 = arith.constant 3 : i32
        %add3A_139 = vector.broadcast %add3A_138 : i32 to vector<16xi32>
        %add3A_140 = arith.addi %mul3A_73, %add3A_139 : vector<16xi32>
        %gather3A_141 = tpu.vector_load_idx %arg8[%add3A_77, %add3A_140] : memref<1600x16xf32, #tpu.memory_space<vmem>>[vector<16xi32>, vector<16xi32>], vector<16xf32>,
        %add3A_142 = arith.constant 3 : i32
        %add3A_143 = vector.broadcast %add3A_142 : i32 to vector<16xi32>
        %add3A_144 = arith.addi %mul3A_108, %add3A_143 : vector<16xi32>
        %add3A_145 = arith.constant 0 : i32
        %add3A_146 = vector.broadcast %add3A_145 : i32 to vector<16xi32>
        %add3A_147 = arith.addi %select_n3A, %add3A_146 : vector<16xi32>
        tpu.vector_store_idx %arg12[%add3A_144, %add3A_147], %gather3A_141 : memref<800x16xf32, #tpu.memory_space<vmem>>[vector<16xi32>, vector<16xi32>], vector<16xf32>,
      }
      %scan3A_44 = arith.constant 100 : i32
      %add3A_45 = arith.constant 2 : i32
      %add3A_46 = arith.addi %mul3A_22, %add3A_45 : i32
      %lt3A = arith.constant 4 : i32
      %lt3A_47 = arith.cmpi slt, %add3A_46, %lt3A : i32
      %convert_element_type3A = arith.extui %lt3A_47 : i1 to i32
      %cond3A = arith.constant 0 : i32
      %cond3A_48 = arith.cmpi ne, %convert_element_type3A, %cond3A : i32
      scf.if %cond3A_48 {
        %add3A_65 = arith.constant 2 : i32
        %add3A_66 = arith.addi %mul3A_22, %add3A_65 : i32
        %mul3A_67 = arith.constant 1600 : i32
        %mul3A_68 = arith.muli %add3A_66, %mul3A_67 : i32
        %add3A_69 = arith.addi %add3A_4, %mul3A_68 : i32
        "tpu.region"() ({
          %run_scoped3A = tpu.sem_alloc : memref<!tpu.dma_semaphore, #tpu.memory_space<semaphore_mem>>
          %dma_start3A_79 = tpu.memref_slice %arg2[%add3A_69] : memref<819200xi32, #tpu.memory_space<hbm>> -> memref<1600xi32, #tpu.memory_space<hbm>>
          %dma_start3A_80 = tpu.memref_slice %arg2[%add3A_69] : memref<819200xi32, #tpu.memory_space<hbm>> -> memref<1600xi32, #tpu.memory_space<hbm>>
          tpu.enqueue_dma source(%dma_start3A_80 : memref<1600xi32, #tpu.memory_space<hbm>>) target(%arg6 : memref<1600xi32, #tpu.memory_space<vmem>>) target_semaphore(%run_scoped3A : memref<!tpu.dma_semaphore, #tpu.memory_space<semaphore_mem>>)
          %dma_wait3A_81 = tpu.memref_slice %arg2[%add3A_69] : memref<819200xi32, #tpu.memory_space<hbm>> -> memref<1600xi32, #tpu.memory_space<hbm>>
          %dma_wait3A_82 = tpu.memref_slice %arg2[%add3A_69] : memref<819200xi32, #tpu.memory_space<hbm>> -> memref<1600xi32, #tpu.memory_space<hbm>>
          tpu.wait_dma2 semaphore(%run_scoped3A : memref<!tpu.dma_semaphore, #tpu.memory_space<semaphore_mem>>) src(%dma_wait3A_82 : memref<1600xi32, #tpu.memory_space<hbm>>) dst(%arg6 : memref<1600xi32, #tpu.memory_space<vmem>>)
          tpu.yield
        }) : () -> ()
        %scan3A_70 = arith.constant 0 : i32
        %scan3A_71 = arith.constant 0 : i32
        %scan3A_72 = arith.constant 100 : i32
        %scan3A_73 = arith.addi %scan3A_71, %scan3A_72 : i32
        %scan3A_74 = arith.constant 1 : i32
        scf.for %scan3A_79 = %scan3A_71 to %scan3A_73 step %scan3A_74  : i32 {
          %mul3A_80 = arith.constant 16 : i32
          %mul3A_81 = arith.muli %scan3A_79, %mul3A_80 : i32
          %get3A = arith.index_cast %mul3A_81 : i32 to index
          %get3A_82 = tpu.vector_load %arg6[%get3A] {strides = array<i32>} : memref<1600xi32, #tpu.memory_space<vmem>>, vector<16xi32>,
          %shift_right_logical3A = arith.constant 2 : i32
          %shift_right_logical3A_83 = vector.broadcast %shift_right_logical3A : i32 to vector<16xi32>
          %shift_right_logical3A_84 = arith.shrui %get3A_82, %shift_right_logical3A_83 : vector<16xi32>
          %mul3A_85 = arith.constant 16 : i32
          %mul3A_86 = arith.muli %scan3A_79, %mul3A_85 : i32
          %swap3A = arith.index_cast %mul3A_86 : i32 to index
          %swap3A_87 = tpu.vector_load %arg7[%swap3A] {strides = array<i32>} : memref<1600xi32, #tpu.memory_space<vmem>>, vector<16xi32>,
          tpu.vector_store %arg7[%swap3A], %shift_right_logical3A_84 {strides = array<i32>} : memref<1600xi32, #tpu.memory_space<vmem>>, vector<16xi32>,
        }
        %scan3A_75 = arith.constant 100 : i32
        %dma_start3A_76 = arith.constant 0 : i32
        %dma_start3A_77 = arith.constant 0 : i32
        %dma_start3A_78 = tpu.memref_slice %arg3[%dma_start3A_76, %dma_start3A_77] : memref<250000x16xf32, #tpu.memory_space<hbm>> -> memref<250000x16xf32, #tpu.memory_space<hbm>>
        tpu.enqueue_indirect_dma source(%dma_start3A_78 : memref<250000x16xf32, #tpu.memory_space<hbm>>) target(%arg8 : memref<1600x16xf32, #tpu.memory_space<vmem>>) offsets(%arg7 : memref<1600xi32, #tpu.memory_space<vmem>>) semaphore(%arg13 : memref<!tpu.dma_semaphore, #tpu.memory_space<semaphore_mem>>)
      } else {
      }
      %dma_wait3A_49 = arith.constant 0 : i32
      %dma_wait3A_50 = arith.constant 0 : i32
      %dma_wait3A_51 = tpu.memref_slice %arg3[%dma_wait3A_49, %dma_wait3A_50] : memref<250000x16xf32, #tpu.memory_space<hbm>> -> memref<250000x16xf32, #tpu.memory_space<hbm>>
      tpu.wait_indirect_dma semaphore(%arg14 : memref<!tpu.dma_semaphore, #tpu.memory_space<semaphore_mem>>) src(%dma_wait3A_51 : memref<250000x16xf32, #tpu.memory_space<hbm>>) dst(%arg11 : memref<1600x16xf32, #tpu.memory_space<vmem>>)
      %scan3A_52 = arith.constant 0 : i32
      %scan3A_53 = arith.constant 0 : i32
      %scan3A_54 = arith.constant 100 : i32
      %scan3A_55 = arith.addi %scan3A_53, %scan3A_54 : i32
      %scan3A_56 = arith.constant 1 : i32
      scf.for %scan3A_65 = %scan3A_53 to %scan3A_55 step %scan3A_56  : i32 {
        %mul3A_66 = arith.constant 16 : i32
        %mul3A_67 = arith.muli %scan3A_65, %mul3A_66 : i32
        %get3A = arith.index_cast %mul3A_67 : i32 to index
        %get3A_68 = tpu.vector_load %arg9[%get3A] {strides = array<i32>} : memref<1600xi32, #tpu.memory_space<vmem>>, vector<16xi32>,
        %and3A = arith.constant 3 : i32
        %and3A_69 = vector.broadcast %and3A : i32 to vector<16xi32>
        %and3A_70 = arith.andi %get3A_68, %and3A_69 : vector<16xi32>
        %mul3A_71 = arith.constant 4 : i32
        %mul3A_72 = vector.broadcast %mul3A_71 : i32 to vector<16xi32>
        %mul3A_73 = arith.muli %and3A_70, %mul3A_72 : vector<16xi32>
        %mul3A_74 = arith.constant 16 : i32
        %mul3A_75 = arith.muli %scan3A_65, %mul3A_74 : i32
        %add3A_76 = vector.broadcast %mul3A_75 : i32 to vector<16xi32>
        %add3A_77 = arith.addi %add3A_76, %iota3A : vector<16xi32>
        %jit3A = arith.constant 200 : i32
        %div3A = vector.broadcast %jit3A : i32 to vector<16xi32>
        %div3A_78 = arith.divsi %add3A_77, %div3A : vector<16xi32>
        %sign3A = arith.constant 0 : i32
        %sign3A_79 = vector.broadcast %sign3A : i32 to vector<16xi32>
        %sign3A_80 = arith.cmpi sgt, %add3A_77, %sign3A_79 : vector<16xi32>
        %sign3A_81 = arith.extui %sign3A_80 : vector<16xi1> to vector<16xi32>
        %sign3A_82 = arith.constant 0 : i32
        %sign3A_83 = vector.broadcast %sign3A_82 : i32 to vector<16xi32>
        %sign3A_84 = arith.cmpi slt, %add3A_77, %sign3A_83 : vector<16xi32>
        %sign3A_85 = arith.extui %sign3A_84 : vector<16xi1> to vector<16xi32>
        %sign3A_86 = arith.subi %sign3A_81, %sign3A_85 : vector<16xi32>
        %sign3A_87 = arith.constant 0 : i32
        %sign3A_88 = arith.cmpi sgt, %jit3A, %sign3A_87 : i32
        %sign3A_89 = arith.extui %sign3A_88 : i1 to i32
        %sign3A_90 = arith.constant 0 : i32
        %sign3A_91 = arith.cmpi slt, %jit3A, %sign3A_90 : i32
        %sign3A_92 = arith.extui %sign3A_91 : i1 to i32
        %sign3A_93 = arith.subi %sign3A_89, %sign3A_92 : i32
        %ne3A = vector.broadcast %sign3A_93 : i32 to vector<16xi32>
        %ne3A_94 = arith.cmpi ne, %sign3A_86, %ne3A : vector<16xi32>
        %rem3A = vector.broadcast %jit3A : i32 to vector<16xi32>
        %rem3A_95 = arith.remsi %add3A_77, %rem3A : vector<16xi32>
        %ne3A_96 = arith.constant 0 : i32
        %ne3A_97 = vector.broadcast %ne3A_96 : i32 to vector<16xi32>
        %ne3A_98 = arith.cmpi ne, %rem3A_95, %ne3A_97 : vector<16xi32>
        %and3A_99 = arith.andi %ne3A_94, %ne3A_98 : vector<16xi1>
        %sub3A = arith.constant 1 : i32
        %sub3A_100 = vector.broadcast %sub3A : i32 to vector<16xi32>
        %sub3A_101 = arith.subi %div3A_78, %sub3A_100 : vector<16xi32>
        %select_n3A = arith.select %and3A_99, %sub3A_101, %div3A_78 : vector<16xi1>, vector<16xi32>
        %mul3A_102 = arith.constant 200 : i32
        %mul3A_103 = vector.broadcast %mul3A_102 : i32 to vector<16xi32>
        %mul3A_104 = arith.muli %select_n3A, %mul3A_103 : vector<16xi32>
        %sub3A_105 = arith.subi %add3A_77, %mul3A_104 : vector<16xi32>
        %mul3A_106 = arith.constant 4 : i32
        %mul3A_107 = vector.broadcast %mul3A_106 : i32 to vector<16xi32>
        %mul3A_108 = arith.muli %sub3A_105, %mul3A_107 : vector<16xi32>
        %add3A_109 = arith.constant 0 : i32
        %add3A_110 = vector.broadcast %add3A_109 : i32 to vector<16xi32>
        %add3A_111 = arith.addi %mul3A_73, %add3A_110 : vector<16xi32>
        %gather3A = tpu.vector_load_idx %arg11[%add3A_77, %add3A_111] : memref<1600x16xf32, #tpu.memory_space<vmem>>[vector<16xi32>, vector<16xi32>], vector<16xf32>,
        %add3A_112 = arith.constant 0 : i32
        %add3A_113 = vector.broadcast %add3A_112 : i32 to vector<16xi32>
        %add3A_114 = arith.addi %mul3A_108, %add3A_113 : vector<16xi32>
        %add3A_115 = arith.constant 8 : i32
        %add3A_116 = vector.broadcast %add3A_115 : i32 to vector<16xi32>
        %add3A_117 = arith.addi %select_n3A, %add3A_116 : vector<16xi32>
        tpu.vector_store_idx %arg12[%add3A_114, %add3A_117], %gather3A : memref<800x16xf32, #tpu.memory_space<vmem>>[vector<16xi32>, vector<16xi32>], vector<16xf32>,
        %add3A_118 = arith.constant 1 : i32
        %add3A_119 = vector.broadcast %add3A_118 : i32 to vector<16xi32>
        %add3A_120 = arith.addi %mul3A_73, %add3A_119 : vector<16xi32>
        %gather3A_121 = tpu.vector_load_idx %arg11[%add3A_77, %add3A_120] : memref<1600x16xf32, #tpu.memory_space<vmem>>[vector<16xi32>, vector<16xi32>], vector<16xf32>,
        %add3A_122 = arith.constant 1 : i32
        %add3A_123 = vector.broadcast %add3A_122 : i32 to vector<16xi32>
        %add3A_124 = arith.addi %mul3A_108, %add3A_123 : vector<16xi32>
        %add3A_125 = arith.constant 8 : i32
        %add3A_126 = vector.broadcast %add3A_125 : i32 to vector<16xi32>
        %add3A_127 = arith.addi %select_n3A, %add3A_126 : vector<16xi32>
        tpu.vector_store_idx %arg12[%add3A_124, %add3A_127], %gather3A_121 : memref<800x16xf32, #tpu.memory_space<vmem>>[vector<16xi32>, vector<16xi32>], vector<16xf32>,
        %add3A_128 = arith.constant 2 : i32
        %add3A_129 = vector.broadcast %add3A_128 : i32 to vector<16xi32>
        %add3A_130 = arith.addi %mul3A_73, %add3A_129 : vector<16xi32>
        %gather3A_131 = tpu.vector_load_idx %arg11[%add3A_77, %add3A_130] : memref<1600x16xf32, #tpu.memory_space<vmem>>[vector<16xi32>, vector<16xi32>], vector<16xf32>,
        %add3A_132 = arith.constant 2 : i32
        %add3A_133 = vector.broadcast %add3A_132 : i32 to vector<16xi32>
        %add3A_134 = arith.addi %mul3A_108, %add3A_133 : vector<16xi32>
        %add3A_135 = arith.constant 8 : i32
        %add3A_136 = vector.broadcast %add3A_135 : i32 to vector<16xi32>
        %add3A_137 = arith.addi %select_n3A, %add3A_136 : vector<16xi32>
        tpu.vector_store_idx %arg12[%add3A_134, %add3A_137], %gather3A_131 : memref<800x16xf32, #tpu.memory_space<vmem>>[vector<16xi32>, vector<16xi32>], vector<16xf32>,
        %add3A_138 = arith.constant 3 : i32
        %add3A_139 = vector.broadcast %add3A_138 : i32 to vector<16xi32>
        %add3A_140 = arith.addi %mul3A_73, %add3A_139 : vector<16xi32>
        %gather3A_141 = tpu.vector_load_idx %arg11[%add3A_77, %add3A_140] : memref<1600x16xf32, #tpu.memory_space<vmem>>[vector<16xi32>, vector<16xi32>], vector<16xf32>,
        %add3A_142 = arith.constant 3 : i32
        %add3A_143 = vector.broadcast %add3A_142 : i32 to vector<16xi32>
        %add3A_144 = arith.addi %mul3A_108, %add3A_143 : vector<16xi32>
        %add3A_145 = arith.constant 8 : i32
        %add3A_146 = vector.broadcast %add3A_145 : i32 to vector<16xi32>
        %add3A_147 = arith.addi %select_n3A, %add3A_146 : vector<16xi32>
        tpu.vector_store_idx %arg12[%add3A_144, %add3A_147], %gather3A_141 : memref<800x16xf32, #tpu.memory_space<vmem>>[vector<16xi32>, vector<16xi32>], vector<16xf32>,
      }
      %scan3A_57 = arith.constant 100 : i32
      %mul3A_58 = arith.constant 32 : i32
      %mul3A_59 = arith.muli %add3A, %mul3A_58 : i32
      %mul3A_60 = arith.constant 2 : i32
      %mul3A_61 = arith.muli %scan3A_20, %mul3A_60 : i32
      %mul3A_62 = arith.constant 8 : i32
      %mul3A_63 = arith.muli %mul3A_61, %mul3A_62 : i32
      %add3A_64 = arith.addi %mul3A_59, %mul3A_63 : i32
      "tpu.region"() ({
        %run_scoped3A = tpu.sem_alloc : memref<!tpu.dma_semaphore, #tpu.memory_space<semaphore_mem>>
        %dma_start3A_65 = arith.constant 0 : i32
        %dma_start3A_66 = tpu.memref_slice %arg5[%dma_start3A_65, %add3A_64] : memref<800x1024xf32, #tpu.memory_space<hbm>> -> memref<800x16xf32, #tpu.memory_space<hbm>>
        %dma_start3A_67 = arith.constant 0 : i32
        %dma_start3A_68 = tpu.memref_slice %arg5[%dma_start3A_67, %add3A_64] : memref<800x1024xf32, #tpu.memory_space<hbm>> -> memref<800x16xf32, #tpu.memory_space<hbm>>
        tpu.enqueue_dma source(%arg12 : memref<800x16xf32, #tpu.memory_space<vmem>>) target(%dma_start3A_68 : memref<800x16xf32, #tpu.memory_space<hbm>>) target_semaphore(%run_scoped3A : memref<!tpu.dma_semaphore, #tpu.memory_space<semaphore_mem>>)
        %dma_wait3A_69 = arith.constant 0 : i32
        %dma_wait3A_70 = tpu.memref_slice %arg5[%dma_wait3A_69, %add3A_64] : memref<800x1024xf32, #tpu.memory_space<hbm>> -> memref<800x16xf32, #tpu.memory_space<hbm>>
        %dma_wait3A_71 = arith.constant 0 : i32
        %dma_wait3A_72 = tpu.memref_slice %arg5[%dma_wait3A_71, %add3A_64] : memref<800x1024xf32, #tpu.memory_space<hbm>> -> memref<800x16xf32, #tpu.memory_space<hbm>>
        tpu.wait_dma2 semaphore(%run_scoped3A : memref<!tpu.dma_semaphore, #tpu.memory_space<semaphore_mem>>) src(%arg12 : memref<800x16xf32, #tpu.memory_space<vmem>>) dst(%dma_wait3A_72 : memref<800x16xf32, #tpu.memory_space<hbm>>)
        tpu.yield
      }) : () -> ()
    }
    %scan3A_19 = arith.constant 2 : i32
    return
  }
}

#map = affine_map<(d0, d1) -> (0)>
#map1 = affine_map<(d0, d1) -> (0, 0)>
module attributes {stable_mosaic.version = 14 : i64} {
  func.func @_sc_gather(%arg0: i32, %arg1: i32, %arg2: memref<819200xi32, #tpu.memory_space<hbm>>, %arg3: memref<250000x16xf32, #tpu.memory_space<hbm>>, %arg4: memref<800x1024xf32, #tpu.memory_space<hbm>>, %arg5: memref<800x1024xf32, #tpu.memory_space<hbm>>, %arg6: memref<1600xi32, #tpu.memory_space<vmem>>, %arg7: memref<1600xi32, #tpu.memory_space<vmem>>, %arg8: memref<1600x16xf32, #tpu.memory_space<vmem>>, %arg9: memref<1600xi32, #tpu.memory_space<vmem>>, %arg10: memref<1600xi32, #tpu.memory_space<vmem>>, %arg11: memref<1600x16xf32, #tpu.memory_space<vmem>>, %arg12: memref<800x16xf32, #tpu.memory_space<vmem>>, %arg13: memref<!tpu.dma_semaphore, #tpu.memory_space<semaphore_mem>>, %arg14: memref<!tpu.dma_semaphore, #tpu.memory_space<semaphore_mem>>) attributes {dimension_semantics = [#tpu.dimension_semantics<core_parallel>, #tpu.dimension_semantics<subcore_parallel>], iteration_bounds = array<i64: 2, 16>, scalar_prefetch = 0 : i64, scratch_operands = 9 : i64, tpu.core_type = #tpu.core_type<sc_vector_subcore>, window_params = [{transform_indices = #map}, {transform_indices = #map1}, {transform_indices = #map1}, {transform_indices = #map1}]} {
    %mul3A = arith.constant 2 : i32
    %mul3A_0 = arith.muli %arg1, %mul3A : i32
    %add3A = arith.addi %mul3A_0, %arg0 : i32
    %mul3A_1 = arith.constant 6400 : i32
    %mul3A_2 = arith.muli %add3A, %mul3A_1 : i32
    %add3A_3 = arith.constant 614400 : i32
    %add3A_4 = arith.addi %add3A_3, %mul3A_2 : i32
    %iota3A = tpu.iota {dimensions = array<i32: 0>} : vector<16xi32>
    %add3A_5 = arith.constant 0 : i32
    %add3A_6 = arith.addi %add3A_4, %add3A_5 : i32
    "tpu.region"() ({
      %run_scoped3A = tpu.sem_alloc : memref<!tpu.dma_semaphore, #tpu.memory_space<semaphore_mem>>
      %dma_start3A_20 = tpu.memref_slice %arg2[%add3A_6] : memref<819200xi32, #tpu.memory_space<hbm>> -> memref<1600xi32, #tpu.memory_space<hbm>>
      %dma_start3A_21 = tpu.memref_slice %arg2[%add3A_6] : memref<819200xi32, #tpu.memory_space<hbm>> -> memref<1600xi32, #tpu.memory_space<hbm>>
      tpu.enqueue_dma source(%dma_start3A_21 : memref<1600xi32, #tpu.memory_space<hbm>>) target(%arg6 : memref<1600xi32, #tpu.memory_space<vmem>>) target_semaphore(%run_scoped3A : memref<!tpu.dma_semaphore, #tpu.memory_space<semaphore_mem>>)
      %dma_wait3A = tpu.memref_slice %arg2[%add3A_6] : memref<819200xi32, #tpu.memory_space<hbm>> -> memref<1600xi32, #tpu.memory_space<hbm>>
      %dma_wait3A_22 = tpu.memref_slice %arg2[%add3A_6] : memref<819200xi32, #tpu.memory_space<hbm>> -> memref<1600xi32, #tpu.memory_space<hbm>>
      tpu.wait_dma2 semaphore(%run_scoped3A : memref<!tpu.dma_semaphore, #tpu.memory_space<semaphore_mem>>) src(%dma_wait3A_22 : memref<1600xi32, #tpu.memory_space<hbm>>) dst(%arg6 : memref<1600xi32, #tpu.memory_space<vmem>>)
      tpu.yield
    }) : () -> ()
    %scan3A = arith.constant 0 : i32
    %scan3A_7 = arith.constant 0 : i32
    %scan3A_8 = arith.constant 100 : i32
    %scan3A_9 = arith.addi %scan3A_7, %scan3A_8 : i32
    %scan3A_10 = arith.constant 1 : i32
    scf.for %scan3A_20 = %scan3A_7 to %scan3A_9 step %scan3A_10  : i32 {
      %mul3A_21 = arith.constant 16 : i32
      %mul3A_22 = arith.muli %scan3A_20, %mul3A_21 : i32
      %get3A = arith.index_cast %mul3A_22 : i32 to index
      %get3A_23 = tpu.vector_load %arg6[%get3A] {strides = array<i32>} : memref<1600xi32, #tpu.memory_space<vmem>>, vector<16xi32>,
      %shift_right_logical3A = arith.constant 2 : i32
      %shift_right_logical3A_24 = vector.broadcast %shift_right_logical3A : i32 to vector<16xi32>
      %shift_right_logical3A_25 = arith.shrui %get3A_23, %shift_right_logical3A_24 : vector<16xi32>
      %mul3A_26 = arith.constant 16 : i32
      %mul3A_27 = arith.muli %scan3A_20, %mul3A_26 : i32
      %swap3A = arith.index_cast %mul3A_27 : i32 to index
      %swap3A_28 = tpu.vector_load %arg7[%swap3A] {strides = array<i32>} : memref<1600xi32, #tpu.memory_space<vmem>>, vector<16xi32>,
      tpu.vector_store %arg7[%swap3A], %shift_right_logical3A_25 {strides = array<i32>} : memref<1600xi32, #tpu.memory_space<vmem>>, vector<16xi32>,
    }
    %scan3A_11 = arith.constant 100 : i32
    %dma_start3A = arith.constant 0 : i32
    %dma_start3A_12 = arith.constant 0 : i32
    %dma_start3A_13 = tpu.memref_slice %arg3[%dma_start3A, %dma_start3A_12] : memref<250000x16xf32, #tpu.memory_space<hbm>> -> memref<250000x16xf32, #tpu.memory_space<hbm>>
    tpu.enqueue_indirect_dma source(%dma_start3A_13 : memref<250000x16xf32, #tpu.memory_space<hbm>>) target(%arg8 : memref<1600x16xf32, #tpu.memory_space<vmem>>) offsets(%arg7 : memref<1600xi32, #tpu.memory_space<vmem>>) semaphore(%arg13 : memref<!tpu.dma_semaphore, #tpu.memory_space<semaphore_mem>>)
    %scan3A_14 = arith.constant 0 : i32
    %scan3A_15 = arith.constant 0 : i32
    %scan3A_16 = arith.constant 2 : i32
    %scan3A_17 = arith.addi %scan3A_15, %scan3A_16 : i32
    %scan3A_18 = arith.constant 1 : i32
    scf.for %scan3A_20 = %scan3A_15 to %scan3A_17 step %scan3A_18  : i32 {
      %mul3A_21 = arith.constant 2 : i32
      %mul3A_22 = arith.muli %mul3A_21, %scan3A_20 : i32
      %add3A_23 = arith.constant 1 : i32
      %add3A_24 = arith.addi %mul3A_22, %add3A_23 : i32
      %mul3A_25 = arith.constant 1600 : i32
      %mul3A_26 = arith.muli %add3A_24, %mul3A_25 : i32
      %add3A_27 = arith.addi %add3A_4, %mul3A_26 : i32
      "tpu.region"() ({
        %run_scoped3A = tpu.sem_alloc : memref<!tpu.dma_semaphore, #tpu.memory_space<semaphore_mem>>
        %dma_start3A_65 = tpu.memref_slice %arg2[%add3A_27] : memref<819200xi32, #tpu.memory_space<hbm>> -> memref<1600xi32, #tpu.memory_space<hbm>>
        %dma_start3A_66 = tpu.memref_slice %arg2[%add3A_27] : memref<819200xi32, #tpu.memory_space<hbm>> -> memref<1600xi32, #tpu.memory_space<hbm>>
        tpu.enqueue_dma source(%dma_start3A_66 : memref<1600xi32, #tpu.memory_space<hbm>>) target(%arg9 : memref<1600xi32, #tpu.memory_space<vmem>>) target_semaphore(%run_scoped3A : memref<!tpu.dma_semaphore, #tpu.memory_space<semaphore_mem>>)
        %dma_wait3A_67 = tpu.memref_slice %arg2[%add3A_27] : memref<819200xi32, #tpu.memory_space<hbm>> -> memref<1600xi32, #tpu.memory_space<hbm>>
        %dma_wait3A_68 = tpu.memref_slice %arg2[%add3A_27] : memref<819200xi32, #tpu.memory_space<hbm>> -> memref<1600xi32, #tpu.memory_space<hbm>>
        tpu.wait_dma2 semaphore(%run_scoped3A : memref<!tpu.dma_semaphore, #tpu.memory_space<semaphore_mem>>) src(%dma_wait3A_68 : memref<1600xi32, #tpu.memory_space<hbm>>) dst(%arg9 : memref<1600xi32, #tpu.memory_space<vmem>>)
        tpu.yield
      }) : () -> ()
      %scan3A_28 = arith.constant 0 : i32
      %scan3A_29 = arith.constant 0 : i32
      %scan3A_30 = arith.constant 100 : i32
      %scan3A_31 = arith.addi %scan3A_29, %scan3A_30 : i32
      %scan3A_32 = arith.constant 1 : i32
      scf.for %scan3A_65 = %scan3A_29 to %scan3A_31 step %scan3A_32  : i32 {
        %mul3A_66 = arith.constant 16 : i32
        %mul3A_67 = arith.muli %scan3A_65, %mul3A_66 : i32
        %get3A = arith.index_cast %mul3A_67 : i32 to index
        %get3A_68 = tpu.vector_load %arg9[%get3A] {strides = array<i32>} : memref<1600xi32, #tpu.memory_space<vmem>>, vector<16xi32>,
        %shift_right_logical3A = arith.constant 2 : i32
        %shift_right_logical3A_69 = vector.broadcast %shift_right_logical3A : i32 to vector<16xi32>
        %shift_right_logical3A_70 = arith.shrui %get3A_68, %shift_right_logical3A_69 : vector<16xi32>
        %mul3A_71 = arith.constant 16 : i32
        %mul3A_72 = arith.muli %scan3A_65, %mul3A_71 : i32
        %swap3A = arith.index_cast %mul3A_72 : i32 to index
        %swap3A_73 = tpu.vector_load %arg10[%swap3A] {strides = array<i32>} : memref<1600xi32, #tpu.memory_space<vmem>>, vector<16xi32>,
        tpu.vector_store %arg10[%swap3A], %shift_right_logical3A_70 {strides = array<i32>} : memref<1600xi32, #tpu.memory_space<vmem>>, vector<16xi32>,
      }
      %scan3A_33 = arith.constant 100 : i32
      %dma_start3A_34 = arith.constant 0 : i32
      %dma_start3A_35 = arith.constant 0 : i32
      %dma_start3A_36 = tpu.memref_slice %arg3[%dma_start3A_34, %dma_start3A_35] : memref<250000x16xf32, #tpu.memory_space<hbm>> -> memref<250000x16xf32, #tpu.memory_space<hbm>>
      tpu.enqueue_indirect_dma source(%dma_start3A_36 : memref<250000x16xf32, #tpu.memory_space<hbm>>) target(%arg11 : memref<1600x16xf32, #tpu.memory_space<vmem>>) offsets(%arg10 : memref<1600xi32, #tpu.memory_space<vmem>>) semaphore(%arg14 : memref<!tpu.dma_semaphore, #tpu.memory_space<semaphore_mem>>)
      %dma_wait3A = arith.constant 0 : i32
      %dma_wait3A_37 = arith.constant 0 : i32
      %dma_wait3A_38 = tpu.memref_slice %arg3[%dma_wait3A, %dma_wait3A_37] : memref<250000x16xf32, #tpu.memory_space<hbm>> -> memref<250000x16xf32, #tpu.memory_space<hbm>>
      tpu.wait_indirect_dma semaphore(%arg13 : memref<!tpu.dma_semaphore, #tpu.memory_space<semaphore_mem>>) src(%dma_wait3A_38 : memref<250000x16xf32, #tpu.memory_space<hbm>>) dst(%arg8 : memref<1600x16xf32, #tpu.memory_space<vmem>>)
      %scan3A_39 = arith.constant 0 : i32
      %scan3A_40 = arith.constant 0 : i32
      %scan3A_41 = arith.constant 100 : i32
      %scan3A_42 = arith.addi %scan3A_40, %scan3A_41 : i32
      %scan3A_43 = arith.constant 1 : i32
      scf.for %scan3A_65 = %scan3A_40 to %scan3A_42 step %scan3A_43  : i32 {
        %mul3A_66 = arith.constant 16 : i32
        %mul3A_67 = arith.muli %scan3A_65, %mul3A_66 : i32
        %get3A = arith.index_cast %mul3A_67 : i32 to index
        %get3A_68 = tpu.vector_load %arg6[%get3A] {strides = array<i32>} : memref<1600xi32, #tpu.memory_space<vmem>>, vector<16xi32>,
        %and3A = arith.constant 3 : i32
        %and3A_69 = vector.broadcast %and3A : i32 to vector<16xi32>
        %and3A_70 = arith.andi %get3A_68, %and3A_69 : vector<16xi32>
        %mul3A_71 = arith.constant 4 : i32
        %mul3A_72 = vector.broadcast %mul3A_71 : i32 to vector<16xi32>
        %mul3A_73 = arith.muli %and3A_70, %mul3A_72 : vector<16xi32>
        %mul3A_74 = arith.constant 16 : i32
        %mul3A_75 = arith.muli %scan3A_65, %mul3A_74 : i32
        %add3A_76 = vector.broadcast %mul3A_75 : i32 to vector<16xi32>
        %add3A_77 = arith.addi %add3A_76, %iota3A : vector<16xi32>
        %jit3A = arith.constant 200 : i32
        %div3A = vector.broadcast %jit3A : i32 to vector<16xi32>
        %div3A_78 = arith.divsi %add3A_77, %div3A : vector<16xi32>
        %sign3A = arith.constant 0 : i32
        %sign3A_79 = vector.broadcast %sign3A : i32 to vector<16xi32>
        %sign3A_80 = arith.cmpi sgt, %add3A_77, %sign3A_79 : vector<16xi32>
        %sign3A_81 = arith.extui %sign3A_80 : vector<16xi1> to vector<16xi32>
        %sign3A_82 = arith.constant 0 : i32
        %sign3A_83 = vector.broadcast %sign3A_82 : i32 to vector<16xi32>
        %sign3A_84 = arith.cmpi slt, %add3A_77, %sign3A_83 : vector<16xi32>
        %sign3A_85 = arith.extui %sign3A_84 : vector<16xi1> to vector<16xi32>
        %sign3A_86 = arith.subi %sign3A_81, %sign3A_85 : vector<16xi32>
        %sign3A_87 = arith.constant 0 : i32
        %sign3A_88 = arith.cmpi sgt, %jit3A, %sign3A_87 : i32
        %sign3A_89 = arith.extui %sign3A_88 : i1 to i32
        %sign3A_90 = arith.constant 0 : i32
        %sign3A_91 = arith.cmpi slt, %jit3A, %sign3A_90 : i32
        %sign3A_92 = arith.extui %sign3A_91 : i1 to i32
        %sign3A_93 = arith.subi %sign3A_89, %sign3A_92 : i32
        %ne3A = vector.broadcast %sign3A_93 : i32 to vector<16xi32>
        %ne3A_94 = arith.cmpi ne, %sign3A_86, %ne3A : vector<16xi32>
        %rem3A = vector.broadcast %jit3A : i32 to vector<16xi32>
        %rem3A_95 = arith.remsi %add3A_77, %rem3A : vector<16xi32>
        %ne3A_96 = arith.constant 0 : i32
        %ne3A_97 = vector.broadcast %ne3A_96 : i32 to vector<16xi32>
        %ne3A_98 = arith.cmpi ne, %rem3A_95, %ne3A_97 : vector<16xi32>
        %and3A_99 = arith.andi %ne3A_94, %ne3A_98 : vector<16xi1>
        %sub3A = arith.constant 1 : i32
        %sub3A_100 = vector.broadcast %sub3A : i32 to vector<16xi32>
        %sub3A_101 = arith.subi %div3A_78, %sub3A_100 : vector<16xi32>
        %select_n3A = arith.select %and3A_99, %sub3A_101, %div3A_78 : vector<16xi1>, vector<16xi32>
        %mul3A_102 = arith.constant 200 : i32
        %mul3A_103 = vector.broadcast %mul3A_102 : i32 to vector<16xi32>
        %mul3A_104 = arith.muli %select_n3A, %mul3A_103 : vector<16xi32>
        %sub3A_105 = arith.subi %add3A_77, %mul3A_104 : vector<16xi32>
        %mul3A_106 = arith.constant 4 : i32
        %mul3A_107 = vector.broadcast %mul3A_106 : i32 to vector<16xi32>
        %mul3A_108 = arith.muli %sub3A_105, %mul3A_107 : vector<16xi32>
        %add3A_109 = arith.constant 0 : i32
        %add3A_110 = vector.broadcast %add3A_109 : i32 to vector<16xi32>
        %add3A_111 = arith.addi %mul3A_73, %add3A_110 : vector<16xi32>
        %gather3A = tpu.vector_load_idx %arg8[%add3A_77, %add3A_111] : memref<1600x16xf32, #tpu.memory_space<vmem>>[vector<16xi32>, vector<16xi32>], vector<16xf32>,
        %add3A_112 = arith.constant 0 : i32
        %add3A_113 = vector.broadcast %add3A_112 : i32 to vector<16xi32>
        %add3A_114 = arith.addi %mul3A_108, %add3A_113 : vector<16xi32>
        %add3A_115 = arith.constant 0 : i32
        %add3A_116 = vector.broadcast %add3A_115 : i32 to vector<16xi32>
        %add3A_117 = arith.addi %select_n3A, %add3A_116 : vector<16xi32>
        tpu.vector_store_idx %arg12[%add3A_114, %add3A_117], %gather3A : memref<800x16xf32, #tpu.memory_space<vmem>>[vector<16xi32>, vector<16xi32>], vector<16xf32>,
        %add3A_118 = arith.constant 1 : i32
        %add3A_119 = vector.broadcast %add3A_118 : i32 to vector<16xi32>
        %add3A_120 = arith.addi %mul3A_73, %add3A_119 : vector<16xi32>
        %gather3A_121 = tpu.vector_load_idx %arg8[%add3A_77, %add3A_120] : memref<1600x16xf32, #tpu.memory_space<vmem>>[vector<16xi32>, vector<16xi32>], vector<16xf32>,
        %add3A_122 = arith.constant 1 : i32
        %add3A_123 = vector.broadcast %add3A_122 : i32 to vector<16xi32>
        %add3A_124 = arith.addi %mul3A_108, %add3A_123 : vector<16xi32>
        %add3A_125 = arith.constant 0 : i32
        %add3A_126 = vector.broadcast %add3A_125 : i32 to vector<16xi32>
        %add3A_127 = arith.addi %select_n3A, %add3A_126 : vector<16xi32>
        tpu.vector_store_idx %arg12[%add3A_124, %add3A_127], %gather3A_121 : memref<800x16xf32, #tpu.memory_space<vmem>>[vector<16xi32>, vector<16xi32>], vector<16xf32>,
        %add3A_128 = arith.constant 2 : i32
        %add3A_129 = vector.broadcast %add3A_128 : i32 to vector<16xi32>
        %add3A_130 = arith.addi %mul3A_73, %add3A_129 : vector<16xi32>
        %gather3A_131 = tpu.vector_load_idx %arg8[%add3A_77, %add3A_130] : memref<1600x16xf32, #tpu.memory_space<vmem>>[vector<16xi32>, vector<16xi32>], vector<16xf32>,
        %add3A_132 = arith.constant 2 : i32
        %add3A_133 = vector.broadcast %add3A_132 : i32 to vector<16xi32>
        %add3A_134 = arith.addi %mul3A_108, %add3A_133 : vector<16xi32>
        %add3A_135 = arith.constant 0 : i32
        %add3A_136 = vector.broadcast %add3A_135 : i32 to vector<16xi32>
        %add3A_137 = arith.addi %select_n3A, %add3A_136 : vector<16xi32>
        tpu.vector_store_idx %arg12[%add3A_134, %add3A_137], %gather3A_131 : memref<800x16xf32, #tpu.memory_space<vmem>>[vector<16xi32>, vector<16xi32>], vector<16xf32>,
        %add3A_138 = arith.constant 3 : i32
        %add3A_139 = vector.broadcast %add3A_138 : i32 to vector<16xi32>
        %add3A_140 = arith.addi %mul3A_73, %add3A_139 : vector<16xi32>
        %gather3A_141 = tpu.vector_load_idx %arg8[%add3A_77, %add3A_140] : memref<1600x16xf32, #tpu.memory_space<vmem>>[vector<16xi32>, vector<16xi32>], vector<16xf32>,
        %add3A_142 = arith.constant 3 : i32
        %add3A_143 = vector.broadcast %add3A_142 : i32 to vector<16xi32>
        %add3A_144 = arith.addi %mul3A_108, %add3A_143 : vector<16xi32>
        %add3A_145 = arith.constant 0 : i32
        %add3A_146 = vector.broadcast %add3A_145 : i32 to vector<16xi32>
        %add3A_147 = arith.addi %select_n3A, %add3A_146 : vector<16xi32>
        tpu.vector_store_idx %arg12[%add3A_144, %add3A_147], %gather3A_141 : memref<800x16xf32, #tpu.memory_space<vmem>>[vector<16xi32>, vector<16xi32>], vector<16xf32>,
      }
      %scan3A_44 = arith.constant 100 : i32
      %add3A_45 = arith.constant 2 : i32
      %add3A_46 = arith.addi %mul3A_22, %add3A_45 : i32
      %lt3A = arith.constant 4 : i32
      %lt3A_47 = arith.cmpi slt, %add3A_46, %lt3A : i32
      %convert_element_type3A = arith.extui %lt3A_47 : i1 to i32
      %cond3A = arith.constant 0 : i32
      %cond3A_48 = arith.cmpi ne, %convert_element_type3A, %cond3A : i32
      scf.if %cond3A_48 {
        %add3A_65 = arith.constant 2 : i32
        %add3A_66 = arith.addi %mul3A_22, %add3A_65 : i32
        %mul3A_67 = arith.constant 1600 : i32
        %mul3A_68 = arith.muli %add3A_66, %mul3A_67 : i32
        %add3A_69 = arith.addi %add3A_4, %mul3A_68 : i32
        "tpu.region"() ({
          %run_scoped3A = tpu.sem_alloc : memref<!tpu.dma_semaphore, #tpu.memory_space<semaphore_mem>>
          %dma_start3A_79 = tpu.memref_slice %arg2[%add3A_69] : memref<819200xi32, #tpu.memory_space<hbm>> -> memref<1600xi32, #tpu.memory_space<hbm>>
          %dma_start3A_80 = tpu.memref_slice %arg2[%add3A_69] : memref<819200xi32, #tpu.memory_space<hbm>> -> memref<1600xi32, #tpu.memory_space<hbm>>
          tpu.enqueue_dma source(%dma_start3A_80 : memref<1600xi32, #tpu.memory_space<hbm>>) target(%arg6 : memref<1600xi32, #tpu.memory_space<vmem>>) target_semaphore(%run_scoped3A : memref<!tpu.dma_semaphore, #tpu.memory_space<semaphore_mem>>)
          %dma_wait3A_81 = tpu.memref_slice %arg2[%add3A_69] : memref<819200xi32, #tpu.memory_space<hbm>> -> memref<1600xi32, #tpu.memory_space<hbm>>
          %dma_wait3A_82 = tpu.memref_slice %arg2[%add3A_69] : memref<819200xi32, #tpu.memory_space<hbm>> -> memref<1600xi32, #tpu.memory_space<hbm>>
          tpu.wait_dma2 semaphore(%run_scoped3A : memref<!tpu.dma_semaphore, #tpu.memory_space<semaphore_mem>>) src(%dma_wait3A_82 : memref<1600xi32, #tpu.memory_space<hbm>>) dst(%arg6 : memref<1600xi32, #tpu.memory_space<vmem>>)
          tpu.yield
        }) : () -> ()
        %scan3A_70 = arith.constant 0 : i32
        %scan3A_71 = arith.constant 0 : i32
        %scan3A_72 = arith.constant 100 : i32
        %scan3A_73 = arith.addi %scan3A_71, %scan3A_72 : i32
        %scan3A_74 = arith.constant 1 : i32
        scf.for %scan3A_79 = %scan3A_71 to %scan3A_73 step %scan3A_74  : i32 {
          %mul3A_80 = arith.constant 16 : i32
          %mul3A_81 = arith.muli %scan3A_79, %mul3A_80 : i32
          %get3A = arith.index_cast %mul3A_81 : i32 to index
          %get3A_82 = tpu.vector_load %arg6[%get3A] {strides = array<i32>} : memref<1600xi32, #tpu.memory_space<vmem>>, vector<16xi32>,
          %shift_right_logical3A = arith.constant 2 : i32
          %shift_right_logical3A_83 = vector.broadcast %shift_right_logical3A : i32 to vector<16xi32>
          %shift_right_logical3A_84 = arith.shrui %get3A_82, %shift_right_logical3A_83 : vector<16xi32>
          %mul3A_85 = arith.constant 16 : i32
          %mul3A_86 = arith.muli %scan3A_79, %mul3A_85 : i32
          %swap3A = arith.index_cast %mul3A_86 : i32 to index
          %swap3A_87 = tpu.vector_load %arg7[%swap3A] {strides = array<i32>} : memref<1600xi32, #tpu.memory_space<vmem>>, vector<16xi32>,
          tpu.vector_store %arg7[%swap3A], %shift_right_logical3A_84 {strides = array<i32>} : memref<1600xi32, #tpu.memory_space<vmem>>, vector<16xi32>,
        }
        %scan3A_75 = arith.constant 100 : i32
        %dma_start3A_76 = arith.constant 0 : i32
        %dma_start3A_77 = arith.constant 0 : i32
        %dma_start3A_78 = tpu.memref_slice %arg3[%dma_start3A_76, %dma_start3A_77] : memref<250000x16xf32, #tpu.memory_space<hbm>> -> memref<250000x16xf32, #tpu.memory_space<hbm>>
        tpu.enqueue_indirect_dma source(%dma_start3A_78 : memref<250000x16xf32, #tpu.memory_space<hbm>>) target(%arg8 : memref<1600x16xf32, #tpu.memory_space<vmem>>) offsets(%arg7 : memref<1600xi32, #tpu.memory_space<vmem>>) semaphore(%arg13 : memref<!tpu.dma_semaphore, #tpu.memory_space<semaphore_mem>>)
      } else {
      }
      %dma_wait3A_49 = arith.constant 0 : i32
      %dma_wait3A_50 = arith.constant 0 : i32
      %dma_wait3A_51 = tpu.memref_slice %arg3[%dma_wait3A_49, %dma_wait3A_50] : memref<250000x16xf32, #tpu.memory_space<hbm>> -> memref<250000x16xf32, #tpu.memory_space<hbm>>
      tpu.wait_indirect_dma semaphore(%arg14 : memref<!tpu.dma_semaphore, #tpu.memory_space<semaphore_mem>>) src(%dma_wait3A_51 : memref<250000x16xf32, #tpu.memory_space<hbm>>) dst(%arg11 : memref<1600x16xf32, #tpu.memory_space<vmem>>)
      %scan3A_52 = arith.constant 0 : i32
      %scan3A_53 = arith.constant 0 : i32
      %scan3A_54 = arith.constant 100 : i32
      %scan3A_55 = arith.addi %scan3A_53, %scan3A_54 : i32
      %scan3A_56 = arith.constant 1 : i32
      scf.for %scan3A_65 = %scan3A_53 to %scan3A_55 step %scan3A_56  : i32 {
        %mul3A_66 = arith.constant 16 : i32
        %mul3A_67 = arith.muli %scan3A_65, %mul3A_66 : i32
        %get3A = arith.index_cast %mul3A_67 : i32 to index
        %get3A_68 = tpu.vector_load %arg9[%get3A] {strides = array<i32>} : memref<1600xi32, #tpu.memory_space<vmem>>, vector<16xi32>,
        %and3A = arith.constant 3 : i32
        %and3A_69 = vector.broadcast %and3A : i32 to vector<16xi32>
        %and3A_70 = arith.andi %get3A_68, %and3A_69 : vector<16xi32>
        %mul3A_71 = arith.constant 4 : i32
        %mul3A_72 = vector.broadcast %mul3A_71 : i32 to vector<16xi32>
        %mul3A_73 = arith.muli %and3A_70, %mul3A_72 : vector<16xi32>
        %mul3A_74 = arith.constant 16 : i32
        %mul3A_75 = arith.muli %scan3A_65, %mul3A_74 : i32
        %add3A_76 = vector.broadcast %mul3A_75 : i32 to vector<16xi32>
        %add3A_77 = arith.addi %add3A_76, %iota3A : vector<16xi32>
        %jit3A = arith.constant 200 : i32
        %div3A = vector.broadcast %jit3A : i32 to vector<16xi32>
        %div3A_78 = arith.divsi %add3A_77, %div3A : vector<16xi32>
        %sign3A = arith.constant 0 : i32
        %sign3A_79 = vector.broadcast %sign3A : i32 to vector<16xi32>
        %sign3A_80 = arith.cmpi sgt, %add3A_77, %sign3A_79 : vector<16xi32>
        %sign3A_81 = arith.extui %sign3A_80 : vector<16xi1> to vector<16xi32>
        %sign3A_82 = arith.constant 0 : i32
        %sign3A_83 = vector.broadcast %sign3A_82 : i32 to vector<16xi32>
        %sign3A_84 = arith.cmpi slt, %add3A_77, %sign3A_83 : vector<16xi32>
        %sign3A_85 = arith.extui %sign3A_84 : vector<16xi1> to vector<16xi32>
        %sign3A_86 = arith.subi %sign3A_81, %sign3A_85 : vector<16xi32>
        %sign3A_87 = arith.constant 0 : i32
        %sign3A_88 = arith.cmpi sgt, %jit3A, %sign3A_87 : i32
        %sign3A_89 = arith.extui %sign3A_88 : i1 to i32
        %sign3A_90 = arith.constant 0 : i32
        %sign3A_91 = arith.cmpi slt, %jit3A, %sign3A_90 : i32
        %sign3A_92 = arith.extui %sign3A_91 : i1 to i32
        %sign3A_93 = arith.subi %sign3A_89, %sign3A_92 : i32
        %ne3A = vector.broadcast %sign3A_93 : i32 to vector<16xi32>
        %ne3A_94 = arith.cmpi ne, %sign3A_86, %ne3A : vector<16xi32>
        %rem3A = vector.broadcast %jit3A : i32 to vector<16xi32>
        %rem3A_95 = arith.remsi %add3A_77, %rem3A : vector<16xi32>
        %ne3A_96 = arith.constant 0 : i32
        %ne3A_97 = vector.broadcast %ne3A_96 : i32 to vector<16xi32>
        %ne3A_98 = arith.cmpi ne, %rem3A_95, %ne3A_97 : vector<16xi32>
        %and3A_99 = arith.andi %ne3A_94, %ne3A_98 : vector<16xi1>
        %sub3A = arith.constant 1 : i32
        %sub3A_100 = vector.broadcast %sub3A : i32 to vector<16xi32>
        %sub3A_101 = arith.subi %div3A_78, %sub3A_100 : vector<16xi32>
        %select_n3A = arith.select %and3A_99, %sub3A_101, %div3A_78 : vector<16xi1>, vector<16xi32>
        %mul3A_102 = arith.constant 200 : i32
        %mul3A_103 = vector.broadcast %mul3A_102 : i32 to vector<16xi32>
        %mul3A_104 = arith.muli %select_n3A, %mul3A_103 : vector<16xi32>
        %sub3A_105 = arith.subi %add3A_77, %mul3A_104 : vector<16xi32>
        %mul3A_106 = arith.constant 4 : i32
        %mul3A_107 = vector.broadcast %mul3A_106 : i32 to vector<16xi32>
        %mul3A_108 = arith.muli %sub3A_105, %mul3A_107 : vector<16xi32>
        %add3A_109 = arith.constant 0 : i32
        %add3A_110 = vector.broadcast %add3A_109 : i32 to vector<16xi32>
        %add3A_111 = arith.addi %mul3A_73, %add3A_110 : vector<16xi32>
        %gather3A = tpu.vector_load_idx %arg11[%add3A_77, %add3A_111] : memref<1600x16xf32, #tpu.memory_space<vmem>>[vector<16xi32>, vector<16xi32>], vector<16xf32>,
        %add3A_112 = arith.constant 0 : i32
        %add3A_113 = vector.broadcast %add3A_112 : i32 to vector<16xi32>
        %add3A_114 = arith.addi %mul3A_108, %add3A_113 : vector<16xi32>
        %add3A_115 = arith.constant 8 : i32
        %add3A_116 = vector.broadcast %add3A_115 : i32 to vector<16xi32>
        %add3A_117 = arith.addi %select_n3A, %add3A_116 : vector<16xi32>
        tpu.vector_store_idx %arg12[%add3A_114, %add3A_117], %gather3A : memref<800x16xf32, #tpu.memory_space<vmem>>[vector<16xi32>, vector<16xi32>], vector<16xf32>,
        %add3A_118 = arith.constant 1 : i32
        %add3A_119 = vector.broadcast %add3A_118 : i32 to vector<16xi32>
        %add3A_120 = arith.addi %mul3A_73, %add3A_119 : vector<16xi32>
        %gather3A_121 = tpu.vector_load_idx %arg11[%add3A_77, %add3A_120] : memref<1600x16xf32, #tpu.memory_space<vmem>>[vector<16xi32>, vector<16xi32>], vector<16xf32>,
        %add3A_122 = arith.constant 1 : i32
        %add3A_123 = vector.broadcast %add3A_122 : i32 to vector<16xi32>
        %add3A_124 = arith.addi %mul3A_108, %add3A_123 : vector<16xi32>
        %add3A_125 = arith.constant 8 : i32
        %add3A_126 = vector.broadcast %add3A_125 : i32 to vector<16xi32>
        %add3A_127 = arith.addi %select_n3A, %add3A_126 : vector<16xi32>
        tpu.vector_store_idx %arg12[%add3A_124, %add3A_127], %gather3A_121 : memref<800x16xf32, #tpu.memory_space<vmem>>[vector<16xi32>, vector<16xi32>], vector<16xf32>,
        %add3A_128 = arith.constant 2 : i32
        %add3A_129 = vector.broadcast %add3A_128 : i32 to vector<16xi32>
        %add3A_130 = arith.addi %mul3A_73, %add3A_129 : vector<16xi32>
        %gather3A_131 = tpu.vector_load_idx %arg11[%add3A_77, %add3A_130] : memref<1600x16xf32, #tpu.memory_space<vmem>>[vector<16xi32>, vector<16xi32>], vector<16xf32>,
        %add3A_132 = arith.constant 2 : i32
        %add3A_133 = vector.broadcast %add3A_132 : i32 to vector<16xi32>
        %add3A_134 = arith.addi %mul3A_108, %add3A_133 : vector<16xi32>
        %add3A_135 = arith.constant 8 : i32
        %add3A_136 = vector.broadcast %add3A_135 : i32 to vector<16xi32>
        %add3A_137 = arith.addi %select_n3A, %add3A_136 : vector<16xi32>
        tpu.vector_store_idx %arg12[%add3A_134, %add3A_137], %gather3A_131 : memref<800x16xf32, #tpu.memory_space<vmem>>[vector<16xi32>, vector<16xi32>], vector<16xf32>,
        %add3A_138 = arith.constant 3 : i32
        %add3A_139 = vector.broadcast %add3A_138 : i32 to vector<16xi32>
        %add3A_140 = arith.addi %mul3A_73, %add3A_139 : vector<16xi32>
        %gather3A_141 = tpu.vector_load_idx %arg11[%add3A_77, %add3A_140] : memref<1600x16xf32, #tpu.memory_space<vmem>>[vector<16xi32>, vector<16xi32>], vector<16xf32>,
        %add3A_142 = arith.constant 3 : i32
        %add3A_143 = vector.broadcast %add3A_142 : i32 to vector<16xi32>
        %add3A_144 = arith.addi %mul3A_108, %add3A_143 : vector<16xi32>
        %add3A_145 = arith.constant 8 : i32
        %add3A_146 = vector.broadcast %add3A_145 : i32 to vector<16xi32>
        %add3A_147 = arith.addi %select_n3A, %add3A_146 : vector<16xi32>
        tpu.vector_store_idx %arg12[%add3A_144, %add3A_147], %gather3A_141 : memref<800x16xf32, #tpu.memory_space<vmem>>[vector<16xi32>, vector<16xi32>], vector<16xf32>,
      }
      %scan3A_57 = arith.constant 100 : i32
      %mul3A_58 = arith.constant 32 : i32
      %mul3A_59 = arith.muli %add3A, %mul3A_58 : i32
      %mul3A_60 = arith.constant 2 : i32
      %mul3A_61 = arith.muli %scan3A_20, %mul3A_60 : i32
      %mul3A_62 = arith.constant 8 : i32
      %mul3A_63 = arith.muli %mul3A_61, %mul3A_62 : i32
      %add3A_64 = arith.addi %mul3A_59, %mul3A_63 : i32
      "tpu.region"() ({
        %run_scoped3A = tpu.sem_alloc : memref<!tpu.dma_semaphore, #tpu.memory_space<semaphore_mem>>
        %dma_start3A_65 = arith.constant 0 : i32
        %dma_start3A_66 = tpu.memref_slice %arg5[%dma_start3A_65, %add3A_64] : memref<800x1024xf32, #tpu.memory_space<hbm>> -> memref<800x16xf32, #tpu.memory_space<hbm>>
        %dma_start3A_67 = arith.constant 0 : i32
        %dma_start3A_68 = tpu.memref_slice %arg5[%dma_start3A_67, %add3A_64] : memref<800x1024xf32, #tpu.memory_space<hbm>> -> memref<800x16xf32, #tpu.memory_space<hbm>>
        tpu.enqueue_dma source(%arg12 : memref<800x16xf32, #tpu.memory_space<vmem>>) target(%dma_start3A_68 : memref<800x16xf32, #tpu.memory_space<hbm>>) target_semaphore(%run_scoped3A : memref<!tpu.dma_semaphore, #tpu.memory_space<semaphore_mem>>)
        %dma_wait3A_69 = arith.constant 0 : i32
        %dma_wait3A_70 = tpu.memref_slice %arg5[%dma_wait3A_69, %add3A_64] : memref<800x1024xf32, #tpu.memory_space<hbm>> -> memref<800x16xf32, #tpu.memory_space<hbm>>
        %dma_wait3A_71 = arith.constant 0 : i32
        %dma_wait3A_72 = tpu.memref_slice %arg5[%dma_wait3A_71, %add3A_64] : memref<800x1024xf32, #tpu.memory_space<hbm>> -> memref<800x16xf32, #tpu.memory_space<hbm>>
        tpu.wait_dma2 semaphore(%run_scoped3A : memref<!tpu.dma_semaphore, #tpu.memory_space<semaphore_mem>>) src(%arg12 : memref<800x16xf32, #tpu.memory_space<vmem>>) dst(%dma_wait3A_72 : memref<800x16xf32, #tpu.memory_space<hbm>>)
        tpu.yield
      }) : () -> ()
    }
    %scan3A_19 = arith.constant 2 : i32
    return
  }
}

module attributes {stable_mosaic.version = 14 : i64} {
  func.func @_poly_body(%arg0: i32, %arg1: i32, %arg2: memref<32x1024xf32, #tpu.memory_space<vmem>>, %arg3: memref<256x128xf32, #tpu.memory_space<vmem>>, %arg4: memref<256x1xf32, #tpu.memory_space<vmem>>, %arg5: memref<8x32x1024xf32, #tpu.memory_space<vmem>>) attributes {dimension_semantics = [#tpu.dimension_semantics<arbitrary>, #tpu.dimension_semantics<arbitrary>], iteration_bounds = array<i64: 25, 1>, scalar_prefetch = 0 : i64, scratch_operands = 0 : i64, tpu.core_type = #tpu.core_type<tc>, window_params = [{transform_indices = @transform_0, window_bounds = array<i64: 32, 1024>}, {pipeline_mode = #tpu.pipeline_mode<synchronous>, transform_indices = @transform_1, window_bounds = array<i64: 256, 128>}, {pipeline_mode = #tpu.pipeline_mode<synchronous>, transform_indices = @transform_2, window_bounds = array<i64: 256, 1>}, {transform_indices = @transform_3, window_bounds = array<i64: 8, 32, 1024>}]} {
    %get3A = arith.constant 0 : index
    %get3A_0 = arith.constant 0 : index
    %get3A_1 = vector.load %arg2[%get3A, %get3A_0] : memref<32x1024xf32, #tpu.memory_space<vmem>>, vector<32x1024xf32>
    %lt3A = arith.constant 0.000000e+00 : f32
    %lt3A_2 = vector.broadcast %lt3A : f32 to vector<32x1024xf32>
    %lt3A_3 = arith.cmpf olt, %get3A_1, %lt3A_2 : vector<32x1024xf32>
    %ceil3A = math.ceil %get3A_1 : vector<32x1024xf32>
    %floor3A = math.floor %get3A_1 : vector<32x1024xf32>
    %select_n3A = arith.select %lt3A_3, %ceil3A, %floor3A : vector<32x1024xi1>, vector<32x1024xf32>
    %jit3A = arith.constant -1.280000e+02 : f32
    %jit3A_4 = arith.constant 1.270000e+02 : f32
    %max3A = vector.broadcast %jit3A : f32 to vector<32x1024xf32>
    %max3A_5 = arith.maximumf %max3A, %select_n3A : vector<32x1024xf32>
    %min3A = vector.broadcast %jit3A_4 : f32 to vector<32x1024xf32>
    %min3A_6 = arith.minimumf %min3A, %max3A_5 : vector<32x1024xf32>
    %mul3A = arith.mulf %min3A_6, %min3A_6 : vector<32x1024xf32>
    %mul3A_7 = arith.mulf %mul3A, %min3A_6 : vector<32x1024xf32>
    %mul3A_8 = arith.mulf %mul3A, %mul3A : vector<32x1024xf32>
    %concatenate3A = tpu.concatenate %min3A_6, %mul3A, %mul3A_7, %mul3A_8 in 0 : vector<32x1024xf32>, vector<32x1024xf32>, vector<32x1024xf32>, vector<32x1024xf32> -> vector<128x1024xf32>
    %get3A_9 = arith.constant 0 : index
    %get3A_10 = arith.constant 0 : index
    %get3A_11 = vector.load %arg3[%get3A_9, %get3A_10] : memref<256x128xf32, #tpu.memory_space<vmem>>, vector<256x128xf32>
    %dot_general3A = arith.constant dense<0.000000e+00> : vector<256x1024xf32>
    %dot_general3A_12 = tpu.matmul %get3A_11, %concatenate3A, %dot_general3A {dimension_numbers = #tpu.dot_dimension_numbers<[1], [0], [0], [1], [0, 0, 1, 1], [], []>, transpose_lhs_hint = false} : vector<256x128xf32>, vector<128x1024xf32>, vector<256x1024xf32> -> vector<256x1024xf32>
    %get3A_13 = arith.constant 0 : index
    %get3A_14 = arith.constant 0 : index
    %get3A_15 = vector.load %arg4[%get3A_13, %get3A_14] : memref<256x1xf32, #tpu.memory_space<vmem>>, vector<256x1xf32>
    %add3A = vector.broadcast %get3A_15 : vector<256x1xf32> to vector<256x1024xf32>
    %add3A_16 = arith.addf %dot_general3A_12, %add3A : vector<256x1024xf32>
    %reshape3A = vector.shape_cast %add3A_16 : vector<256x1024xf32> to vector<8x32x1024xf32>
    %swap3A = arith.constant 0 : index
    %swap3A_17 = arith.constant 0 : index
    %swap3A_18 = arith.constant 0 : index
    %swap3A_19 = vector.load %arg5[%swap3A, %swap3A_17, %swap3A_18] : memref<8x32x1024xf32, #tpu.memory_space<vmem>>, vector<8x32x1024xf32>
    tpu.vector_store %arg5[%swap3A, %swap3A_17, %swap3A_18], %reshape3A {strides = array<i32>} : memref<8x32x1024xf32, #tpu.memory_space<vmem>>, vector<8x32x1024xf32>,
    return
  }
  func.func @transform_0(%arg0: i32, %arg1: i32) -> (i32, i32) {
    %c0_i32 = arith.constant 0 : i32
    return %arg0, %arg1 : i32, i32
  }
  func.func @transform_1(%arg0: i32, %arg1: i32) -> (i32, i32) {
    %c0_i32 = arith.constant 0 : i32
    %c0_i32_0 = arith.constant 0 : i32
    %c0_i32_1 = arith.constant 0 : i32
    return %c0_i32, %c0_i32_0 : i32, i32
  }
  func.func @transform_2(%arg0: i32, %arg1: i32) -> (i32, i32) {
    %c0_i32 = arith.constant 0 : i32
    %c0_i32_0 = arith.constant 0 : i32
    %c0_i32_1 = arith.constant 0 : i32
    return %c0_i32, %c0_i32_0 : i32, i32
  }
  func.func @transform_3(%arg0: i32, %arg1: i32) -> (i32, i32, i32) {
    %add3A = arith.constant 0 : i32
    %add3A_0 = arith.addi %arg1, %add3A : i32
    %c0_i32 = arith.constant 0 : i32
    %c0_i32_1 = arith.constant 0 : i32
    return %arg0, %c0_i32, %add3A_0 : i32, i32, i32
  }
}

module attributes {stable_mosaic.version = 14 : i64} {
  func.func @_poly_body_acc(%arg0: i32, %arg1: i32, %arg2: memref<200x32x4096xf32, #tpu.memory_space<hbm>>, %arg3: memref<32x1024xf32, #tpu.memory_space<vmem>>, %arg4: memref<256x128xf32, #tpu.memory_space<vmem>>, %arg5: memref<256x1xf32, #tpu.memory_space<vmem>>, %arg6: memref<8x32x1024xf32, #tpu.memory_space<vmem>>) attributes {dimension_semantics = [#tpu.dimension_semantics<arbitrary>, #tpu.dimension_semantics<arbitrary>], iteration_bounds = array<i64: 25, 1>, scalar_prefetch = 0 : i64, scratch_operands = 0 : i64, tpu.core_type = #tpu.core_type<tc>, window_params = [{}, {transform_indices = @transform_1, window_bounds = array<i64: 32, 1024>}, {pipeline_mode = #tpu.pipeline_mode<synchronous>, transform_indices = @transform_2, window_bounds = array<i64: 256, 128>}, {pipeline_mode = #tpu.pipeline_mode<synchronous>, transform_indices = @transform_3, window_bounds = array<i64: 256, 1>}, {transform_indices = @transform_4, window_bounds = array<i64: 8, 32, 1024>}]} {
    %get3A = arith.constant 0 : index
    %get3A_0 = arith.constant 0 : index
    %get3A_1 = vector.load %arg3[%get3A, %get3A_0] : memref<32x1024xf32, #tpu.memory_space<vmem>>, vector<32x1024xf32>
    %lt3A = arith.constant 0.000000e+00 : f32
    %lt3A_2 = vector.broadcast %lt3A : f32 to vector<32x1024xf32>
    %lt3A_3 = arith.cmpf olt, %get3A_1, %lt3A_2 : vector<32x1024xf32>
    %ceil3A = math.ceil %get3A_1 : vector<32x1024xf32>
    %floor3A = math.floor %get3A_1 : vector<32x1024xf32>
    %select_n3A = arith.select %lt3A_3, %ceil3A, %floor3A : vector<32x1024xi1>, vector<32x1024xf32>
    %jit3A = arith.constant -1.280000e+02 : f32
    %jit3A_4 = arith.constant 1.270000e+02 : f32
    %max3A = vector.broadcast %jit3A : f32 to vector<32x1024xf32>
    %max3A_5 = arith.maximumf %max3A, %select_n3A : vector<32x1024xf32>
    %min3A = vector.broadcast %jit3A_4 : f32 to vector<32x1024xf32>
    %min3A_6 = arith.minimumf %min3A, %max3A_5 : vector<32x1024xf32>
    %mul3A = arith.mulf %min3A_6, %min3A_6 : vector<32x1024xf32>
    %mul3A_7 = arith.mulf %mul3A, %min3A_6 : vector<32x1024xf32>
    %mul3A_8 = arith.mulf %mul3A, %mul3A : vector<32x1024xf32>
    %concatenate3A = tpu.concatenate %min3A_6, %mul3A, %mul3A_7, %mul3A_8 in 0 : vector<32x1024xf32>, vector<32x1024xf32>, vector<32x1024xf32>, vector<32x1024xf32> -> vector<128x1024xf32>
    %get3A_9 = arith.constant 0 : index
    %get3A_10 = arith.constant 0 : index
    %get3A_11 = vector.load %arg4[%get3A_9, %get3A_10] : memref<256x128xf32, #tpu.memory_space<vmem>>, vector<256x128xf32>
    %dot_general3A = arith.constant dense<0.000000e+00> : vector<256x1024xf32>
    %dot_general3A_12 = tpu.matmul %get3A_11, %concatenate3A, %dot_general3A {dimension_numbers = #tpu.dot_dimension_numbers<[1], [0], [0], [1], [0, 0, 1, 1], [], []>, transpose_lhs_hint = false} : vector<256x128xf32>, vector<128x1024xf32>, vector<256x1024xf32> -> vector<256x1024xf32>
    %get3A_13 = arith.constant 0 : index
    %get3A_14 = arith.constant 0 : index
    %get3A_15 = vector.load %arg5[%get3A_13, %get3A_14] : memref<256x1xf32, #tpu.memory_space<vmem>>, vector<256x1xf32>
    %add3A = vector.broadcast %get3A_15 : vector<256x1xf32> to vector<256x1024xf32>
    %add3A_16 = arith.addf %dot_general3A_12, %add3A : vector<256x1024xf32>
    %reshape3A = vector.shape_cast %add3A_16 : vector<256x1024xf32> to vector<8x32x1024xf32>
    %swap3A = arith.constant 0 : index
    %swap3A_17 = arith.constant 0 : index
    %swap3A_18 = arith.constant 0 : index
    %swap3A_19 = vector.load %arg6[%swap3A, %swap3A_17, %swap3A_18] : memref<8x32x1024xf32, #tpu.memory_space<vmem>>, vector<8x32x1024xf32>
    tpu.vector_store %arg6[%swap3A, %swap3A_17, %swap3A_18], %reshape3A {strides = array<i32>} : memref<8x32x1024xf32, #tpu.memory_space<vmem>>, vector<8x32x1024xf32>,
    return
  }
  func.func @transform_1(%arg0: i32, %arg1: i32) -> (i32, i32) {
    %c0_i32 = arith.constant 0 : i32
    return %arg0, %arg1 : i32, i32
  }
  func.func @transform_2(%arg0: i32, %arg1: i32) -> (i32, i32) {
    %c0_i32 = arith.constant 0 : i32
    %c0_i32_0 = arith.constant 0 : i32
    %c0_i32_1 = arith.constant 0 : i32
    return %c0_i32, %c0_i32_0 : i32, i32
  }
  func.func @transform_3(%arg0: i32, %arg1: i32) -> (i32, i32) {
    %c0_i32 = arith.constant 0 : i32
    %c0_i32_0 = arith.constant 0 : i32
    %c0_i32_1 = arith.constant 0 : i32
    return %c0_i32, %c0_i32_0 : i32, i32
  }
  func.func @transform_4(%arg0: i32, %arg1: i32) -> (i32, i32, i32) {
    %add3A = arith.constant 1 : i32
    %add3A_0 = arith.addi %arg1, %add3A : i32
    %c0_i32 = arith.constant 0 : i32
    %c0_i32_1 = arith.constant 0 : i32
    return %arg0, %c0_i32, %add3A_0 : i32, i32, i32
  }
}

module attributes {stable_mosaic.version = 14 : i64} {
  func.func @_poly_body_acc(%arg0: i32, %arg1: i32, %arg2: memref<200x32x4096xf32, #tpu.memory_space<hbm>>, %arg3: memref<32x1024xf32, #tpu.memory_space<vmem>>, %arg4: memref<256x128xf32, #tpu.memory_space<vmem>>, %arg5: memref<256x1xf32, #tpu.memory_space<vmem>>, %arg6: memref<8x32x1024xf32, #tpu.memory_space<vmem>>) attributes {dimension_semantics = [#tpu.dimension_semantics<arbitrary>, #tpu.dimension_semantics<arbitrary>], iteration_bounds = array<i64: 25, 1>, scalar_prefetch = 0 : i64, scratch_operands = 0 : i64, tpu.core_type = #tpu.core_type<tc>, window_params = [{}, {transform_indices = @transform_1, window_bounds = array<i64: 32, 1024>}, {pipeline_mode = #tpu.pipeline_mode<synchronous>, transform_indices = @transform_2, window_bounds = array<i64: 256, 128>}, {pipeline_mode = #tpu.pipeline_mode<synchronous>, transform_indices = @transform_3, window_bounds = array<i64: 256, 1>}, {transform_indices = @transform_4, window_bounds = array<i64: 8, 32, 1024>}]} {
    %get3A = arith.constant 0 : index
    %get3A_0 = arith.constant 0 : index
    %get3A_1 = vector.load %arg3[%get3A, %get3A_0] : memref<32x1024xf32, #tpu.memory_space<vmem>>, vector<32x1024xf32>
    %lt3A = arith.constant 0.000000e+00 : f32
    %lt3A_2 = vector.broadcast %lt3A : f32 to vector<32x1024xf32>
    %lt3A_3 = arith.cmpf olt, %get3A_1, %lt3A_2 : vector<32x1024xf32>
    %ceil3A = math.ceil %get3A_1 : vector<32x1024xf32>
    %floor3A = math.floor %get3A_1 : vector<32x1024xf32>
    %select_n3A = arith.select %lt3A_3, %ceil3A, %floor3A : vector<32x1024xi1>, vector<32x1024xf32>
    %jit3A = arith.constant -1.280000e+02 : f32
    %jit3A_4 = arith.constant 1.270000e+02 : f32
    %max3A = vector.broadcast %jit3A : f32 to vector<32x1024xf32>
    %max3A_5 = arith.maximumf %max3A, %select_n3A : vector<32x1024xf32>
    %min3A = vector.broadcast %jit3A_4 : f32 to vector<32x1024xf32>
    %min3A_6 = arith.minimumf %min3A, %max3A_5 : vector<32x1024xf32>
    %mul3A = arith.mulf %min3A_6, %min3A_6 : vector<32x1024xf32>
    %mul3A_7 = arith.mulf %mul3A, %min3A_6 : vector<32x1024xf32>
    %mul3A_8 = arith.mulf %mul3A, %mul3A : vector<32x1024xf32>
    %concatenate3A = tpu.concatenate %min3A_6, %mul3A, %mul3A_7, %mul3A_8 in 0 : vector<32x1024xf32>, vector<32x1024xf32>, vector<32x1024xf32>, vector<32x1024xf32> -> vector<128x1024xf32>
    %get3A_9 = arith.constant 0 : index
    %get3A_10 = arith.constant 0 : index
    %get3A_11 = vector.load %arg4[%get3A_9, %get3A_10] : memref<256x128xf32, #tpu.memory_space<vmem>>, vector<256x128xf32>
    %dot_general3A = arith.constant dense<0.000000e+00> : vector<256x1024xf32>
    %dot_general3A_12 = tpu.matmul %get3A_11, %concatenate3A, %dot_general3A {dimension_numbers = #tpu.dot_dimension_numbers<[1], [0], [0], [1], [0, 0, 1, 1], [], []>, transpose_lhs_hint = false} : vector<256x128xf32>, vector<128x1024xf32>, vector<256x1024xf32> -> vector<256x1024xf32>
    %get3A_13 = arith.constant 0 : index
    %get3A_14 = arith.constant 0 : index
    %get3A_15 = vector.load %arg5[%get3A_13, %get3A_14] : memref<256x1xf32, #tpu.memory_space<vmem>>, vector<256x1xf32>
    %add3A = vector.broadcast %get3A_15 : vector<256x1xf32> to vector<256x1024xf32>
    %add3A_16 = arith.addf %dot_general3A_12, %add3A : vector<256x1024xf32>
    %reshape3A = vector.shape_cast %add3A_16 : vector<256x1024xf32> to vector<8x32x1024xf32>
    %swap3A = arith.constant 0 : index
    %swap3A_17 = arith.constant 0 : index
    %swap3A_18 = arith.constant 0 : index
    %swap3A_19 = vector.load %arg6[%swap3A, %swap3A_17, %swap3A_18] : memref<8x32x1024xf32, #tpu.memory_space<vmem>>, vector<8x32x1024xf32>
    tpu.vector_store %arg6[%swap3A, %swap3A_17, %swap3A_18], %reshape3A {strides = array<i32>} : memref<8x32x1024xf32, #tpu.memory_space<vmem>>, vector<8x32x1024xf32>,
    return
  }
  func.func @transform_1(%arg0: i32, %arg1: i32) -> (i32, i32) {
    %c0_i32 = arith.constant 0 : i32
    return %arg0, %arg1 : i32, i32
  }
  func.func @transform_2(%arg0: i32, %arg1: i32) -> (i32, i32) {
    %c0_i32 = arith.constant 0 : i32
    %c0_i32_0 = arith.constant 0 : i32
    %c0_i32_1 = arith.constant 0 : i32
    return %c0_i32, %c0_i32_0 : i32, i32
  }
  func.func @transform_3(%arg0: i32, %arg1: i32) -> (i32, i32) {
    %c0_i32 = arith.constant 0 : i32
    %c0_i32_0 = arith.constant 0 : i32
    %c0_i32_1 = arith.constant 0 : i32
    return %c0_i32, %c0_i32_0 : i32, i32
  }
  func.func @transform_4(%arg0: i32, %arg1: i32) -> (i32, i32, i32) {
    %add3A = arith.constant 2 : i32
    %add3A_0 = arith.addi %arg1, %add3A : i32
    %c0_i32 = arith.constant 0 : i32
    %c0_i32_1 = arith.constant 0 : i32
    return %arg0, %c0_i32, %add3A_0 : i32, i32, i32
  }
}

module attributes {stable_mosaic.version = 14 : i64} {
  func.func @_poly_body_acc(%arg0: i32, %arg1: i32, %arg2: memref<200x32x4096xf32, #tpu.memory_space<hbm>>, %arg3: memref<32x1024xf32, #tpu.memory_space<vmem>>, %arg4: memref<256x128xf32, #tpu.memory_space<vmem>>, %arg5: memref<256x1xf32, #tpu.memory_space<vmem>>, %arg6: memref<8x32x1024xf32, #tpu.memory_space<vmem>>) attributes {dimension_semantics = [#tpu.dimension_semantics<arbitrary>, #tpu.dimension_semantics<arbitrary>], iteration_bounds = array<i64: 25, 1>, scalar_prefetch = 0 : i64, scratch_operands = 0 : i64, tpu.core_type = #tpu.core_type<tc>, window_params = [{}, {transform_indices = @transform_1, window_bounds = array<i64: 32, 1024>}, {pipeline_mode = #tpu.pipeline_mode<synchronous>, transform_indices = @transform_2, window_bounds = array<i64: 256, 128>}, {pipeline_mode = #tpu.pipeline_mode<synchronous>, transform_indices = @transform_3, window_bounds = array<i64: 256, 1>}, {transform_indices = @transform_4, window_bounds = array<i64: 8, 32, 1024>}]} {
    %get3A = arith.constant 0 : index
    %get3A_0 = arith.constant 0 : index
    %get3A_1 = vector.load %arg3[%get3A, %get3A_0] : memref<32x1024xf32, #tpu.memory_space<vmem>>, vector<32x1024xf32>
    %lt3A = arith.constant 0.000000e+00 : f32
    %lt3A_2 = vector.broadcast %lt3A : f32 to vector<32x1024xf32>
    %lt3A_3 = arith.cmpf olt, %get3A_1, %lt3A_2 : vector<32x1024xf32>
    %ceil3A = math.ceil %get3A_1 : vector<32x1024xf32>
    %floor3A = math.floor %get3A_1 : vector<32x1024xf32>
    %select_n3A = arith.select %lt3A_3, %ceil3A, %floor3A : vector<32x1024xi1>, vector<32x1024xf32>
    %jit3A = arith.constant -1.280000e+02 : f32
    %jit3A_4 = arith.constant 1.270000e+02 : f32
    %max3A = vector.broadcast %jit3A : f32 to vector<32x1024xf32>
    %max3A_5 = arith.maximumf %max3A, %select_n3A : vector<32x1024xf32>
    %min3A = vector.broadcast %jit3A_4 : f32 to vector<32x1024xf32>
    %min3A_6 = arith.minimumf %min3A, %max3A_5 : vector<32x1024xf32>
    %mul3A = arith.mulf %min3A_6, %min3A_6 : vector<32x1024xf32>
    %mul3A_7 = arith.mulf %mul3A, %min3A_6 : vector<32x1024xf32>
    %mul3A_8 = arith.mulf %mul3A, %mul3A : vector<32x1024xf32>
    %concatenate3A = tpu.concatenate %min3A_6, %mul3A, %mul3A_7, %mul3A_8 in 0 : vector<32x1024xf32>, vector<32x1024xf32>, vector<32x1024xf32>, vector<32x1024xf32> -> vector<128x1024xf32>
    %get3A_9 = arith.constant 0 : index
    %get3A_10 = arith.constant 0 : index
    %get3A_11 = vector.load %arg4[%get3A_9, %get3A_10] : memref<256x128xf32, #tpu.memory_space<vmem>>, vector<256x128xf32>
    %dot_general3A = arith.constant dense<0.000000e+00> : vector<256x1024xf32>
    %dot_general3A_12 = tpu.matmul %get3A_11, %concatenate3A, %dot_general3A {dimension_numbers = #tpu.dot_dimension_numbers<[1], [0], [0], [1], [0, 0, 1, 1], [], []>, transpose_lhs_hint = false} : vector<256x128xf32>, vector<128x1024xf32>, vector<256x1024xf32> -> vector<256x1024xf32>
    %get3A_13 = arith.constant 0 : index
    %get3A_14 = arith.constant 0 : index
    %get3A_15 = vector.load %arg5[%get3A_13, %get3A_14] : memref<256x1xf32, #tpu.memory_space<vmem>>, vector<256x1xf32>
    %add3A = vector.broadcast %get3A_15 : vector<256x1xf32> to vector<256x1024xf32>
    %add3A_16 = arith.addf %dot_general3A_12, %add3A : vector<256x1024xf32>
    %reshape3A = vector.shape_cast %add3A_16 : vector<256x1024xf32> to vector<8x32x1024xf32>
    %swap3A = arith.constant 0 : index
    %swap3A_17 = arith.constant 0 : index
    %swap3A_18 = arith.constant 0 : index
    %swap3A_19 = vector.load %arg6[%swap3A, %swap3A_17, %swap3A_18] : memref<8x32x1024xf32, #tpu.memory_space<vmem>>, vector<8x32x1024xf32>
    tpu.vector_store %arg6[%swap3A, %swap3A_17, %swap3A_18], %reshape3A {strides = array<i32>} : memref<8x32x1024xf32, #tpu.memory_space<vmem>>, vector<8x32x1024xf32>,
    return
  }
  func.func @transform_1(%arg0: i32, %arg1: i32) -> (i32, i32) {
    %c0_i32 = arith.constant 0 : i32
    return %arg0, %arg1 : i32, i32
  }
  func.func @transform_2(%arg0: i32, %arg1: i32) -> (i32, i32) {
    %c0_i32 = arith.constant 0 : i32
    %c0_i32_0 = arith.constant 0 : i32
    %c0_i32_1 = arith.constant 0 : i32
    return %c0_i32, %c0_i32_0 : i32, i32
  }
  func.func @transform_3(%arg0: i32, %arg1: i32) -> (i32, i32) {
    %c0_i32 = arith.constant 0 : i32
    %c0_i32_0 = arith.constant 0 : i32
    %c0_i32_1 = arith.constant 0 : i32
    return %c0_i32, %c0_i32_0 : i32, i32
  }
  func.func @transform_4(%arg0: i32, %arg1: i32) -> (i32, i32, i32) {
    %add3A = arith.constant 3 : i32
    %add3A_0 = arith.addi %arg1, %add3A : i32
    %c0_i32 = arith.constant 0 : i32
    %c0_i32_1 = arith.constant 0 : i32
    return %arg0, %c0_i32, %add3A_0 : i32, i32, i32
  }
}

</mosaic_0001>

<sc_bundles>
// kernel: kernel.11.cloned.1.call-start
scs
__scs_entry_jumppad:
0x0: {  	(pc) =	sbr.rel $0x88, $3  }
0x1: {  	(tag) =	ssettag $0x0;
	lr =	simm.s32 $0x1  }
0x2: {  	[smem:$0x3F9E] =	sst lr;
	_ =	strace $0xD0000000  }
0x3: {  	_ = 	snop  }
0x4: {  	_ = 	snop  }
0x5: {  	_ = 	snop  }
0x6: {  	_ = 	snop  }
0x7: {  	_ = 	snop  }
__scs_overlays_trampoline_lowered:
0x8: {  	[smem:$0x3FAD] =	sst s0  }
0x9: {  	[smem:$0x3FAE] =	sst s1  }
0xa: {  	[smem:$0x3FAF] =	sst s2  }
0xb: {  	[smem:$0x3FB0] =	sst s3  }
0xc: {  	[smem:$0x3FB1] =	sst s4  }
0xd: {  	[smem:$0x3FB2] =	sst s5  }
0xe: {  	[smem:$0x3FB3] =	sst s6  }
0xf: {  	[smem:$0x3FB4] =	sst s7  }
0x10: {  	[smem:$0x3FB5] =	sst s8  }
0x11: {  	[smem:$0x3FB6] =	sst s9;
	s0 =	simm.s32 @!p0 $0x0  }
0x12: {  	s1 =	sld [smem:$0x3F9C];
	s0 =	simm.s32 @p0 $0x1  }
0x13: {  	[smem:$0x3FB7] =	sst s0;
	s0 =	simm.s32 @!p1 $0x0  }
0x14: {  	s2 =	sld [smem:$0x3F9B];
	s0 =	simm.s32 @p1 $0x1  }
0x15: {  	[smem:$0x3FB8] =	sst s0;
	s0 =	simm.s32 @!p2 $0x0  }
0x16: {  	s3 =	sld [smem:$0x3FDB];
	s0 =	simm.s32 @p2 $0x1  }
0x17: {  	s4 =	simm.s32 $0x1BF5;
	[smem:$0x3FBA] =	sst s0  }
0x18: {  	s0 =	sld [smem:$0x3F9D];
	_ =	swait.ge [sflag:s4], $0x0  }
0x19: {  	s7 =	sld [smem:$0x3F9E]  }
0x1a: {  	s8 =	sadd.s32 $0xFFFFE003, lr  }
0x1b: {  	s9 =	sadd.s32 $0xFFFFFEF7, lr;
	s5 =	simm.s32 $0xFFFFFFFF;
	p2 =	slt.u32 s8, $0xFFFFF086  }
0x1c: {  	p1 =	slt.u32 s9, $0xF7A;
	s5 =	simm.s32 @!p2 $0x0  }
0x1d: {  	s5 =	simm.s32 @p1 $0x1;
	p0 =	seq.s32 s7, s2  }
0x1e: {  	s7 =	smul.u32 @!p0 $0xF7A, s2;
	p2 =	seq.s32 @!p0 s5, $0x0  }
0x1f: {  	s9 =	smul.u32 $0xF7A, s1;
	s8 =	simm.s32 @!p0 $0x1BF5;
	p2 =	por !p2, p0  }
0x20: {  	[sflag:s8] =	ssyncset.s32 @!p0 $0xFFFFF086;
	s6 =	sadd.s32 @!p0 s3, s7;
	s7 =	simm.s32 @!p0 $0x108  }
0x21: {  	s3 =	sadd.s32 s3, s9;
	s6 =	sadd.s32 @!p0 $0x88, s6;
	s7 =	simm.s32 @p2 $0x1082  }
0x22: {  	[simem:s7], [sflag:s8] =	dma.local @!p0 [hbm:s6], $0xF7A  }
0x23: {  	s9 =	sor.u32 $0xD0000000, s2;
	s6 =	simm.s32 $0x108;
	_ =	swait.ge @!p0 [sflag:s8], $0x0  }
0x24: {  	s3 =	sadd.s32 $0x88, s3;
	s6 =	simm.s32 @!p1 $0x1082;
	[sflag:s4] =	ssyncset.s32 $0xFFFFF086  }
0x25: {  	[simem:s6], [sflag:s4] =	dma.local [hbm:s3], $0xF7A  }
0x26: {  	[smem:$0x3F9E] =	sst s1;
	(tag) =	ssettag s2;
	_ =	strace s9  }
0x27: {  	s1 =	sld [smem:$0x3FAE]  }
0x28: {  	s2 =	sld [smem:$0x3FAF]  }
0x29: {  	s4 =	sld [smem:$0x3FB1]  }
0x2a: {  	p0 =	seq.s32 s5, $0x0;
	s5 =	sld [smem:$0x3FB2]  }
0x2b: {  	s6 =	sld [smem:$0x3FB3]  }
0x2c: {  	s7 =	sld [smem:$0x3FB4]  }
0x2d: {  	s3 =	simm.s32 $0x108;
	s8 =	sld [smem:$0x3FB5]  }
0x2e: {  	s3 =	simm.s32 @!p0 $0x1082;
	s9 =	sld [smem:$0x3FB6]  }
0x2f: {  	lr =	sadd.s32 s0, s3;
	s0 =	sld [smem:$0x3FAD]  }
0x30: {  	s3 =	sld [smem:$0x3FB0]  }
0x31: {  	[smem:$0x3FB9] =	sst s10  }
0x32: {  	s10 =	sld [smem:$0x3FB7];
	_ =	sdelay $0x3  }
0x33: {  	p0 =	seq.s32 s10, $0x1;
	s10 =	sld [smem:$0x3FB9];
	_ =	sdelay $0x3  }
0x34: {  	[smem:$0x3FB9] =	sst s10  }
0x35: {  	s10 =	sld [smem:$0x3FB8];
	_ =	sdelay $0x3  }
0x36: {  	p1 =	seq.s32 s10, $0x1;
	s10 =	sld [smem:$0x3FB9];
	_ =	sdelay $0x3  }
0x37: {  	[smem:$0x3FB9] =	sst s10  }
0x38: {  	s10 =	sld [smem:$0x3FBA]  }
0x39: {  	_ = 	snop;
	(pc) =	sbr.ind lr, $3  }
0x3a: {  	_ = 	snop  }
0x3b: {  	_ = 	snop  }
0x3c: {  	p2 =	seq.s32 s10, $0x1;
	s10 =	sld [smem:$0x3FB9]  }
0x3d: {  	_ =	shalt  }
0x3e: {  	_ =	shalt  }
0x3f: {  	_ =	shalt  }
0x40: {  	_ =	shalt  }
0x41: {  	_ =	shalt  }
0x42: {  	_ =	shalt  }
0x43: {  	_ =	shalt  }
0x44: {  	_ =	shalt  }
0x45: {  	_ =	shalt  }
0x46: {  	_ =	shalt  }
0x47: {  	_ =	shalt  }
0x48: {  	_ =	shalt  }
0x49: {  	_ =	shalt  }
0x4a: {  	_ =	shalt  }
0x4b: {  	_ =	shalt  }
0x4c: {  	_ =	shalt  }
0x4d: {  	_ =	shalt  }
0x4e: {  	_ =	shalt  }
0x4f: {  	_ =	shalt  }
0x50: {  	_ =	shalt  }
0x51: {  	_ =	shalt  }
0x52: {  	_ =	shalt  }
0x53: {  	_ =	shalt  }
0x54: {  	_ =	shalt  }
0x55: {  	_ =	shalt  }
0x56: {  	_ =	shalt  }
0x57: {  	_ =	shalt  }
0x58: {  	_ =	shalt  }
0x59: {  	_ =	shalt  }
0x5a: {  	_ =	shalt  }
0x5b: {  	_ =	shalt  }
0x5c: {  	_ =	shalt  }
0x5d: {  	_ =	shalt  }
0x5e: {  	_ =	shalt  }
0x5f: {  	_ =	shalt  }
0x60: {  	_ =	shalt  }
0x61: {  	_ =	shalt  }
0x62: {  	_ =	shalt  }
0x63: {  	_ =	shalt  }
0x64: {  	_ =	shalt  }
0x65: {  	_ =	shalt  }
0x66: {  	_ =	shalt  }
0x67: {  	_ =	shalt  }
0x68: {  	_ =	shalt  }
0x69: {  	_ =	shalt  }
0x6a: {  	_ =	shalt  }
0x6b: {  	_ =	shalt  }
0x6c: {  	_ =	shalt  }
0x6d: {  	_ =	shalt  }
0x6e: {  	_ =	shalt  }
0x6f: {  	_ =	shalt  }
0x70: {  	_ =	shalt  }
0x71: {  	_ =	shalt  }
0x72: {  	_ =	shalt  }
0x73: {  	_ =	shalt  }
0x74: {  	_ =	shalt  }
0x75: {  	_ =	shalt  }
0x76: {  	_ =	shalt  }
0x77: {  	_ =	shalt  }
0x78: {  	_ =	shalt  }
0x79: {  	_ =	shalt  }
0x7a: {  	_ =	shalt  }
0x7b: {  	_ =	shalt  }
0x7c: {  	_ =	shalt  }
0x7d: {  	_ =	shalt  }
0x7e: {  	_ =	shalt  }
0x7f: {  	_ =	shalt  }
0x80: {  	_ =	shalt  }
0x81: {  	_ =	shalt  }
0x82: {  	_ =	shalt  }
0x83: {  	_ =	shalt  }
0x84: {  	_ =	shalt  }
0x85: {  	_ =	shalt  }
0x86: {  	_ =	shalt  }
0x87: {  	_ =	shalt  }
.Lfunc_end0:
.L_simem_size_0:
called_computation_lowered:
.L_overlay_start_0:
0x88: {  	s2 =	sld [smem:$0x3FD9]  }
0x89: {  	s3 =	sld [smem:$0x3FFE];
	_ =	sdelay $0x1  }
0x8a: {  	s1 =	srdreg.scid  }
0x8b: {  	s0 =	sand.u32 $0x1, s1  }
0x8c: {  	s17 =	sshll.u32 s0, $0xA;
	s2 =	sadd.s32 s3, s2  }
0x8d: {  	s2 =	sadd.s32 s2, s17  }
0x8e: {  	[smem:$0x3FC5] =	sst s2  }
0x8f: {  	_ = 	snop  }
0x90: {  	s2 =	sld [smem:$0x3FD0];
	(tm) =	ssettm $0x1  }
0x91: {  	s18 =	sld [smem:$0x3FFB];
	_ =	sdelay $0x3  }
0x92: {  	_ =	strace s18  }
0x93: {  	s3 =	sld [smem:$0x3FFC];
	_ =	sdelay $0x3  }
0x94: {  	_ =	strace s3  }
0x95: {  	s3 =	sld [smem:$0x3FFD];
	_ =	sdelay $0x3  }
0x96: {  	_ =	strace s3  }
0x97: {  	_ =	strace $0x8FFFFFFF  }
0x98: {  	s19 =	sld [smem:$0x3FDB];
	_ =	sdelay $0x1  }
0x99: {  	s4 =	simm.s32 $_scs_section_size  }
0x9a: {  	s5 =	simm.s32 $_size__tile_overlayer_lowered;
	s6 =	simm.s32 $_tile_overlayer_lowered  }
0x9b: {  	s22 =	simm.s32 $0x1BFF;
	s21 =	sshll.u32 s6, $0x1;
	s3 =	sadd.s32 s4, s19  }
0x9c: {  	s7 =	simm.s32 $0x0;
	s20 =	sshll.u32 s5, $0x1;
	s5 =	sadd.s32 s21, s3  }
0x9d: {  	[timem:s7], [sflag:s22] =	dma.local [hbm:s5], s20  }
0x9e: {  	_ =	swait.ge [sflag:s22], s20  }
0x9f: {  	s4 =	ssub.s32 $0x0, s20;
	[sflag:s22] =	ssyncset.done $0x0  }
0xa0: {  	[sflag:s22] =	ssyncadd.s32 s4;
	_ =	sdelay $0x1  }
0xa1: {  	s23 =	simm.s32 $0x1B8B  }
0xa2: {  	_ =	swait.ge [sflag:s23], $0x1  }
0xa3: {  	[sflag:s23] =	ssyncset.done $0x0  }
0xa4: {  	s25 =	simm.s32 $0x1B8E;
	s24 =	sld [smem:$0x3FFE];
	[sflag:s23] =	ssyncadd.s32 $0xFFFFFFFF  }
0xa5: {  	s26 =	simm.s32 $execute0_lowered;
	[smem:$0x3FD2] =	sst s25  }
0xa6: {  	s5 =	sshll.u32 s26, $0x1;
	_ =	strace $0x80000046;
	[dreg:$0x1] =	wrdreg $0xFFFFFFFF  }
0xa7: {  	s28 =	simm.s32 $_size_execute0_lowered;
	s3 =	sadd.s32 s3, s5;
	[dreg:$0x0] =	wrdreg $0x0  }
0xa8: {  	s5 =	sshll.u32 s28, $0x1;
	[dreg:$0x2] =	wrdreg s3  }
0xa9: {  	[dreg:$0x3] =	wrdreg s5  }
0xaa: {  	[dreg:$0x4] =	wrdreg $0xC0  }
0xab: {  	_ =	task [dreg:s7], $0x5FFFF  }
0xac: {  	[dreg:$0x1] =	wrdreg $0xFFFFFFFF  }
0xad: {  	[dreg:$0x0] =	wrdreg $0x60  }
0xae: {  	[dreg:$0x2] =	wrdreg s2  }
0xaf: {  	[dreg:$0x3] =	wrdreg s24  }
0xb0: {  	[dreg:$0x4] =	wrdreg $0x9  }
0xb1: {  	_ =	task.clear_ibuf [dreg:s7], $0x5FFFF;
	_ =	strace $0x90000046  }
0xb2: {  	s29 =	simm.s32 $0x9;
	_ =	strace $0x80000048  }
0xb3: {  	_ =	swait.ge [sflag:s29], $0x1  }
0xb4: {  	[sflag:s29] =	ssyncadd.s32 $0xFFFFFFFF  }
0xb5: {  	_ =	strace $0x90000048  }
0xb6: {  	_ =	sfence  }
0xb7: {  	s30 =	sld [smem:$0x0];
	_ =	sdelay $0x2  }
0xb8: {  	s31 =	sshll.u32 s1, $0xD;
	s1 =	sshrl.u32 s1, $0x2  }
0xb9: {  	s3 =	sand.u32 $0x4000, s31;
	s1 =	sadd.s32 s1, s30  }
0xba: {  	s0 =	sor.u32 s3, s0;
	s1 =	sshll.u32 s1, $0x11  }
0xbb: {  	s0 =	sor.u32 s1, s0  }
0xbc: {  	s0 =	sadd.s32 $0x8F2B, s0  }
0xbd: {  	[sflag:s0] =	ssyncadd.remote.s32 $0x1  }
0xbe: {  	_ =	sfence.sel $0xFFFF  }
0xbf: {  	[dreg:$0x0] =	wrdreg $0xFFFFFFFF;
	(pc) =	sbr.abs _section_cstart, $3  }
0xc0: {  	[dreg:$0x1] =	wrdreg $0xFFFFFFFF  }
0xc1: {  	_ =	task.clear_ibuf [dreg:s7], $0x2FFFF;
	_ =	strace $0x9FFFFFFF  }
0xc2: {  	(tm) =	ssettm $0x7FFFFFFF  }
0xc3: {  	_ =	shalt  }
tec
execute0_lowered:
.L_overlay_start_1:
0x0: {  	(tag) =	ssettag $0x1  }
0x1: {  	s0 =	rddreg [dreg:$0x0]  }
0x2: {  	s1 =	srdreg.scid;
	s2 =	stileid.u32  }
0x3: {  	s3 =	rddreg [dreg:$0x1];
	s1 =	sand.u32 $0x1, s1;
	s4 =	sshll.u32 s2, $0x1  }
0x4: {  	s28 =	simm.s32 $0x7A40;
	s29 =	simm.s32 $0x98D0;
	s4 =	sor.u32 s1, s4  }
0x5: {  	s30 =	simm.s32 $0xB760;
	s31 =	simm.s32 $0xD5F0;
	s4 =	smul.u32 $0x1E90, s4  }
0x6: {  	s2 =	simm.s32 $0x0;
	s5 =	sadd.s32 $0x1E00, s3;
	s1 =	ssub.s32 $0x2, s1  }
0x7: {  	[smem:$0x7FF] =	sst s2;
	s16 =	sshrl.u32 s1, $0x1;
	s4 =	smin.u32 s4, $0x3B200  }
0x8: {  	_ =	strace $0x80000047;
	s1 =	ssub.s32 s1, s16;
	s6 =	sshrl.u32 s4, $0x1  }
0x9: {  	s7 =	sadd.s32 $0x7A4, s4;
	s21 =	sadd.s32 $0xF48, s4;
	s10 =	sshll.u32 s4, $0x1  }
0xa: {  	s4 =	sadd.s32 $0x16EC, s4;
	s3 =	sadd.s32 s0, s6;
	s17 =	sshrl.u32 s7, $0x1  }
0xb: {  	s23 =	sshrl.u32 s21, $0x1;
	s24 =	sadd.s32 s5, s10;
	s25 =	sshrl.u32 s4, $0x1  }
0xc: {  	s7 =	sshll.u32 s7, $0x1;
	s26 =	sshll.u32 s21, $0x1;
	s4 =	sshll.u32 s4, $0x1  }
0xd: {  	s8 =	sadd.s32 $0x1E848, s3;
	s18 =	sadd.s32 $0x3D090, s3;
	s6 =	sadd.s32 s0, s17  }
0xe: {  	s19 =	sadd.s32 $0x5B8D8, s3;
	s11 =	sadd.s32 s0, s23;
	[dreg:$0x9] =	wrdreg s24  }
0xf: {  	s15 =	sadd.s32 s0, s25;
	s17 =	sadd.s32 s5, s7;
	s21 =	sadd.s32 s5, s26  }
0x10: {  	s23 =	smax.u32 s1, $0x1;
	s24 =	simm.s32 $0x1E90;
	s25 =	simm.s32 $0x3D20  }
0x11: {  	s26 =	simm.s32 $0x5BB0;
	s1 =	simm.s32 $0x1;
	[dreg:$0x3] =	wrdreg s8  }
0x12: {  	s0 =	simm.s32 $0xF480;
	s7 =	simm.s32 $0x3;
	[dreg:$0x4] =	wrdreg s18  }
0x13: {  	[dreg:$0x5] =	wrdreg s19;
	s20 =	sadd.s32 $0x1E848, s6;
	s9 =	sadd.s32 $0x3D090, s6  }
0x14: {  	v0 =	vlaneseq.u32;
	s22 =	sadd.s32 $0x5B8D8, s6;
	s13 =	sadd.s32 $0x1E848, s11;
	s14 =	sadd.s32 $0x3D090, s11  }
0x15: {  	v1 =	vand.u32 $0x3, v0;
	s16 =	sadd.s32 $0x5B8D8, s11;
	s18 =	sadd.s32 $0x1E848, s15;
	[dreg:$0x6] =	wrdreg s20  }
0x16: {  	v2 =	vshrl.u32 v0, $0x2;
	v0 =	vmul.u32 $0x4, v1;
	s19 =	sadd.s32 $0x3D090, s15;
	s8 =	simm.s32 $0x4;
	[dreg:$0x7] =	wrdreg s9  }
0x17: {  	v1 =	vmul.u32 $0x10, v2;
	[dreg:$0x8] =	wrdreg s22;
	s20 =	sadd.s32 $0x5B8D8, s15;
	s22 =	sadd.s32 s5, s4  }
0x18: {  	v2 =	vor.u32 $0x1, v0;
	v3 =	vor.u32 $0x2, v0;
	v4 =	vor.u32 $0x3, v0;
	s4 =	simm.s32 $0x2;
	s5 =	simm.s32 $0x16EC0;
	s9 =	simm.s32 $0x0  }
.LBB2_1:
0x19: {  	[tilespmem:s2], [sflag:$0x1] =	stream.linear.gather [hbm4b:s3+s2], $0x1E90, $0x38;
	[tilespmem:$0x1E900] =	vst v63  }
0x1a: {  	s10 =	rddreg [dreg:$0x3]  }
0x1b: {  	[tilespmem:s24], [sflag:$0x1] =	stream.linear.gather [hbm4b:s10+s2], $0x1E90, $0x38;
	[tilespmem:$0x1E900] =	vst v63  }
0x1c: {  	s12 =	rddreg [dreg:$0x4]  }
0x1d: {  	[tilespmem:s25], [sflag:$0x1] =	stream.linear.gather [hbm4b:s12+s2], $0x1E90, $0x38;
	[tilespmem:$0x1E900] =	vst v63  }
0x1e: {  	s12 =	rddreg [dreg:$0x5]  }
0x1f: {  	[tilespmem:s26], [sflag:$0x1] =	stream.linear.gather [hbm4b:s12+s2], $0x1E90, $0x38;
	[tilespmem:$0x1E900] =	vst v63  }
0x20: {  	_ = 	snop  }
0x21: {  	[tilespmem:s28], [sflag:$0x2] =	stream.linear.gather [hbm4b:s6+s2], $0x1E90, $0x38;
	[tilespmem:$0x1E900] =	vst v63  }
0x22: {  	s12 =	rddreg [dreg:$0x6]  }
0x23: {  	[tilespmem:s29], [sflag:$0x2] =	stream.linear.gather [hbm4b:s12+s2], $0x1E90, $0x38;
	[tilespmem:$0x1E900] =	vst v63  }
0x24: {  	s12 =	rddreg [dreg:$0x7]  }
0x25: {  	[tilespmem:s30], [sflag:$0x2] =	stream.linear.gather [hbm4b:s12+s2], $0x1E90, $0x38;
	[tilespmem:$0x1E900] =	vst v63  }
0x26: {  	s12 =	rddreg [dreg:$0x8]  }
0x27: {  	[tilespmem:s31], [sflag:$0x2] =	stream.linear.gather [hbm4b:s12+s2], $0x1E90, $0x38;
	[tilespmem:$0x1E900] =	vst v63  }
0x28: {  	_ =	swait.ge [sflag:s1], $0x1E90  }
0x29: {  	[sflag:s1] =	ssyncset.done $0x0  }
0x2a: {  	[sflag:s1] =	ssyncadd.s32 $0xFFFFE170  }
0x2b: {  	_ =	swait.ge [sflag:s1], $0x1E90  }
0x2c: {  	[sflag:s1] =	ssyncset.done $0x0  }
0x2d: {  	[sflag:s1] =	ssyncadd.s32 $0xFFFFE170  }
0x2e: {  	_ =	swait.ge [sflag:s1], $0x1E90  }
0x2f: {  	[sflag:s1] =	ssyncset.done $0x0  }
0x30: {  	[sflag:s1] =	ssyncadd.s32 $0xFFFFE170  }
0x31: {  	v5 =	vmov s2;
	_ =	swait.ge [sflag:s1], $0x1E90  }
0x32: {  	v5 =	vshll.u32 v5, $0x4;
	[sflag:s1] =	ssyncset.done $0x0  }
0x33: {  	v6 =	vor.u32 v1, v5;
	[sflag:s1] =	ssyncadd.s32 $0xFFFFE170  }
0x34: {  	v7 =	vor.u32 v0, v6;
	v5 =	vld [tilespmem:s2+$0x0];
	_ =	sdelay $0x4  }
0x35: {  	[tilespmem:v7+s0+$0x0] =	vst.idx.msk $0xffff, v5  }
0x36: {  	v7 =	vor.u32 v2, v6;
	v5 =	vld [tilespmem:s2+$0x1E90];
	_ =	sdelay $0x4  }
0x37: {  	[tilespmem:v7+s0+$0x0] =	vst.idx.msk $0xffff, v5  }
0x38: {  	v7 =	vor.u32 v3, v6;
	v5 =	vld [tilespmem:s2+$0x3D20];
	_ =	sdelay $0x4  }
0x39: {  	[tilespmem:v7+s0+$0x0] =	vst.idx.msk $0xffff, v5  }
0x3a: {  	v6 =	vor.u32 v4, v6;
	v5 =	vld [tilespmem:s2+$0x5BB0];
	_ =	sdelay $0x1  }
0x3b: {  	s12 =	simm.s32 $0x4  }
0x3c: {  	s10 =	simm.s32 $0x0;
	v7 =	vmov s12;
	s12 =	simm.s32 $0x8  }
.LBB2_2:
0x3d: {  	p0 =	sne.s32 s12, $0x7A0;
	v7 =	vshll.u32 v7, $0x4  }
0x3e: {  	s10 =	sadd.s32 $0x10, s10;
	v7 =	vor.u32 v1, v7;
	[tilespmem:v6+s0+$0x0] =	vst.idx.msk $0xffff, v5  }
0x3f: {  	v5 =	vld [tilespmem:s10+$0x0];
	v6 =	vor.u32 v0, v7;
	_ =	sdelay $0x4  }
0x40: {  	[tilespmem:v6+s0+$0x0] =	vst.idx.msk $0xffff, v5  }
0x41: {  	v6 =	vor.u32 v2, v7;
	v5 =	vld [tilespmem:s10+$0x1E90];
	_ =	sdelay $0x4  }
0x42: {  	[tilespmem:v6+s0+$0x0] =	vst.idx.msk $0xffff, v5  }
0x43: {  	v6 =	vor.u32 v3, v7;
	v5 =	vld [tilespmem:s10+$0x3D20];
	_ =	sdelay $0x4  }
.Ltmp0:
0x44: {  	[tilespmem:v6+s0+$0x0] =	vst.idx.msk $0xffff, v5;
	(pc) =	sbr.rel @p0 .LBB2_2-.Ltmp0, $2  }
0x45: {  	v6 =	vor.u32 v4, v7;
	v5 =	vld [tilespmem:s10+$0x5BB0];
	_ =	sdelay $0x2  }
0x46: {  	v7 =	vmov s12;
	s12 =	sadd.s32 $0x4, s12  }
0x47: {  	_ =	sdelay $0x2  }
0x48: {  	v7 =	vshll.u32 v7, $0x4  }
0x49: {  	s10 =	sadd.s32 $0x10, s10;
	v7 =	vor.u32 v1, v7;
	[tilespmem:v6+s0+$0x0] =	vst.idx.msk $0xffff, v5  }
0x4a: {  	v5 =	vld [tilespmem:s10+$0x0];
	v6 =	vor.u32 v0, v7;
	_ =	sdelay $0x4  }
0x4b: {  	[tilespmem:v6+s0+$0x0] =	vst.idx.msk $0xffff, v5  }
0x4c: {  	v6 =	vor.u32 v2, v7;
	v5 =	vld [tilespmem:s10+$0x1E90];
	_ =	sdelay $0x4  }
0x4d: {  	[tilespmem:v6+s0+$0x0] =	vst.idx.msk $0xffff, v5  }
0x4e: {  	v6 =	vor.u32 v3, v7;
	v5 =	vld [tilespmem:s10+$0x3D20];
	_ =	sdelay $0x4  }
0x4f: {  	[tilespmem:v6+s0+$0x0] =	vst.idx.msk $0xffff, v5  }
0x50: {  	v6 =	vor.u32 v4, v7;
	v5 =	vld [tilespmem:s10+$0x5BB0];
	_ =	sdelay $0x4  }
0x51: {  	s12 =	rddreg [dreg:$0x9];
	s10 =	simm.s32 $0x0;
	[tilespmem:v6+s0+$0x0] =	vst.idx.msk $0xffff, v5  }
0x52: {  	[hbm4b:s12+s10] =	stream.linear.scatter [tilespmem:s0], [sflag:$0x3], $0x7A40, $0x38;
	[tilespmem:$0x1E900] =	vst v63  }
0x53: {  	_ = 	snop  }
0x54: {  	[tilespmem:s10], [sflag:$0x1] =	stream.linear.gather [hbm4b:s11+s10], $0x1E90, $0x38;
	[tilespmem:$0x1E900] =	vst v63  }
0x55: {  	_ = 	snop  }
0x56: {  	[tilespmem:s24], [sflag:$0x1] =	stream.linear.gather [hbm4b:s13+s10], $0x1E90, $0x38;
	[tilespmem:$0x1E900] =	vst v63  }
0x57: {  	_ = 	snop  }
0x58: {  	[tilespmem:s25], [sflag:$0x1] =	stream.linear.gather [hbm4b:s14+s10], $0x1E90, $0x38;
	[tilespmem:$0x1E900] =	vst v63  }
0x59: {  	_ = 	snop  }
0x5a: {  	[tilespmem:s26], [sflag:$0x1] =	stream.linear.gather [hbm4b:s16+s10], $0x1E90, $0x38;
	[tilespmem:$0x1E900] =	vst v63  }
0x5b: {  	_ =	swait.ge [sflag:s4], $0x1E90  }
0x5c: {  	[sflag:s4] =	ssyncset.done $0x0  }
0x5d: {  	[sflag:s4] =	ssyncadd.s32 $0xFFFFE170  }
0x5e: {  	_ =	swait.ge [sflag:s4], $0x1E90  }
0x5f: {  	[sflag:s4] =	ssyncset.done $0x0  }
0x60: {  	[sflag:s4] =	ssyncadd.s32 $0xFFFFE170  }
0x61: {  	_ =	swait.ge [sflag:s4], $0x1E90  }
0x62: {  	[sflag:s4] =	ssyncset.done $0x0  }
0x63: {  	[sflag:s4] =	ssyncadd.s32 $0xFFFFE170  }
0x64: {  	v5 =	vmov s10;
	_ =	swait.ge [sflag:s4], $0x1E90  }
0x65: {  	v5 =	vshll.u32 v5, $0x4;
	[sflag:s4] =	ssyncset.done $0x0  }
0x66: {  	v6 =	vor.u32 v1, v5;
	s10 =	simm.s32 $0x7A40;
	[sflag:s4] =	ssyncadd.s32 $0xFFFFE170  }
0x67: {  	v7 =	vor.u32 v0, v6;
	v5 =	vld [tilespmem:s10+$0x0];
	_ =	sdelay $0x4  }
0x68: {  	[tilespmem:v7+s5+$0x0] =	vst.idx.msk $0xffff, v5  }
0x69: {  	v7 =	vor.u32 v2, v6;
	v5 =	vld [tilespmem:s10+$0x1E90];
	_ =	sdelay $0x4  }
0x6a: {  	[tilespmem:v7+s5+$0x0] =	vst.idx.msk $0xffff, v5  }
0x6b: {  	v7 =	vor.u32 v3, v6;
	v5 =	vld [tilespmem:s10+$0x3D20];
	_ =	sdelay $0x4  }
0x6c: {  	[tilespmem:v7+s5+$0x0] =	vst.idx.msk $0xffff, v5  }
0x6d: {  	v6 =	vor.u32 v4, v6;
	v5 =	vld [tilespmem:s10+$0x5BB0];
	_ =	sdelay $0x1  }
0x6e: {  	s12 =	simm.s32 $0x4  }
0x6f: {  	v7 =	vmov s12;
	s12 =	simm.s32 $0x8  }
.LBB2_4:
0x70: {  	p0 =	sne.s32 s12, $0x7A0;
	v7 =	vshll.u32 v7, $0x4  }
0x71: {  	s10 =	sadd.s32 $0x10, s10;
	v7 =	vor.u32 v1, v7;
	[tilespmem:v6+s5+$0x0] =	vst.idx.msk $0xffff, v5  }
0x72: {  	v5 =	vld [tilespmem:s10+$0x0];
	v6 =	vor.u32 v0, v7;
	_ =	sdelay $0x4  }
0x73: {  	[tilespmem:v6+s5+$0x0] =	vst.idx.msk $0xffff, v5  }
0x74: {  	v6 =	vor.u32 v2, v7;
	v5 =	vld [tilespmem:s10+$0x1E90];
	_ =	sdelay $0x4  }
0x75: {  	[tilespmem:v6+s5+$0x0] =	vst.idx.msk $0xffff, v5  }
0x76: {  	v6 =	vor.u32 v3, v7;
	v5 =	vld [tilespmem:s10+$0x3D20];
	_ =	sdelay $0x4  }
.Ltmp1:
0x77: {  	[tilespmem:v6+s5+$0x0] =	vst.idx.msk $0xffff, v5;
	(pc) =	sbr.rel @p0 .LBB2_4-.Ltmp1, $2  }
0x78: {  	v6 =	vor.u32 v4, v7;
	v5 =	vld [tilespmem:s10+$0x5BB0];
	_ =	sdelay $0x2  }
0x79: {  	v7 =	vmov s12;
	s12 =	sadd.s32 $0x4, s12  }
0x7a: {  	_ =	sdelay $0x2  }
0x7b: {  	v7 =	vshll.u32 v7, $0x4  }
0x7c: {  	s10 =	sadd.s32 $0x10, s10;
	v7 =	vor.u32 v1, v7;
	[tilespmem:v6+s5+$0x0] =	vst.idx.msk $0xffff, v5  }
0x7d: {  	v5 =	vld [tilespmem:s10+$0x0];
	v6 =	vor.u32 v0, v7;
	_ =	sdelay $0x4  }
0x7e: {  	[tilespmem:v6+s5+$0x0] =	vst.idx.msk $0xffff, v5  }
0x7f: {  	v6 =	vor.u32 v2, v7;
	v5 =	vld [tilespmem:s10+$0x1E90];
	_ =	sdelay $0x4  }
0x80: {  	[tilespmem:v6+s5+$0x0] =	vst.idx.msk $0xffff, v5  }
0x81: {  	v6 =	vor.u32 v3, v7;
	v5 =	vld [tilespmem:s10+$0x3D20];
	_ =	sdelay $0x4  }
0x82: {  	[tilespmem:v6+s5+$0x0] =	vst.idx.msk $0xffff, v5  }
0x83: {  	v6 =	vor.u32 v4, v7;
	v5 =	vld [tilespmem:s10+$0x5BB0];
	_ =	sdelay $0x4  }
0x84: {  	s10 =	simm.s32 $0x0;
	[tilespmem:v6+s5+$0x0] =	vst.idx.msk $0xffff, v5  }
0x85: {  	[hbm4b:s17+s10] =	stream.linear.scatter [tilespmem:s5], [sflag:$0x4], $0x7A40, $0x38;
	[tilespmem:$0x1E900] =	vst v63  }
0x86: {  	_ = 	snop  }
0x87: {  	[tilespmem:s28], [sflag:$0x2] =	stream.linear.gather [hbm4b:s15+s10], $0x1E90, $0x38;
	[tilespmem:$0x1E900] =	vst v63  }
0x88: {  	_ = 	snop  }
0x89: {  	[tilespmem:s29], [sflag:$0x2] =	stream.linear.gather [hbm4b:s18+s10], $0x1E90, $0x38;
	[tilespmem:$0x1E900] =	vst v63  }
0x8a: {  	_ = 	snop  }
0x8b: {  	[tilespmem:s30], [sflag:$0x2] =	stream.linear.gather [hbm4b:s19+s10], $0x1E90, $0x38;
	[tilespmem:$0x1E900] =	vst v63  }
0x8c: {  	_ = 	snop  }
0x8d: {  	[tilespmem:s31], [sflag:$0x2] =	stream.linear.gather [hbm4b:s20+s10], $0x1E90, $0x38;
	[tilespmem:$0x1E900] =	vst v63  }
0x8e: {  	_ =	swait.ge [sflag:s1], $0x1E90  }
0x8f: {  	[sflag:s1] =	ssyncset.done $0x0  }
0x90: {  	[sflag:s1] =	ssyncadd.s32 $0xFFFFE170  }
0x91: {  	_ =	swait.ge [sflag:s1], $0x1E90  }
0x92: {  	[sflag:s1] =	ssyncset.done $0x0  }
0x93: {  	[sflag:s1] =	ssyncadd.s32 $0xFFFFE170  }
0x94: {  	_ =	swait.ge [sflag:s1], $0x1E90  }
0x95: {  	[sflag:s1] =	ssyncset.done $0x0  }
0x96: {  	[sflag:s1] =	ssyncadd.s32 $0xFFFFE170  }
0x97: {  	_ =	swait.ge [sflag:s1], $0x1E90  }
0x98: {  	[sflag:s1] =	ssyncset.done $0x0  }
0x99: {  	[sflag:s1] =	ssyncadd.s32 $0xFFFFE170  }
0x9a: {  	v5 =	vmov s10;
	_ =	swait.ge [sflag:s7], $0x7A40  }
0x9b: {  	v5 =	vshll.u32 v5, $0x4;
	[sflag:s7] =	ssyncset.done $0x0  }
0x9c: {  	v6 =	vor.u32 v1, v5;
	[sflag:s7] =	ssyncadd.s32 $0xFFFF85C0  }
0x9d: {  	v7 =	vor.u32 v0, v6;
	v5 =	vld [tilespmem:s10+$0x0];
	_ =	sdelay $0x4  }
0x9e: {  	[tilespmem:v7+s0+$0x0] =	vst.idx.msk $0xffff, v5  }
0x9f: {  	v7 =	vor.u32 v2, v6;
	v5 =	vld [tilespmem:s10+$0x1E90];
	_ =	sdelay $0x4  }
0xa0: {  	[tilespmem:v7+s0+$0x0] =	vst.idx.msk $0xffff, v5  }
0xa1: {  	v7 =	vor.u32 v3, v6;
	v5 =	vld [tilespmem:s10+$0x3D20];
	_ =	sdelay $0x4  }
0xa2: {  	[tilespmem:v7+s0+$0x0] =	vst.idx.msk $0xffff, v5  }
0xa3: {  	v6 =	vor.u32 v4, v6;
	v5 =	vld [tilespmem:s10+$0x5BB0];
	_ =	sdelay $0x1  }
0xa4: {  	s12 =	simm.s32 $0x4  }
0xa5: {  	v7 =	vmov s12;
	s12 =	simm.s32 $0x8  }
.LBB2_6:
0xa6: {  	p0 =	sne.s32 s12, $0x7A0;
	v7 =	vshll.u32 v7, $0x4  }
0xa7: {  	s10 =	sadd.s32 $0x10, s10;
	v7 =	vor.u32 v1, v7;
	[tilespmem:v6+s0+$0x0] =	vst.idx.msk $0xffff, v5  }
0xa8: {  	v5 =	vld [tilespmem:s10+$0x0];
	v6 =	vor.u32 v0, v7;
	_ =	sdelay $0x4  }
0xa9: {  	[tilespmem:v6+s0+$0x0] =	vst.idx.msk $0xffff, v5  }
0xaa: {  	v6 =	vor.u32 v2, v7;
	v5 =	vld [tilespmem:s10+$0x1E90];
	_ =	sdelay $0x4  }
0xab: {  	[tilespmem:v6+s0+$0x0] =	vst.idx.msk $0xffff, v5  }
0xac: {  	v6 =	vor.u32 v3, v7;
	v5 =	vld [tilespmem:s10+$0x3D20];
	_ =	sdelay $0x4  }
.Ltmp2:
0xad: {  	[tilespmem:v6+s0+$0x0] =	vst.idx.msk $0xffff, v5;
	(pc) =	sbr.rel @p0 .LBB2_6-.Ltmp2, $2  }
0xae: {  	v6 =	vor.u32 v4, v7;
	v5 =	vld [tilespmem:s10+$0x5BB0];
	_ =	sdelay $0x2  }
0xaf: {  	v7 =	vmov s12;
	s12 =	sadd.s32 $0x4, s12  }
0xb0: {  	_ =	sdelay $0x2  }
0xb1: {  	v7 =	vshll.u32 v7, $0x4  }
0xb2: {  	s10 =	sadd.s32 $0x10, s10;
	v7 =	vor.u32 v1, v7;
	[tilespmem:v6+s0+$0x0] =	vst.idx.msk $0xffff, v5  }
0xb3: {  	v5 =	vld [tilespmem:s10+$0x0];
	v6 =	vor.u32 v0, v7;
	_ =	sdelay $0x4  }
0xb4: {  	[tilespmem:v6+s0+$0x0] =	vst.idx.msk $0xffff, v5  }
0xb5: {  	v6 =	vor.u32 v2, v7;
	v5 =	vld [tilespmem:s10+$0x1E90];
	_ =	sdelay $0x4  }
0xb6: {  	[tilespmem:v6+s0+$0x0] =	vst.idx.msk $0xffff, v5  }
0xb7: {  	v6 =	vor.u32 v3, v7;
	v5 =	vld [tilespmem:s10+$0x3D20];
	_ =	sdelay $0x4  }
0xb8: {  	[tilespmem:v6+s0+$0x0] =	vst.idx.msk $0xffff, v5  }
0xb9: {  	v6 =	vor.u32 v4, v7;
	v5 =	vld [tilespmem:s10+$0x5BB0];
	_ =	sdelay $0x4  }
0xba: {  	s12 =	simm.s32 $0x0;
	[tilespmem:v6+s0+$0x0] =	vst.idx.msk $0xffff, v5  }
0xbb: {  	[hbm4b:s21+s12] =	stream.linear.scatter [tilespmem:s0], [sflag:$0x3], $0x7A40, $0x38;
	[tilespmem:$0x1E900] =	vst v63  }
0xbc: {  	_ =	swait.ge [sflag:s4], $0x1E90  }
0xbd: {  	[sflag:s4] =	ssyncset.done $0x0  }
0xbe: {  	[sflag:s4] =	ssyncadd.s32 $0xFFFFE170  }
0xbf: {  	_ =	swait.ge [sflag:s4], $0x1E90  }
0xc0: {  	[sflag:s4] =	ssyncset.done $0x0  }
0xc1: {  	[sflag:s4] =	ssyncadd.s32 $0xFFFFE170  }
0xc2: {  	_ =	swait.ge [sflag:s4], $0x1E90  }
0xc3: {  	[sflag:s4] =	ssyncset.done $0x0  }
0xc4: {  	[sflag:s4] =	ssyncadd.s32 $0xFFFFE170  }
0xc5: {  	_ =	swait.ge [sflag:s4], $0x1E90  }
0xc6: {  	[sflag:s4] =	ssyncset.done $0x0  }
0xc7: {  	[sflag:s4] =	ssyncadd.s32 $0xFFFFE170  }
0xc8: {  	v5 =	vmov s12;
	_ =	swait.ge [sflag:s8], $0x7A40  }
0xc9: {  	v5 =	vshll.u32 v5, $0x4;
	[sflag:s8] =	ssyncset.done $0x0  }
0xca: {  	s10 =	simm.s32 $0x7A40;
	v6 =	vor.u32 v1, v5;
	[sflag:s8] =	ssyncadd.s32 $0xFFFF85C0  }
0xcb: {  	v7 =	vor.u32 v0, v6;
	v5 =	vld [tilespmem:s10+$0x0];
	_ =	sdelay $0x4  }
0xcc: {  	[tilespmem:v7+s5+$0x0] =	vst.idx.msk $0xffff, v5  }
0xcd: {  	v7 =	vor.u32 v2, v6;
	v5 =	vld [tilespmem:s10+$0x1E90];
	_ =	sdelay $0x4  }
0xce: {  	[tilespmem:v7+s5+$0x0] =	vst.idx.msk $0xffff, v5  }
0xcf: {  	v7 =	vor.u32 v3, v6;
	v5 =	vld [tilespmem:s10+$0x3D20];
	_ =	sdelay $0x4  }
0xd0: {  	[tilespmem:v7+s5+$0x0] =	vst.idx.msk $0xffff, v5  }
0xd1: {  	v6 =	vor.u32 v4, v6;
	v5 =	vld [tilespmem:s10+$0x5BB0];
	_ =	sdelay $0x1  }
0xd2: {  	s12 =	simm.s32 $0x4  }
0xd3: {  	v7 =	vmov s12;
	s12 =	simm.s32 $0x8  }
.LBB2_8:
0xd4: {  	p0 =	sne.s32 s12, $0x7A0;
	v7 =	vshll.u32 v7, $0x4  }
0xd5: {  	s10 =	sadd.s32 $0x10, s10;
	v7 =	vor.u32 v1, v7;
	[tilespmem:v6+s5+$0x0] =	vst.idx.msk $0xffff, v5  }
0xd6: {  	v5 =	vld [tilespmem:s10+$0x0];
	v6 =	vor.u32 v0, v7;
	_ =	sdelay $0x4  }
0xd7: {  	[tilespmem:v6+s5+$0x0] =	vst.idx.msk $0xffff, v5  }
0xd8: {  	v6 =	vor.u32 v2, v7;
	v5 =	vld [tilespmem:s10+$0x1E90];
	_ =	sdelay $0x4  }
0xd9: {  	[tilespmem:v6+s5+$0x0] =	vst.idx.msk $0xffff, v5  }
0xda: {  	v6 =	vor.u32 v3, v7;
	v5 =	vld [tilespmem:s10+$0x3D20];
	_ =	sdelay $0x4  }
.Ltmp3:
0xdb: {  	[tilespmem:v6+s5+$0x0] =	vst.idx.msk $0xffff, v5;
	(pc) =	sbr.rel @p0 .LBB2_8-.Ltmp3, $2  }
0xdc: {  	v6 =	vor.u32 v4, v7;
	v5 =	vld [tilespmem:s10+$0x5BB0];
	_ =	sdelay $0x2  }
0xdd: {  	v7 =	vmov s12;
	s12 =	sadd.s32 $0x4, s12  }
0xde: {  	_ =	sdelay $0x2  }
0xdf: {  	v7 =	vshll.u32 v7, $0x4  }
0xe0: {  	s10 =	sadd.s32 $0x10, s10;
	v7 =	vor.u32 v1, v7;
	[tilespmem:v6+s5+$0x0] =	vst.idx.msk $0xffff, v5  }
0xe1: {  	v5 =	vld [tilespmem:s10+$0x0];
	v6 =	vor.u32 v0, v7;
	_ =	sdelay $0x4  }
0xe2: {  	[tilespmem:v6+s5+$0x0] =	vst.idx.msk $0xffff, v5  }
0xe3: {  	v6 =	vor.u32 v2, v7;
	v5 =	vld [tilespmem:s10+$0x1E90];
	_ =	sdelay $0x4  }
0xe4: {  	[tilespmem:v6+s5+$0x0] =	vst.idx.msk $0xffff, v5  }
0xe5: {  	v6 =	vor.u32 v3, v7;
	v5 =	vld [tilespmem:s10+$0x3D20];
	_ =	sdelay $0x4  }
0xe6: {  	[tilespmem:v6+s5+$0x0] =	vst.idx.msk $0xffff, v5  }
0xe7: {  	v6 =	vor.u32 v4, v7;
	v5 =	vld [tilespmem:s10+$0x5BB0];
	_ =	sdelay $0x4  }
0xe8: {  	s9 =	sadd.s32 $0x1, s9;
	[tilespmem:v6+s5+$0x0] =	vst.idx.msk $0xffff, v5  }
0xe9: {  	[hbm4b:s22+s2] =	stream.linear.scatter [tilespmem:s5], [sflag:$0x4], $0x7A40, $0x38;
	[tilespmem:$0x1E900] =	vst v63  }
0xea: {  	p0 =	sne.s32 s9, s23;
	_ =	swait.ge [sflag:s7], $0x7A40  }
.Ltmp4:
0xeb: {  	[sflag:s7] =	ssyncset.done $0x0;
	(pc) =	sbr.rel @p0 .LBB2_1-.Ltmp4, $4  }
0xec: {  	[sflag:s7] =	ssyncadd.s32 $0xFFFF85C0  }
0xed: {  	_ =	swait.ge [sflag:s8], $0x7A40  }
0xee: {  	[sflag:s8] =	ssyncset.done $0x0  }
0xef: {  	[sflag:s8] =	ssyncadd.s32 $0xFFFF85C0  }
0xf0: {  	_ =	sfence.sel $0x180000  }
0xf1: {  	[bflag:$0x0] =	sbarrier.arrive $0xFFFF  }
0xf2: {  	_ =	strace $0x90000047  }
0xf3: {  	s0 =	stileid.u32;
	[bflag:$0x2] =	sbarrier.arrive $0xFFFF  }
0xf4: {  	p0 =	sne.s32 s0, $0x0;
	s0 =	rddreg [dreg:$0x2]  }
0xf5: {  	s0 =	sadd.s32 @!p0 $0x100000, s0  }
0xf6: {  	[sflag:s0] =	ssyncadd.tile.s32 @!p0 $0x1;
	_ =	shalt  }
.Lfunc_end2:
_tile_overlayer_lowered:
.L_overlay_start_2:
0xf7: {  	(tag) =	ssettag $0x2  }
0xf8: {  	s0 =	rddreg [dreg:$0x0];
	s2 =	stileid.u32  }
0xf9: {  	s1 =	rddreg [dreg:$0x1];
	p0 =	sne.s32 s2, $0x0  }
0xfa: {  	s3 =	rddreg [dreg:$0x2];
	[bflag:$0x3] =	sbarrier.arrive $0xFFFF;
	s2 =	simm.s32 @!p0 $0x1C05  }
0xfb: {  	[timem:s3], [sflag:s2] =	dma.local @!p0 [hbm:s0], s1  }
0xfc: {  	s0 =	simm.s32 @!p0 $0x5  }
0xfd: {  	_ =	swait.ge @!p0 [sflag:s0], s1  }
0xfe: {  	s1 =	ssub.s32 @!p0 $0x0, s1;
	[sflag:s0] =	ssyncset.done @!p0 $0x0  }
0xff: {  	[sflag:s0] =	ssyncadd.s32 @!p0 s1  }
0x100: {  	[bflag:$0x3] =	sbarrier.arrive $0xFFFF  }
0x101: {  	_ =	shalt  }

// kernel: kernel.14.cloned.1.call-start
scs
__scs_entry_jumppad:
0x0: {  	(pc) =	sbr.rel $0x88, $3  }
0x1: {  	(tag) =	ssettag $0x0;
	lr =	simm.s32 $0x1  }
0x2: {  	[smem:$0x3F9E] =	sst lr;
	_ =	strace $0xD0000000  }
0x3: {  	_ = 	snop  }
0x4: {  	_ = 	snop  }
0x5: {  	_ = 	snop  }
0x6: {  	_ = 	snop  }
0x7: {  	_ = 	snop  }
__scs_overlays_trampoline_lowered:
0x8: {  	[smem:$0x3FAD] =	sst s0  }
0x9: {  	[smem:$0x3FAE] =	sst s1  }
0xa: {  	[smem:$0x3FAF] =	sst s2  }
0xb: {  	[smem:$0x3FB0] =	sst s3  }
0xc: {  	[smem:$0x3FB1] =	sst s4  }
0xd: {  	[smem:$0x3FB2] =	sst s5  }
0xe: {  	[smem:$0x3FB3] =	sst s6  }
0xf: {  	[smem:$0x3FB4] =	sst s7  }
0x10: {  	[smem:$0x3FB5] =	sst s8  }
0x11: {  	[smem:$0x3FB6] =	sst s9;
	s0 =	simm.s32 @!p0 $0x0  }
0x12: {  	s1 =	sld [smem:$0x3F9C];
	s0 =	simm.s32 @p0 $0x1  }
0x13: {  	[smem:$0x3FB7] =	sst s0;
	s0 =	simm.s32 @!p1 $0x0  }
0x14: {  	s2 =	sld [smem:$0x3F9B];
	s0 =	simm.s32 @p1 $0x1  }
0x15: {  	[smem:$0x3FB8] =	sst s0;
	s0 =	simm.s32 @!p2 $0x0  }
0x16: {  	s3 =	sld [smem:$0x3FDB];
	s0 =	simm.s32 @p2 $0x1  }
0x17: {  	s4 =	simm.s32 $0x1BF5;
	[smem:$0x3FBA] =	sst s0  }
0x18: {  	s0 =	sld [smem:$0x3F9D];
	_ =	swait.ge [sflag:s4], $0x0  }
0x19: {  	s7 =	sld [smem:$0x3F9E]  }
0x1a: {  	s8 =	sadd.s32 $0xFFFFE003, lr  }
0x1b: {  	s9 =	sadd.s32 $0xFFFFFEF7, lr;
	s5 =	simm.s32 $0xFFFFFFFF;
	p2 =	slt.u32 s8, $0xFFFFF086  }
0x1c: {  	p1 =	slt.u32 s9, $0xF7A;
	s5 =	simm.s32 @!p2 $0x0  }
0x1d: {  	s5 =	simm.s32 @p1 $0x1;
	p0 =	seq.s32 s7, s2  }
0x1e: {  	s7 =	smul.u32 @!p0 $0xF7A, s2;
	p2 =	seq.s32 @!p0 s5, $0x0  }
0x1f: {  	s9 =	smul.u32 $0xF7A, s1;
	s8 =	simm.s32 @!p0 $0x1BF5;
	p2 =	por !p2, p0  }
0x20: {  	[sflag:s8] =	ssyncset.s32 @!p0 $0xFFFFF086;
	s6 =	sadd.s32 @!p0 s3, s7;
	s7 =	simm.s32 @!p0 $0x108  }
0x21: {  	s3 =	sadd.s32 s3, s9;
	s6 =	sadd.s32 @!p0 $0x88, s6;
	s7 =	simm.s32 @p2 $0x1082  }
0x22: {  	[simem:s7], [sflag:s8] =	dma.local @!p0 [hbm:s6], $0xF7A  }
0x23: {  	s9 =	sor.u32 $0xD0000000, s2;
	s6 =	simm.s32 $0x108;
	_ =	swait.ge @!p0 [sflag:s8], $0x0  }
0x24: {  	s3 =	sadd.s32 $0x88, s3;
	s6 =	simm.s32 @!p1 $0x1082;
	[sflag:s4] =	ssyncset.s32 $0xFFFFF086  }
0x25: {  	[simem:s6], [sflag:s4] =	dma.local [hbm:s3], $0xF7A  }
0x26: {  	[smem:$0x3F9E] =	sst s1;
	(tag) =	ssettag s2;
	_ =	strace s9  }
0x27: {  	s1 =	sld [smem:$0x3FAE]  }
0x28: {  	s2 =	sld [smem:$0x3FAF]  }
0x29: {  	s4 =	sld [smem:$0x3FB1]  }
0x2a: {  	p0 =	seq.s32 s5, $0x0;
	s5 =	sld [smem:$0x3FB2]  }
0x2b: {  	s6 =	sld [smem:$0x3FB3]  }
0x2c: {  	s7 =	sld [smem:$0x3FB4]  }
0x2d: {  	s3 =	simm.s32 $0x108;
	s8 =	sld [smem:$0x3FB5]  }
0x2e: {  	s3 =	simm.s32 @!p0 $0x1082;
	s9 =	sld [smem:$0x3FB6]  }
0x2f: {  	lr =	sadd.s32 s0, s3;
	s0 =	sld [smem:$0x3FAD]  }
0x30: {  	s3 =	sld [smem:$0x3FB0]  }
0x31: {  	[smem:$0x3FB9] =	sst s10  }
0x32: {  	s10 =	sld [smem:$0x3FB7];
	_ =	sdelay $0x3  }
0x33: {  	p0 =	seq.s32 s10, $0x1;
	s10 =	sld [smem:$0x3FB9];
	_ =	sdelay $0x3  }
0x34: {  	[smem:$0x3FB9] =	sst s10  }
0x35: {  	s10 =	sld [smem:$0x3FB8];
	_ =	sdelay $0x3  }
0x36: {  	p1 =	seq.s32 s10, $0x1;
	s10 =	sld [smem:$0x3FB9];
	_ =	sdelay $0x3  }
0x37: {  	[smem:$0x3FB9] =	sst s10  }
0x38: {  	s10 =	sld [smem:$0x3FBA]  }
0x39: {  	_ = 	snop;
	(pc) =	sbr.ind lr, $3  }
0x3a: {  	_ = 	snop  }
0x3b: {  	_ = 	snop  }
0x3c: {  	p2 =	seq.s32 s10, $0x1;
	s10 =	sld [smem:$0x3FB9]  }
0x3d: {  	_ =	shalt  }
0x3e: {  	_ =	shalt  }
0x3f: {  	_ =	shalt  }
0x40: {  	_ =	shalt  }
0x41: {  	_ =	shalt  }
0x42: {  	_ =	shalt  }
0x43: {  	_ =	shalt  }
0x44: {  	_ =	shalt  }
0x45: {  	_ =	shalt  }
0x46: {  	_ =	shalt  }
0x47: {  	_ =	shalt  }
0x48: {  	_ =	shalt  }
0x49: {  	_ =	shalt  }
0x4a: {  	_ =	shalt  }
0x4b: {  	_ =	shalt  }
0x4c: {  	_ =	shalt  }
0x4d: {  	_ =	shalt  }
0x4e: {  	_ =	shalt  }
0x4f: {  	_ =	shalt  }
0x50: {  	_ =	shalt  }
0x51: {  	_ =	shalt  }
0x52: {  	_ =	shalt  }
0x53: {  	_ =	shalt  }
0x54: {  	_ =	shalt  }
0x55: {  	_ =	shalt  }
0x56: {  	_ =	shalt  }
0x57: {  	_ =	shalt  }
0x58: {  	_ =	shalt  }
0x59: {  	_ =	shalt  }
0x5a: {  	_ =	shalt  }
0x5b: {  	_ =	shalt  }
0x5c: {  	_ =	shalt  }
0x5d: {  	_ =	shalt  }
0x5e: {  	_ =	shalt  }
0x5f: {  	_ =	shalt  }
0x60: {  	_ =	shalt  }
0x61: {  	_ =	shalt  }
0x62: {  	_ =	shalt  }
0x63: {  	_ =	shalt  }
0x64: {  	_ =	shalt  }
0x65: {  	_ =	shalt  }
0x66: {  	_ =	shalt  }
0x67: {  	_ =	shalt  }
0x68: {  	_ =	shalt  }
0x69: {  	_ =	shalt  }
0x6a: {  	_ =	shalt  }
0x6b: {  	_ =	shalt  }
0x6c: {  	_ =	shalt  }
0x6d: {  	_ =	shalt  }
0x6e: {  	_ =	shalt  }
0x6f: {  	_ =	shalt  }
0x70: {  	_ =	shalt  }
0x71: {  	_ =	shalt  }
0x72: {  	_ =	shalt  }
0x73: {  	_ =	shalt  }
0x74: {  	_ =	shalt  }
0x75: {  	_ =	shalt  }
0x76: {  	_ =	shalt  }
0x77: {  	_ =	shalt  }
0x78: {  	_ =	shalt  }
0x79: {  	_ =	shalt  }
0x7a: {  	_ =	shalt  }
0x7b: {  	_ =	shalt  }
0x7c: {  	_ =	shalt  }
0x7d: {  	_ =	shalt  }
0x7e: {  	_ =	shalt  }
0x7f: {  	_ =	shalt  }
0x80: {  	_ =	shalt  }
0x81: {  	_ =	shalt  }
0x82: {  	_ =	shalt  }
0x83: {  	_ =	shalt  }
0x84: {  	_ =	shalt  }
0x85: {  	_ =	shalt  }
0x86: {  	_ =	shalt  }
0x87: {  	_ =	shalt  }
.Lfunc_end0:
.L_simem_size_0:
called_computation.1_lowered:
.L_overlay_start_0:
0x88: {  	s2 =	sld [smem:$0x3FD9]  }
0x89: {  	s3 =	sld [smem:$0x3FFE];
	_ =	sdelay $0x1  }
0x8a: {  	s1 =	srdreg.scid  }
0x8b: {  	s0 =	sand.u32 $0x1, s1  }
0x8c: {  	s17 =	sshll.u32 s0, $0xA;
	s2 =	sadd.s32 s3, s2  }
0x8d: {  	s2 =	sadd.s32 s2, s17  }
0x8e: {  	[smem:$0x3FC5] =	sst s2  }
0x8f: {  	_ = 	snop  }
0x90: {  	s2 =	sld [smem:$0x3FD0];
	(tm) =	ssettm $0x1  }
0x91: {  	s18 =	sld [smem:$0x3FFB];
	_ =	sdelay $0x3  }
0x92: {  	_ =	strace s18  }
0x93: {  	s3 =	sld [smem:$0x3FFC];
	_ =	sdelay $0x3  }
0x94: {  	_ =	strace s3  }
0x95: {  	s3 =	sld [smem:$0x3FFD];
	_ =	sdelay $0x3  }
0x96: {  	_ =	strace s3  }
0x97: {  	_ =	strace $0x8FFFFFFF  }
0x98: {  	s19 =	sld [smem:$0x3FDB];
	_ =	sdelay $0x1  }
0x99: {  	s4 =	simm.s32 $_scs_section_size  }
0x9a: {  	s5 =	simm.s32 $_size__tile_overlayer_lowered;
	s6 =	simm.s32 $_tile_overlayer_lowered  }
0x9b: {  	s22 =	simm.s32 $0x1BFF;
	s21 =	sshll.u32 s6, $0x1;
	s3 =	sadd.s32 s4, s19  }
0x9c: {  	s7 =	simm.s32 $0x0;
	s20 =	sshll.u32 s5, $0x1;
	s5 =	sadd.s32 s21, s3  }
0x9d: {  	[timem:s7], [sflag:s22] =	dma.local [hbm:s5], s20  }
0x9e: {  	_ =	swait.ge [sflag:s22], s20  }
0x9f: {  	s4 =	ssub.s32 $0x0, s20;
	[sflag:s22] =	ssyncset.done $0x0  }
0xa0: {  	[sflag:s22] =	ssyncadd.s32 s4;
	_ =	sdelay $0x1  }
0xa1: {  	s23 =	simm.s32 $0x1B8B  }
0xa2: {  	_ =	swait.ge [sflag:s23], $0x1  }
0xa3: {  	[sflag:s23] =	ssyncset.done $0x0  }
0xa4: {  	s25 =	simm.s32 $0x1B8E;
	s24 =	sld [smem:$0x3FFE];
	[sflag:s23] =	ssyncadd.s32 $0xFFFFFFFF  }
0xa5: {  	s26 =	simm.s32 $execute0_lowered;
	[smem:$0x3FD2] =	sst s25  }
0xa6: {  	s5 =	sshll.u32 s26, $0x1;
	_ =	strace $0x80000049;
	[dreg:$0x1] =	wrdreg $0xFFFFFFFF  }
0xa7: {  	s28 =	simm.s32 $_size_execute0_lowered;
	s3 =	sadd.s32 s3, s5;
	[dreg:$0x0] =	wrdreg $0x0  }
0xa8: {  	s5 =	sshll.u32 s28, $0x1;
	[dreg:$0x2] =	wrdreg s3  }
0xa9: {  	[dreg:$0x3] =	wrdreg s5  }
0xaa: {  	[dreg:$0x4] =	wrdreg $0xC0  }
0xab: {  	_ =	task [dreg:s7], $0x5FFFF  }
0xac: {  	[dreg:$0x1] =	wrdreg $0xFFFFFFFF  }
0xad: {  	[dreg:$0x0] =	wrdreg $0x60  }
0xae: {  	[dreg:$0x2] =	wrdreg s24  }
0xaf: {  	[dreg:$0x3] =	wrdreg s2  }
0xb0: {  	[dreg:$0x4] =	wrdreg $0x9  }
0xb1: {  	_ =	task.clear_ibuf [dreg:s7], $0x5FFFF;
	_ =	strace $0x90000049  }
0xb2: {  	s29 =	simm.s32 $0x9;
	_ =	strace $0x8000004B  }
0xb3: {  	_ =	swait.ge [sflag:s29], $0x1  }
0xb4: {  	[sflag:s29] =	ssyncadd.s32 $0xFFFFFFFF  }
0xb5: {  	_ =	strace $0x9000004B  }
0xb6: {  	_ =	sfence  }
0xb7: {  	s30 =	sld [smem:$0x0];
	_ =	sdelay $0x2  }
0xb8: {  	s31 =	sshll.u32 s1, $0xD;
	s1 =	sshrl.u32 s1, $0x2  }
0xb9: {  	s3 =	sand.u32 $0x4000, s31;
	s1 =	sadd.s32 s1, s30  }
0xba: {  	s0 =	sor.u32 s3, s0;
	s1 =	sshll.u32 s1, $0x11  }
0xbb: {  	s0 =	sor.u32 s1, s0  }
0xbc: {  	s0 =	sadd.s32 $0x8F2B, s0  }
0xbd: {  	[sflag:s0] =	ssyncadd.remote.s32 $0x1  }
0xbe: {  	_ =	sfence.sel $0xFFFF  }
0xbf: {  	[dreg:$0x0] =	wrdreg $0xFFFFFFFF;
	(pc) =	sbr.abs _section_cstart, $3  }
0xc0: {  	[dreg:$0x1] =	wrdreg $0xFFFFFFFF  }
0xc1: {  	_ =	task.clear_ibuf [dreg:s7], $0x2FFFF;
	_ =	strace $0x9FFFFFFF  }
0xc2: {  	(tm) =	ssettm $0x7FFFFFFF  }
0xc3: {  	_ =	shalt  }
tec
execute0_lowered:
.L_overlay_start_1:
0x0: {  	(tag) =	ssettag $0x1  }
0x1: {  	s4 =	rddreg [dreg:$0x0]  }
0x2: {  	s1 =	srdreg.scid;
	s0 =	stileid.u32  }
0x3: {  	s8 =	rddreg [dreg:$0x1];
	s2 =	simm.s32 $0x0;
	s11 =	simm.s32 $0x640  }
0x4: {  	s12 =	simm.s32 $0xC80;
	s13 =	simm.s32 $0x7080;
	s14 =	simm.s32 $0x76C0  }
0x5: {  	s15 =	simm.s32 $0x7D00;
	s16 =	simm.s32 $0x1;
	s17 =	simm.s32 $0xE100  }
0x6: {  	s18 =	simm.s32 $0x2;
	s19 =	simm.s32 $0x10;
	s20 =	simm.s32 $0x400  }
0x7: {  	s3 =	sand.u32 $0x1, s1;
	s5 =	sshll.u32 s0, $0x1;
	s1 =	rddreg [dreg:$0x2]  }
0x8: {  	s21 =	simm.s32 $0x0;
	[smem:$0x7FF] =	sst s2;
	s7 =	sor.u32 s3, s5  }
0x9: {  	s30 =	ssub.s32 $0x2, s3;
	_ =	strace $0x8000004A;
	s6 =	smul.u32 $0x1900, s7  }
0xa: {  	s3 =	sadd.s32 $0x7C000, s4;
	s4 =	sadd.s32 $0x1E00, s4;
	s9 =	sshrl.u32 s30, $0x1  }
0xb: {  	s10 =	sshll.u32 s7, $0x2;
	s9 =	ssub.s32 s30, s9;
	s31 =	sshrl.u32 s6, $0x3  }
0xc: {  	v0 =	vlaneseq.u32;
	s8 =	sadd.s32 s8, s10;
	s10 =	simm.s32 $0x3;
	s5 =	sadd.s32 s3, s31  }
0xd: {  	v2 =	vimm.s32 $0x0;
	v1 =	vmul.u32 $0xFFFFFFFF, v0;
	s6 =	sadd.s32 $0x640, s6;
	s9 =	smax.u32 s9, $0x1;
	s7 =	sadd.s32 $0x190, s5  }
.LBB2_1:
0xe: {  	[tilespmem:s2], [sflag:$0x3] =	stream.linear.gather [hbm4b:s5+s2], $0x640, $0x38;
	[tilespmem:$0x11300] =	vst v63  }
0xf: {  	_ =	swait.ge [sflag:s10], $0x640  }
0x10: {  	[sflag:s10] =	ssyncset.done $0x0  }
0x11: {  	s22 =	simm.s32 $0x0;
	[sflag:s10] =	ssyncadd.s32 $0xFFFFF9C0  }
0x12: {  	s23 =	simm.s32 $0x40;
	v3 =	vld [tilespmem:s22+$0x0]  }
.LBB2_2:
0x13: {  	p0 =	sne.s32 s23, $0x18C0  }
.Ltmp0:
0x14: {  	_ = 	snop;
	(pc) =	sbr.rel @p0 .LBB2_2-.Ltmp0, $3  }
0x15: {  	_ =	sdelay $0x1  }
0x16: {  	s24 =	sshra.s32 s23, $0x2;
	s23 =	sadd.s32 $0x40, s23;
	v4 =	vshrl.u32 v3, $0x2  }
0x17: {  	v3 =	vld [tilespmem:s24+$0x0];
	[tilespmem:s22+$0x640] =	vst v4;
	s22 =	smov.u32 s24  }
0x18: {  	_ =	sdelay $0x3  }
0x19: {  	v3 =	vshrl.u32 v3, $0x2  }
0x1a: {  	p1 =	por $0x1, $0x1;
	s23 =	simm.s32 $0x0;
	[tilespmem:s22+$0x640] =	vst v3;
	s22 =	simm.s32 $0x0  }
0x1b: {  	[tilespmem:s12], [sflag:$0x1] =	stream.indirect.gather [hbm4b:s4+s11], $0x10, s11, s11, $0xb8;
	[tilespmem:$0x11300] =	vst v63  }
.LBB2_4:
0x1c: {  	s24 =	smul.u32 $0xC80, s23;
	_ =	sdelay $0x1  }
0x1d: {  	s24 =	sadd.s32 s24, s6  }
0x1e: {  	s24 =	sshrl.u32 s24, $0x3  }
0x1f: {  	s24 =	sadd.s32 s3, s24  }
0x20: {  	[tilespmem:s13], [sflag:$0x3] =	stream.linear.gather [hbm4b:s24+s22], $0x640, $0x38;
	[tilespmem:$0x11300] =	vst v63  }
0x21: {  	_ =	swait.ge [sflag:s10], $0x640  }
0x22: {  	[sflag:s10] =	ssyncset.done $0x0  }
0x23: {  	s24 =	simm.s32 $0x0;
	[sflag:s10] =	ssyncadd.s32 $0xFFFFF9C0  }
0x24: {  	p0 =	por p1, p1;
	s25 =	simm.s32 $0x40;
	v3 =	vld [tilespmem:s24+$0x7080]  }
.LBB2_5:
0x25: {  	p1 =	sne.s32 s25, $0x18C0  }
.Ltmp1:
0x26: {  	_ = 	snop;
	(pc) =	sbr.rel @p1 .LBB2_5-.Ltmp1, $3  }
0x27: {  	_ =	sdelay $0x1  }
0x28: {  	s26 =	sshra.s32 s25, $0x2;
	s25 =	sadd.s32 $0x40, s25;
	v4 =	vshrl.u32 v3, $0x2  }
0x29: {  	v3 =	vld [tilespmem:s26+$0x7080];
	[tilespmem:s24+$0x76C0] =	vst v4;
	s24 =	smov.u32 s26  }
0x2a: {  	_ =	sdelay $0x3  }
0x2b: {  	v3 =	vshrl.u32 v3, $0x2  }
0x2c: {  	[tilespmem:s24+$0x76C0] =	vst v3;
	s24 =	simm.s32 $0x0  }
0x2d: {  	[tilespmem:s15], [sflag:$0x2] =	stream.indirect.gather [hbm4b:s4+s11], $0x10, s14, s11, $0xb8;
	[tilespmem:$0x11300] =	vst v63  }
0x2e: {  	v3 =	vor.u32 s24, v0;
	_ =	swait.ge [sflag:s16], $0x6400  }
0x2f: {  	v4 =	vmulhi.u32 $0x51EB851F, v3;
	[sflag:s16] =	ssyncset.done $0x0  }
0x30: {  	[sflag:s16] =	ssyncadd.s32 $0xFFFF9C00  }
0x31: {  	v4 =	vshrl.u32 v4, $0x6;
	v5 =	vld [tilespmem:s24+$0x0]  }
0x32: {  	v6 =	vmov s24;
	v7 =	vmul.u32 $0xFFFFFF38, v4  }
0x33: {  	v8 =	vsub.s32 v1, v6  }
0x34: {  	vm0 =	veq.s32 v6, v0;
	vm1 =	vne.s32 v7, v8  }
0x35: {  	vm0 =	vmand vm0, vm1  }
0x36: {  	v6 =	vsel vm0, $0xFFFFFFFF, v2;
	v5 =	vshll.u32 v5, $0x2  }
0x37: {  	v7 =	vshll.u32 v3, $0x4;
	v4 =	vadd.s32 v6, v4;
	v5 =	vand.u32 $0xC, v5  }
0x38: {  	v6 =	vmul.u32 $0x3FFFF38, v4;
	v5 =	vor.u32 v7, v5;
	_ =	sdelay $0x1  }
0x39: {  	v3 =	vadd.s32 v3, v6  }
0x3a: {  	v6 =	vand.u32 $0xFFFFFFF8, v4;
	v3 =	vshll.u32 v3, $0x6  }
0x3b: {  	v4 =	vand.u32 $0x7, v4;
	v7 =	vadd.s32 v6, v3  }
0x3c: {  	v7 =	vor.u32 v4, v7;
	v63 =	vld.idx.msk [tilespmem:v5+s12+$0x0], $0xffff  }
0x3d: {  	v9 =	vor.u32 $0x1, v5;
	_ =	sdelay $0x2  }
0x3e: {  	v4 =	vor.u32 v4, v6  }
0x3f: {  	v3 =	vadd.s32 v3, v4;
	[tilespmem:v7+s17+$0x0] =	vst.idx.msk $0xffff, v63  }
0x40: {  	v6 =	vadd.s32 $0x10, v3;
	v4 =	vld.idx.msk [tilespmem:v9+s12+$0x0], $0xffff  }
0x41: {  	v7 =	vor.u32 $0x2, v5;
	_ =	sdelay $0x3  }
0x42: {  	[tilespmem:v6+s17+$0x0] =	vst.idx.msk $0xffff, v4  }
0x43: {  	v6 =	vadd.s32 $0x20, v3;
	v4 =	vld.idx.msk [tilespmem:v7+s12+$0x0], $0xffff  }
0x44: {  	v5 =	vor.u32 $0x3, v5;
	_ =	sdelay $0x3  }
0x45: {  	[tilespmem:v6+s17+$0x0] =	vst.idx.msk $0xffff, v4  }
0x46: {  	v4 =	vld.idx.msk [tilespmem:v5+s12+$0x0], $0xffff;
	v5 =	vadd.s32 $0x30, v3;
	_ =	sdelay $0x1  }
0x47: {  	s25 =	simm.s32 $0x10  }
0x48: {  	s26 =	simm.s32 $0x20;
	v3 =	vor.u32 s25, v0  }
.LBB2_7:
0x49: {  	p1 =	sne.s32 s26, $0x630  }
0x4a: {  	v6 =	vmulhi.u32 $0x51EB851F, v3;
	[tilespmem:v5+s17+$0x0] =	vst.idx.msk $0xffff, v4;
	s24 =	sadd.s32 $0x10, s24;
	s28 =	smov.u32 s26;
	s26 =	sadd.s32 $0x10, s26  }
0x4b: {  	v4 =	vld [tilespmem:s24+$0x0]  }
0x4c: {  	v5 =	vshrl.u32 v6, $0x6  }
0x4d: {  	v6 =	vmov s25;
	s25 =	smov.u32 s28;
	v7 =	vmul.u32 $0xFFFFFF38, v5  }
0x4e: {  	v8 =	vsub.s32 v1, v6  }
0x4f: {  	vm0 =	veq.s32 v6, v0;
	vm1 =	vne.s32 v7, v8  }
0x50: {  	v4 =	vshll.u32 v4, $0x2;
	vm0 =	vmand vm0, vm1  }
0x51: {  	v7 =	vshll.u32 v3, $0x4;
	v6 =	vsel vm0, $0xFFFFFFFF, v2;
	v4 =	vand.u32 $0xC, v4  }
0x52: {  	v5 =	vadd.s32 v6, v5;
	v4 =	vor.u32 v7, v4  }
0x53: {  	v6 =	vmul.u32 $0x3FFFF38, v5;
	_ =	sdelay $0x1  }
0x54: {  	v3 =	vadd.s32 v3, v6  }
0x55: {  	v6 =	vand.u32 $0xFFFFFFF8, v5;
	v3 =	vshll.u32 v3, $0x6  }
0x56: {  	v5 =	vand.u32 $0x7, v5;
	v7 =	vld.idx.msk [tilespmem:v4+s12+$0x0], $0xffff;
	v8 =	vadd.s32 v6, v3  }
0x57: {  	v8 =	vor.u32 v5, v8;
	v5 =	vor.u32 v5, v6  }
0x58: {  	v6 =	vor.u32 $0x1, v4;
	v3 =	vadd.s32 v3, v5;
	_ =	sdelay $0x3  }
0x59: {  	[tilespmem:v8+s17+$0x0] =	vst.idx.msk $0xffff, v7  }
0x5a: {  	v5 =	vld.idx.msk [tilespmem:v6+s12+$0x0], $0xffff  }
0x5b: {  	v6 =	vadd.s32 $0x10, v3  }
0x5c: {  	v7 =	vor.u32 $0x2, v4;
	_ =	sdelay $0x3  }
0x5d: {  	[tilespmem:v6+s17+$0x0] =	vst.idx.msk $0xffff, v5  }
0x5e: {  	v5 =	vld.idx.msk [tilespmem:v7+s12+$0x0], $0xffff  }
0x5f: {  	v6 =	vadd.s32 $0x20, v3  }
0x60: {  	v4 =	vor.u32 $0x3, v4;
	_ =	sdelay $0x3  }
0x61: {  	[tilespmem:v6+s17+$0x0] =	vst.idx.msk $0xffff, v5  }
0x62: {  	v4 =	vld.idx.msk [tilespmem:v4+s12+$0x0], $0xffff  }
.Ltmp2:
0x63: {  	v5 =	vadd.s32 $0x30, v3;
	(pc) =	sbr.rel @p1 .LBB2_7-.Ltmp2, $2  }
0x64: {  	_ =	sdelay $0x2  }
0x65: {  	v3 =	vor.u32 s25, v0  }
0x66: {  	_ =	sdelay $0x2  }
0x67: {  	v6 =	vmulhi.u32 $0x51EB851F, v3  }
0x68: {  	[tilespmem:v5+s17+$0x0] =	vst.idx.msk $0xffff, v4;
	s24 =	sadd.s32 $0x10, s24  }
0x69: {  	v4 =	vld [tilespmem:s24+$0x0];
	v53 =	vshrl.u32 v6, $0x6  }
0x6a: {  	v54 =	vmov s25;
	v7 =	vmul.u32 $0xFFFFFF38, v53  }
0x6b: {  	v8 =	vsub.s32 v1, v54  }
0x6c: {  	vm0 =	veq.s32 v54, v0;
	vm1 =	vne.s32 v7, v8  }
0x6d: {  	vm0 =	vmand vm0, vm1  }
0x6e: {  	v4 =	vshll.u32 v4, $0x2;
	v55 =	vsel vm0, $0xFFFFFFFF, v2  }
0x6f: {  	v56 =	vshll.u32 v3, $0x4;
	v4 =	vand.u32 $0xC, v4;
	v5 =	vadd.s32 v55, v53  }
0x70: {  	v4 =	vor.u32 v56, v4;
	v6 =	vmul.u32 $0x3FFFF38, v5;
	_ =	sdelay $0x1  }
0x71: {  	v3 =	vadd.s32 v3, v6  }
0x72: {  	v57 =	vand.u32 $0xFFFFFFF8, v5;
	v3 =	vshll.u32 v3, $0x6  }
0x73: {  	v5 =	vand.u32 $0x7, v5;
	v58 =	vadd.s32 v57, v3  }
0x74: {  	v59 =	vld.idx.msk [tilespmem:v4+s12+$0x0], $0xffff;
	v7 =	vor.u32 v5, v58  }
0x75: {  	v9 =	vor.u32 $0x1, v4;
	_ =	sdelay $0x2  }
0x76: {  	v5 =	vor.u32 v5, v57  }
0x77: {  	v3 =	vadd.s32 v3, v5;
	[tilespmem:v7+s17+$0x0] =	vst.idx.msk $0xffff, v59  }
0x78: {  	v61 =	vadd.s32 $0x10, v3;
	v60 =	vld.idx.msk [tilespmem:v9+s12+$0x0], $0xffff  }
0x79: {  	v62 =	vor.u32 $0x2, v4;
	_ =	sdelay $0x3  }
0x7a: {  	[tilespmem:v61+s17+$0x0] =	vst.idx.msk $0xffff, v60  }
0x7b: {  	v63 =	vadd.s32 $0x20, v3;
	v5 =	vld.idx.msk [tilespmem:v62+s12+$0x0], $0xffff  }
0x7c: {  	v4 =	vor.u32 $0x3, v4;
	_ =	sdelay $0x3  }
0x7d: {  	[tilespmem:v63+s17+$0x0] =	vst.idx.msk $0xffff, v5  }
0x7e: {  	v3 =	vadd.s32 $0x30, v3;
	v4 =	vld.idx.msk [tilespmem:v4+s12+$0x0], $0xffff  }
.Ltmp3:
0x7f: {  	_ = 	snop;
	(pc) =	sbr.rel @!p0 .LBB2_12-.Ltmp3, $2  }
0x80: {  	_ =	sdelay $0x2  }
0x81: {  	[tilespmem:v3+s17+$0x0] =	vst.idx.msk $0xffff, v4  }
0x82: {  	s24 =	simm.s32 $0x0  }
0x83: {  	[tilespmem:s24], [sflag:$0x3] =	stream.linear.gather [hbm4b:s7+s24], $0x640, $0x38;
	[tilespmem:$0x11300] =	vst v63  }
0x84: {  	_ =	swait.ge [sflag:s10], $0x640  }
0x85: {  	[sflag:s10] =	ssyncset.done $0x0  }
0x86: {  	s24 =	simm.s32 $0x0;
	[sflag:s10] =	ssyncadd.s32 $0xFFFFF9C0  }
0x87: {  	s25 =	simm.s32 $0x40;
	v3 =	vld [tilespmem:s24+$0x0]  }
.LBB2_10:
0x88: {  	p1 =	sne.s32 s25, $0x18C0  }
.Ltmp4:
0x89: {  	_ = 	snop;
	(pc) =	sbr.rel @p1 .LBB2_10-.Ltmp4, $3  }
0x8a: {  	_ =	sdelay $0x1  }
0x8b: {  	s26 =	sshra.s32 s25, $0x2;
	s25 =	sadd.s32 $0x40, s25;
	v4 =	vshrl.u32 v3, $0x2  }
0x8c: {  	v3 =	vld [tilespmem:s26+$0x0];
	[tilespmem:s24+$0x640] =	vst v4;
	s24 =	smov.u32 s26  }
0x8d: {  	_ =	sdelay $0x3  }
0x8e: {  	v3 =	vshrl.u32 v3, $0x2  }
0x8f: {  	[tilespmem:s24+$0x640] =	vst v3  }
0x90: {  	[tilespmem:s12], [sflag:$0x1] =	stream.indirect.gather [hbm4b:s4+s11], $0x10, s11, s11, $0xb8;
	[tilespmem:$0x11300] =	vst v63  }
.LBB2_12:
0x91: {  	s25 =	simm.s32 $0x0  }
0x92: {  	_ =	swait.ge [sflag:s18], $0x6400;
	v3 =	vor.u32 s25, v0  }
0x93: {  	[sflag:s18] =	ssyncset.done $0x0;
	v4 =	vmulhi.u32 $0x51EB851F, v3  }
0x94: {  	s24 =	simm.s32 $0x7080;
	[sflag:s18] =	ssyncadd.s32 $0xFFFF9C00  }
0x95: {  	v5 =	vld [tilespmem:s24+$0x0];
	v4 =	vshrl.u32 v4, $0x6  }
0x96: {  	v6 =	vmov s25;
	v7 =	vmul.u32 $0xFFFFFF38, v4  }
0x97: {  	v8 =	vsub.s32 v1, v6  }
0x98: {  	vm0 =	veq.s32 v6, v0;
	vm1 =	vne.s32 v7, v8  }
0x99: {  	vm0 =	vmand vm0, vm1  }
0x9a: {  	v5 =	vshll.u32 v5, $0x2;
	v6 =	vsel vm0, $0xFFFFFFFF, v2  }
0x9b: {  	v7 =	vshll.u32 v3, $0x4;
	v5 =	vand.u32 $0xC, v5;
	v4 =	vadd.s32 v6, v4  }
0x9c: {  	v5 =	vor.u32 v7, v5;
	v6 =	vmul.u32 $0x3FFFF38, v4;
	_ =	sdelay $0x1  }
0x9d: {  	v7 =	vand.u32 $0xFFFFFFF8, v4;
	v3 =	vadd.s32 v3, v6  }
0x9e: {  	v6 =	vadd.s32 $0x8, v7;
	v3 =	vshll.u32 v3, $0x6  }
0x9f: {  	v4 =	vand.u32 $0x7, v4;
	v7 =	vadd.s32 v6, v3  }
0xa0: {  	v63 =	vld.idx.msk [tilespmem:v5+s15+$0x0], $0xffff;
	v7 =	vor.u32 v4, v7  }
0xa1: {  	v9 =	vor.u32 $0x1, v5;
	_ =	sdelay $0x2  }
0xa2: {  	v4 =	vor.u32 v4, v6  }
0xa3: {  	v3 =	vadd.s32 v3, v4;
	[tilespmem:v7+s17+$0x0] =	vst.idx.msk $0xffff, v63  }
0xa4: {  	v6 =	vadd.s32 $0x10, v3;
	v4 =	vld.idx.msk [tilespmem:v9+s15+$0x0], $0xffff  }
0xa5: {  	v7 =	vor.u32 $0x2, v5;
	_ =	sdelay $0x3  }
0xa6: {  	[tilespmem:v6+s17+$0x0] =	vst.idx.msk $0xffff, v4  }
0xa7: {  	v6 =	vadd.s32 $0x20, v3;
	v4 =	vld.idx.msk [tilespmem:v7+s15+$0x0], $0xffff  }
0xa8: {  	v5 =	vor.u32 $0x3, v5;
	_ =	sdelay $0x3  }
0xa9: {  	[tilespmem:v6+s17+$0x0] =	vst.idx.msk $0xffff, v4  }
0xaa: {  	v4 =	vld.idx.msk [tilespmem:v5+s15+$0x0], $0xffff;
	v5 =	vadd.s32 $0x30, v3;
	_ =	sdelay $0x1  }
0xab: {  	s25 =	simm.s32 $0x10  }
0xac: {  	s26 =	simm.s32 $0x20;
	v3 =	vor.u32 s25, v0  }
.LBB2_13:
0xad: {  	p1 =	sne.s32 s26, $0x630  }
0xae: {  	v6 =	vmulhi.u32 $0x51EB851F, v3;
	[tilespmem:v5+s17+$0x0] =	vst.idx.msk $0xffff, v4;
	s24 =	sadd.s32 $0x10, s24;
	s28 =	smov.u32 s26;
	s26 =	sadd.s32 $0x10, s26  }
0xaf: {  	v4 =	vld [tilespmem:s24+$0x0]  }
0xb0: {  	v5 =	vshrl.u32 v6, $0x6  }
0xb1: {  	v6 =	vmov s25;
	s25 =	smov.u32 s28;
	v7 =	vmul.u32 $0xFFFFFF38, v5  }
0xb2: {  	v8 =	vsub.s32 v1, v6  }
0xb3: {  	vm0 =	veq.s32 v6, v0;
	vm1 =	vne.s32 v7, v8  }
0xb4: {  	v4 =	vshll.u32 v4, $0x2;
	vm0 =	vmand vm0, vm1  }
0xb5: {  	v7 =	vshll.u32 v3, $0x4;
	v6 =	vsel vm0, $0xFFFFFFFF, v2;
	v4 =	vand.u32 $0xC, v4  }
0xb6: {  	v5 =	vadd.s32 v6, v5;
	v4 =	vor.u32 v7, v4  }
0xb7: {  	v6 =	vmul.u32 $0x3FFFF38, v5;
	v7 =	vand.u32 $0xFFFFFFF8, v5;
	_ =	sdelay $0x1  }
0xb8: {  	v3 =	vadd.s32 v3, v6  }
0xb9: {  	v6 =	vadd.s32 $0x8, v7;
	v3 =	vshll.u32 v3, $0x6  }
0xba: {  	v5 =	vand.u32 $0x7, v5;
	v7 =	vld.idx.msk [tilespmem:v4+s15+$0x0], $0xffff;
	v8 =	vadd.s32 v6, v3  }
0xbb: {  	v8 =	vor.u32 v5, v8;
	v5 =	vor.u32 v5, v6  }
0xbc: {  	v6 =	vor.u32 $0x1, v4;
	v3 =	vadd.s32 v3, v5;
	_ =	sdelay $0x3  }
0xbd: {  	[tilespmem:v8+s17+$0x0] =	vst.idx.msk $0xffff, v7  }
0xbe: {  	v5 =	vld.idx.msk [tilespmem:v6+s15+$0x0], $0xffff  }
0xbf: {  	v6 =	vadd.s32 $0x10, v3  }
0xc0: {  	v7 =	vor.u32 $0x2, v4;
	_ =	sdelay $0x3  }
0xc1: {  	[tilespmem:v6+s17+$0x0] =	vst.idx.msk $0xffff, v5  }
0xc2: {  	v5 =	vld.idx.msk [tilespmem:v7+s15+$0x0], $0xffff  }
0xc3: {  	v6 =	vadd.s32 $0x20, v3  }
0xc4: {  	v4 =	vor.u32 $0x3, v4;
	_ =	sdelay $0x3  }
0xc5: {  	[tilespmem:v6+s17+$0x0] =	vst.idx.msk $0xffff, v5  }
0xc6: {  	v4 =	vld.idx.msk [tilespmem:v4+s15+$0x0], $0xffff  }
.Ltmp5:
0xc7: {  	v5 =	vadd.s32 $0x30, v3;
	(pc) =	sbr.rel @p1 .LBB2_13-.Ltmp5, $2  }
0xc8: {  	_ =	sdelay $0x2  }
0xc9: {  	v3 =	vor.u32 s25, v0  }
0xca: {  	_ =	sdelay $0x2  }
0xcb: {  	v6 =	vmulhi.u32 $0x51EB851F, v3  }
0xcc: {  	[tilespmem:v5+s17+$0x0] =	vst.idx.msk $0xffff, v4;
	s24 =	sadd.s32 $0x10, s24  }
0xcd: {  	v4 =	vld [tilespmem:s24+$0x0];
	v53 =	vshrl.u32 v6, $0x6  }
0xce: {  	v54 =	vmov s25;
	v7 =	vmul.u32 $0xFFFFFF38, v53  }
0xcf: {  	v8 =	vsub.s32 v1, v54  }
0xd0: {  	vm0 =	veq.s32 v54, v0;
	vm1 =	vne.s32 v7, v8  }
0xd1: {  	vm0 =	vmand vm0, vm1  }
0xd2: {  	v4 =	vshll.u32 v4, $0x2;
	v55 =	vsel vm0, $0xFFFFFFFF, v2  }
0xd3: {  	v56 =	vshll.u32 v3, $0x4;
	v4 =	vand.u32 $0xC, v4;
	v5 =	vadd.s32 v55, v53  }
0xd4: {  	v4 =	vor.u32 v56, v4;
	v6 =	vmul.u32 $0x3FFFF38, v5;
	_ =	sdelay $0x1  }
0xd5: {  	v57 =	vand.u32 $0xFFFFFFF8, v5;
	v3 =	vadd.s32 v3, v6  }
0xd6: {  	v58 =	vadd.s32 $0x8, v57;
	v3 =	vshll.u32 v3, $0x6  }
0xd7: {  	v5 =	vand.u32 $0x7, v5;
	v7 =	vadd.s32 v58, v3  }
0xd8: {  	v59 =	vld.idx.msk [tilespmem:v4+s15+$0x0], $0xffff;
	v7 =	vor.u32 v5, v7  }
0xd9: {  	v9 =	vor.u32 $0x1, v4;
	_ =	sdelay $0x2  }
0xda: {  	v5 =	vor.u32 v5, v58  }
0xdb: {  	v3 =	vadd.s32 v3, v5;
	[tilespmem:v7+s17+$0x0] =	vst.idx.msk $0xffff, v59  }
0xdc: {  	v61 =	vadd.s32 $0x10, v3;
	v60 =	vld.idx.msk [tilespmem:v9+s15+$0x0], $0xffff  }
0xdd: {  	v62 =	vor.u32 $0x2, v4;
	_ =	sdelay $0x3  }
0xde: {  	[tilespmem:v61+s17+$0x0] =	vst.idx.msk $0xffff, v60  }
0xdf: {  	v63 =	vadd.s32 $0x20, v3;
	v5 =	vld.idx.msk [tilespmem:v62+s15+$0x0], $0xffff  }
0xe0: {  	v4 =	vor.u32 $0x3, v4;
	_ =	sdelay $0x3  }
0xe1: {  	[tilespmem:v63+s17+$0x0] =	vst.idx.msk $0xffff, v5  }
0xe2: {  	v3 =	vadd.s32 $0x30, v3;
	v4 =	vld.idx.msk [tilespmem:v4+s15+$0x0], $0xffff;
	_ =	sdelay $0x3  }
0xe3: {  	s23 =	sshll.u32 s23, $0x1  }
.Ltmp6:
0xe4: {  	s23 =	sadd.s32 s23, s8;
	[tilespmem:v3+s17+$0x0] =	vst.idx.msk $0xffff, v4;
	(pc) =	sbr.rel @p0 .LBB2_4-.Ltmp6, $4  }
0xe5: {  	[hbm4b:s23+s19] =	stream.strided.scatter [tilespmem:s17], [sflag:$0x3], $0x3200, s20, s19, $0x38;
	[tilespmem:$0x11300] =	vst v63  }
0xe6: {  	_ =	swait.ge [sflag:s10], $0x3200  }
0xe7: {  	[sflag:s10] =	ssyncset.done $0x0  }
0xe8: {  	p1 =	por $0x0, $0x0;
	s23 =	simm.s32 $0x1;
	[sflag:s10] =	ssyncadd.s32 $0xFFFFCE00  }
0xe9: {  	s21 =	sadd.s32 $0x1, s21  }
0xea: {  	p0 =	sne.s32 s21, s9  }
.Ltmp7:
0xeb: {  	_ = 	snop;
	(pc) =	sbr.rel @p0 .LBB2_1-.Ltmp7, $1  }
0xec: {  	_ =	sdelay $0x3  }
0xed: {  	_ =	sfence.sel $0x180000  }
0xee: {  	[bflag:$0x0] =	sbarrier.arrive $0xFFFF  }
0xef: {  	p0 =	sne.s32 s0, $0x0;
	_ =	strace $0x9000004A  }
0xf0: {  	s0 =	sadd.s32 @!p0 $0x100000, s1;
	[bflag:$0x2] =	sbarrier.arrive $0xFFFF  }
0xf1: {  	[sflag:s0] =	ssyncadd.tile.s32 @!p0 $0x1;
	_ =	shalt  }
.Lfunc_end2:
_tile_overlayer_lowered:
.L_overlay_start_2:
0xf2: {  	(tag) =	ssettag $0x2  }
0xf3: {  	s0 =	rddreg [dreg:$0x0];
	s2 =	stileid.u32  }
0xf4: {  	s1 =	rddreg [dreg:$0x1];
	p0 =	sne.s32 s2, $0x0  }
0xf5: {  	s3 =	rddreg [dreg:$0x2];
	[bflag:$0x3] =	sbarrier.arrive $0xFFFF;
	s2 =	simm.s32 @!p0 $0x1C03  }
0xf6: {  	[timem:s3], [sflag:s2] =	dma.local @!p0 [hbm:s0], s1  }
0xf7: {  	s0 =	simm.s32 @!p0 $0x3  }
0xf8: {  	_ =	swait.ge @!p0 [sflag:s0], s1  }
0xf9: {  	s1 =	ssub.s32 @!p0 $0x0, s1;
	[sflag:s0] =	ssyncset.done @!p0 $0x0  }
0xfa: {  	[sflag:s0] =	ssyncadd.s32 @!p0 s1  }
0xfb: {  	[bflag:$0x3] =	sbarrier.arrive $0xFFFF  }
0xfc: {  	_ =	shalt  }

// kernel: kernel.17.cloned.1.call-start
scs
__scs_entry_jumppad:
0x0: {  	(pc) =	sbr.rel $0x88, $3  }
0x1: {  	(tag) =	ssettag $0x0;
	lr =	simm.s32 $0x1  }
0x2: {  	[smem:$0x3F9E] =	sst lr;
	_ =	strace $0xD0000000  }
0x3: {  	_ = 	snop  }
0x4: {  	_ = 	snop  }
0x5: {  	_ = 	snop  }
0x6: {  	_ = 	snop  }
0x7: {  	_ = 	snop  }
__scs_overlays_trampoline_lowered:
0x8: {  	[smem:$0x3FAD] =	sst s0  }
0x9: {  	[smem:$0x3FAE] =	sst s1  }
0xa: {  	[smem:$0x3FAF] =	sst s2  }
0xb: {  	[smem:$0x3FB0] =	sst s3  }
0xc: {  	[smem:$0x3FB1] =	sst s4  }
0xd: {  	[smem:$0x3FB2] =	sst s5  }
0xe: {  	[smem:$0x3FB3] =	sst s6  }
0xf: {  	[smem:$0x3FB4] =	sst s7  }
0x10: {  	[smem:$0x3FB5] =	sst s8  }
0x11: {  	[smem:$0x3FB6] =	sst s9;
	s0 =	simm.s32 @!p0 $0x0  }
0x12: {  	s1 =	sld [smem:$0x3F9C];
	s0 =	simm.s32 @p0 $0x1  }
0x13: {  	[smem:$0x3FB7] =	sst s0;
	s0 =	simm.s32 @!p1 $0x0  }
0x14: {  	s2 =	sld [smem:$0x3F9B];
	s0 =	simm.s32 @p1 $0x1  }
0x15: {  	[smem:$0x3FB8] =	sst s0;
	s0 =	simm.s32 @!p2 $0x0  }
0x16: {  	s3 =	sld [smem:$0x3FDB];
	s0 =	simm.s32 @p2 $0x1  }
0x17: {  	s4 =	simm.s32 $0x1BF5;
	[smem:$0x3FBA] =	sst s0  }
0x18: {  	s0 =	sld [smem:$0x3F9D];
	_ =	swait.ge [sflag:s4], $0x0  }
0x19: {  	s7 =	sld [smem:$0x3F9E]  }
0x1a: {  	s8 =	sadd.s32 $0xFFFFE003, lr  }
0x1b: {  	s9 =	sadd.s32 $0xFFFFFEF7, lr;
	s5 =	simm.s32 $0xFFFFFFFF;
	p2 =	slt.u32 s8, $0xFFFFF086  }
0x1c: {  	p1 =	slt.u32 s9, $0xF7A;
	s5 =	simm.s32 @!p2 $0x0  }
0x1d: {  	s5 =	simm.s32 @p1 $0x1;
	p0 =	seq.s32 s7, s2  }
0x1e: {  	s7 =	smul.u32 @!p0 $0xF7A, s2;
	p2 =	seq.s32 @!p0 s5, $0x0  }
0x1f: {  	s9 =	smul.u32 $0xF7A, s1;
	s8 =	simm.s32 @!p0 $0x1BF5;
	p2 =	por !p2, p0  }
0x20: {  	[sflag:s8] =	ssyncset.s32 @!p0 $0xFFFFF086;
	s6 =	sadd.s32 @!p0 s3, s7;
	s7 =	simm.s32 @!p0 $0x108  }
0x21: {  	s3 =	sadd.s32 s3, s9;
	s6 =	sadd.s32 @!p0 $0x88, s6;
	s7 =	simm.s32 @p2 $0x1082  }
0x22: {  	[simem:s7], [sflag:s8] =	dma.local @!p0 [hbm:s6], $0xF7A  }
0x23: {  	s9 =	sor.u32 $0xD0000000, s2;
	s6 =	simm.s32 $0x108;
	_ =	swait.ge @!p0 [sflag:s8], $0x0  }
0x24: {  	s3 =	sadd.s32 $0x88, s3;
	s6 =	simm.s32 @!p1 $0x1082;
	[sflag:s4] =	ssyncset.s32 $0xFFFFF086  }
0x25: {  	[simem:s6], [sflag:s4] =	dma.local [hbm:s3], $0xF7A  }
0x26: {  	[smem:$0x3F9E] =	sst s1;
	(tag) =	ssettag s2;
	_ =	strace s9  }
0x27: {  	s1 =	sld [smem:$0x3FAE]  }
0x28: {  	s2 =	sld [smem:$0x3FAF]  }
0x29: {  	s4 =	sld [smem:$0x3FB1]  }
0x2a: {  	p0 =	seq.s32 s5, $0x0;
	s5 =	sld [smem:$0x3FB2]  }
0x2b: {  	s6 =	sld [smem:$0x3FB3]  }
0x2c: {  	s7 =	sld [smem:$0x3FB4]  }
0x2d: {  	s3 =	simm.s32 $0x108;
	s8 =	sld [smem:$0x3FB5]  }
0x2e: {  	s3 =	simm.s32 @!p0 $0x1082;
	s9 =	sld [smem:$0x3FB6]  }
0x2f: {  	lr =	sadd.s32 s0, s3;
	s0 =	sld [smem:$0x3FAD]  }
0x30: {  	s3 =	sld [smem:$0x3FB0]  }
0x31: {  	[smem:$0x3FB9] =	sst s10  }
0x32: {  	s10 =	sld [smem:$0x3FB7];
	_ =	sdelay $0x3  }
0x33: {  	p0 =	seq.s32 s10, $0x1;
	s10 =	sld [smem:$0x3FB9];
	_ =	sdelay $0x3  }
0x34: {  	[smem:$0x3FB9] =	sst s10  }
0x35: {  	s10 =	sld [smem:$0x3FB8];
	_ =	sdelay $0x3  }
0x36: {  	p1 =	seq.s32 s10, $0x1;
	s10 =	sld [smem:$0x3FB9];
	_ =	sdelay $0x3  }
0x37: {  	[smem:$0x3FB9] =	sst s10  }
0x38: {  	s10 =	sld [smem:$0x3FBA]  }
0x39: {  	_ = 	snop;
	(pc) =	sbr.ind lr, $3  }
0x3a: {  	_ = 	snop  }
0x3b: {  	_ = 	snop  }
0x3c: {  	p2 =	seq.s32 s10, $0x1;
	s10 =	sld [smem:$0x3FB9]  }
0x3d: {  	_ =	shalt  }
0x3e: {  	_ =	shalt  }
0x3f: {  	_ =	shalt  }
0x40: {  	_ =	shalt  }
0x41: {  	_ =	shalt  }
0x42: {  	_ =	shalt  }
0x43: {  	_ =	shalt  }
0x44: {  	_ =	shalt  }
0x45: {  	_ =	shalt  }
0x46: {  	_ =	shalt  }
0x47: {  	_ =	shalt  }
0x48: {  	_ =	shalt  }
0x49: {  	_ =	shalt  }
0x4a: {  	_ =	shalt  }
0x4b: {  	_ =	shalt  }
0x4c: {  	_ =	shalt  }
0x4d: {  	_ =	shalt  }
0x4e: {  	_ =	shalt  }
0x4f: {  	_ =	shalt  }
0x50: {  	_ =	shalt  }
0x51: {  	_ =	shalt  }
0x52: {  	_ =	shalt  }
0x53: {  	_ =	shalt  }
0x54: {  	_ =	shalt  }
0x55: {  	_ =	shalt  }
0x56: {  	_ =	shalt  }
0x57: {  	_ =	shalt  }
0x58: {  	_ =	shalt  }
0x59: {  	_ =	shalt  }
0x5a: {  	_ =	shalt  }
0x5b: {  	_ =	shalt  }
0x5c: {  	_ =	shalt  }
0x5d: {  	_ =	shalt  }
0x5e: {  	_ =	shalt  }
0x5f: {  	_ =	shalt  }
0x60: {  	_ =	shalt  }
0x61: {  	_ =	shalt  }
0x62: {  	_ =	shalt  }
0x63: {  	_ =	shalt  }
0x64: {  	_ =	shalt  }
0x65: {  	_ =	shalt  }
0x66: {  	_ =	shalt  }
0x67: {  	_ =	shalt  }
0x68: {  	_ =	shalt  }
0x69: {  	_ =	shalt  }
0x6a: {  	_ =	shalt  }
0x6b: {  	_ =	shalt  }
0x6c: {  	_ =	shalt  }
0x6d: {  	_ =	shalt  }
0x6e: {  	_ =	shalt  }
0x6f: {  	_ =	shalt  }
0x70: {  	_ =	shalt  }
0x71: {  	_ =	shalt  }
0x72: {  	_ =	shalt  }
0x73: {  	_ =	shalt  }
0x74: {  	_ =	shalt  }
0x75: {  	_ =	shalt  }
0x76: {  	_ =	shalt  }
0x77: {  	_ =	shalt  }
0x78: {  	_ =	shalt  }
0x79: {  	_ =	shalt  }
0x7a: {  	_ =	shalt  }
0x7b: {  	_ =	shalt  }
0x7c: {  	_ =	shalt  }
0x7d: {  	_ =	shalt  }
0x7e: {  	_ =	shalt  }
0x7f: {  	_ =	shalt  }
0x80: {  	_ =	shalt  }
0x81: {  	_ =	shalt  }
0x82: {  	_ =	shalt  }
0x83: {  	_ =	shalt  }
0x84: {  	_ =	shalt  }
0x85: {  	_ =	shalt  }
0x86: {  	_ =	shalt  }
0x87: {  	_ =	shalt  }
.Lfunc_end0:
.L_simem_size_0:
called_computation.2_lowered:
.L_overlay_start_0:
0x88: {  	s2 =	sld [smem:$0x3FD9]  }
0x89: {  	s3 =	sld [smem:$0x3FFE];
	_ =	sdelay $0x1  }
0x8a: {  	s1 =	srdreg.scid  }
0x8b: {  	s0 =	sand.u32 $0x1, s1  }
0x8c: {  	s16 =	sshll.u32 s0, $0xA;
	s2 =	sadd.s32 s3, s2  }
0x8d: {  	s2 =	sadd.s32 s2, s16  }
0x8e: {  	[smem:$0x3FC5] =	sst s2  }
0x8f: {  	_ = 	snop  }
0x90: {  	(tm) =	ssettm $0x1  }
0x91: {  	s17 =	sld [smem:$0x3FFB];
	_ =	sdelay $0x3  }
0x92: {  	_ =	strace s17  }
0x93: {  	s2 =	sld [smem:$0x3FFC];
	_ =	sdelay $0x3  }
0x94: {  	_ =	strace s2  }
0x95: {  	s2 =	sld [smem:$0x3FFD];
	_ =	sdelay $0x3  }
0x96: {  	_ =	strace s2  }
0x97: {  	_ =	strace $0x8FFFFFFF  }
0x98: {  	s18 =	sld [smem:$0x3FDB];
	_ =	sdelay $0x1  }
0x99: {  	s19 =	simm.s32 $_scs_section_size  }
0x9a: {  	s4 =	simm.s32 $_size__tile_overlayer_lowered;
	s5 =	simm.s32 $_tile_overlayer_lowered  }
0x9b: {  	s22 =	simm.s32 $0x1BFF;
	s21 =	sshll.u32 s5, $0x1;
	s2 =	sadd.s32 s19, s18  }
0x9c: {  	s6 =	simm.s32 $0x0;
	s20 =	sshll.u32 s4, $0x1;
	s4 =	sadd.s32 s21, s2  }
0x9d: {  	[timem:s6], [sflag:s22] =	dma.local [hbm:s4], s20  }
0x9e: {  	_ =	swait.ge [sflag:s22], s20  }
0x9f: {  	s3 =	ssub.s32 $0x0, s20;
	[sflag:s22] =	ssyncset.done $0x0  }
0xa0: {  	[sflag:s22] =	ssyncadd.s32 s3;
	_ =	sdelay $0x1  }
0xa1: {  	s23 =	simm.s32 $0x1B8B  }
0xa2: {  	_ =	swait.ge [sflag:s23], $0x1  }
0xa3: {  	[sflag:s23] =	ssyncset.done $0x0  }
0xa4: {  	s25 =	simm.s32 $0x1B8E;
	s24 =	sld [smem:$0x3FFE];
	[sflag:s23] =	ssyncadd.s32 $0xFFFFFFFF  }
0xa5: {  	s26 =	simm.s32 $execute0_lowered;
	[smem:$0x3FD2] =	sst s25  }
0xa6: {  	s4 =	sshll.u32 s26, $0x1;
	_ =	strace $0x8000004C;
	[dreg:$0x1] =	wrdreg $0xFFFFFFFF  }
0xa7: {  	s28 =	simm.s32 $_size_execute0_lowered;
	s2 =	sadd.s32 s2, s4;
	[dreg:$0x0] =	wrdreg $0x0  }
0xa8: {  	s4 =	sshll.u32 s28, $0x1;
	[dreg:$0x2] =	wrdreg s2  }
0xa9: {  	[dreg:$0x3] =	wrdreg s4  }
0xaa: {  	[dreg:$0x4] =	wrdreg $0xC0  }
0xab: {  	_ =	task [dreg:s6], $0x5FFFF  }
0xac: {  	[dreg:$0x1] =	wrdreg $0xFFFFFFFF  }
0xad: {  	[dreg:$0x0] =	wrdreg $0x60  }
0xae: {  	[dreg:$0x2] =	wrdreg s24  }
0xaf: {  	[dreg:$0x3] =	wrdreg $0x9  }
0xb0: {  	_ =	task.clear_ibuf [dreg:s6], $0x4FFFF;
	_ =	strace $0x9000004C  }
0xb1: {  	s29 =	simm.s32 $0x9;
	_ =	strace $0x8000004E  }
0xb2: {  	_ =	swait.ge [sflag:s29], $0x1  }
0xb3: {  	[sflag:s29] =	ssyncadd.s32 $0xFFFFFFFF  }
0xb4: {  	_ =	strace $0x9000004E  }
0xb5: {  	_ =	sfence  }
0xb6: {  	s30 =	sld [smem:$0x0];
	_ =	sdelay $0x2  }
0xb7: {  	s31 =	sshll.u32 s1, $0xD;
	s1 =	sshrl.u32 s1, $0x2  }
0xb8: {  	s3 =	sand.u32 $0x4000, s31;
	s1 =	sadd.s32 s1, s30  }
0xb9: {  	s0 =	sor.u32 s3, s0;
	s1 =	sshll.u32 s1, $0x11  }
0xba: {  	s0 =	sor.u32 s1, s0  }
0xbb: {  	s0 =	sadd.s32 $0x8F2B, s0  }
0xbc: {  	[sflag:s0] =	ssyncadd.remote.s32 $0x1  }
0xbd: {  	_ =	sfence.sel $0xFFFF  }
0xbe: {  	[dreg:$0x0] =	wrdreg $0xFFFFFFFF;
	(pc) =	sbr.abs _section_cstart, $3  }
0xbf: {  	[dreg:$0x1] =	wrdreg $0xFFFFFFFF  }
0xc0: {  	_ =	task.clear_ibuf [dreg:s6], $0x2FFFF;
	_ =	strace $0x9FFFFFFF  }
0xc1: {  	(tm) =	ssettm $0x7FFFFFFF  }
tec
execute0_lowered:
.L_overlay_start_1:
0x0: {  	(tag) =	ssettag $0x1  }
0x1: {  	s1 =	srdreg.scid  }
0x2: {  	s0 =	stileid.u32;
	s5 =	rddreg [dreg:$0x0];
	s2 =	simm.s32 $0x0  }
0x3: {  	s11 =	simm.s32 $0x640;
	s12 =	simm.s32 $0xC80;
	s13 =	simm.s32 $0x7080  }
0x4: {  	s14 =	simm.s32 $0x76C0;
	s15 =	simm.s32 $0x7D00;
	s16 =	simm.s32 $0x1  }
0x5: {  	s17 =	simm.s32 $0xE100;
	s18 =	simm.s32 $0x2;
	s19 =	simm.s32 $0x10  }
0x6: {  	s20 =	simm.s32 $0x400;
	s6 =	sand.u32 $0x1, s1;
	s1 =	rddreg [dreg:$0x1]  }
0x7: {  	s21 =	simm.s32 $0x0;
	s3 =	sshll.u32 s0, $0x1;
	[smem:$0x7FF] =	sst s2  }
0x8: {  	s4 =	sadd.s32 $0x1E00, s5;
	s7 =	sor.u32 s6, s3;
	_ =	strace $0x8000004D  }
0x9: {  	s6 =	ssub.s32 $0x2, s6;
	s8 =	smul.u32 $0x1900, s7;
	s7 =	sshll.u32 s7, $0x2  }
0xa: {  	s3 =	sadd.s32 $0x7C000, s5;
	s29 =	sshrl.u32 s6, $0x1;
	s10 =	sadd.s32 s7, s5  }
0xb: {  	s31 =	ssub.s32 s6, s29;
	s9 =	sshrl.u32 s8, $0x3;
	s6 =	sadd.s32 $0x32640, s8  }
0xc: {  	v0 =	vlaneseq.u32;
	s8 =	sadd.s32 $0x95000, s10;
	s10 =	simm.s32 $0x3;
	s30 =	sadd.s32 s3, s9  }
0xd: {  	v2 =	vimm.s32 $0x0;
	v1 =	vmul.u32 $0xFFFFFFFF, v0;
	s9 =	smax.u32 s31, $0x1;
	s5 =	sadd.s32 $0x6400, s30;
	s7 =	sadd.s32 $0x6590, s30  }
.LBB2_1:
0xe: {  	[tilespmem:s2], [sflag:$0x3] =	stream.linear.gather [hbm4b:s5+s2], $0x640, $0x38;
	[tilespmem:$0x11300] =	vst v63  }
0xf: {  	_ =	swait.ge [sflag:s10], $0x640  }
0x10: {  	[sflag:s10] =	ssyncset.done $0x0  }
0x11: {  	s22 =	simm.s32 $0x0;
	[sflag:s10] =	ssyncadd.s32 $0xFFFFF9C0  }
0x12: {  	s23 =	simm.s32 $0x40;
	v3 =	vld [tilespmem:s22+$0x0]  }
.LBB2_2:
0x13: {  	p0 =	sne.s32 s23, $0x18C0  }
.Ltmp0:
0x14: {  	_ = 	snop;
	(pc) =	sbr.rel @p0 .LBB2_2-.Ltmp0, $3  }
0x15: {  	_ =	sdelay $0x1  }
0x16: {  	s24 =	sshra.s32 s23, $0x2;
	s23 =	sadd.s32 $0x40, s23;
	v4 =	vshrl.u32 v3, $0x2  }
0x17: {  	v3 =	vld [tilespmem:s24+$0x0];
	[tilespmem:s22+$0x640] =	vst v4;
	s22 =	smov.u32 s24  }
0x18: {  	_ =	sdelay $0x3  }
0x19: {  	v3 =	vshrl.u32 v3, $0x2  }
0x1a: {  	p1 =	por $0x1, $0x1;
	s23 =	simm.s32 $0x0;
	[tilespmem:s22+$0x640] =	vst v3;
	s22 =	simm.s32 $0x0  }
0x1b: {  	[tilespmem:s12], [sflag:$0x1] =	stream.indirect.gather [hbm4b:s4+s11], $0x10, s11, s11, $0xb8;
	[tilespmem:$0x11300] =	vst v63  }
.LBB2_4:
0x1c: {  	s24 =	smul.u32 $0xC80, s23;
	_ =	sdelay $0x1  }
0x1d: {  	s24 =	sadd.s32 s24, s6  }
0x1e: {  	s24 =	sshrl.u32 s24, $0x3  }
0x1f: {  	s24 =	sadd.s32 s3, s24  }
0x20: {  	[tilespmem:s13], [sflag:$0x3] =	stream.linear.gather [hbm4b:s24+s22], $0x640, $0x38;
	[tilespmem:$0x11300] =	vst v63  }
0x21: {  	_ =	swait.ge [sflag:s10], $0x640  }
0x22: {  	[sflag:s10] =	ssyncset.done $0x0  }
0x23: {  	s24 =	simm.s32 $0x0;
	[sflag:s10] =	ssyncadd.s32 $0xFFFFF9C0  }
0x24: {  	p0 =	por p1, p1;
	s25 =	simm.s32 $0x40;
	v3 =	vld [tilespmem:s24+$0x7080]  }
.LBB2_5:
0x25: {  	p1 =	sne.s32 s25, $0x18C0  }
.Ltmp1:
0x26: {  	_ = 	snop;
	(pc) =	sbr.rel @p1 .LBB2_5-.Ltmp1, $3  }
0x27: {  	_ =	sdelay $0x1  }
0x28: {  	s26 =	sshra.s32 s25, $0x2;
	s25 =	sadd.s32 $0x40, s25;
	v4 =	vshrl.u32 v3, $0x2  }
0x29: {  	v3 =	vld [tilespmem:s26+$0x7080];
	[tilespmem:s24+$0x76C0] =	vst v4;
	s24 =	smov.u32 s26  }
0x2a: {  	_ =	sdelay $0x3  }
0x2b: {  	v3 =	vshrl.u32 v3, $0x2  }
0x2c: {  	[tilespmem:s24+$0x76C0] =	vst v3;
	s24 =	simm.s32 $0x0  }
0x2d: {  	[tilespmem:s15], [sflag:$0x2] =	stream.indirect.gather [hbm4b:s4+s11], $0x10, s14, s11, $0xb8;
	[tilespmem:$0x11300] =	vst v63  }
0x2e: {  	v3 =	vor.u32 s24, v0;
	_ =	swait.ge [sflag:s16], $0x6400  }
0x2f: {  	v4 =	vmulhi.u32 $0x51EB851F, v3;
	[sflag:s16] =	ssyncset.done $0x0  }
0x30: {  	[sflag:s16] =	ssyncadd.s32 $0xFFFF9C00  }
0x31: {  	v4 =	vshrl.u32 v4, $0x6;
	v5 =	vld [tilespmem:s24+$0x0]  }
0x32: {  	v6 =	vmov s24;
	v7 =	vmul.u32 $0xFFFFFF38, v4  }
0x33: {  	v8 =	vsub.s32 v1, v6  }
0x34: {  	vm0 =	veq.s32 v6, v0;
	vm1 =	vne.s32 v7, v8  }
0x35: {  	vm0 =	vmand vm0, vm1  }
0x36: {  	v6 =	vsel vm0, $0xFFFFFFFF, v2;
	v5 =	vshll.u32 v5, $0x2  }
0x37: {  	v7 =	vshll.u32 v3, $0x4;
	v4 =	vadd.s32 v6, v4;
	v5 =	vand.u32 $0xC, v5  }
0x38: {  	v6 =	vmul.u32 $0x3FFFF38, v4;
	v5 =	vor.u32 v7, v5;
	_ =	sdelay $0x1  }
0x39: {  	v3 =	vadd.s32 v3, v6  }
0x3a: {  	v6 =	vand.u32 $0xFFFFFFF8, v4;
	v3 =	vshll.u32 v3, $0x6  }
0x3b: {  	v4 =	vand.u32 $0x7, v4;
	v7 =	vadd.s32 v6, v3  }
0x3c: {  	v7 =	vor.u32 v4, v7;
	v63 =	vld.idx.msk [tilespmem:v5+s12+$0x0], $0xffff  }
0x3d: {  	v9 =	vor.u32 $0x1, v5;
	_ =	sdelay $0x2  }
0x3e: {  	v4 =	vor.u32 v4, v6  }
0x3f: {  	v3 =	vadd.s32 v3, v4;
	[tilespmem:v7+s17+$0x0] =	vst.idx.msk $0xffff, v63  }
0x40: {  	v6 =	vadd.s32 $0x10, v3;
	v4 =	vld.idx.msk [tilespmem:v9+s12+$0x0], $0xffff  }
0x41: {  	v7 =	vor.u32 $0x2, v5;
	_ =	sdelay $0x3  }
0x42: {  	[tilespmem:v6+s17+$0x0] =	vst.idx.msk $0xffff, v4  }
0x43: {  	v6 =	vadd.s32 $0x20, v3;
	v4 =	vld.idx.msk [tilespmem:v7+s12+$0x0], $0xffff  }
0x44: {  	v5 =	vor.u32 $0x3, v5;
	_ =	sdelay $0x3  }
0x45: {  	[tilespmem:v6+s17+$0x0] =	vst.idx.msk $0xffff, v4  }
0x46: {  	v4 =	vld.idx.msk [tilespmem:v5+s12+$0x0], $0xffff;
	v5 =	vadd.s32 $0x30, v3;
	_ =	sdelay $0x1  }
0x47: {  	s25 =	simm.s32 $0x10  }
0x48: {  	s26 =	simm.s32 $0x20;
	v3 =	vor.u32 s25, v0  }
.LBB2_7:
0x49: {  	p1 =	sne.s32 s26, $0x630  }
0x4a: {  	v6 =	vmulhi.u32 $0x51EB851F, v3;
	[tilespmem:v5+s17+$0x0] =	vst.idx.msk $0xffff, v4;
	s24 =	sadd.s32 $0x10, s24;
	s28 =	smov.u32 s26;
	s26 =	sadd.s32 $0x10, s26  }
0x4b: {  	v4 =	vld [tilespmem:s24+$0x0]  }
0x4c: {  	v5 =	vshrl.u32 v6, $0x6  }
0x4d: {  	v6 =	vmov s25;
	s25 =	smov.u32 s28;
	v7 =	vmul.u32 $0xFFFFFF38, v5  }
0x4e: {  	v8 =	vsub.s32 v1, v6  }
0x4f: {  	vm0 =	veq.s32 v6, v0;
	vm1 =	vne.s32 v7, v8  }
0x50: {  	v4 =	vshll.u32 v4, $0x2;
	vm0 =	vmand vm0, vm1  }
0x51: {  	v7 =	vshll.u32 v3, $0x4;
	v6 =	vsel vm0, $0xFFFFFFFF, v2;
	v4 =	vand.u32 $0xC, v4  }
0x52: {  	v5 =	vadd.s32 v6, v5;
	v4 =	vor.u32 v7, v4  }
0x53: {  	v6 =	vmul.u32 $0x3FFFF38, v5;
	_ =	sdelay $0x1  }
0x54: {  	v3 =	vadd.s32 v3, v6  }
0x55: {  	v6 =	vand.u32 $0xFFFFFFF8, v5;
	v3 =	vshll.u32 v3, $0x6  }
0x56: {  	v5 =	vand.u32 $0x7, v5;
	v7 =	vld.idx.msk [tilespmem:v4+s12+$0x0], $0xffff;
	v8 =	vadd.s32 v6, v3  }
0x57: {  	v8 =	vor.u32 v5, v8;
	v5 =	vor.u32 v5, v6  }
0x58: {  	v6 =	vor.u32 $0x1, v4;
	v3 =	vadd.s32 v3, v5;
	_ =	sdelay $0x3  }
0x59: {  	[tilespmem:v8+s17+$0x0] =	vst.idx.msk $0xffff, v7  }
0x5a: {  	v5 =	vld.idx.msk [tilespmem:v6+s12+$0x0], $0xffff  }
0x5b: {  	v6 =	vadd.s32 $0x10, v3  }
0x5c: {  	v7 =	vor.u32 $0x2, v4;
	_ =	sdelay $0x3  }
0x5d: {  	[tilespmem:v6+s17+$0x0] =	vst.idx.msk $0xffff, v5  }
0x5e: {  	v5 =	vld.idx.msk [tilespmem:v7+s12+$0x0], $0xffff  }
0x5f: {  	v6 =	vadd.s32 $0x20, v3  }
0x60: {  	v4 =	vor.u32 $0x3, v4;
	_ =	sdelay $0x3  }
0x61: {  	[tilespmem:v6+s17+$0x0] =	vst.idx.msk $0xffff, v5  }
0x62: {  	v4 =	vld.idx.msk [tilespmem:v4+s12+$0x0], $0xffff  }
.Ltmp2:
0x63: {  	v5 =	vadd.s32 $0x30, v3;
	(pc) =	sbr.rel @p1 .LBB2_7-.Ltmp2, $2  }
0x64: {  	_ =	sdelay $0x2  }
0x65: {  	v3 =	vor.u32 s25, v0  }
0x66: {  	_ =	sdelay $0x2  }
0x67: {  	v6 =	vmulhi.u32 $0x51EB851F, v3  }
0x68: {  	[tilespmem:v5+s17+$0x0] =	vst.idx.msk $0xffff, v4;
	s24 =	sadd.s32 $0x10, s24  }
0x69: {  	v4 =	vld [tilespmem:s24+$0x0];
	v53 =	vshrl.u32 v6, $0x6  }
0x6a: {  	v54 =	vmov s25;
	v7 =	vmul.u32 $0xFFFFFF38, v53  }
0x6b: {  	v8 =	vsub.s32 v1, v54  }
0x6c: {  	vm0 =	veq.s32 v54, v0;
	vm1 =	vne.s32 v7, v8  }
0x6d: {  	vm0 =	vmand vm0, vm1  }
0x6e: {  	v4 =	vshll.u32 v4, $0x2;
	v55 =	vsel vm0, $0xFFFFFFFF, v2  }
0x6f: {  	v56 =	vshll.u32 v3, $0x4;
	v4 =	vand.u32 $0xC, v4;
	v5 =	vadd.s32 v55, v53  }
0x70: {  	v4 =	vor.u32 v56, v4;
	v6 =	vmul.u32 $0x3FFFF38, v5;
	_ =	sdelay $0x1  }
0x71: {  	v3 =	vadd.s32 v3, v6  }
0x72: {  	v57 =	vand.u32 $0xFFFFFFF8, v5;
	v3 =	vshll.u32 v3, $0x6  }
0x73: {  	v5 =	vand.u32 $0x7, v5;
	v58 =	vadd.s32 v57, v3  }
0x74: {  	v59 =	vld.idx.msk [tilespmem:v4+s12+$0x0], $0xffff;
	v7 =	vor.u32 v5, v58  }
0x75: {  	v9 =	vor.u32 $0x1, v4;
	_ =	sdelay $0x2  }
0x76: {  	v5 =	vor.u32 v5, v57  }
0x77: {  	v3 =	vadd.s32 v3, v5;
	[tilespmem:v7+s17+$0x0] =	vst.idx.msk $0xffff, v59  }
0x78: {  	v61 =	vadd.s32 $0x10, v3;
	v60 =	vld.idx.msk [tilespmem:v9+s12+$0x0], $0xffff  }
0x79: {  	v62 =	vor.u32 $0x2, v4;
	_ =	sdelay $0x3  }
0x7a: {  	[tilespmem:v61+s17+$0x0] =	vst.idx.msk $0xffff, v60  }
0x7b: {  	v63 =	vadd.s32 $0x20, v3;
	v5 =	vld.idx.msk [tilespmem:v62+s12+$0x0], $0xffff  }
0x7c: {  	v4 =	vor.u32 $0x3, v4;
	_ =	sdelay $0x3  }
0x7d: {  	[tilespmem:v63+s17+$0x0] =	vst.idx.msk $0xffff, v5  }
0x7e: {  	v3 =	vadd.s32 $0x30, v3;
	v4 =	vld.idx.msk [tilespmem:v4+s12+$0x0], $0xffff  }
.Ltmp3:
0x7f: {  	_ = 	snop;
	(pc) =	sbr.rel @!p0 .LBB2_12-.Ltmp3, $2  }
0x80: {  	_ =	sdelay $0x2  }
0x81: {  	[tilespmem:v3+s17+$0x0] =	vst.idx.msk $0xffff, v4  }
0x82: {  	s24 =	simm.s32 $0x0  }
0x83: {  	[tilespmem:s24], [sflag:$0x3] =	stream.linear.gather [hbm4b:s7+s24], $0x640, $0x38;
	[tilespmem:$0x11300] =	vst v63  }
0x84: {  	_ =	swait.ge [sflag:s10], $0x640  }
0x85: {  	[sflag:s10] =	ssyncset.done $0x0  }
0x86: {  	s24 =	simm.s32 $0x0;
	[sflag:s10] =	ssyncadd.s32 $0xFFFFF9C0  }
0x87: {  	s25 =	simm.s32 $0x40;
	v3 =	vld [tilespmem:s24+$0x0]  }
.LBB2_10:
0x88: {  	p1 =	sne.s32 s25, $0x18C0  }
.Ltmp4:
0x89: {  	_ = 	snop;
	(pc) =	sbr.rel @p1 .LBB2_10-.Ltmp4, $3  }
0x8a: {  	_ =	sdelay $0x1  }
0x8b: {  	s26 =	sshra.s32 s25, $0x2;
	s25 =	sadd.s32 $0x40, s25;
	v4 =	vshrl.u32 v3, $0x2  }
0x8c: {  	v3 =	vld [tilespmem:s26+$0x0];
	[tilespmem:s24+$0x640] =	vst v4;
	s24 =	smov.u32 s26  }
0x8d: {  	_ =	sdelay $0x3  }
0x8e: {  	v3 =	vshrl.u32 v3, $0x2  }
0x8f: {  	[tilespmem:s24+$0x640] =	vst v3  }
0x90: {  	[tilespmem:s12], [sflag:$0x1] =	stream.indirect.gather [hbm4b:s4+s11], $0x10, s11, s11, $0xb8;
	[tilespmem:$0x11300] =	vst v63  }
.LBB2_12:
0x91: {  	s25 =	simm.s32 $0x0  }
0x92: {  	_ =	swait.ge [sflag:s18], $0x6400;
	v3 =	vor.u32 s25, v0  }
0x93: {  	[sflag:s18] =	ssyncset.done $0x0;
	v4 =	vmulhi.u32 $0x51EB851F, v3  }
0x94: {  	s24 =	simm.s32 $0x7080;
	[sflag:s18] =	ssyncadd.s32 $0xFFFF9C00  }
0x95: {  	v5 =	vld [tilespmem:s24+$0x0];
	v4 =	vshrl.u32 v4, $0x6  }
0x96: {  	v6 =	vmov s25;
	v7 =	vmul.u32 $0xFFFFFF38, v4  }
0x97: {  	v8 =	vsub.s32 v1, v6  }
0x98: {  	vm0 =	veq.s32 v6, v0;
	vm1 =	vne.s32 v7, v8  }
0x99: {  	vm0 =	vmand vm0, vm1  }
0x9a: {  	v5 =	vshll.u32 v5, $0x2;
	v6 =	vsel vm0, $0xFFFFFFFF, v2  }
0x9b: {  	v7 =	vshll.u32 v3, $0x4;
	v5 =	vand.u32 $0xC, v5;
	v4 =	vadd.s32 v6, v4  }
0x9c: {  	v5 =	vor.u32 v7, v5;
	v6 =	vmul.u32 $0x3FFFF38, v4;
	_ =	sdelay $0x1  }
0x9d: {  	v7 =	vand.u32 $0xFFFFFFF8, v4;
	v3 =	vadd.s32 v3, v6  }
0x9e: {  	v6 =	vadd.s32 $0x8, v7;
	v3 =	vshll.u32 v3, $0x6  }
0x9f: {  	v4 =	vand.u32 $0x7, v4;
	v7 =	vadd.s32 v6, v3  }
0xa0: {  	v63 =	vld.idx.msk [tilespmem:v5+s15+$0x0], $0xffff;
	v7 =	vor.u32 v4, v7  }
0xa1: {  	v9 =	vor.u32 $0x1, v5;
	_ =	sdelay $0x2  }
0xa2: {  	v4 =	vor.u32 v4, v6  }
0xa3: {  	v3 =	vadd.s32 v3, v4;
	[tilespmem:v7+s17+$0x0] =	vst.idx.msk $0xffff, v63  }
0xa4: {  	v6 =	vadd.s32 $0x10, v3;
	v4 =	vld.idx.msk [tilespmem:v9+s15+$0x0], $0xffff  }
0xa5: {  	v7 =	vor.u32 $0x2, v5;
	_ =	sdelay $0x3  }
0xa6: {  	[tilespmem:v6+s17+$0x0] =	vst.idx.msk $0xffff, v4  }
0xa7: {  	v6 =	vadd.s32 $0x20, v3;
	v4 =	vld.idx.msk [tilespmem:v7+s15+$0x0], $0xffff  }
0xa8: {  	v5 =	vor.u32 $0x3, v5;
	_ =	sdelay $0x3  }
0xa9: {  	[tilespmem:v6+s17+$0x0] =	vst.idx.msk $0xffff, v4  }
0xaa: {  	v4 =	vld.idx.msk [tilespmem:v5+s15+$0x0], $0xffff;
	v5 =	vadd.s32 $0x30, v3;
	_ =	sdelay $0x1  }
0xab: {  	s25 =	simm.s32 $0x10  }
0xac: {  	s26 =	simm.s32 $0x20;
	v3 =	vor.u32 s25, v0  }
.LBB2_13:
0xad: {  	p1 =	sne.s32 s26, $0x630  }
0xae: {  	v6 =	vmulhi.u32 $0x51EB851F, v3;
	[tilespmem:v5+s17+$0x0] =	vst.idx.msk $0xffff, v4;
	s24 =	sadd.s32 $0x10, s24;
	s28 =	smov.u32 s26;
	s26 =	sadd.s32 $0x10, s26  }
0xaf: {  	v4 =	vld [tilespmem:s24+$0x0]  }
0xb0: {  	v5 =	vshrl.u32 v6, $0x6  }
0xb1: {  	v6 =	vmov s25;
	s25 =	smov.u32 s28;
	v7 =	vmul.u32 $0xFFFFFF38, v5  }
0xb2: {  	v8 =	vsub.s32 v1, v6  }
0xb3: {  	vm0 =	veq.s32 v6, v0;
	vm1 =	vne.s32 v7, v8  }
0xb4: {  	v4 =	vshll.u32 v4, $0x2;
	vm0 =	vmand vm0, vm1  }
0xb5: {  	v7 =	vshll.u32 v3, $0x4;
	v6 =	vsel vm0, $0xFFFFFFFF, v2;
	v4 =	vand.u32 $0xC, v4  }
0xb6: {  	v5 =	vadd.s32 v6, v5;
	v4 =	vor.u32 v7, v4  }
0xb7: {  	v6 =	vmul.u32 $0x3FFFF38, v5;
	v7 =	vand.u32 $0xFFFFFFF8, v5;
	_ =	sdelay $0x1  }
0xb8: {  	v3 =	vadd.s32 v3, v6  }
0xb9: {  	v6 =	vadd.s32 $0x8, v7;
	v3 =	vshll.u32 v3, $0x6  }
0xba: {  	v5 =	vand.u32 $0x7, v5;
	v7 =	vld.idx.msk [tilespmem:v4+s15+$0x0], $0xffff;
	v8 =	vadd.s32 v6, v3  }
0xbb: {  	v8 =	vor.u32 v5, v8;
	v5 =	vor.u32 v5, v6  }
0xbc: {  	v6 =	vor.u32 $0x1, v4;
	v3 =	vadd.s32 v3, v5;
	_ =	sdelay $0x3  }
0xbd: {  	[tilespmem:v8+s17+$0x0] =	vst.idx.msk $0xffff, v7  }
0xbe: {  	v5 =	vld.idx.msk [tilespmem:v6+s15+$0x0], $0xffff  }
0xbf: {  	v6 =	vadd.s32 $0x10, v3  }
0xc0: {  	v7 =	vor.u32 $0x2, v4;
	_ =	sdelay $0x3  }
0xc1: {  	[tilespmem:v6+s17+$0x0] =	vst.idx.msk $0xffff, v5  }
0xc2: {  	v5 =	vld.idx.msk [tilespmem:v7+s15+$0x0], $0xffff  }
0xc3: {  	v6 =	vadd.s32 $0x20, v3  }
0xc4: {  	v4 =	vor.u32 $0x3, v4;
	_ =	sdelay $0x3  }
0xc5: {  	[tilespmem:v6+s17+$0x0] =	vst.idx.msk $0xffff, v5  }
0xc6: {  	v4 =	vld.idx.msk [tilespmem:v4+s15+$0x0], $0xffff  }
.Ltmp5:
0xc7: {  	v5 =	vadd.s32 $0x30, v3;
	(pc) =	sbr.rel @p1 .LBB2_13-.Ltmp5, $2  }
0xc8: {  	_ =	sdelay $0x2  }
0xc9: {  	v3 =	vor.u32 s25, v0  }
0xca: {  	_ =	sdelay $0x2  }
0xcb: {  	v6 =	vmulhi.u32 $0x51EB851F, v3  }
0xcc: {  	[tilespmem:v5+s17+$0x0] =	vst.idx.msk $0xffff, v4;
	s24 =	sadd.s32 $0x10, s24  }
0xcd: {  	v4 =	vld [tilespmem:s24+$0x0];
	v53 =	vshrl.u32 v6, $0x6  }
0xce: {  	v54 =	vmov s25;
	v7 =	vmul.u32 $0xFFFFFF38, v53  }
0xcf: {  	v8 =	vsub.s32 v1, v54  }
0xd0: {  	vm0 =	veq.s32 v54, v0;
	vm1 =	vne.s32 v7, v8  }
0xd1: {  	vm0 =	vmand vm0, vm1  }
0xd2: {  	v4 =	vshll.u32 v4, $0x2;
	v55 =	vsel vm0, $0xFFFFFFFF, v2  }
0xd3: {  	v56 =	vshll.u32 v3, $0x4;
	v4 =	vand.u32 $0xC, v4;
	v5 =	vadd.s32 v55, v53  }
0xd4: {  	v4 =	vor.u32 v56, v4;
	v6 =	vmul.u32 $0x3FFFF38, v5;
	_ =	sdelay $0x1  }
0xd5: {  	v57 =	vand.u32 $0xFFFFFFF8, v5;
	v3 =	vadd.s32 v3, v6  }
0xd6: {  	v58 =	vadd.s32 $0x8, v57;
	v3 =	vshll.u32 v3, $0x6  }
0xd7: {  	v5 =	vand.u32 $0x7, v5;
	v7 =	vadd.s32 v58, v3  }
0xd8: {  	v59 =	vld.idx.msk [tilespmem:v4+s15+$0x0], $0xffff;
	v7 =	vor.u32 v5, v7  }
0xd9: {  	v9 =	vor.u32 $0x1, v4;
	_ =	sdelay $0x2  }
0xda: {  	v5 =	vor.u32 v5, v58  }
0xdb: {  	v3 =	vadd.s32 v3, v5;
	[tilespmem:v7+s17+$0x0] =	vst.idx.msk $0xffff, v59  }
0xdc: {  	v61 =	vadd.s32 $0x10, v3;
	v60 =	vld.idx.msk [tilespmem:v9+s15+$0x0], $0xffff  }
0xdd: {  	v62 =	vor.u32 $0x2, v4;
	_ =	sdelay $0x3  }
0xde: {  	[tilespmem:v61+s17+$0x0] =	vst.idx.msk $0xffff, v60  }
0xdf: {  	v63 =	vadd.s32 $0x20, v3;
	v5 =	vld.idx.msk [tilespmem:v62+s15+$0x0], $0xffff  }
0xe0: {  	v4 =	vor.u32 $0x3, v4;
	_ =	sdelay $0x3  }
0xe1: {  	[tilespmem:v63+s17+$0x0] =	vst.idx.msk $0xffff, v5  }
0xe2: {  	v3 =	vadd.s32 $0x30, v3;
	v4 =	vld.idx.msk [tilespmem:v4+s15+$0x0], $0xffff;
	_ =	sdelay $0x3  }
0xe3: {  	s23 =	sshll.u32 s23, $0x1  }
.Ltmp6:
0xe4: {  	s23 =	sadd.s32 s23, s8;
	[tilespmem:v3+s17+$0x0] =	vst.idx.msk $0xffff, v4;
	(pc) =	sbr.rel @p0 .LBB2_4-.Ltmp6, $4  }
0xe5: {  	[hbm4b:s23+s19] =	stream.strided.scatter [tilespmem:s17], [sflag:$0x3], $0x3200, s20, s19, $0x38;
	[tilespmem:$0x11300] =	vst v63  }
0xe6: {  	_ =	swait.ge [sflag:s10], $0x3200  }
0xe7: {  	[sflag:s10] =	ssyncset.done $0x0  }
0xe8: {  	p1 =	por $0x0, $0x0;
	s23 =	simm.s32 $0x1;
	[sflag:s10] =	ssyncadd.s32 $0xFFFFCE00  }
0xe9: {  	s21 =	sadd.s32 $0x1, s21  }
0xea: {  	p0 =	sne.s32 s21, s9  }
.Ltmp7:
0xeb: {  	_ = 	snop;
	(pc) =	sbr.rel @p0 .LBB2_1-.Ltmp7, $1  }
0xec: {  	_ =	sdelay $0x3  }
0xed: {  	_ =	sfence.sel $0x180000  }
0xee: {  	[bflag:$0x0] =	sbarrier.arrive $0xFFFF  }
0xef: {  	p0 =	sne.s32 s0, $0x0;
	_ =	strace $0x9000004D  }
0xf0: {  	s0 =	sadd.s32 @!p0 $0x100000, s1;
	[bflag:$0x2] =	sbarrier.arrive $0xFFFF  }
0xf1: {  	[sflag:s0] =	ssyncadd.tile.s32 @!p0 $0x1;
	_ =	shalt  }
.Lfunc_end2:
_tile_overlayer_lowered:
.L_overlay_start_2:
0xf2: {  	(tag) =	ssettag $0x2  }
0xf3: {  	s0 =	rddreg [dreg:$0x0];
	s2 =	stileid.u32  }
0xf4: {  	s1 =	rddreg [dreg:$0x1];
	p0 =	sne.s32 s2, $0x0  }
0xf5: {  	s3 =	rddreg [dreg:$0x2];
	[bflag:$0x3] =	sbarrier.arrive $0xFFFF;
	s2 =	simm.s32 @!p0 $0x1C03  }
0xf6: {  	[timem:s3], [sflag:s2] =	dma.local @!p0 [hbm:s0], s1  }
0xf7: {  	s0 =	simm.s32 @!p0 $0x3  }
0xf8: {  	_ =	swait.ge @!p0 [sflag:s0], s1  }
0xf9: {  	s1 =	ssub.s32 @!p0 $0x0, s1;
	[sflag:s0] =	ssyncset.done @!p0 $0x0  }
0xfa: {  	[sflag:s0] =	ssyncadd.s32 @!p0 s1  }
0xfb: {  	[bflag:$0x3] =	sbarrier.arrive $0xFFFF  }
0xfc: {  	_ =	shalt  }

// kernel: kernel.20.cloned.1.call-start
scs
__scs_entry_jumppad:
0x0: {  	(pc) =	sbr.rel $0x88, $3  }
0x1: {  	(tag) =	ssettag $0x0;
	lr =	simm.s32 $0x1  }
0x2: {  	[smem:$0x3F9E] =	sst lr;
	_ =	strace $0xD0000000  }
0x3: {  	_ = 	snop  }
0x4: {  	_ = 	snop  }
0x5: {  	_ = 	snop  }
0x6: {  	_ = 	snop  }
0x7: {  	_ = 	snop  }
__scs_overlays_trampoline_lowered:
0x8: {  	[smem:$0x3FAD] =	sst s0  }
0x9: {  	[smem:$0x3FAE] =	sst s1  }
0xa: {  	[smem:$0x3FAF] =	sst s2  }
0xb: {  	[smem:$0x3FB0] =	sst s3  }
0xc: {  	[smem:$0x3FB1] =	sst s4  }
0xd: {  	[smem:$0x3FB2] =	sst s5  }
0xe: {  	[smem:$0x3FB3] =	sst s6  }
0xf: {  	[smem:$0x3FB4] =	sst s7  }
0x10: {  	[smem:$0x3FB5] =	sst s8  }
0x11: {  	[smem:$0x3FB6] =	sst s9;
	s0 =	simm.s32 @!p0 $0x0  }
0x12: {  	s1 =	sld [smem:$0x3F9C];
	s0 =	simm.s32 @p0 $0x1  }
0x13: {  	[smem:$0x3FB7] =	sst s0;
	s0 =	simm.s32 @!p1 $0x0  }
0x14: {  	s2 =	sld [smem:$0x3F9B];
	s0 =	simm.s32 @p1 $0x1  }
0x15: {  	[smem:$0x3FB8] =	sst s0;
	s0 =	simm.s32 @!p2 $0x0  }
0x16: {  	s3 =	sld [smem:$0x3FDB];
	s0 =	simm.s32 @p2 $0x1  }
0x17: {  	s4 =	simm.s32 $0x1BF5;
	[smem:$0x3FBA] =	sst s0  }
0x18: {  	s0 =	sld [smem:$0x3F9D];
	_ =	swait.ge [sflag:s4], $0x0  }
0x19: {  	s7 =	sld [smem:$0x3F9E]  }
0x1a: {  	s8 =	sadd.s32 $0xFFFFE003, lr  }
0x1b: {  	s9 =	sadd.s32 $0xFFFFFEF7, lr;
	s5 =	simm.s32 $0xFFFFFFFF;
	p2 =	slt.u32 s8, $0xFFFFF086  }
0x1c: {  	p1 =	slt.u32 s9, $0xF7A;
	s5 =	simm.s32 @!p2 $0x0  }
0x1d: {  	s5 =	simm.s32 @p1 $0x1;
	p0 =	seq.s32 s7, s2  }
0x1e: {  	s7 =	smul.u32 @!p0 $0xF7A, s2;
	p2 =	seq.s32 @!p0 s5, $0x0  }
0x1f: {  	s9 =	smul.u32 $0xF7A, s1;
	s8 =	simm.s32 @!p0 $0x1BF5;
	p2 =	por !p2, p0  }
0x20: {  	[sflag:s8] =	ssyncset.s32 @!p0 $0xFFFFF086;
	s6 =	sadd.s32 @!p0 s3, s7;
	s7 =	simm.s32 @!p0 $0x108  }
0x21: {  	s3 =	sadd.s32 s3, s9;
	s6 =	sadd.s32 @!p0 $0x88, s6;
	s7 =	simm.s32 @p2 $0x1082  }
0x22: {  	[simem:s7], [sflag:s8] =	dma.local @!p0 [hbm:s6], $0xF7A  }
0x23: {  	s9 =	sor.u32 $0xD0000000, s2;
	s6 =	simm.s32 $0x108;
	_ =	swait.ge @!p0 [sflag:s8], $0x0  }
0x24: {  	s3 =	sadd.s32 $0x88, s3;
	s6 =	simm.s32 @!p1 $0x1082;
	[sflag:s4] =	ssyncset.s32 $0xFFFFF086  }
0x25: {  	[simem:s6], [sflag:s4] =	dma.local [hbm:s3], $0xF7A  }
0x26: {  	[smem:$0x3F9E] =	sst s1;
	(tag) =	ssettag s2;
	_ =	strace s9  }
0x27: {  	s1 =	sld [smem:$0x3FAE]  }
0x28: {  	s2 =	sld [smem:$0x3FAF]  }
0x29: {  	s4 =	sld [smem:$0x3FB1]  }
0x2a: {  	p0 =	seq.s32 s5, $0x0;
	s5 =	sld [smem:$0x3FB2]  }
0x2b: {  	s6 =	sld [smem:$0x3FB3]  }
0x2c: {  	s7 =	sld [smem:$0x3FB4]  }
0x2d: {  	s3 =	simm.s32 $0x108;
	s8 =	sld [smem:$0x3FB5]  }
0x2e: {  	s3 =	simm.s32 @!p0 $0x1082;
	s9 =	sld [smem:$0x3FB6]  }
0x2f: {  	lr =	sadd.s32 s0, s3;
	s0 =	sld [smem:$0x3FAD]  }
0x30: {  	s3 =	sld [smem:$0x3FB0]  }
0x31: {  	[smem:$0x3FB9] =	sst s10  }
0x32: {  	s10 =	sld [smem:$0x3FB7];
	_ =	sdelay $0x3  }
0x33: {  	p0 =	seq.s32 s10, $0x1;
	s10 =	sld [smem:$0x3FB9];
	_ =	sdelay $0x3  }
0x34: {  	[smem:$0x3FB9] =	sst s10  }
0x35: {  	s10 =	sld [smem:$0x3FB8];
	_ =	sdelay $0x3  }
0x36: {  	p1 =	seq.s32 s10, $0x1;
	s10 =	sld [smem:$0x3FB9];
	_ =	sdelay $0x3  }
0x37: {  	[smem:$0x3FB9] =	sst s10  }
0x38: {  	s10 =	sld [smem:$0x3FBA]  }
0x39: {  	_ = 	snop;
	(pc) =	sbr.ind lr, $3  }
0x3a: {  	_ = 	snop  }
0x3b: {  	_ = 	snop  }
0x3c: {  	p2 =	seq.s32 s10, $0x1;
	s10 =	sld [smem:$0x3FB9]  }
0x3d: {  	_ =	shalt  }
0x3e: {  	_ =	shalt  }
0x3f: {  	_ =	shalt  }
0x40: {  	_ =	shalt  }
0x41: {  	_ =	shalt  }
0x42: {  	_ =	shalt  }
0x43: {  	_ =	shalt  }
0x44: {  	_ =	shalt  }
0x45: {  	_ =	shalt  }
0x46: {  	_ =	shalt  }
0x47: {  	_ =	shalt  }
0x48: {  	_ =	shalt  }
0x49: {  	_ =	shalt  }
0x4a: {  	_ =	shalt  }
0x4b: {  	_ =	shalt  }
0x4c: {  	_ =	shalt  }
0x4d: {  	_ =	shalt  }
0x4e: {  	_ =	shalt  }
0x4f: {  	_ =	shalt  }
0x50: {  	_ =	shalt  }
0x51: {  	_ =	shalt  }
0x52: {  	_ =	shalt  }
0x53: {  	_ =	shalt  }
0x54: {  	_ =	shalt  }
0x55: {  	_ =	shalt  }
0x56: {  	_ =	shalt  }
0x57: {  	_ =	shalt  }
0x58: {  	_ =	shalt  }
0x59: {  	_ =	shalt  }
0x5a: {  	_ =	shalt  }
0x5b: {  	_ =	shalt  }
0x5c: {  	_ =	shalt  }
0x5d: {  	_ =	shalt  }
0x5e: {  	_ =	shalt  }
0x5f: {  	_ =	shalt  }
0x60: {  	_ =	shalt  }
0x61: {  	_ =	shalt  }
0x62: {  	_ =	shalt  }
0x63: {  	_ =	shalt  }
0x64: {  	_ =	shalt  }
0x65: {  	_ =	shalt  }
0x66: {  	_ =	shalt  }
0x67: {  	_ =	shalt  }
0x68: {  	_ =	shalt  }
0x69: {  	_ =	shalt  }
0x6a: {  	_ =	shalt  }
0x6b: {  	_ =	shalt  }
0x6c: {  	_ =	shalt  }
0x6d: {  	_ =	shalt  }
0x6e: {  	_ =	shalt  }
0x6f: {  	_ =	shalt  }
0x70: {  	_ =	shalt  }
0x71: {  	_ =	shalt  }
0x72: {  	_ =	shalt  }
0x73: {  	_ =	shalt  }
0x74: {  	_ =	shalt  }
0x75: {  	_ =	shalt  }
0x76: {  	_ =	shalt  }
0x77: {  	_ =	shalt  }
0x78: {  	_ =	shalt  }
0x79: {  	_ =	shalt  }
0x7a: {  	_ =	shalt  }
0x7b: {  	_ =	shalt  }
0x7c: {  	_ =	shalt  }
0x7d: {  	_ =	shalt  }
0x7e: {  	_ =	shalt  }
0x7f: {  	_ =	shalt  }
0x80: {  	_ =	shalt  }
0x81: {  	_ =	shalt  }
0x82: {  	_ =	shalt  }
0x83: {  	_ =	shalt  }
0x84: {  	_ =	shalt  }
0x85: {  	_ =	shalt  }
0x86: {  	_ =	shalt  }
0x87: {  	_ =	shalt  }
.Lfunc_end0:
.L_simem_size_0:
called_computation.3_lowered:
.L_overlay_start_0:
0x88: {  	s2 =	sld [smem:$0x3FD9]  }
0x89: {  	s3 =	sld [smem:$0x3FFE];
	_ =	sdelay $0x1  }
0x8a: {  	s1 =	srdreg.scid  }
0x8b: {  	s0 =	sand.u32 $0x1, s1  }
0x8c: {  	s16 =	sshll.u32 s0, $0xA;
	s2 =	sadd.s32 s3, s2  }
0x8d: {  	s2 =	sadd.s32 s2, s16  }
0x8e: {  	[smem:$0x3FC5] =	sst s2  }
0x8f: {  	_ = 	snop  }
0x90: {  	(tm) =	ssettm $0x1  }
0x91: {  	s17 =	sld [smem:$0x3FFB];
	_ =	sdelay $0x3  }
0x92: {  	_ =	strace s17  }
0x93: {  	s2 =	sld [smem:$0x3FFC];
	_ =	sdelay $0x3  }
0x94: {  	_ =	strace s2  }
0x95: {  	s2 =	sld [smem:$0x3FFD];
	_ =	sdelay $0x3  }
0x96: {  	_ =	strace s2  }
0x97: {  	_ =	strace $0x8FFFFFFF  }
0x98: {  	s18 =	sld [smem:$0x3FDB];
	_ =	sdelay $0x1  }
0x99: {  	s19 =	simm.s32 $_scs_section_size  }
0x9a: {  	s4 =	simm.s32 $_size__tile_overlayer_lowered;
	s5 =	simm.s32 $_tile_overlayer_lowered  }
0x9b: {  	s22 =	simm.s32 $0x1BFF;
	s21 =	sshll.u32 s5, $0x1;
	s2 =	sadd.s32 s19, s18  }
0x9c: {  	s6 =	simm.s32 $0x0;
	s20 =	sshll.u32 s4, $0x1;
	s4 =	sadd.s32 s21, s2  }
0x9d: {  	[timem:s6], [sflag:s22] =	dma.local [hbm:s4], s20  }
0x9e: {  	_ =	swait.ge [sflag:s22], s20  }
0x9f: {  	s3 =	ssub.s32 $0x0, s20;
	[sflag:s22] =	ssyncset.done $0x0  }
0xa0: {  	[sflag:s22] =	ssyncadd.s32 s3;
	_ =	sdelay $0x1  }
0xa1: {  	s23 =	simm.s32 $0x1B8B  }
0xa2: {  	_ =	swait.ge [sflag:s23], $0x1  }
0xa3: {  	[sflag:s23] =	ssyncset.done $0x0  }
0xa4: {  	s25 =	simm.s32 $0x1B8E;
	s24 =	sld [smem:$0x3FFE];
	[sflag:s23] =	ssyncadd.s32 $0xFFFFFFFF  }
0xa5: {  	s26 =	simm.s32 $execute0_lowered;
	[smem:$0x3FD2] =	sst s25  }
0xa6: {  	s4 =	sshll.u32 s26, $0x1;
	_ =	strace $0x8000004F;
	[dreg:$0x1] =	wrdreg $0xFFFFFFFF  }
0xa7: {  	s28 =	simm.s32 $_size_execute0_lowered;
	s2 =	sadd.s32 s2, s4;
	[dreg:$0x0] =	wrdreg $0x0  }
0xa8: {  	s4 =	sshll.u32 s28, $0x1;
	[dreg:$0x2] =	wrdreg s2  }
0xa9: {  	[dreg:$0x3] =	wrdreg s4  }
0xaa: {  	[dreg:$0x4] =	wrdreg $0xC0  }
0xab: {  	_ =	task [dreg:s6], $0x5FFFF  }
0xac: {  	[dreg:$0x1] =	wrdreg $0xFFFFFFFF  }
0xad: {  	[dreg:$0x0] =	wrdreg $0x60  }
0xae: {  	[dreg:$0x2] =	wrdreg s24  }
0xaf: {  	[dreg:$0x3] =	wrdreg $0x9  }
0xb0: {  	_ =	task.clear_ibuf [dreg:s6], $0x4FFFF;
	_ =	strace $0x9000004F  }
0xb1: {  	s29 =	simm.s32 $0x9;
	_ =	strace $0x80000051  }
0xb2: {  	_ =	swait.ge [sflag:s29], $0x1  }
0xb3: {  	[sflag:s29] =	ssyncadd.s32 $0xFFFFFFFF  }
0xb4: {  	_ =	strace $0x90000051  }
0xb5: {  	_ =	sfence  }
0xb6: {  	s30 =	sld [smem:$0x0];
	_ =	sdelay $0x2  }
0xb7: {  	s31 =	sshll.u32 s1, $0xD;
	s1 =	sshrl.u32 s1, $0x2  }
0xb8: {  	s3 =	sand.u32 $0x4000, s31;
	s1 =	sadd.s32 s1, s30  }
0xb9: {  	s0 =	sor.u32 s3, s0;
	s1 =	sshll.u32 s1, $0x11  }
0xba: {  	s0 =	sor.u32 s1, s0  }
0xbb: {  	s0 =	sadd.s32 $0x8F2B, s0  }
0xbc: {  	[sflag:s0] =	ssyncadd.remote.s32 $0x1  }
0xbd: {  	_ =	sfence.sel $0xFFFF  }
0xbe: {  	[dreg:$0x0] =	wrdreg $0xFFFFFFFF;
	(pc) =	sbr.abs _section_cstart, $3  }
0xbf: {  	[dreg:$0x1] =	wrdreg $0xFFFFFFFF  }
0xc0: {  	_ =	task.clear_ibuf [dreg:s6], $0x2FFFF;
	_ =	strace $0x9FFFFFFF  }
0xc1: {  	(tm) =	ssettm $0x7FFFFFFF  }
tec
execute0_lowered:
.L_overlay_start_1:
0x0: {  	(tag) =	ssettag $0x1  }
0x1: {  	s1 =	srdreg.scid  }
0x2: {  	s0 =	stileid.u32;
	s5 =	rddreg [dreg:$0x0];
	s2 =	simm.s32 $0x0  }
0x3: {  	s11 =	simm.s32 $0x640;
	s12 =	simm.s32 $0xC80;
	s13 =	simm.s32 $0x7080  }
0x4: {  	s14 =	simm.s32 $0x76C0;
	s15 =	simm.s32 $0x7D00;
	s16 =	simm.s32 $0x1  }
0x5: {  	s17 =	simm.s32 $0xE100;
	s18 =	simm.s32 $0x2;
	s19 =	simm.s32 $0x10  }
0x6: {  	s20 =	simm.s32 $0x400;
	s6 =	sand.u32 $0x1, s1;
	s1 =	rddreg [dreg:$0x1]  }
0x7: {  	s21 =	simm.s32 $0x0;
	s3 =	sshll.u32 s0, $0x1;
	[smem:$0x7FF] =	sst s2  }
0x8: {  	s4 =	sadd.s32 $0x1E00, s5;
	s7 =	sor.u32 s6, s3;
	_ =	strace $0x80000050  }
0x9: {  	s6 =	ssub.s32 $0x2, s6;
	s8 =	smul.u32 $0x1900, s7;
	s7 =	sshll.u32 s7, $0x2  }
0xa: {  	s3 =	sadd.s32 $0x7C000, s5;
	s29 =	sshrl.u32 s6, $0x1;
	s10 =	sadd.s32 s7, s5  }
0xb: {  	s31 =	ssub.s32 s6, s29;
	s9 =	sshrl.u32 s8, $0x3;
	s6 =	sadd.s32 $0x64640, s8  }
0xc: {  	v0 =	vlaneseq.u32;
	s8 =	sadd.s32 $0xAE000, s10;
	s10 =	simm.s32 $0x3;
	s30 =	sadd.s32 s3, s9  }
0xd: {  	v2 =	vimm.s32 $0x0;
	v1 =	vmul.u32 $0xFFFFFFFF, v0;
	s9 =	smax.u32 s31, $0x1;
	s5 =	sadd.s32 $0xC800, s30;
	s7 =	sadd.s32 $0xC990, s30  }
.LBB2_1:
0xe: {  	[tilespmem:s2], [sflag:$0x3] =	stream.linear.gather [hbm4b:s5+s2], $0x640, $0x38;
	[tilespmem:$0x11300] =	vst v63  }
0xf: {  	_ =	swait.ge [sflag:s10], $0x640  }
0x10: {  	[sflag:s10] =	ssyncset.done $0x0  }
0x11: {  	s22 =	simm.s32 $0x0;
	[sflag:s10] =	ssyncadd.s32 $0xFFFFF9C0  }
0x12: {  	s23 =	simm.s32 $0x40;
	v3 =	vld [tilespmem:s22+$0x0]  }
.LBB2_2:
0x13: {  	p0 =	sne.s32 s23, $0x18C0  }
.Ltmp0:
0x14: {  	_ = 	snop;
	(pc) =	sbr.rel @p0 .LBB2_2-.Ltmp0, $3  }
0x15: {  	_ =	sdelay $0x1  }
0x16: {  	s24 =	sshra.s32 s23, $0x2;
	s23 =	sadd.s32 $0x40, s23;
	v4 =	vshrl.u32 v3, $0x2  }
0x17: {  	v3 =	vld [tilespmem:s24+$0x0];
	[tilespmem:s22+$0x640] =	vst v4;
	s22 =	smov.u32 s24  }
0x18: {  	_ =	sdelay $0x3  }
0x19: {  	v3 =	vshrl.u32 v3, $0x2  }
0x1a: {  	p1 =	por $0x1, $0x1;
	s23 =	simm.s32 $0x0;
	[tilespmem:s22+$0x640] =	vst v3;
	s22 =	simm.s32 $0x0  }
0x1b: {  	[tilespmem:s12], [sflag:$0x1] =	stream.indirect.gather [hbm4b:s4+s11], $0x10, s11, s11, $0xb8;
	[tilespmem:$0x11300] =	vst v63  }
.LBB2_4:
0x1c: {  	s24 =	smul.u32 $0xC80, s23;
	_ =	sdelay $0x1  }
0x1d: {  	s24 =	sadd.s32 s24, s6  }
0x1e: {  	s24 =	sshrl.u32 s24, $0x3  }
0x1f: {  	s24 =	sadd.s32 s3, s24  }
0x20: {  	[tilespmem:s13], [sflag:$0x3] =	stream.linear.gather [hbm4b:s24+s22], $0x640, $0x38;
	[tilespmem:$0x11300] =	vst v63  }
0x21: {  	_ =	swait.ge [sflag:s10], $0x640  }
0x22: {  	[sflag:s10] =	ssyncset.done $0x0  }
0x23: {  	s24 =	simm.s32 $0x0;
	[sflag:s10] =	ssyncadd.s32 $0xFFFFF9C0  }
0x24: {  	p0 =	por p1, p1;
	s25 =	simm.s32 $0x40;
	v3 =	vld [tilespmem:s24+$0x7080]  }
.LBB2_5:
0x25: {  	p1 =	sne.s32 s25, $0x18C0  }
.Ltmp1:
0x26: {  	_ = 	snop;
	(pc) =	sbr.rel @p1 .LBB2_5-.Ltmp1, $3  }
0x27: {  	_ =	sdelay $0x1  }
0x28: {  	s26 =	sshra.s32 s25, $0x2;
	s25 =	sadd.s32 $0x40, s25;
	v4 =	vshrl.u32 v3, $0x2  }
0x29: {  	v3 =	vld [tilespmem:s26+$0x7080];
	[tilespmem:s24+$0x76C0] =	vst v4;
	s24 =	smov.u32 s26  }
0x2a: {  	_ =	sdelay $0x3  }
0x2b: {  	v3 =	vshrl.u32 v3, $0x2  }
0x2c: {  	[tilespmem:s24+$0x76C0] =	vst v3;
	s24 =	simm.s32 $0x0  }
0x2d: {  	[tilespmem:s15], [sflag:$0x2] =	stream.indirect.gather [hbm4b:s4+s11], $0x10, s14, s11, $0xb8;
	[tilespmem:$0x11300] =	vst v63  }
0x2e: {  	v3 =	vor.u32 s24, v0;
	_ =	swait.ge [sflag:s16], $0x6400  }
0x2f: {  	v4 =	vmulhi.u32 $0x51EB851F, v3;
	[sflag:s16] =	ssyncset.done $0x0  }
0x30: {  	[sflag:s16] =	ssyncadd.s32 $0xFFFF9C00  }
0x31: {  	v4 =	vshrl.u32 v4, $0x6;
	v5 =	vld [tilespmem:s24+$0x0]  }
0x32: {  	v6 =	vmov s24;
	v7 =	vmul.u32 $0xFFFFFF38, v4  }
0x33: {  	v8 =	vsub.s32 v1, v6  }
0x34: {  	vm0 =	veq.s32 v6, v0;
	vm1 =	vne.s32 v7, v8  }
0x35: {  	vm0 =	vmand vm0, vm1  }
0x36: {  	v6 =	vsel vm0, $0xFFFFFFFF, v2;
	v5 =	vshll.u32 v5, $0x2  }
0x37: {  	v7 =	vshll.u32 v3, $0x4;
	v4 =	vadd.s32 v6, v4;
	v5 =	vand.u32 $0xC, v5  }
0x38: {  	v6 =	vmul.u32 $0x3FFFF38, v4;
	v5 =	vor.u32 v7, v5;
	_ =	sdelay $0x1  }
0x39: {  	v3 =	vadd.s32 v3, v6  }
0x3a: {  	v6 =	vand.u32 $0xFFFFFFF8, v4;
	v3 =	vshll.u32 v3, $0x6  }
0x3b: {  	v4 =	vand.u32 $0x7, v4;
	v7 =	vadd.s32 v6, v3  }
0x3c: {  	v7 =	vor.u32 v4, v7;
	v63 =	vld.idx.msk [tilespmem:v5+s12+$0x0], $0xffff  }
0x3d: {  	v9 =	vor.u32 $0x1, v5;
	_ =	sdelay $0x2  }
0x3e: {  	v4 =	vor.u32 v4, v6  }
0x3f: {  	v3 =	vadd.s32 v3, v4;
	[tilespmem:v7+s17+$0x0] =	vst.idx.msk $0xffff, v63  }
0x40: {  	v6 =	vadd.s32 $0x10, v3;
	v4 =	vld.idx.msk [tilespmem:v9+s12+$0x0], $0xffff  }
0x41: {  	v7 =	vor.u32 $0x2, v5;
	_ =	sdelay $0x3  }
0x42: {  	[tilespmem:v6+s17+$0x0] =	vst.idx.msk $0xffff, v4  }
0x43: {  	v6 =	vadd.s32 $0x20, v3;
	v4 =	vld.idx.msk [tilespmem:v7+s12+$0x0], $0xffff  }
0x44: {  	v5 =	vor.u32 $0x3, v5;
	_ =	sdelay $0x3  }
0x45: {  	[tilespmem:v6+s17+$0x0] =	vst.idx.msk $0xffff, v4  }
0x46: {  	v4 =	vld.idx.msk [tilespmem:v5+s12+$0x0], $0xffff;
	v5 =	vadd.s32 $0x30, v3;
	_ =	sdelay $0x1  }
0x47: {  	s25 =	simm.s32 $0x10  }
0x48: {  	s26 =	simm.s32 $0x20;
	v3 =	vor.u32 s25, v0  }
.LBB2_7:
0x49: {  	p1 =	sne.s32 s26, $0x630  }
0x4a: {  	v6 =	vmulhi.u32 $0x51EB851F, v3;
	[tilespmem:v5+s17+$0x0] =	vst.idx.msk $0xffff, v4;
	s24 =	sadd.s32 $0x10, s24;
	s28 =	smov.u32 s26;
	s26 =	sadd.s32 $0x10, s26  }
0x4b: {  	v4 =	vld [tilespmem:s24+$0x0]  }
0x4c: {  	v5 =	vshrl.u32 v6, $0x6  }
0x4d: {  	v6 =	vmov s25;
	s25 =	smov.u32 s28;
	v7 =	vmul.u32 $0xFFFFFF38, v5  }
0x4e: {  	v8 =	vsub.s32 v1, v6  }
0x4f: {  	vm0 =	veq.s32 v6, v0;
	vm1 =	vne.s32 v7, v8  }
0x50: {  	v4 =	vshll.u32 v4, $0x2;
	vm0 =	vmand vm0, vm1  }
0x51: {  	v7 =	vshll.u32 v3, $0x4;
	v6 =	vsel vm0, $0xFFFFFFFF, v2;
	v4 =	vand.u32 $0xC, v4  }
0x52: {  	v5 =	vadd.s32 v6, v5;
	v4 =	vor.u32 v7, v4  }
0x53: {  	v6 =	vmul.u32 $0x3FFFF38, v5;
	_ =	sdelay $0x1  }
0x54: {  	v3 =	vadd.s32 v3, v6  }
0x55: {  	v6 =	vand.u32 $0xFFFFFFF8, v5;
	v3 =	vshll.u32 v3, $0x6  }
0x56: {  	v5 =	vand.u32 $0x7, v5;
	v7 =	vld.idx.msk [tilespmem:v4+s12+$0x0], $0xffff;
	v8 =	vadd.s32 v6, v3  }
0x57: {  	v8 =	vor.u32 v5, v8;
	v5 =	vor.u32 v5, v6  }
0x58: {  	v6 =	vor.u32 $0x1, v4;
	v3 =	vadd.s32 v3, v5;
	_ =	sdelay $0x3  }
0x59: {  	[tilespmem:v8+s17+$0x0] =	vst.idx.msk $0xffff, v7  }
0x5a: {  	v5 =	vld.idx.msk [tilespmem:v6+s12+$0x0], $0xffff  }
0x5b: {  	v6 =	vadd.s32 $0x10, v3  }
0x5c: {  	v7 =	vor.u32 $0x2, v4;
	_ =	sdelay $0x3  }
0x5d: {  	[tilespmem:v6+s17+$0x0] =	vst.idx.msk $0xffff, v5  }
0x5e: {  	v5 =	vld.idx.msk [tilespmem:v7+s12+$0x0], $0xffff  }
0x5f: {  	v6 =	vadd.s32 $0x20, v3  }
0x60: {  	v4 =	vor.u32 $0x3, v4;
	_ =	sdelay $0x3  }
0x61: {  	[tilespmem:v6+s17+$0x0] =	vst.idx.msk $0xffff, v5  }
0x62: {  	v4 =	vld.idx.msk [tilespmem:v4+s12+$0x0], $0xffff  }
.Ltmp2:
0x63: {  	v5 =	vadd.s32 $0x30, v3;
	(pc) =	sbr.rel @p1 .LBB2_7-.Ltmp2, $2  }
0x64: {  	_ =	sdelay $0x2  }
0x65: {  	v3 =	vor.u32 s25, v0  }
0x66: {  	_ =	sdelay $0x2  }
0x67: {  	v6 =	vmulhi.u32 $0x51EB851F, v3  }
0x68: {  	[tilespmem:v5+s17+$0x0] =	vst.idx.msk $0xffff, v4;
	s24 =	sadd.s32 $0x10, s24  }
0x69: {  	v4 =	vld [tilespmem:s24+$0x0];
	v53 =	vshrl.u32 v6, $0x6  }
0x6a: {  	v54 =	vmov s25;
	v7 =	vmul.u32 $0xFFFFFF38, v53  }
0x6b: {  	v8 =	vsub.s32 v1, v54  }
0x6c: {  	vm0 =	veq.s32 v54, v0;
	vm1 =	vne.s32 v7, v8  }
0x6d: {  	vm0 =	vmand vm0, vm1  }
0x6e: {  	v4 =	vshll.u32 v4, $0x2;
	v55 =	vsel vm0, $0xFFFFFFFF, v2  }
0x6f: {  	v56 =	vshll.u32 v3, $0x4;
	v4 =	vand.u32 $0xC, v4;
	v5 =	vadd.s32 v55, v53  }
0x70: {  	v4 =	vor.u32 v56, v4;
	v6 =	vmul.u32 $0x3FFFF38, v5;
	_ =	sdelay $0x1  }
0x71: {  	v3 =	vadd.s32 v3, v6  }
0x72: {  	v57 =	vand.u32 $0xFFFFFFF8, v5;
	v3 =	vshll.u32 v3, $0x6  }
0x73: {  	v5 =	vand.u32 $0x7, v5;
	v58 =	vadd.s32 v57, v3  }
0x74: {  	v59 =	vld.idx.msk [tilespmem:v4+s12+$0x0], $0xffff;
	v7 =	vor.u32 v5, v58  }
0x75: {  	v9 =	vor.u32 $0x1, v4;
	_ =	sdelay $0x2  }
0x76: {  	v5 =	vor.u32 v5, v57  }
0x77: {  	v3 =	vadd.s32 v3, v5;
	[tilespmem:v7+s17+$0x0] =	vst.idx.msk $0xffff, v59  }
0x78: {  	v61 =	vadd.s32 $0x10, v3;
	v60 =	vld.idx.msk [tilespmem:v9+s12+$0x0], $0xffff  }
0x79: {  	v62 =	vor.u32 $0x2, v4;
	_ =	sdelay $0x3  }
0x7a: {  	[tilespmem:v61+s17+$0x0] =	vst.idx.msk $0xffff, v60  }
0x7b: {  	v63 =	vadd.s32 $0x20, v3;
	v5 =	vld.idx.msk [tilespmem:v62+s12+$0x0], $0xffff  }
0x7c: {  	v4 =	vor.u32 $0x3, v4;
	_ =	sdelay $0x3  }
0x7d: {  	[tilespmem:v63+s17+$0x0] =	vst.idx.msk $0xffff, v5  }
0x7e: {  	v3 =	vadd.s32 $0x30, v3;
	v4 =	vld.idx.msk [tilespmem:v4+s12+$0x0], $0xffff  }
.Ltmp3:
0x7f: {  	_ = 	snop;
	(pc) =	sbr.rel @!p0 .LBB2_12-.Ltmp3, $2  }
0x80: {  	_ =	sdelay $0x2  }
0x81: {  	[tilespmem:v3+s17+$0x0] =	vst.idx.msk $0xffff, v4  }
0x82: {  	s24 =	simm.s32 $0x0  }
0x83: {  	[tilespmem:s24], [sflag:$0x3] =	stream.linear.gather [hbm4b:s7+s24], $0x640, $0x38;
	[tilespmem:$0x11300] =	vst v63  }
0x84: {  	_ =	swait.ge [sflag:s10], $0x640  }
0x85: {  	[sflag:s10] =	ssyncset.done $0x0  }
0x86: {  	s24 =	simm.s32 $0x0;
	[sflag:s10] =	ssyncadd.s32 $0xFFFFF9C0  }
0x87: {  	s25 =	simm.s32 $0x40;
	v3 =	vld [tilespmem:s24+$0x0]  }
.LBB2_10:
0x88: {  	p1 =	sne.s32 s25, $0x18C0  }
.Ltmp4:
0x89: {  	_ = 	snop;
	(pc) =	sbr.rel @p1 .LBB2_10-.Ltmp4, $3  }
0x8a: {  	_ =	sdelay $0x1  }
0x8b: {  	s26 =	sshra.s32 s25, $0x2;
	s25 =	sadd.s32 $0x40, s25;
	v4 =	vshrl.u32 v3, $0x2  }
0x8c: {  	v3 =	vld [tilespmem:s26+$0x0];
	[tilespmem:s24+$0x640] =	vst v4;
	s24 =	smov.u32 s26  }
0x8d: {  	_ =	sdelay $0x3  }
0x8e: {  	v3 =	vshrl.u32 v3, $0x2  }
0x8f: {  	[tilespmem:s24+$0x640] =	vst v3  }
0x90: {  	[tilespmem:s12], [sflag:$0x1] =	stream.indirect.gather [hbm4b:s4+s11], $0x10, s11, s11, $0xb8;
	[tilespmem:$0x11300] =	vst v63  }
.LBB2_12:
0x91: {  	s25 =	simm.s32 $0x0  }
0x92: {  	_ =	swait.ge [sflag:s18], $0x6400;
	v3 =	vor.u32 s25, v0  }
0x93: {  	[sflag:s18] =	ssyncset.done $0x0;
	v4 =	vmulhi.u32 $0x51EB851F, v3  }
0x94: {  	s24 =	simm.s32 $0x7080;
	[sflag:s18] =	ssyncadd.s32 $0xFFFF9C00  }
0x95: {  	v5 =	vld [tilespmem:s24+$0x0];
	v4 =	vshrl.u32 v4, $0x6  }
0x96: {  	v6 =	vmov s25;
	v7 =	vmul.u32 $0xFFFFFF38, v4  }
0x97: {  	v8 =	vsub.s32 v1, v6  }
0x98: {  	vm0 =	veq.s32 v6, v0;
	vm1 =	vne.s32 v7, v8  }
0x99: {  	vm0 =	vmand vm0, vm1  }
0x9a: {  	v5 =	vshll.u32 v5, $0x2;
	v6 =	vsel vm0, $0xFFFFFFFF, v2  }
0x9b: {  	v7 =	vshll.u32 v3, $0x4;
	v5 =	vand.u32 $0xC, v5;
	v4 =	vadd.s32 v6, v4  }
0x9c: {  	v5 =	vor.u32 v7, v5;
	v6 =	vmul.u32 $0x3FFFF38, v4;
	_ =	sdelay $0x1  }
0x9d: {  	v7 =	vand.u32 $0xFFFFFFF8, v4;
	v3 =	vadd.s32 v3, v6  }
0x9e: {  	v6 =	vadd.s32 $0x8, v7;
	v3 =	vshll.u32 v3, $0x6  }
0x9f: {  	v4 =	vand.u32 $0x7, v4;
	v7 =	vadd.s32 v6, v3  }
0xa0: {  	v63 =	vld.idx.msk [tilespmem:v5+s15+$0x0], $0xffff;
	v7 =	vor.u32 v4, v7  }
0xa1: {  	v9 =	vor.u32 $0x1, v5;
	_ =	sdelay $0x2  }
0xa2: {  	v4 =	vor.u32 v4, v6  }
0xa3: {  	v3 =	vadd.s32 v3, v4;
	[tilespmem:v7+s17+$0x0] =	vst.idx.msk $0xffff, v63  }
0xa4: {  	v6 =	vadd.s32 $0x10, v3;
	v4 =	vld.idx.msk [tilespmem:v9+s15+$0x0], $0xffff  }
0xa5: {  	v7 =	vor.u32 $0x2, v5;
	_ =	sdelay $0x3  }
0xa6: {  	[tilespmem:v6+s17+$0x0] =	vst.idx.msk $0xffff, v4  }
0xa7: {  	v6 =	vadd.s32 $0x20, v3;
	v4 =	vld.idx.msk [tilespmem:v7+s15+$0x0], $0xffff  }
0xa8: {  	v5 =	vor.u32 $0x3, v5;
	_ =	sdelay $0x3  }
0xa9: {  	[tilespmem:v6+s17+$0x0] =	vst.idx.msk $0xffff, v4  }
0xaa: {  	v4 =	vld.idx.msk [tilespmem:v5+s15+$0x0], $0xffff;
	v5 =	vadd.s32 $0x30, v3;
	_ =	sdelay $0x1  }
0xab: {  	s25 =	simm.s32 $0x10  }
0xac: {  	s26 =	simm.s32 $0x20;
	v3 =	vor.u32 s25, v0  }
.LBB2_13:
0xad: {  	p1 =	sne.s32 s26, $0x630  }
0xae: {  	v6 =	vmulhi.u32 $0x51EB851F, v3;
	[tilespmem:v5+s17+$0x0] =	vst.idx.msk $0xffff, v4;
	s24 =	sadd.s32 $0x10, s24;
	s28 =	smov.u32 s26;
	s26 =	sadd.s32 $0x10, s26  }
0xaf: {  	v4 =	vld [tilespmem:s24+$0x0]  }
0xb0: {  	v5 =	vshrl.u32 v6, $0x6  }
0xb1: {  	v6 =	vmov s25;
	s25 =	smov.u32 s28;
	v7 =	vmul.u32 $0xFFFFFF38, v5  }
0xb2: {  	v8 =	vsub.s32 v1, v6  }
0xb3: {  	vm0 =	veq.s32 v6, v0;
	vm1 =	vne.s32 v7, v8  }
0xb4: {  	v4 =	vshll.u32 v4, $0x2;
	vm0 =	vmand vm0, vm1  }
0xb5: {  	v7 =	vshll.u32 v3, $0x4;
	v6 =	vsel vm0, $0xFFFFFFFF, v2;
	v4 =	vand.u32 $0xC, v4  }
0xb6: {  	v5 =	vadd.s32 v6, v5;
	v4 =	vor.u32 v7, v4  }
0xb7: {  	v6 =	vmul.u32 $0x3FFFF38, v5;
	v7 =	vand.u32 $0xFFFFFFF8, v5;
	_ =	sdelay $0x1  }
0xb8: {  	v3 =	vadd.s32 v3, v6  }
0xb9: {  	v6 =	vadd.s32 $0x8, v7;
	v3 =	vshll.u32 v3, $0x6  }
0xba: {  	v5 =	vand.u32 $0x7, v5;
	v7 =	vld.idx.msk [tilespmem:v4+s15+$0x0], $0xffff;
	v8 =	vadd.s32 v6, v3  }
0xbb: {  	v8 =	vor.u32 v5, v8;
	v5 =	vor.u32 v5, v6  }
0xbc: {  	v6 =	vor.u32 $0x1, v4;
	v3 =	vadd.s32 v3, v5;
	_ =	sdelay $0x3  }
0xbd: {  	[tilespmem:v8+s17+$0x0] =	vst.idx.msk $0xffff, v7  }
0xbe: {  	v5 =	vld.idx.msk [tilespmem:v6+s15+$0x0], $0xffff  }
0xbf: {  	v6 =	vadd.s32 $0x10, v3  }
0xc0: {  	v7 =	vor.u32 $0x2, v4;
	_ =	sdelay $0x3  }
0xc1: {  	[tilespmem:v6+s17+$0x0] =	vst.idx.msk $0xffff, v5  }
0xc2: {  	v5 =	vld.idx.msk [tilespmem:v7+s15+$0x0], $0xffff  }
0xc3: {  	v6 =	vadd.s32 $0x20, v3  }
0xc4: {  	v4 =	vor.u32 $0x3, v4;
	_ =	sdelay $0x3  }
0xc5: {  	[tilespmem:v6+s17+$0x0] =	vst.idx.msk $0xffff, v5  }
0xc6: {  	v4 =	vld.idx.msk [tilespmem:v4+s15+$0x0], $0xffff  }
.Ltmp5:
0xc7: {  	v5 =	vadd.s32 $0x30, v3;
	(pc) =	sbr.rel @p1 .LBB2_13-.Ltmp5, $2  }
0xc8: {  	_ =	sdelay $0x2  }
0xc9: {  	v3 =	vor.u32 s25, v0  }
0xca: {  	_ =	sdelay $0x2  }
0xcb: {  	v6 =	vmulhi.u32 $0x51EB851F, v3  }
0xcc: {  	[tilespmem:v5+s17+$0x0] =	vst.idx.msk $0xffff, v4;
	s24 =	sadd.s32 $0x10, s24  }
0xcd: {  	v4 =	vld [tilespmem:s24+$0x0];
	v53 =	vshrl.u32 v6, $0x6  }
0xce: {  	v54 =	vmov s25;
	v7 =	vmul.u32 $0xFFFFFF38, v53  }
0xcf: {  	v8 =	vsub.s32 v1, v54  }
0xd0: {  	vm0 =	veq.s32 v54, v0;
	vm1 =	vne.s32 v7, v8  }
0xd1: {  	vm0 =	vmand vm0, vm1  }
0xd2: {  	v4 =	vshll.u32 v4, $0x2;
	v55 =	vsel vm0, $0xFFFFFFFF, v2  }
0xd3: {  	v56 =	vshll.u32 v3, $0x4;
	v4 =	vand.u32 $0xC, v4;
	v5 =	vadd.s32 v55, v53  }
0xd4: {  	v4 =	vor.u32 v56, v4;
	v6 =	vmul.u32 $0x3FFFF38, v5;
	_ =	sdelay $0x1  }
0xd5: {  	v57 =	vand.u32 $0xFFFFFFF8, v5;
	v3 =	vadd.s32 v3, v6  }
0xd6: {  	v58 =	vadd.s32 $0x8, v57;
	v3 =	vshll.u32 v3, $0x6  }
0xd7: {  	v5 =	vand.u32 $0x7, v5;
	v7 =	vadd.s32 v58, v3  }
0xd8: {  	v59 =	vld.idx.msk [tilespmem:v4+s15+$0x0], $0xffff;
	v7 =	vor.u32 v5, v7  }
0xd9: {  	v9 =	vor.u32 $0x1, v4;
	_ =	sdelay $0x2  }
0xda: {  	v5 =	vor.u32 v5, v58  }
0xdb: {  	v3 =	vadd.s32 v3, v5;
	[tilespmem:v7+s17+$0x0] =	vst.idx.msk $0xffff, v59  }
0xdc: {  	v61 =	vadd.s32 $0x10, v3;
	v60 =	vld.idx.msk [tilespmem:v9+s15+$0x0], $0xffff  }
0xdd: {  	v62 =	vor.u32 $0x2, v4;
	_ =	sdelay $0x3  }
0xde: {  	[tilespmem:v61+s17+$0x0] =	vst.idx.msk $0xffff, v60  }
0xdf: {  	v63 =	vadd.s32 $0x20, v3;
	v5 =	vld.idx.msk [tilespmem:v62+s15+$0x0], $0xffff  }
0xe0: {  	v4 =	vor.u32 $0x3, v4;
	_ =	sdelay $0x3  }
0xe1: {  	[tilespmem:v63+s17+$0x0] =	vst.idx.msk $0xffff, v5  }
0xe2: {  	v3 =	vadd.s32 $0x30, v3;
	v4 =	vld.idx.msk [tilespmem:v4+s15+$0x0], $0xffff;
	_ =	sdelay $0x3  }
0xe3: {  	s23 =	sshll.u32 s23, $0x1  }
.Ltmp6:
0xe4: {  	s23 =	sadd.s32 s23, s8;
	[tilespmem:v3+s17+$0x0] =	vst.idx.msk $0xffff, v4;
	(pc) =	sbr.rel @p0 .LBB2_4-.Ltmp6, $4  }
0xe5: {  	[hbm4b:s23+s19] =	stream.strided.scatter [tilespmem:s17], [sflag:$0x3], $0x3200, s20, s19, $0x38;
	[tilespmem:$0x11300] =	vst v63  }
0xe6: {  	_ =	swait.ge [sflag:s10], $0x3200  }
0xe7: {  	[sflag:s10] =	ssyncset.done $0x0  }
0xe8: {  	p1 =	por $0x0, $0x0;
	s23 =	simm.s32 $0x1;
	[sflag:s10] =	ssyncadd.s32 $0xFFFFCE00  }
0xe9: {  	s21 =	sadd.s32 $0x1, s21  }
0xea: {  	p0 =	sne.s32 s21, s9  }
.Ltmp7:
0xeb: {  	_ = 	snop;
	(pc) =	sbr.rel @p0 .LBB2_1-.Ltmp7, $1  }
0xec: {  	_ =	sdelay $0x3  }
0xed: {  	_ =	sfence.sel $0x180000  }
0xee: {  	[bflag:$0x0] =	sbarrier.arrive $0xFFFF  }
0xef: {  	p0 =	sne.s32 s0, $0x0;
	_ =	strace $0x90000050  }
0xf0: {  	s0 =	sadd.s32 @!p0 $0x100000, s1;
	[bflag:$0x2] =	sbarrier.arrive $0xFFFF  }
0xf1: {  	[sflag:s0] =	ssyncadd.tile.s32 @!p0 $0x1;
	_ =	shalt  }
.Lfunc_end2:
_tile_overlayer_lowered:
.L_overlay_start_2:
0xf2: {  	(tag) =	ssettag $0x2  }
0xf3: {  	s0 =	rddreg [dreg:$0x0];
	s2 =	stileid.u32  }
0xf4: {  	s1 =	rddreg [dreg:$0x1];
	p0 =	sne.s32 s2, $0x0  }
0xf5: {  	s3 =	rddreg [dreg:$0x2];
	[bflag:$0x3] =	sbarrier.arrive $0xFFFF;
	s2 =	simm.s32 @!p0 $0x1C03  }
0xf6: {  	[timem:s3], [sflag:s2] =	dma.local @!p0 [hbm:s0], s1  }
0xf7: {  	s0 =	simm.s32 @!p0 $0x3  }
0xf8: {  	_ =	swait.ge @!p0 [sflag:s0], s1  }
0xf9: {  	s1 =	ssub.s32 @!p0 $0x0, s1;
	[sflag:s0] =	ssyncset.done @!p0 $0x0  }
0xfa: {  	[sflag:s0] =	ssyncadd.s32 @!p0 s1  }
0xfb: {  	[bflag:$0x3] =	sbarrier.arrive $0xFFFF  }
0xfc: {  	_ =	shalt  }

// kernel: kernel.23.cloned.1.call-start
scs
__scs_entry_jumppad:
0x0: {  	(pc) =	sbr.rel $0x88, $3  }
0x1: {  	(tag) =	ssettag $0x0;
	lr =	simm.s32 $0x1  }
0x2: {  	[smem:$0x3F9E] =	sst lr;
	_ =	strace $0xD0000000  }
0x3: {  	_ = 	snop  }
0x4: {  	_ = 	snop  }
0x5: {  	_ = 	snop  }
0x6: {  	_ = 	snop  }
0x7: {  	_ = 	snop  }
__scs_overlays_trampoline_lowered:
0x8: {  	[smem:$0x3FAD] =	sst s0  }
0x9: {  	[smem:$0x3FAE] =	sst s1  }
0xa: {  	[smem:$0x3FAF] =	sst s2  }
0xb: {  	[smem:$0x3FB0] =	sst s3  }
0xc: {  	[smem:$0x3FB1] =	sst s4  }
0xd: {  	[smem:$0x3FB2] =	sst s5  }
0xe: {  	[smem:$0x3FB3] =	sst s6  }
0xf: {  	[smem:$0x3FB4] =	sst s7  }
0x10: {  	[smem:$0x3FB5] =	sst s8  }
0x11: {  	[smem:$0x3FB6] =	sst s9;
	s0 =	simm.s32 @!p0 $0x0  }
0x12: {  	s1 =	sld [smem:$0x3F9C];
	s0 =	simm.s32 @p0 $0x1  }
0x13: {  	[smem:$0x3FB7] =	sst s0;
	s0 =	simm.s32 @!p1 $0x0  }
0x14: {  	s2 =	sld [smem:$0x3F9B];
	s0 =	simm.s32 @p1 $0x1  }
0x15: {  	[smem:$0x3FB8] =	sst s0;
	s0 =	simm.s32 @!p2 $0x0  }
0x16: {  	s3 =	sld [smem:$0x3FDB];
	s0 =	simm.s32 @p2 $0x1  }
0x17: {  	s4 =	simm.s32 $0x1BF5;
	[smem:$0x3FBA] =	sst s0  }
0x18: {  	s0 =	sld [smem:$0x3F9D];
	_ =	swait.ge [sflag:s4], $0x0  }
0x19: {  	s7 =	sld [smem:$0x3F9E]  }
0x1a: {  	s8 =	sadd.s32 $0xFFFFE003, lr  }
0x1b: {  	s9 =	sadd.s32 $0xFFFFFEF7, lr;
	s5 =	simm.s32 $0xFFFFFFFF;
	p2 =	slt.u32 s8, $0xFFFFF086  }
0x1c: {  	p1 =	slt.u32 s9, $0xF7A;
	s5 =	simm.s32 @!p2 $0x0  }
0x1d: {  	s5 =	simm.s32 @p1 $0x1;
	p0 =	seq.s32 s7, s2  }
0x1e: {  	s7 =	smul.u32 @!p0 $0xF7A, s2;
	p2 =	seq.s32 @!p0 s5, $0x0  }
0x1f: {  	s9 =	smul.u32 $0xF7A, s1;
	s8 =	simm.s32 @!p0 $0x1BF5;
	p2 =	por !p2, p0  }
0x20: {  	[sflag:s8] =	ssyncset.s32 @!p0 $0xFFFFF086;
	s6 =	sadd.s32 @!p0 s3, s7;
	s7 =	simm.s32 @!p0 $0x108  }
0x21: {  	s3 =	sadd.s32 s3, s9;
	s6 =	sadd.s32 @!p0 $0x88, s6;
	s7 =	simm.s32 @p2 $0x1082  }
0x22: {  	[simem:s7], [sflag:s8] =	dma.local @!p0 [hbm:s6], $0xF7A  }
0x23: {  	s9 =	sor.u32 $0xD0000000, s2;
	s6 =	simm.s32 $0x108;
	_ =	swait.ge @!p0 [sflag:s8], $0x0  }
0x24: {  	s3 =	sadd.s32 $0x88, s3;
	s6 =	simm.s32 @!p1 $0x1082;
	[sflag:s4] =	ssyncset.s32 $0xFFFFF086  }
0x25: {  	[simem:s6], [sflag:s4] =	dma.local [hbm:s3], $0xF7A  }
0x26: {  	[smem:$0x3F9E] =	sst s1;
	(tag) =	ssettag s2;
	_ =	strace s9  }
0x27: {  	s1 =	sld [smem:$0x3FAE]  }
0x28: {  	s2 =	sld [smem:$0x3FAF]  }
0x29: {  	s4 =	sld [smem:$0x3FB1]  }
0x2a: {  	p0 =	seq.s32 s5, $0x0;
	s5 =	sld [smem:$0x3FB2]  }
0x2b: {  	s6 =	sld [smem:$0x3FB3]  }
0x2c: {  	s7 =	sld [smem:$0x3FB4]  }
0x2d: {  	s3 =	simm.s32 $0x108;
	s8 =	sld [smem:$0x3FB5]  }
0x2e: {  	s3 =	simm.s32 @!p0 $0x1082;
	s9 =	sld [smem:$0x3FB6]  }
0x2f: {  	lr =	sadd.s32 s0, s3;
	s0 =	sld [smem:$0x3FAD]  }
0x30: {  	s3 =	sld [smem:$0x3FB0]  }
0x31: {  	[smem:$0x3FB9] =	sst s10  }
0x32: {  	s10 =	sld [smem:$0x3FB7];
	_ =	sdelay $0x3  }
0x33: {  	p0 =	seq.s32 s10, $0x1;
	s10 =	sld [smem:$0x3FB9];
	_ =	sdelay $0x3  }
0x34: {  	[smem:$0x3FB9] =	sst s10  }
0x35: {  	s10 =	sld [smem:$0x3FB8];
	_ =	sdelay $0x3  }
0x36: {  	p1 =	seq.s32 s10, $0x1;
	s10 =	sld [smem:$0x3FB9];
	_ =	sdelay $0x3  }
0x37: {  	[smem:$0x3FB9] =	sst s10  }
0x38: {  	s10 =	sld [smem:$0x3FBA]  }
0x39: {  	_ = 	snop;
	(pc) =	sbr.ind lr, $3  }
0x3a: {  	_ = 	snop  }
0x3b: {  	_ = 	snop  }
0x3c: {  	p2 =	seq.s32 s10, $0x1;
	s10 =	sld [smem:$0x3FB9]  }
0x3d: {  	_ =	shalt  }
0x3e: {  	_ =	shalt  }
0x3f: {  	_ =	shalt  }
0x40: {  	_ =	shalt  }
0x41: {  	_ =	shalt  }
0x42: {  	_ =	shalt  }
0x43: {  	_ =	shalt  }
0x44: {  	_ =	shalt  }
0x45: {  	_ =	shalt  }
0x46: {  	_ =	shalt  }
0x47: {  	_ =	shalt  }
0x48: {  	_ =	shalt  }
0x49: {  	_ =	shalt  }
0x4a: {  	_ =	shalt  }
0x4b: {  	_ =	shalt  }
0x4c: {  	_ =	shalt  }
0x4d: {  	_ =	shalt  }
0x4e: {  	_ =	shalt  }
0x4f: {  	_ =	shalt  }
0x50: {  	_ =	shalt  }
0x51: {  	_ =	shalt  }
0x52: {  	_ =	shalt  }
0x53: {  	_ =	shalt  }
0x54: {  	_ =	shalt  }
0x55: {  	_ =	shalt  }
0x56: {  	_ =	shalt  }
0x57: {  	_ =	shalt  }
0x58: {  	_ =	shalt  }
0x59: {  	_ =	shalt  }
0x5a: {  	_ =	shalt  }
0x5b: {  	_ =	shalt  }
0x5c: {  	_ =	shalt  }
0x5d: {  	_ =	shalt  }
0x5e: {  	_ =	shalt  }
0x5f: {  	_ =	shalt  }
0x60: {  	_ =	shalt  }
0x61: {  	_ =	shalt  }
0x62: {  	_ =	shalt  }
0x63: {  	_ =	shalt  }
0x64: {  	_ =	shalt  }
0x65: {  	_ =	shalt  }
0x66: {  	_ =	shalt  }
0x67: {  	_ =	shalt  }
0x68: {  	_ =	shalt  }
0x69: {  	_ =	shalt  }
0x6a: {  	_ =	shalt  }
0x6b: {  	_ =	shalt  }
0x6c: {  	_ =	shalt  }
0x6d: {  	_ =	shalt  }
0x6e: {  	_ =	shalt  }
0x6f: {  	_ =	shalt  }
0x70: {  	_ =	shalt  }
0x71: {  	_ =	shalt  }
0x72: {  	_ =	shalt  }
0x73: {  	_ =	shalt  }
0x74: {  	_ =	shalt  }
0x75: {  	_ =	shalt  }
0x76: {  	_ =	shalt  }
0x77: {  	_ =	shalt  }
0x78: {  	_ =	shalt  }
0x79: {  	_ =	shalt  }
0x7a: {  	_ =	shalt  }
0x7b: {  	_ =	shalt  }
0x7c: {  	_ =	shalt  }
0x7d: {  	_ =	shalt  }
0x7e: {  	_ =	shalt  }
0x7f: {  	_ =	shalt  }
0x80: {  	_ =	shalt  }
0x81: {  	_ =	shalt  }
0x82: {  	_ =	shalt  }
0x83: {  	_ =	shalt  }
0x84: {  	_ =	shalt  }
0x85: {  	_ =	shalt  }
0x86: {  	_ =	shalt  }
0x87: {  	_ =	shalt  }
.Lfunc_end0:
.L_simem_size_0:
called_computation.4_lowered:
.L_overlay_start_0:
0x88: {  	s2 =	sld [smem:$0x3FD9]  }
0x89: {  	s3 =	sld [smem:$0x3FFE];
	_ =	sdelay $0x1  }
0x8a: {  	s1 =	srdreg.scid  }
0x8b: {  	s0 =	sand.u32 $0x1, s1  }
0x8c: {  	s16 =	sshll.u32 s0, $0xA;
	s2 =	sadd.s32 s3, s2  }
0x8d: {  	s2 =	sadd.s32 s2, s16  }
0x8e: {  	[smem:$0x3FC5] =	sst s2  }
0x8f: {  	_ = 	snop  }
0x90: {  	(tm) =	ssettm $0x1  }
0x91: {  	s17 =	sld [smem:$0x3FFB];
	_ =	sdelay $0x3  }
0x92: {  	_ =	strace s17  }
0x93: {  	s2 =	sld [smem:$0x3FFC];
	_ =	sdelay $0x3  }
0x94: {  	_ =	strace s2  }
0x95: {  	s2 =	sld [smem:$0x3FFD];
	_ =	sdelay $0x3  }
0x96: {  	_ =	strace s2  }
0x97: {  	_ =	strace $0x8FFFFFFF  }
0x98: {  	s18 =	sld [smem:$0x3FDB];
	_ =	sdelay $0x1  }
0x99: {  	s19 =	simm.s32 $_scs_section_size  }
0x9a: {  	s4 =	simm.s32 $_size__tile_overlayer_lowered;
	s5 =	simm.s32 $_tile_overlayer_lowered  }
0x9b: {  	s22 =	simm.s32 $0x1BFF;
	s21 =	sshll.u32 s5, $0x1;
	s2 =	sadd.s32 s19, s18  }
0x9c: {  	s6 =	simm.s32 $0x0;
	s20 =	sshll.u32 s4, $0x1;
	s4 =	sadd.s32 s21, s2  }
0x9d: {  	[timem:s6], [sflag:s22] =	dma.local [hbm:s4], s20  }
0x9e: {  	_ =	swait.ge [sflag:s22], s20  }
0x9f: {  	s3 =	ssub.s32 $0x0, s20;
	[sflag:s22] =	ssyncset.done $0x0  }
0xa0: {  	[sflag:s22] =	ssyncadd.s32 s3;
	_ =	sdelay $0x1  }
0xa1: {  	s23 =	simm.s32 $0x1B8B  }
0xa2: {  	_ =	swait.ge [sflag:s23], $0x1  }
0xa3: {  	[sflag:s23] =	ssyncset.done $0x0  }
0xa4: {  	s25 =	simm.s32 $0x1B8E;
	s24 =	sld [smem:$0x3FFE];
	[sflag:s23] =	ssyncadd.s32 $0xFFFFFFFF  }
0xa5: {  	s26 =	simm.s32 $execute0_lowered;
	[smem:$0x3FD2] =	sst s25  }
0xa6: {  	s4 =	sshll.u32 s26, $0x1;
	_ =	strace $0x80000052;
	[dreg:$0x1] =	wrdreg $0xFFFFFFFF  }
0xa7: {  	s28 =	simm.s32 $_size_execute0_lowered;
	s2 =	sadd.s32 s2, s4;
	[dreg:$0x0] =	wrdreg $0x0  }
0xa8: {  	s4 =	sshll.u32 s28, $0x1;
	[dreg:$0x2] =	wrdreg s2  }
0xa9: {  	[dreg:$0x3] =	wrdreg s4  }
0xaa: {  	[dreg:$0x4] =	wrdreg $0xC0  }
0xab: {  	_ =	task [dreg:s6], $0x5FFFF  }
0xac: {  	[dreg:$0x1] =	wrdreg $0xFFFFFFFF  }
0xad: {  	[dreg:$0x0] =	wrdreg $0x60  }
0xae: {  	[dreg:$0x2] =	wrdreg s24  }
0xaf: {  	[dreg:$0x3] =	wrdreg $0x9  }
0xb0: {  	_ =	task.clear_ibuf [dreg:s6], $0x4FFFF;
	_ =	strace $0x90000052  }
0xb1: {  	s29 =	simm.s32 $0x9;
	_ =	strace $0x80000054  }
0xb2: {  	_ =	swait.ge [sflag:s29], $0x1  }
0xb3: {  	[sflag:s29] =	ssyncadd.s32 $0xFFFFFFFF  }
0xb4: {  	_ =	strace $0x90000054  }
0xb5: {  	_ =	sfence  }
0xb6: {  	s30 =	sld [smem:$0x0];
	_ =	sdelay $0x2  }
0xb7: {  	s31 =	sshll.u32 s1, $0xD;
	s1 =	sshrl.u32 s1, $0x2  }
0xb8: {  	s3 =	sand.u32 $0x4000, s31;
	s1 =	sadd.s32 s1, s30  }
0xb9: {  	s0 =	sor.u32 s3, s0;
	s1 =	sshll.u32 s1, $0x11  }
0xba: {  	s0 =	sor.u32 s1, s0  }
0xbb: {  	s0 =	sadd.s32 $0x8F2B, s0  }
0xbc: {  	[sflag:s0] =	ssyncadd.remote.s32 $0x1  }
0xbd: {  	_ =	sfence.sel $0xFFFF  }
0xbe: {  	[dreg:$0x0] =	wrdreg $0xFFFFFFFF;
	(pc) =	sbr.abs _section_cstart, $3  }
0xbf: {  	[dreg:$0x1] =	wrdreg $0xFFFFFFFF  }
0xc0: {  	_ =	task.clear_ibuf [dreg:s6], $0x2FFFF;
	_ =	strace $0x9FFFFFFF  }
0xc1: {  	(tm) =	ssettm $0x7FFFFFFF  }
tec
execute0_lowered:
.L_overlay_start_1:
0x0: {  	(tag) =	ssettag $0x1  }
0x1: {  	s1 =	srdreg.scid  }
0x2: {  	s0 =	stileid.u32;
	s5 =	rddreg [dreg:$0x0];
	s2 =	simm.s32 $0x0  }
0x3: {  	s11 =	simm.s32 $0x640;
	s12 =	simm.s32 $0xC80;
	s13 =	simm.s32 $0x7080  }
0x4: {  	s14 =	simm.s32 $0x76C0;
	s15 =	simm.s32 $0x7D00;
	s16 =	simm.s32 $0x1  }
0x5: {  	s17 =	simm.s32 $0xE100;
	s18 =	simm.s32 $0x2;
	s19 =	simm.s32 $0x10  }
0x6: {  	s20 =	simm.s32 $0x400;
	s6 =	sand.u32 $0x1, s1;
	s1 =	rddreg [dreg:$0x1]  }
0x7: {  	s21 =	simm.s32 $0x0;
	s3 =	sshll.u32 s0, $0x1;
	[smem:$0x7FF] =	sst s2  }
0x8: {  	s4 =	sadd.s32 $0x1E00, s5;
	s7 =	sor.u32 s6, s3;
	_ =	strace $0x80000053  }
0x9: {  	s6 =	ssub.s32 $0x2, s6;
	s8 =	smul.u32 $0x1900, s7;
	s7 =	sshll.u32 s7, $0x2  }
0xa: {  	s3 =	sadd.s32 $0x7C000, s5;
	s29 =	sshrl.u32 s6, $0x1;
	s10 =	sadd.s32 s7, s5  }
0xb: {  	s31 =	ssub.s32 s6, s29;
	s9 =	sshrl.u32 s8, $0x3;
	s6 =	sadd.s32 $0x96640, s8  }
0xc: {  	v0 =	vlaneseq.u32;
	s8 =	sadd.s32 $0xC7000, s10;
	s10 =	simm.s32 $0x3;
	s30 =	sadd.s32 s3, s9  }
0xd: {  	v2 =	vimm.s32 $0x0;
	v1 =	vmul.u32 $0xFFFFFFFF, v0;
	s9 =	smax.u32 s31, $0x1;
	s5 =	sadd.s32 $0x12C00, s30;
	s7 =	sadd.s32 $0x12D90, s30  }
.LBB2_1:
0xe: {  	[tilespmem:s2], [sflag:$0x3] =	stream.linear.gather [hbm4b:s5+s2], $0x640, $0x38;
	[tilespmem:$0x11300] =	vst v63  }
0xf: {  	_ =	swait.ge [sflag:s10], $0x640  }
0x10: {  	[sflag:s10] =	ssyncset.done $0x0  }
0x11: {  	s22 =	simm.s32 $0x0;
	[sflag:s10] =	ssyncadd.s32 $0xFFFFF9C0  }
0x12: {  	s23 =	simm.s32 $0x40;
	v3 =	vld [tilespmem:s22+$0x0]  }
.LBB2_2:
0x13: {  	p0 =	sne.s32 s23, $0x18C0  }
.Ltmp0:
0x14: {  	_ = 	snop;
	(pc) =	sbr.rel @p0 .LBB2_2-.Ltmp0, $3  }
0x15: {  	_ =	sdelay $0x1  }
0x16: {  	s24 =	sshra.s32 s23, $0x2;
	s23 =	sadd.s32 $0x40, s23;
	v4 =	vshrl.u32 v3, $0x2  }
0x17: {  	v3 =	vld [tilespmem:s24+$0x0];
	[tilespmem:s22+$0x640] =	vst v4;
	s22 =	smov.u32 s24  }
0x18: {  	_ =	sdelay $0x3  }
0x19: {  	v3 =	vshrl.u32 v3, $0x2  }
0x1a: {  	p1 =	por $0x1, $0x1;
	s23 =	simm.s32 $0x0;
	[tilespmem:s22+$0x640] =	vst v3;
	s22 =	simm.s32 $0x0  }
0x1b: {  	[tilespmem:s12], [sflag:$0x1] =	stream.indirect.gather [hbm4b:s4+s11], $0x10, s11, s11, $0xb8;
	[tilespmem:$0x11300] =	vst v63  }
.LBB2_4:
0x1c: {  	s24 =	smul.u32 $0xC80, s23;
	_ =	sdelay $0x1  }
0x1d: {  	s24 =	sadd.s32 s24, s6  }
0x1e: {  	s24 =	sshrl.u32 s24, $0x3  }
0x1f: {  	s24 =	sadd.s32 s3, s24  }
0x20: {  	[tilespmem:s13], [sflag:$0x3] =	stream.linear.gather [hbm4b:s24+s22], $0x640, $0x38;
	[tilespmem:$0x11300] =	vst v63  }
0x21: {  	_ =	swait.ge [sflag:s10], $0x640  }
0x22: {  	[sflag:s10] =	ssyncset.done $0x0  }
0x23: {  	s24 =	simm.s32 $0x0;
	[sflag:s10] =	ssyncadd.s32 $0xFFFFF9C0  }
0x24: {  	p0 =	por p1, p1;
	s25 =	simm.s32 $0x40;
	v3 =	vld [tilespmem:s24+$0x7080]  }
.LBB2_5:
0x25: {  	p1 =	sne.s32 s25, $0x18C0  }
.Ltmp1:
0x26: {  	_ = 	snop;
	(pc) =	sbr.rel @p1 .LBB2_5-.Ltmp1, $3  }
0x27: {  	_ =	sdelay $0x1  }
0x28: {  	s26 =	sshra.s32 s25, $0x2;
	s25 =	sadd.s32 $0x40, s25;
	v4 =	vshrl.u32 v3, $0x2  }
0x29: {  	v3 =	vld [tilespmem:s26+$0x7080];
	[tilespmem:s24+$0x76C0] =	vst v4;
	s24 =	smov.u32 s26  }
0x2a: {  	_ =	sdelay $0x3  }
0x2b: {  	v3 =	vshrl.u32 v3, $0x2  }
0x2c: {  	[tilespmem:s24+$0x76C0] =	vst v3;
	s24 =	simm.s32 $0x0  }
0x2d: {  	[tilespmem:s15], [sflag:$0x2] =	stream.indirect.gather [hbm4b:s4+s11], $0x10, s14, s11, $0xb8;
	[tilespmem:$0x11300] =	vst v63  }
0x2e: {  	v3 =	vor.u32 s24, v0;
	_ =	swait.ge [sflag:s16], $0x6400  }
0x2f: {  	v4 =	vmulhi.u32 $0x51EB851F, v3;
	[sflag:s16] =	ssyncset.done $0x0  }
0x30: {  	[sflag:s16] =	ssyncadd.s32 $0xFFFF9C00  }
0x31: {  	v4 =	vshrl.u32 v4, $0x6;
	v5 =	vld [tilespmem:s24+$0x0]  }
0x32: {  	v6 =	vmov s24;
	v7 =	vmul.u32 $0xFFFFFF38, v4  }
0x33: {  	v8 =	vsub.s32 v1, v6  }
0x34: {  	vm0 =	veq.s32 v6, v0;
	vm1 =	vne.s32 v7, v8  }
0x35: {  	vm0 =	vmand vm0, vm1  }
0x36: {  	v6 =	vsel vm0, $0xFFFFFFFF, v2;
	v5 =	vshll.u32 v5, $0x2  }
0x37: {  	v7 =	vshll.u32 v3, $0x4;
	v4 =	vadd.s32 v6, v4;
	v5 =	vand.u32 $0xC, v5  }
0x38: {  	v6 =	vmul.u32 $0x3FFFF38, v4;
	v5 =	vor.u32 v7, v5;
	_ =	sdelay $0x1  }
0x39: {  	v3 =	vadd.s32 v3, v6  }
0x3a: {  	v6 =	vand.u32 $0xFFFFFFF8, v4;
	v3 =	vshll.u32 v3, $0x6  }
0x3b: {  	v4 =	vand.u32 $0x7, v4;
	v7 =	vadd.s32 v6, v3  }
0x3c: {  	v7 =	vor.u32 v4, v7;
	v63 =	vld.idx.msk [tilespmem:v5+s12+$0x0], $0xffff  }
0x3d: {  	v9 =	vor.u32 $0x1, v5;
	_ =	sdelay $0x2  }
0x3e: {  	v4 =	vor.u32 v4, v6  }
0x3f: {  	v3 =	vadd.s32 v3, v4;
	[tilespmem:v7+s17+$0x0] =	vst.idx.msk $0xffff, v63  }
0x40: {  	v6 =	vadd.s32 $0x10, v3;
	v4 =	vld.idx.msk [tilespmem:v9+s12+$0x0], $0xffff  }
0x41: {  	v7 =	vor.u32 $0x2, v5;
	_ =	sdelay $0x3  }
0x42: {  	[tilespmem:v6+s17+$0x0] =	vst.idx.msk $0xffff, v4  }
0x43: {  	v6 =	vadd.s32 $0x20, v3;
	v4 =	vld.idx.msk [tilespmem:v7+s12+$0x0], $0xffff  }
0x44: {  	v5 =	vor.u32 $0x3, v5;
	_ =	sdelay $0x3  }
0x45: {  	[tilespmem:v6+s17+$0x0] =	vst.idx.msk $0xffff, v4  }
0x46: {  	v4 =	vld.idx.msk [tilespmem:v5+s12+$0x0], $0xffff;
	v5 =	vadd.s32 $0x30, v3;
	_ =	sdelay $0x1  }
0x47: {  	s25 =	simm.s32 $0x10  }
0x48: {  	s26 =	simm.s32 $0x20;
	v3 =	vor.u32 s25, v0  }
.LBB2_7:
0x49: {  	p1 =	sne.s32 s26, $0x630  }
0x4a: {  	v6 =	vmulhi.u32 $0x51EB851F, v3;
	[tilespmem:v5+s17+$0x0] =	vst.idx.msk $0xffff, v4;
	s24 =	sadd.s32 $0x10, s24;
	s28 =	smov.u32 s26;
	s26 =	sadd.s32 $0x10, s26  }
0x4b: {  	v4 =	vld [tilespmem:s24+$0x0]  }
0x4c: {  	v5 =	vshrl.u32 v6, $0x6  }
0x4d: {  	v6 =	vmov s25;
	s25 =	smov.u32 s28;
	v7 =	vmul.u32 $0xFFFFFF38, v5  }
0x4e: {  	v8 =	vsub.s32 v1, v6  }
0x4f: {  	vm0 =	veq.s32 v6, v0;
	vm1 =	vne.s32 v7, v8  }
0x50: {  	v4 =	vshll.u32 v4, $0x2;
	vm0 =	vmand vm0, vm1  }
0x51: {  	v7 =	vshll.u32 v3, $0x4;
	v6 =	vsel vm0, $0xFFFFFFFF, v2;
	v4 =	vand.u32 $0xC, v4  }
0x52: {  	v5 =	vadd.s32 v6, v5;
	v4 =	vor.u32 v7, v4  }
0x53: {  	v6 =	vmul.u32 $0x3FFFF38, v5;
	_ =	sdelay $0x1  }
0x54: {  	v3 =	vadd.s32 v3, v6  }
0x55: {  	v6 =	vand.u32 $0xFFFFFFF8, v5;
	v3 =	vshll.u32 v3, $0x6  }
0x56: {  	v5 =	vand.u32 $0x7, v5;
	v7 =	vld.idx.msk [tilespmem:v4+s12+$0x0], $0xffff;
	v8 =	vadd.s32 v6, v3  }
0x57: {  	v8 =	vor.u32 v5, v8;
	v5 =	vor.u32 v5, v6  }
0x58: {  	v6 =	vor.u32 $0x1, v4;
	v3 =	vadd.s32 v3, v5;
	_ =	sdelay $0x3  }
0x59: {  	[tilespmem:v8+s17+$0x0] =	vst.idx.msk $0xffff, v7  }
0x5a: {  	v5 =	vld.idx.msk [tilespmem:v6+s12+$0x0], $0xffff  }
0x5b: {  	v6 =	vadd.s32 $0x10, v3  }
0x5c: {  	v7 =	vor.u32 $0x2, v4;
	_ =	sdelay $0x3  }
0x5d: {  	[tilespmem:v6+s17+$0x0] =	vst.idx.msk $0xffff, v5  }
0x5e: {  	v5 =	vld.idx.msk [tilespmem:v7+s12+$0x0], $0xffff  }
0x5f: {  	v6 =	vadd.s32 $0x20, v3  }
0x60: {  	v4 =	vor.u32 $0x3, v4;
	_ =	sdelay $0x3  }
0x61: {  	[tilespmem:v6+s17+$0x0] =	vst.idx.msk $0xffff, v5  }
0x62: {  	v4 =	vld.idx.msk [tilespmem:v4+s12+$0x0], $0xffff  }
.Ltmp2:
0x63: {  	v5 =	vadd.s32 $0x30, v3;
	(pc) =	sbr.rel @p1 .LBB2_7-.Ltmp2, $2  }
0x64: {  	_ =	sdelay $0x2  }
0x65: {  	v3 =	vor.u32 s25, v0  }
0x66: {  	_ =	sdelay $0x2  }
0x67: {  	v6 =	vmulhi.u32 $0x51EB851F, v3  }
0x68: {  	[tilespmem:v5+s17+$0x0] =	vst.idx.msk $0xffff, v4;
	s24 =	sadd.s32 $0x10, s24  }
0x69: {  	v4 =	vld [tilespmem:s24+$0x0];
	v53 =	vshrl.u32 v6, $0x6  }
0x6a: {  	v54 =	vmov s25;
	v7 =	vmul.u32 $0xFFFFFF38, v53  }
0x6b: {  	v8 =	vsub.s32 v1, v54  }
0x6c: {  	vm0 =	veq.s32 v54, v0;
	vm1 =	vne.s32 v7, v8  }
0x6d: {  	vm0 =	vmand vm0, vm1  }
0x6e: {  	v4 =	vshll.u32 v4, $0x2;
	v55 =	vsel vm0, $0xFFFFFFFF, v2  }
0x6f: {  	v56 =	vshll.u32 v3, $0x4;
	v4 =	vand.u32 $0xC, v4;
	v5 =	vadd.s32 v55, v53  }
0x70: {  	v4 =	vor.u32 v56, v4;
	v6 =	vmul.u32 $0x3FFFF38, v5;
	_ =	sdelay $0x1  }
0x71: {  	v3 =	vadd.s32 v3, v6  }
0x72: {  	v57 =	vand.u32 $0xFFFFFFF8, v5;
	v3 =	vshll.u32 v3, $0x6  }
0x73: {  	v5 =	vand.u32 $0x7, v5;
	v58 =	vadd.s32 v57, v3  }
0x74: {  	v59 =	vld.idx.msk [tilespmem:v4+s12+$0x0], $0xffff;
	v7 =	vor.u32 v5, v58  }
0x75: {  	v9 =	vor.u32 $0x1, v4;
	_ =	sdelay $0x2  }
0x76: {  	v5 =	vor.u32 v5, v57  }
0x77: {  	v3 =	vadd.s32 v3, v5;
	[tilespmem:v7+s17+$0x0] =	vst.idx.msk $0xffff, v59  }
0x78: {  	v61 =	vadd.s32 $0x10, v3;
	v60 =	vld.idx.msk [tilespmem:v9+s12+$0x0], $0xffff  }
0x79: {  	v62 =	vor.u32 $0x2, v4;
	_ =	sdelay $0x3  }
0x7a: {  	[tilespmem:v61+s17+$0x0] =	vst.idx.msk $0xffff, v60  }
0x7b: {  	v63 =	vadd.s32 $0x20, v3;
	v5 =	vld.idx.msk [tilespmem:v62+s12+$0x0], $0xffff  }
0x7c: {  	v4 =	vor.u32 $0x3, v4;
	_ =	sdelay $0x3  }
0x7d: {  	[tilespmem:v63+s17+$0x0] =	vst.idx.msk $0xffff, v5  }
0x7e: {  	v3 =	vadd.s32 $0x30, v3;
	v4 =	vld.idx.msk [tilespmem:v4+s12+$0x0], $0xffff  }
.Ltmp3:
0x7f: {  	_ = 	snop;
	(pc) =	sbr.rel @!p0 .LBB2_12-.Ltmp3, $2  }
0x80: {  	_ =	sdelay $0x2  }
0x81: {  	[tilespmem:v3+s17+$0x0] =	vst.idx.msk $0xffff, v4  }
0x82: {  	s24 =	simm.s32 $0x0  }
0x83: {  	[tilespmem:s24], [sflag:$0x3] =	stream.linear.gather [hbm4b:s7+s24], $0x640, $0x38;
	[tilespmem:$0x11300] =	vst v63  }
0x84: {  	_ =	swait.ge [sflag:s10], $0x640  }
0x85: {  	[sflag:s10] =	ssyncset.done $0x0  }
0x86: {  	s24 =	simm.s32 $0x0;
	[sflag:s10] =	ssyncadd.s32 $0xFFFFF9C0  }
0x87: {  	s25 =	simm.s32 $0x40;
	v3 =	vld [tilespmem:s24+$0x0]  }
.LBB2_10:
0x88: {  	p1 =	sne.s32 s25, $0x18C0  }
.Ltmp4:
0x89: {  	_ = 	snop;
	(pc) =	sbr.rel @p1 .LBB2_10-.Ltmp4, $3  }
0x8a: {  	_ =	sdelay $0x1  }
0x8b: {  	s26 =	sshra.s32 s25, $0x2;
	s25 =	sadd.s32 $0x40, s25;
	v4 =	vshrl.u32 v3, $0x2  }
0x8c: {  	v3 =	vld [tilespmem:s26+$0x0];
	[tilespmem:s24+$0x640] =	vst v4;
	s24 =	smov.u32 s26  }
0x8d: {  	_ =	sdelay $0x3  }
0x8e: {  	v3 =	vshrl.u32 v3, $0x2  }
0x8f: {  	[tilespmem:s24+$0x640] =	vst v3  }
0x90: {  	[tilespmem:s12], [sflag:$0x1] =	stream.indirect.gather [hbm4b:s4+s11], $0x10, s11, s11, $0xb8;
	[tilespmem:$0x11300] =	vst v63  }
.LBB2_12:
0x91: {  	s25 =	simm.s32 $0x0  }
0x92: {  	_ =	swait.ge [sflag:s18], $0x6400;
	v3 =	vor.u32 s25, v0  }
0x93: {  	[sflag:s18] =	ssyncset.done $0x0;
	v4 =	vmulhi.u32 $0x51EB851F, v3  }
0x94: {  	s24 =	simm.s32 $0x7080;
	[sflag:s18] =	ssyncadd.s32 $0xFFFF9C00  }
0x95: {  	v5 =	vld [tilespmem:s24+$0x0];
	v4 =	vshrl.u32 v4, $0x6  }
0x96: {  	v6 =	vmov s25;
	v7 =	vmul.u32 $0xFFFFFF38, v4  }
0x97: {  	v8 =	vsub.s32 v1, v6  }
0x98: {  	vm0 =	veq.s32 v6, v0;
	vm1 =	vne.s32 v7, v8  }
0x99: {  	vm0 =	vmand vm0, vm1  }
0x9a: {  	v5 =	vshll.u32 v5, $0x2;
	v6 =	vsel vm0, $0xFFFFFFFF, v2  }
0x9b: {  	v7 =	vshll.u32 v3, $0x4;
	v5 =	vand.u32 $0xC, v5;
	v4 =	vadd.s32 v6, v4  }
0x9c: {  	v5 =	vor.u32 v7, v5;
	v6 =	vmul.u32 $0x3FFFF38, v4;
	_ =	sdelay $0x1  }
0x9d: {  	v7 =	vand.u32 $0xFFFFFFF8, v4;
	v3 =	vadd.s32 v3, v6  }
0x9e: {  	v6 =	vadd.s32 $0x8, v7;
	v3 =	vshll.u32 v3, $0x6  }
0x9f: {  	v4 =	vand.u32 $0x7, v4;
	v7 =	vadd.s32 v6, v3  }
0xa0: {  	v63 =	vld.idx.msk [tilespmem:v5+s15+$0x0], $0xffff;
	v7 =	vor.u32 v4, v7  }
0xa1: {  	v9 =	vor.u32 $0x1, v5;
	_ =	sdelay $0x2  }
0xa2: {  	v4 =	vor.u32 v4, v6  }
0xa3: {  	v3 =	vadd.s32 v3, v4;
	[tilespmem:v7+s17+$0x0] =	vst.idx.msk $0xffff, v63  }
0xa4: {  	v6 =	vadd.s32 $0x10, v3;
	v4 =	vld.idx.msk [tilespmem:v9+s15+$0x0], $0xffff  }
0xa5: {  	v7 =	vor.u32 $0x2, v5;
	_ =	sdelay $0x3  }
0xa6: {  	[tilespmem:v6+s17+$0x0] =	vst.idx.msk $0xffff, v4  }
0xa7: {  	v6 =	vadd.s32 $0x20, v3;
	v4 =	vld.idx.msk [tilespmem:v7+s15+$0x0], $0xffff  }
0xa8: {  	v5 =	vor.u32 $0x3, v5;
	_ =	sdelay $0x3  }
0xa9: {  	[tilespmem:v6+s17+$0x0] =	vst.idx.msk $0xffff, v4  }
0xaa: {  	v4 =	vld.idx.msk [tilespmem:v5+s15+$0x0], $0xffff;
	v5 =	vadd.s32 $0x30, v3;
	_ =	sdelay $0x1  }
0xab: {  	s25 =	simm.s32 $0x10  }
0xac: {  	s26 =	simm.s32 $0x20;
	v3 =	vor.u32 s25, v0  }
.LBB2_13:
0xad: {  	p1 =	sne.s32 s26, $0x630  }
0xae: {  	v6 =	vmulhi.u32 $0x51EB851F, v3;
	[tilespmem:v5+s17+$0x0] =	vst.idx.msk $0xffff, v4;
	s24 =	sadd.s32 $0x10, s24;
	s28 =	smov.u32 s26;
	s26 =	sadd.s32 $0x10, s26  }
0xaf: {  	v4 =	vld [tilespmem:s24+$0x0]  }
0xb0: {  	v5 =	vshrl.u32 v6, $0x6  }
0xb1: {  	v6 =	vmov s25;
	s25 =	smov.u32 s28;
	v7 =	vmul.u32 $0xFFFFFF38, v5  }
0xb2: {  	v8 =	vsub.s32 v1, v6  }
0xb3: {  	vm0 =	veq.s32 v6, v0;
	vm1 =	vne.s32 v7, v8  }
0xb4: {  	v4 =	vshll.u32 v4, $0x2;
	vm0 =	vmand vm0, vm1  }
0xb5: {  	v7 =	vshll.u32 v3, $0x4;
	v6 =	vsel vm0, $0xFFFFFFFF, v2;
	v4 =	vand.u32 $0xC, v4  }
0xb6: {  	v5 =	vadd.s32 v6, v5;
	v4 =	vor.u32 v7, v4  }
0xb7: {  	v6 =	vmul.u32 $0x3FFFF38, v5;
	v7 =	vand.u32 $0xFFFFFFF8, v5;
	_ =	sdelay $0x1  }
0xb8: {  	v3 =	vadd.s32 v3, v6  }
0xb9: {  	v6 =	vadd.s32 $0x8, v7;
	v3 =	vshll.u32 v3, $0x6  }
0xba: {  	v5 =	vand.u32 $0x7, v5;
	v7 =	vld.idx.msk [tilespmem:v4+s15+$0x0], $0xffff;
	v8 =	vadd.s32 v6, v3  }
0xbb: {  	v8 =	vor.u32 v5, v8;
	v5 =	vor.u32 v5, v6  }
0xbc: {  	v6 =	vor.u32 $0x1, v4;
	v3 =	vadd.s32 v3, v5;
	_ =	sdelay $0x3  }
0xbd: {  	[tilespmem:v8+s17+$0x0] =	vst.idx.msk $0xffff, v7  }
0xbe: {  	v5 =	vld.idx.msk [tilespmem:v6+s15+$0x0], $0xffff  }
0xbf: {  	v6 =	vadd.s32 $0x10, v3  }
0xc0: {  	v7 =	vor.u32 $0x2, v4;
	_ =	sdelay $0x3  }
0xc1: {  	[tilespmem:v6+s17+$0x0] =	vst.idx.msk $0xffff, v5  }
0xc2: {  	v5 =	vld.idx.msk [tilespmem:v7+s15+$0x0], $0xffff  }
0xc3: {  	v6 =	vadd.s32 $0x20, v3  }
0xc4: {  	v4 =	vor.u32 $0x3, v4;
	_ =	sdelay $0x3  }
0xc5: {  	[tilespmem:v6+s17+$0x0] =	vst.idx.msk $0xffff, v5  }
0xc6: {  	v4 =	vld.idx.msk [tilespmem:v4+s15+$0x0], $0xffff  }
.Ltmp5:
0xc7: {  	v5 =	vadd.s32 $0x30, v3;
	(pc) =	sbr.rel @p1 .LBB2_13-.Ltmp5, $2  }
0xc8: {  	_ =	sdelay $0x2  }
0xc9: {  	v3 =	vor.u32 s25, v0  }
0xca: {  	_ =	sdelay $0x2  }
0xcb: {  	v6 =	vmulhi.u32 $0x51EB851F, v3  }
0xcc: {  	[tilespmem:v5+s17+$0x0] =	vst.idx.msk $0xffff, v4;
	s24 =	sadd.s32 $0x10, s24  }
0xcd: {  	v4 =	vld [tilespmem:s24+$0x0];
	v53 =	vshrl.u32 v6, $0x6  }
0xce: {  	v54 =	vmov s25;
	v7 =	vmul.u32 $0xFFFFFF38, v53  }
0xcf: {  	v8 =	vsub.s32 v1, v54  }
0xd0: {  	vm0 =	veq.s32 v54, v0;
	vm1 =	vne.s32 v7, v8  }
0xd1: {  	vm0 =	vmand vm0, vm1  }
0xd2: {  	v4 =	vshll.u32 v4, $0x2;
	v55 =	vsel vm0, $0xFFFFFFFF, v2  }
0xd3: {  	v56 =	vshll.u32 v3, $0x4;
	v4 =	vand.u32 $0xC, v4;
	v5 =	vadd.s32 v55, v53  }
0xd4: {  	v4 =	vor.u32 v56, v4;
	v6 =	vmul.u32 $0x3FFFF38, v5;
	_ =	sdelay $0x1  }
0xd5: {  	v57 =	vand.u32 $0xFFFFFFF8, v5;
	v3 =	vadd.s32 v3, v6  }
0xd6: {  	v58 =	vadd.s32 $0x8, v57;
	v3 =	vshll.u32 v3, $0x6  }
0xd7: {  	v5 =	vand.u32 $0x7, v5;
	v7 =	vadd.s32 v58, v3  }
0xd8: {  	v59 =	vld.idx.msk [tilespmem:v4+s15+$0x0], $0xffff;
	v7 =	vor.u32 v5, v7  }
0xd9: {  	v9 =	vor.u32 $0x1, v4;
	_ =	sdelay $0x2  }
0xda: {  	v5 =	vor.u32 v5, v58  }
0xdb: {  	v3 =	vadd.s32 v3, v5;
	[tilespmem:v7+s17+$0x0] =	vst.idx.msk $0xffff, v59  }
0xdc: {  	v61 =	vadd.s32 $0x10, v3;
	v60 =	vld.idx.msk [tilespmem:v9+s15+$0x0], $0xffff  }
0xdd: {  	v62 =	vor.u32 $0x2, v4;
	_ =	sdelay $0x3  }
0xde: {  	[tilespmem:v61+s17+$0x0] =	vst.idx.msk $0xffff, v60  }
0xdf: {  	v63 =	vadd.s32 $0x20, v3;
	v5 =	vld.idx.msk [tilespmem:v62+s15+$0x0], $0xffff  }
0xe0: {  	v4 =	vor.u32 $0x3, v4;
	_ =	sdelay $0x3  }
0xe1: {  	[tilespmem:v63+s17+$0x0] =	vst.idx.msk $0xffff, v5  }
0xe2: {  	v3 =	vadd.s32 $0x30, v3;
	v4 =	vld.idx.msk [tilespmem:v4+s15+$0x0], $0xffff;
	_ =	sdelay $0x3  }
0xe3: {  	s23 =	sshll.u32 s23, $0x1  }
.Ltmp6:
0xe4: {  	s23 =	sadd.s32 s23, s8;
	[tilespmem:v3+s17+$0x0] =	vst.idx.msk $0xffff, v4;
	(pc) =	sbr.rel @p0 .LBB2_4-.Ltmp6, $4  }
0xe5: {  	[hbm4b:s23+s19] =	stream.strided.scatter [tilespmem:s17], [sflag:$0x3], $0x3200, s20, s19, $0x38;
	[tilespmem:$0x11300] =	vst v63  }
0xe6: {  	_ =	swait.ge [sflag:s10], $0x3200  }
0xe7: {  	[sflag:s10] =	ssyncset.done $0x0  }
0xe8: {  	p1 =	por $0x0, $0x0;
	s23 =	simm.s32 $0x1;
	[sflag:s10] =	ssyncadd.s32 $0xFFFFCE00  }
0xe9: {  	s21 =	sadd.s32 $0x1, s21  }
0xea: {  	p0 =	sne.s32 s21, s9  }
.Ltmp7:
0xeb: {  	_ = 	snop;
	(pc) =	sbr.rel @p0 .LBB2_1-.Ltmp7, $1  }
0xec: {  	_ =	sdelay $0x3  }
0xed: {  	_ =	sfence.sel $0x180000  }
0xee: {  	[bflag:$0x0] =	sbarrier.arrive $0xFFFF  }
0xef: {  	p0 =	sne.s32 s0, $0x0;
	_ =	strace $0x90000053  }
0xf0: {  	s0 =	sadd.s32 @!p0 $0x100000, s1;
	[bflag:$0x2] =	sbarrier.arrive $0xFFFF  }
0xf1: {  	[sflag:s0] =	ssyncadd.tile.s32 @!p0 $0x1;
	_ =	shalt  }
.Lfunc_end2:
_tile_overlayer_lowered:
.L_overlay_start_2:
0xf2: {  	(tag) =	ssettag $0x2  }
0xf3: {  	s0 =	rddreg [dreg:$0x0];
	s2 =	stileid.u32  }
0xf4: {  	s1 =	rddreg [dreg:$0x1];
	p0 =	sne.s32 s2, $0x0  }
0xf5: {  	s3 =	rddreg [dreg:$0x2];
	[bflag:$0x3] =	sbarrier.arrive $0xFFFF;
	s2 =	simm.s32 @!p0 $0x1C03  }
0xf6: {  	[timem:s3], [sflag:s2] =	dma.local @!p0 [hbm:s0], s1  }
0xf7: {  	s0 =	simm.s32 @!p0 $0x3  }
0xf8: {  	_ =	swait.ge @!p0 [sflag:s0], s1  }
0xf9: {  	s1 =	ssub.s32 @!p0 $0x0, s1;
	[sflag:s0] =	ssyncset.done @!p0 $0x0  }
0xfa: {  	[sflag:s0] =	ssyncadd.s32 @!p0 s1  }
0xfb: {  	[bflag:$0x3] =	sbarrier.arrive $0xFFFF  }
0xfc: {  	_ =	shalt  }

</sc_bundles>
